<compile_context>
chip_gen: v7x
topology: tpu7x:2x2x1
jax: 0.10.2.dev20260603
libtpu: 0.0.44.dev20260713+nightly
codegen_flags: <defaults>
</compile_context>

<pallas_src>
import functools

import jax
import jax.numpy as jnp
from jax import lax
from jax.experimental import pallas as pl
from jax.experimental.pallas import tpu as pltpu
from jax.experimental.pallas import tpu_sc as plsc

_N = 10000
_E = 320000
_B = 16
_DF = 128
_DE = 16
_DU = 32
_H = 32

_NC = 2
_NS = 16
_NW = _NC * _NS
_C = 80
_K = 5
_PER_W = _E // _NW
_NCHUNK = _PER_W // _C

_BN = 2000
_BE = 2560

_f32 = jnp.float32


def _dot(a, b, precision=lax.Precision.HIGHEST):
    return lax.dot_general(a, b, (((1,), (0,)), ((), ())),
                           preferred_element_type=_f32,
                           precision=precision)


def _dot_h(a, b):
    return _dot(a, b, precision=lax.Precision.DEFAULT)


def _dot_t(a, b):
    return lax.dot_general(a, b, (((0,), (0,)), ((), ())),
                           preferred_element_type=_f32,
                           precision=lax.Precision.HIGHEST)


def _pre_body(x_ref, b_ref, u_ref, eW1xs_ref, eW1xd_ref, eW1u_ref, n1W1x_ref,
              n2W1x_ref, n2W1u_ref, eb1_ref, n1b1_ref, n2b1_ref,
              tsrc_ref, xp2_ref):
    xb = x_ref[...]
    bid = b_ref[...]
    iota = lax.broadcasted_iota(jnp.int32, (_BN, _B), 1)
    oh = (bid == iota).astype(_f32)
    ue = _dot(u_ref[...], eW1u_ref[...])
    un = _dot(u_ref[...], n2W1u_ref[...])
    tsrc = _dot(xb, eW1xs_ref[...]) + _dot(oh, ue) + eb1_ref[...]
    tsrc_ref[...] = jnp.concatenate(
        [tsrc,
         _dot(xb, eW1xd_ref[...]),
         _dot(xb, n1W1x_ref[...]) + n1b1_ref[...],
         jnp.zeros((_BN, _H), _f32)], axis=1)
    xp2_ref[...] = _dot(xb, n2W1x_ref[...]) + _dot(oh, un) + n2b1_ref[...]


def _precompute(x, bids2, u, eW1xs, eW1xd, eW1u, n1W1x, n2W1x, n2W1u,
                eb1, n1b1, n2b1):
    full = lambda shp: pl.BlockSpec(shp, lambda i: (0,) * len(shp))
    return pl.pallas_call(
        _pre_body,
        grid=(_N // _BN,),
        in_specs=[
            pl.BlockSpec((_BN, _DF), lambda i: (i, 0)),
            pl.BlockSpec((_BN, 1), lambda i: (i, 0)),
            full((_B, _DU)),
            full((_DF, _H)), full((_DF, _H)), full((_DU, _H)),
            full((_DF, _H)), full((_DF, _H)), full((_DU, _H)),
            full((1, _H)), full((1, _H)), full((1, _H)),
        ],
        out_specs=[
            pl.BlockSpec((_BN, _DF), lambda i: (i, 0)),
            pl.BlockSpec((_BN, _H), lambda i: (i, 0)),
        ],
        out_shape=[
            jax.ShapeDtypeStruct((_N, _DF), _f32),
            jax.ShapeDtypeStruct((_N, _H), _f32),
        ],
    )(x, bids2, u, eW1xs, eW1xd, eW1u, n1W1x, n2W1x, n2W1u, eb1, n1b1, n2b1)


def _sc_mesh():
    return plsc.VectorSubcoreMesh(core_axis_name="c", subcore_axis_name="s")


def _gather(src, dst, table, es, c=_C, k=_K):
    pw = es // _NW
    nch = pw // c

    nb = nch // k
    rem = nch - nb * k

    @functools.partial(
        pl.kernel,
        out_type=(jax.ShapeDtypeStruct((es, _DF), _f32),
                  jax.ShapeDtypeStruct((es, _DF), _f32)),
        mesh=_sc_mesh(),
        scratch_types=[
            pltpu.VMEM((k, c), jnp.int32),
            pltpu.VMEM((k, c), jnp.int32),
            pltpu.VMEM((k * c, _DF), _f32),
            pltpu.VMEM((k * c, _DF), _f32),
            pltpu.SemaphoreType.DMA,
            pltpu.SemaphoreType.DMA,
        ],
    )
    def gather_k(src_hbm, dst_hbm, t_hbm, gs_hbm, gd_hbm,
                 idx_s, idx_d, row_s, row_d, sem_a, sem_b):
        wid = lax.axis_index("s") * _NC + lax.axis_index("c")
        base = wid * pw

        def chunk_group(off, k):
            for r in range(k):
                pltpu.sync_copy(src_hbm.at[pl.ds(off + r * c, c)],
                                idx_s.at[r])
                pltpu.sync_copy(dst_hbm.at[pl.ds(off + r * c, c)],
                                idx_d.at[r])
            copies = []
            for r in range(k):
                copies.append(pltpu.async_copy(
                    t_hbm.at[idx_s.at[r]],
                    row_s.at[pl.ds(r * c, c)], sem_a))
                copies.append(pltpu.async_copy(
                    t_hbm.at[idx_d.at[r]],
                    row_d.at[pl.ds(r * c, c)], sem_b))
            for cp in copies:
                cp.wait()
            pltpu.sync_copy(row_s.at[pl.ds(0, k * c)],
                            gs_hbm.at[pl.ds(off, k * c)])
            pltpu.sync_copy(row_d.at[pl.ds(0, k * c)],
                            gd_hbm.at[pl.ds(off, k * c)])

        @pl.loop(0, nb)
        def _(j):
            chunk_group(base + j * (k * c), k)

        if rem:
            chunk_group(base + nb * (k * c), rem)

    return gather_k(src, dst, table)


def _edge_body(gs_ref, gd_ref, fe_ref, eW1a_ref, eW2_ref, eb2_ref,
               n1W1e_ref, n1W2_ref, n1b2_ref, en_ref, mext_ref):
    gs = gs_ref[...]
    gd = gd_ref[...]
    h = jnp.maximum(gs[:, :_H] + gd[:, _H:2 * _H]
                    + _dot_h(fe_ref[...], eW1a_ref[...]), 0.0)
    en = _dot_h(h, eW2_ref[...]) + eb2_ref[...]
    mh = jnp.maximum(gd[:, 2 * _H:3 * _H] + _dot_h(en, n1W1e_ref[...]), 0.0)
    m = _dot_h(mh, n1W2_ref[...]) + n1b2_ref[...]
    en_ref[...] = en
    mext_ref[...] = jnp.concatenate(
        [m, jnp.ones((_BE, 1), _f32), jnp.zeros((_BE, 95), _f32)], axis=1)


def _edge(gs, gd, fe, eW1a, eW2, eb2, n1W1e, n1W2, n1b2, es):
    full = lambda shp: pl.BlockSpec(shp, lambda i: (0,) * len(shp))
    return pl.pallas_call(
        _edge_body,
        grid=(es // _BE,),
        in_specs=[
            pl.BlockSpec((_BE, _DF), lambda i: (i, 0)),
            pl.BlockSpec((_BE, _DF), lambda i: (i, 0)),
            pl.BlockSpec((_BE, _DE), lambda i: (i, 0)),
            full((_DE, _H)), full((_H, _DE)), full((1, _DE)),
            full((_DE, _H)), full((_H, _H)), full((1, _H)),
        ],
        out_specs=[
            pl.BlockSpec((_BE, _DE), lambda i: (i, 0)),
            pl.BlockSpec((_BE, _DF), lambda i: (i, 0)),
        ],
        out_shape=[
            jax.ShapeDtypeStruct((es, _DE), _f32),
            jax.ShapeDtypeStruct((es, _DF), _f32),
        ],
    )(gs, gd, fe, eW1a, eW2, eb2, n1W1e, n1W2, n1b2)


_NP = 10240


def _scatter(src, mext, zeros, es, c=_C):
    rows_per_sub = _NP // _NS
    pw = es // _NW
    nch = pw // c

    @functools.partial(
        pl.kernel,
        out_type=jax.ShapeDtypeStruct((_NC, _NP, _DF), _f32),
        mesh=_sc_mesh(),
        scratch_types=[
            pltpu.VMEM((c,), jnp.int32),
            pltpu.VMEM((c, _DF), _f32),
            pltpu.VMEM_SHARED((_NP, _DF), _f32),
        ],
    )
    def scatter_k(src_hbm, m_hbm, z_hbm, out_hbm, idx_v, row_v, acc):
        cid = lax.axis_index("c")
        sid = lax.axis_index("s")
        r0 = sid * rows_per_sub
        pltpu.sync_copy(z_hbm, acc.at[pl.ds(r0, rows_per_sub)])
        plsc.subcore_barrier()
        wid = sid * _NC + cid
        base = wid * pw

        @pl.loop(0, nch)
        def _(j):
            off = base + j * c
            pltpu.sync_copy(src_hbm.at[pl.ds(off, c)], idx_v)
            pltpu.sync_copy(m_hbm.at[pl.ds(off, c)], row_v)
            pltpu.sync_copy(row_v, acc.at[idx_v], add=True)

        plsc.subcore_barrier()
        pltpu.sync_copy(acc.at[pl.ds(r0, rows_per_sub)],
                        out_hbm.at[cid, pl.ds(r0, rows_per_sub)])

    return scatter_k(src, mext, zeros)


_EA = 161280


def _node_body(pa_ref, pb_ref, xp2_ref, b_ref, n2W1a_ref, n2W2_ref, n2b2_ref,
               xn_ref, gs_ref, gc_ref):
    p = pa_ref[...] + pb_ref[...]
    aggs = p[0, :, :_H] + p[1, :, :_H]
    cnt = p[0, :, _H:_H + 1] + p[1, :, _H:_H + 1]
    agg = aggs / jnp.maximum(cnt, 1.0)
    xh = jnp.maximum(xp2_ref[...] + _dot(agg, n2W1a_ref[...]), 0.0)
    xn = _dot(xh, n2W2_ref[...]) + n2b2_ref[...]
    xn_ref[...] = xn
    iota = lax.broadcasted_iota(jnp.int32, (_BN, _B), 1)
    oh = (b_ref[...] == iota).astype(_f32)
    gs_blk = _dot_t(oh, xn)
    gc_blk = _dot_t(oh, jnp.ones((_BN, _DF), _f32))

    @pl.when(pl.program_id(0) == 0)
    def _():
        gs_ref[...] = gs_blk
        gc_ref[...] = gc_blk

    @pl.when(pl.program_id(0) != 0)
    def _():
        gs_ref[...] += gs_blk
        gc_ref[...] += gc_blk


def _node(pa, pb, xp2, bids2, n2W1a, n2W2, n2b2):
    full = lambda shp: pl.BlockSpec(shp, lambda i: (0,) * len(shp))
    return pl.pallas_call(
        _node_body,
        grid=(_N // _BN,),
        in_specs=[
            pl.BlockSpec((_NC, _BN, _DF), lambda i: (0, i, 0)),
            pl.BlockSpec((_NC, _BN, _DF), lambda i: (0, i, 0)),
            pl.BlockSpec((_BN, _H), lambda i: (i, 0)),
            pl.BlockSpec((_BN, 1), lambda i: (i, 0)),
            full((_H, _H)), full((_H, _DF)), full((1, _DF)),
        ],
        out_specs=[
            pl.BlockSpec((_BN, _DF), lambda i: (i, 0)),
            full((_B, _DF)),
            full((_B, _DF)),
        ],
        out_shape=[
            jax.ShapeDtypeStruct((_N, _DF), _f32),
            jax.ShapeDtypeStruct((_B, _DF), _f32),
            jax.ShapeDtypeStruct((_B, _DF), _f32),
        ],
    )(pa, pb, xp2, bids2, n2W1a, n2W2, n2b2)


def _glob_body(u_ref, gs_ref, gc_ref, gW1u_ref, gW1m_ref, gb1_ref,
               gW2_ref, gb2_ref, un_ref):
    mean = gs_ref[...] / jnp.maximum(gc_ref[...], 1.0)
    h = jnp.maximum(_dot(u_ref[...], gW1u_ref[...]) +
                    _dot(mean, gW1m_ref[...]) + gb1_ref[...], 0.0)
    un_ref[...] = _dot(h, gW2_ref[...]) + gb2_ref[...]


def _glob(u, gs, gc, gW1u, gW1m, gb1, gW2, gb2):
    return pl.pallas_call(
        _glob_body,
        out_shape=jax.ShapeDtypeStruct((_B, _DU), _f32),
    )(u, gs, gc, gW1u, gW1m, gb1, gW2, gb2)


def kernel(features_of_nodes, node_type_ids, node_ids_for_edges,
           features_of_edges, edge_type_ids, global_features, batch_ids,
           eW1, eb1, eW2, eb2,
           n1W1, n1b1, n1W2, n1b2,
           n2W1, n2b1, n2W2, n2b2,
           gW1, gb1, gW2, gb2):
    x = features_of_nodes
    u = global_features
    src = node_ids_for_edges[0].astype(jnp.int32)
    dst = node_ids_for_edges[1].astype(jnp.int32)
    bids2 = batch_ids.astype(jnp.int32).reshape(_N, 1)

    r1 = lambda v: v.reshape(1, -1)
    table, xp2 = _precompute(
        x, bids2, u,
        eW1[:_DF], eW1[_DF:2 * _DF], eW1[2 * _DF + _DE:],
        n1W1[:_DF], n2W1[:_DF], n2W1[_DF + _H:],
        r1(eb1), r1(n1b1), r1(n2b1))

    zrows = jnp.zeros((_NP // _NS, _DF), _f32)
    eb = _E - _EA
    src_a, src_b = src[:_EA], src[_EA:]
    gs_a, gd_a = _gather(src_a, dst[:_EA], table, _EA, c=112, k=3)
    gs_b, gd_b = _gather(src_b, dst[_EA:], table, eb)

    ew = (eW1[2 * _DF:2 * _DF + _DE], eW2, r1(eb2), n1W1[_DF:], n1W2,
          r1(n1b2))
    en_a, mx_a = _edge(gs_a, gd_a, features_of_edges[:_EA], *ew, _EA)
    en_b, mx_b = _edge(gs_b, gd_b, features_of_edges[_EA:], *ew, eb)

    p_a = _scatter(src_a, mx_a, zrows, _EA, c=112)
    p_b = _scatter(src_b, mx_b, zrows, eb)
    e_new = jnp.concatenate([en_a, en_b], axis=0)

    x_new, gs, gc = _node(p_a, p_b, xp2, bids2, n2W1[_DF:_DF + _H], n2W2,
                          r1(n2b2))

    u_new = _glob(u, gs, gc, gW1[:_DU], gW1[_DU:], r1(gb1), gW2, r1(gb2))

    return (x_new, e_new, u_new)

# --- scband reference (transcript-rebuilt; emitter-appended) ---
"""Pipeline reference for scband-heterogeneous-meta-layer-50053548867627 (READ-ONLY COPY).

The authoritative reference and input builder live on the scoring server;
editing this copy changes nothing except your own understanding.
"""

import jax, jax.numpy as jnp
import numpy as np

N = 10000
E = 320000
B = 16
DF = 128
DE = 16
DU = 32
H = 32


def _mlp(x, W1, b1, W2, b2):
    return jax.nn.relu(x @ W1 + b1) @ W2 + b2


_W_SHAPES = {
    'eW1': (2 * DF + DE + DU, H), 'eb1': (H,), 'eW2': (H, DE), 'eb2': (DE,),
    'n1W1': (DF + DE, H), 'n1b1': (H,), 'n1W2': (H, H), 'n1b2': (H,),
    'n2W1': (DF + H + DU, H), 'n2b1': (H,), 'n2W2': (H, DF), 'n2b2': (DF,),
    'gW1': (DU + DF, H), 'gb1': (H,), 'gW2': (H, DU), 'gb2': (DU,),
}


def setup_inputs(seed: int = 0) -> dict:
    key = jax.random.key(seed)
    ks = jax.random.split(key, 32)
    inp = {}
    inp['features_of_nodes'] = jax.random.normal(ks[0], (N, DF), dtype=jnp.float32)
    inp['node_type_ids'] = jax.random.randint(ks[1], (N,), 0, 4)
    inp['node_ids_for_edges'] = jax.random.randint(ks[2], (2, E), 0, N)
    inp['features_of_edges'] = jax.random.normal(ks[3], (E, DE), dtype=jnp.float32)
    inp['edge_type_ids'] = jax.random.randint(ks[4], (E,), 0, 4)
    inp['global_features'] = jax.random.normal(ks[5], (B, DU), dtype=jnp.float32)
    inp['batch_ids'] = jnp.sort(jax.random.randint(ks[6], (N,), 0, B))
    for i, (name, shp) in enumerate(_W_SHAPES.items()):
        inp[name] = jax.random.normal(ks[7 + i], shp, dtype=jnp.float32) * 0.05
    return inp


def reference(features_of_nodes, node_type_ids, node_ids_for_edges, features_of_edges,
              edge_type_ids, global_features, batch_ids,
              eW1, eb1, eW2, eb2,
              n1W1, n1b1, n1W2, n1b2,
              n2W1, n2b1, n2W2, n2b2,
              gW1, gb1, gW2, gb2):
    x = features_of_nodes
    u = global_features
    src = node_ids_for_edges[0]
    dst = node_ids_for_edges[1]
    # --- edge model: MLP(cat[x[src], x[dst], edge_attr, u[batch[src]]]) ---
    e_in = jnp.concatenate([x[src], x[dst], features_of_edges, u[batch_ids[src]]], axis=1)
    e_new = _mlp(e_in, eW1, eb1, eW2, eb2)
    # --- node model: MLP1 over edges, scatter_mean onto row(src), MLP2 over nodes ---
    m = _mlp(jnp.concatenate([x[dst], e_new], axis=1), n1W1, n1b1, n1W2, n1b2)
    agg_sum = jax.ops.segment_sum(m, src, num_segments=N)
    cnt = jax.ops.segment_sum(jnp.ones((E, 1), jnp.float32), src, num_segments=N)
    agg = agg_sum / jnp.maximum(cnt, 1.0)
    x_new = _mlp(jnp.concatenate([x, agg, u[batch_ids]], axis=1), n2W1, n2b1, n2W2, n2b2)
    # --- global model: MLP(cat[u, scatter_mean(x_new, batch)]) ---
    gs = jax.ops.segment_sum(x_new, batch_ids, num_segments=B)
    gc = jax.ops.segment_sum(jnp.ones((N, 1), jnp.float32), batch_ids, num_segments=B)
    u_new = _mlp(jnp.concatenate([u, gs / jnp.maximum(gc, 1.0)], axis=1), gW1, gb1, gW2, gb2)
    return (x_new, e_new, u_new)

if __name__ == "__main__":
    import jax
    _d = setup_inputs()
    print(jax.jit(kernel)(*tuple(_d.values())))

</pallas_src>

<mosaic_0001>
#map = affine_map<(d0, d1) -> (0)>
#map1 = affine_map<(d0, d1) -> (0, 0)>
module attributes {stable_mosaic.version = 14 : i64} {
  func.func @gather_k(%arg0: i32, %arg1: i32, %arg2: memref<161280xi32, #tpu.memory_space<hbm>>, %arg3: memref<161280xi32, #tpu.memory_space<hbm>>, %arg4: memref<10000x128xf32, #tpu.memory_space<hbm>>, %arg5: memref<161280x128xf32, #tpu.memory_space<hbm>>, %arg6: memref<161280x128xf32, #tpu.memory_space<hbm>>, %arg7: memref<3x112xi32, #tpu.memory_space<vmem>>, %arg8: memref<3x112xi32, #tpu.memory_space<vmem>>, %arg9: memref<336x128xf32, #tpu.memory_space<vmem>>, %arg10: memref<336x128xf32, #tpu.memory_space<vmem>>, %arg11: memref<!tpu.dma_semaphore, #tpu.memory_space<semaphore_mem>>, %arg12: memref<!tpu.dma_semaphore, #tpu.memory_space<semaphore_mem>>) attributes {dimension_semantics = [#tpu.dimension_semantics<core_parallel>, #tpu.dimension_semantics<subcore_parallel>], iteration_bounds = array<i64: 2, 16>, scalar_prefetch = 0 : i64, scratch_operands = 6 : i64, tpu.core_type = #tpu.core_type<sc_vector_subcore>, window_params = [{transform_indices = #map}, {transform_indices = #map}, {transform_indices = #map1}, {transform_indices = #map1}, {transform_indices = #map1}]} {
    %mul3A = arith.constant 2 : i32
    %mul3A_0 = arith.muli %arg1, %mul3A : i32
    %add3A = arith.addi %mul3A_0, %arg0 : i32
    %mul3A_1 = arith.constant 5040 : i32
    %mul3A_2 = arith.muli %add3A, %mul3A_1 : i32
    %scan3A = arith.constant 0 : i32
    %scan3A_3 = arith.constant 15 : i32
    %scan3A_4 = arith.addi %scan3A, %scan3A_3 : i32
    %scan3A_5 = arith.constant 1 : i32
    scf.for %scan3A_7 = %scan3A to %scan3A_4 step %scan3A_5  : i32 {
      %mul3A_8 = arith.constant 1 : i32
      %mul3A_9 = arith.muli %scan3A_7, %mul3A_8 : i32
      %add3A_10 = arith.constant 0 : i32
      %add3A_11 = arith.addi %add3A_10, %mul3A_9 : i32
      %mul3A_12 = arith.constant 336 : i32
      %mul3A_13 = arith.muli %add3A_11, %mul3A_12 : i32
      %add3A_14 = arith.addi %mul3A_2, %mul3A_13 : i32
      %add3A_15 = arith.constant 0 : i32
      %add3A_16 = arith.addi %add3A_14, %add3A_15 : i32
      %run_scoped3A = arith.constant 0 : i32
      "tpu.region"() ({
        %run_scoped3A_150 = tpu.sem_alloc : memref<!tpu.dma_semaphore, #tpu.memory_space<semaphore_mem>>
        %dma_start3A_151 = arith.constant 0 : i32
        %dma_start3A_152 = tpu.memref_slice %arg7[%run_scoped3A, %dma_start3A_151] : memref<3x112xi32, #tpu.memory_space<vmem>> -> memref<1x112xi32, #tpu.memory_space<vmem>>
        %dma_start3A_153 = tpu.memref_squeeze %dma_start3A_152 : memref<1x112xi32, #tpu.memory_space<vmem>> -> memref<112xi32, #tpu.memory_space<vmem>>
        %dma_start3A_154 = tpu.memref_slice %arg2[%add3A_16] : memref<161280xi32, #tpu.memory_space<hbm>> -> memref<112xi32, #tpu.memory_space<hbm>>
        %dma_start3A_155 = arith.constant 0 : i32
        %dma_start3A_156 = tpu.memref_slice %arg7[%run_scoped3A, %dma_start3A_155] : memref<3x112xi32, #tpu.memory_space<vmem>> -> memref<1x112xi32, #tpu.memory_space<vmem>>
        %dma_start3A_157 = tpu.memref_squeeze %dma_start3A_156 : memref<1x112xi32, #tpu.memory_space<vmem>> -> memref<112xi32, #tpu.memory_space<vmem>>
        %dma_start3A_158 = tpu.memref_slice %arg2[%add3A_16] : memref<161280xi32, #tpu.memory_space<hbm>> -> memref<112xi32, #tpu.memory_space<hbm>>
        tpu.enqueue_dma source(%dma_start3A_158 : memref<112xi32, #tpu.memory_space<hbm>>) target(%dma_start3A_157 : memref<112xi32, #tpu.memory_space<vmem>>) target_semaphore(%run_scoped3A_150 : memref<!tpu.dma_semaphore, #tpu.memory_space<semaphore_mem>>)
        %dma_wait3A_159 = arith.constant 0 : i32
        %dma_wait3A_160 = tpu.memref_slice %arg7[%run_scoped3A, %dma_wait3A_159] : memref<3x112xi32, #tpu.memory_space<vmem>> -> memref<1x112xi32, #tpu.memory_space<vmem>>
        %dma_wait3A_161 = tpu.memref_squeeze %dma_wait3A_160 : memref<1x112xi32, #tpu.memory_space<vmem>> -> memref<112xi32, #tpu.memory_space<vmem>>
        %dma_wait3A_162 = tpu.memref_slice %arg2[%add3A_16] : memref<161280xi32, #tpu.memory_space<hbm>> -> memref<112xi32, #tpu.memory_space<hbm>>
        %dma_wait3A_163 = arith.constant 0 : i32
        %dma_wait3A_164 = tpu.memref_slice %arg7[%run_scoped3A, %dma_wait3A_163] : memref<3x112xi32, #tpu.memory_space<vmem>> -> memref<1x112xi32, #tpu.memory_space<vmem>>
        %dma_wait3A_165 = tpu.memref_squeeze %dma_wait3A_164 : memref<1x112xi32, #tpu.memory_space<vmem>> -> memref<112xi32, #tpu.memory_space<vmem>>
        %dma_wait3A_166 = tpu.memref_slice %arg2[%add3A_16] : memref<161280xi32, #tpu.memory_space<hbm>> -> memref<112xi32, #tpu.memory_space<hbm>>
        tpu.wait_dma2 semaphore(%run_scoped3A_150 : memref<!tpu.dma_semaphore, #tpu.memory_space<semaphore_mem>>) src(%dma_wait3A_166 : memref<112xi32, #tpu.memory_space<hbm>>) dst(%dma_wait3A_165 : memref<112xi32, #tpu.memory_space<vmem>>)
        tpu.yield
      }) : () -> ()
      %add3A_17 = arith.constant 0 : i32
      %add3A_18 = arith.addi %add3A_14, %add3A_17 : i32
      %run_scoped3A_19 = arith.constant 0 : i32
      "tpu.region"() ({
        %run_scoped3A_150 = tpu.sem_alloc : memref<!tpu.dma_semaphore, #tpu.memory_space<semaphore_mem>>
        %dma_start3A_151 = arith.constant 0 : i32
        %dma_start3A_152 = tpu.memref_slice %arg8[%run_scoped3A_19, %dma_start3A_151] : memref<3x112xi32, #tpu.memory_space<vmem>> -> memref<1x112xi32, #tpu.memory_space<vmem>>
        %dma_start3A_153 = tpu.memref_squeeze %dma_start3A_152 : memref<1x112xi32, #tpu.memory_space<vmem>> -> memref<112xi32, #tpu.memory_space<vmem>>
        %dma_start3A_154 = tpu.memref_slice %arg3[%add3A_18] : memref<161280xi32, #tpu.memory_space<hbm>> -> memref<112xi32, #tpu.memory_space<hbm>>
        %dma_start3A_155 = arith.constant 0 : i32
        %dma_start3A_156 = tpu.memref_slice %arg8[%run_scoped3A_19, %dma_start3A_155] : memref<3x112xi32, #tpu.memory_space<vmem>> -> memref<1x112xi32, #tpu.memory_space<vmem>>
        %dma_start3A_157 = tpu.memref_squeeze %dma_start3A_156 : memref<1x112xi32, #tpu.memory_space<vmem>> -> memref<112xi32, #tpu.memory_space<vmem>>
        %dma_start3A_158 = tpu.memref_slice %arg3[%add3A_18] : memref<161280xi32, #tpu.memory_space<hbm>> -> memref<112xi32, #tpu.memory_space<hbm>>
        tpu.enqueue_dma source(%dma_start3A_158 : memref<112xi32, #tpu.memory_space<hbm>>) target(%dma_start3A_157 : memref<112xi32, #tpu.memory_space<vmem>>) target_semaphore(%run_scoped3A_150 : memref<!tpu.dma_semaphore, #tpu.memory_space<semaphore_mem>>)
        %dma_wait3A_159 = arith.constant 0 : i32
        %dma_wait3A_160 = tpu.memref_slice %arg8[%run_scoped3A_19, %dma_wait3A_159] : memref<3x112xi32, #tpu.memory_space<vmem>> -> memref<1x112xi32, #tpu.memory_space<vmem>>
        %dma_wait3A_161 = tpu.memref_squeeze %dma_wait3A_160 : memref<1x112xi32, #tpu.memory_space<vmem>> -> memref<112xi32, #tpu.memory_space<vmem>>
        %dma_wait3A_162 = tpu.memref_slice %arg3[%add3A_18] : memref<161280xi32, #tpu.memory_space<hbm>> -> memref<112xi32, #tpu.memory_space<hbm>>
        %dma_wait3A_163 = arith.constant 0 : i32
        %dma_wait3A_164 = tpu.memref_slice %arg8[%run_scoped3A_19, %dma_wait3A_163] : memref<3x112xi32, #tpu.memory_space<vmem>> -> memref<1x112xi32, #tpu.memory_space<vmem>>
        %dma_wait3A_165 = tpu.memref_squeeze %dma_wait3A_164 : memref<1x112xi32, #tpu.memory_space<vmem>> -> memref<112xi32, #tpu.memory_space<vmem>>
        %dma_wait3A_166 = tpu.memref_slice %arg3[%add3A_18] : memref<161280xi32, #tpu.memory_space<hbm>> -> memref<112xi32, #tpu.memory_space<hbm>>
        tpu.wait_dma2 semaphore(%run_scoped3A_150 : memref<!tpu.dma_semaphore, #tpu.memory_space<semaphore_mem>>) src(%dma_wait3A_166 : memref<112xi32, #tpu.memory_space<hbm>>) dst(%dma_wait3A_165 : memref<112xi32, #tpu.memory_space<vmem>>)
        tpu.yield
      }) : () -> ()
      %add3A_20 = arith.constant 112 : i32
      %add3A_21 = arith.addi %add3A_14, %add3A_20 : i32
      %run_scoped3A_22 = arith.constant 1 : i32
      "tpu.region"() ({
        %run_scoped3A_150 = tpu.sem_alloc : memref<!tpu.dma_semaphore, #tpu.memory_space<semaphore_mem>>
        %dma_start3A_151 = arith.constant 0 : i32
        %dma_start3A_152 = tpu.memref_slice %arg7[%run_scoped3A_22, %dma_start3A_151] : memref<3x112xi32, #tpu.memory_space<vmem>> -> memref<1x112xi32, #tpu.memory_space<vmem>>
        %dma_start3A_153 = tpu.memref_squeeze %dma_start3A_152 : memref<1x112xi32, #tpu.memory_space<vmem>> -> memref<112xi32, #tpu.memory_space<vmem>>
        %dma_start3A_154 = tpu.memref_slice %arg2[%add3A_21] : memref<161280xi32, #tpu.memory_space<hbm>> -> memref<112xi32, #tpu.memory_space<hbm>>
        %dma_start3A_155 = arith.constant 0 : i32
        %dma_start3A_156 = tpu.memref_slice %arg7[%run_scoped3A_22, %dma_start3A_155] : memref<3x112xi32, #tpu.memory_space<vmem>> -> memref<1x112xi32, #tpu.memory_space<vmem>>
        %dma_start3A_157 = tpu.memref_squeeze %dma_start3A_156 : memref<1x112xi32, #tpu.memory_space<vmem>> -> memref<112xi32, #tpu.memory_space<vmem>>
        %dma_start3A_158 = tpu.memref_slice %arg2[%add3A_21] : memref<161280xi32, #tpu.memory_space<hbm>> -> memref<112xi32, #tpu.memory_space<hbm>>
        tpu.enqueue_dma source(%dma_start3A_158 : memref<112xi32, #tpu.memory_space<hbm>>) target(%dma_start3A_157 : memref<112xi32, #tpu.memory_space<vmem>>) target_semaphore(%run_scoped3A_150 : memref<!tpu.dma_semaphore, #tpu.memory_space<semaphore_mem>>)
        %dma_wait3A_159 = arith.constant 0 : i32
        %dma_wait3A_160 = tpu.memref_slice %arg7[%run_scoped3A_22, %dma_wait3A_159] : memref<3x112xi32, #tpu.memory_space<vmem>> -> memref<1x112xi32, #tpu.memory_space<vmem>>
        %dma_wait3A_161 = tpu.memref_squeeze %dma_wait3A_160 : memref<1x112xi32, #tpu.memory_space<vmem>> -> memref<112xi32, #tpu.memory_space<vmem>>
        %dma_wait3A_162 = tpu.memref_slice %arg2[%add3A_21] : memref<161280xi32, #tpu.memory_space<hbm>> -> memref<112xi32, #tpu.memory_space<hbm>>
        %dma_wait3A_163 = arith.constant 0 : i32
        %dma_wait3A_164 = tpu.memref_slice %arg7[%run_scoped3A_22, %dma_wait3A_163] : memref<3x112xi32, #tpu.memory_space<vmem>> -> memref<1x112xi32, #tpu.memory_space<vmem>>
        %dma_wait3A_165 = tpu.memref_squeeze %dma_wait3A_164 : memref<1x112xi32, #tpu.memory_space<vmem>> -> memref<112xi32, #tpu.memory_space<vmem>>
        %dma_wait3A_166 = tpu.memref_slice %arg2[%add3A_21] : memref<161280xi32, #tpu.memory_space<hbm>> -> memref<112xi32, #tpu.memory_space<hbm>>
        tpu.wait_dma2 semaphore(%run_scoped3A_150 : memref<!tpu.dma_semaphore, #tpu.memory_space<semaphore_mem>>) src(%dma_wait3A_166 : memref<112xi32, #tpu.memory_space<hbm>>) dst(%dma_wait3A_165 : memref<112xi32, #tpu.memory_space<vmem>>)
        tpu.yield
      }) : () -> ()
      %add3A_23 = arith.constant 112 : i32
      %add3A_24 = arith.addi %add3A_14, %add3A_23 : i32
      %run_scoped3A_25 = arith.constant 1 : i32
      "tpu.region"() ({
        %run_scoped3A_150 = tpu.sem_alloc : memref<!tpu.dma_semaphore, #tpu.memory_space<semaphore_mem>>
        %dma_start3A_151 = arith.constant 0 : i32
        %dma_start3A_152 = tpu.memref_slice %arg8[%run_scoped3A_25, %dma_start3A_151] : memref<3x112xi32, #tpu.memory_space<vmem>> -> memref<1x112xi32, #tpu.memory_space<vmem>>
        %dma_start3A_153 = tpu.memref_squeeze %dma_start3A_152 : memref<1x112xi32, #tpu.memory_space<vmem>> -> memref<112xi32, #tpu.memory_space<vmem>>
        %dma_start3A_154 = tpu.memref_slice %arg3[%add3A_24] : memref<161280xi32, #tpu.memory_space<hbm>> -> memref<112xi32, #tpu.memory_space<hbm>>
        %dma_start3A_155 = arith.constant 0 : i32
        %dma_start3A_156 = tpu.memref_slice %arg8[%run_scoped3A_25, %dma_start3A_155] : memref<3x112xi32, #tpu.memory_space<vmem>> -> memref<1x112xi32, #tpu.memory_space<vmem>>
        %dma_start3A_157 = tpu.memref_squeeze %dma_start3A_156 : memref<1x112xi32, #tpu.memory_space<vmem>> -> memref<112xi32, #tpu.memory_space<vmem>>
        %dma_start3A_158 = tpu.memref_slice %arg3[%add3A_24] : memref<161280xi32, #tpu.memory_space<hbm>> -> memref<112xi32, #tpu.memory_space<hbm>>
        tpu.enqueue_dma source(%dma_start3A_158 : memref<112xi32, #tpu.memory_space<hbm>>) target(%dma_start3A_157 : memref<112xi32, #tpu.memory_space<vmem>>) target_semaphore(%run_scoped3A_150 : memref<!tpu.dma_semaphore, #tpu.memory_space<semaphore_mem>>)
        %dma_wait3A_159 = arith.constant 0 : i32
        %dma_wait3A_160 = tpu.memref_slice %arg8[%run_scoped3A_25, %dma_wait3A_159] : memref<3x112xi32, #tpu.memory_space<vmem>> -> memref<1x112xi32, #tpu.memory_space<vmem>>
        %dma_wait3A_161 = tpu.memref_squeeze %dma_wait3A_160 : memref<1x112xi32, #tpu.memory_space<vmem>> -> memref<112xi32, #tpu.memory_space<vmem>>
        %dma_wait3A_162 = tpu.memref_slice %arg3[%add3A_24] : memref<161280xi32, #tpu.memory_space<hbm>> -> memref<112xi32, #tpu.memory_space<hbm>>
        %dma_wait3A_163 = arith.constant 0 : i32
        %dma_wait3A_164 = tpu.memref_slice %arg8[%run_scoped3A_25, %dma_wait3A_163] : memref<3x112xi32, #tpu.memory_space<vmem>> -> memref<1x112xi32, #tpu.memory_space<vmem>>
        %dma_wait3A_165 = tpu.memref_squeeze %dma_wait3A_164 : memref<1x112xi32, #tpu.memory_space<vmem>> -> memref<112xi32, #tpu.memory_space<vmem>>
        %dma_wait3A_166 = tpu.memref_slice %arg3[%add3A_24] : memref<161280xi32, #tpu.memory_space<hbm>> -> memref<112xi32, #tpu.memory_space<hbm>>
        tpu.wait_dma2 semaphore(%run_scoped3A_150 : memref<!tpu.dma_semaphore, #tpu.memory_space<semaphore_mem>>) src(%dma_wait3A_166 : memref<112xi32, #tpu.memory_space<hbm>>) dst(%dma_wait3A_165 : memref<112xi32, #tpu.memory_space<vmem>>)
        tpu.yield
      }) : () -> ()
      %add3A_26 = arith.constant 224 : i32
      %add3A_27 = arith.addi %add3A_14, %add3A_26 : i32
      %run_scoped3A_28 = arith.constant 2 : i32
      "tpu.region"() ({
        %run_scoped3A_150 = tpu.sem_alloc : memref<!tpu.dma_semaphore, #tpu.memory_space<semaphore_mem>>
        %dma_start3A_151 = arith.constant 0 : i32
        %dma_start3A_152 = tpu.memref_slice %arg7[%run_scoped3A_28, %dma_start3A_151] : memref<3x112xi32, #tpu.memory_space<vmem>> -> memref<1x112xi32, #tpu.memory_space<vmem>>
        %dma_start3A_153 = tpu.memref_squeeze %dma_start3A_152 : memref<1x112xi32, #tpu.memory_space<vmem>> -> memref<112xi32, #tpu.memory_space<vmem>>
        %dma_start3A_154 = tpu.memref_slice %arg2[%add3A_27] : memref<161280xi32, #tpu.memory_space<hbm>> -> memref<112xi32, #tpu.memory_space<hbm>>
        %dma_start3A_155 = arith.constant 0 : i32
        %dma_start3A_156 = tpu.memref_slice %arg7[%run_scoped3A_28, %dma_start3A_155] : memref<3x112xi32, #tpu.memory_space<vmem>> -> memref<1x112xi32, #tpu.memory_space<vmem>>
        %dma_start3A_157 = tpu.memref_squeeze %dma_start3A_156 : memref<1x112xi32, #tpu.memory_space<vmem>> -> memref<112xi32, #tpu.memory_space<vmem>>
        %dma_start3A_158 = tpu.memref_slice %arg2[%add3A_27] : memref<161280xi32, #tpu.memory_space<hbm>> -> memref<112xi32, #tpu.memory_space<hbm>>
        tpu.enqueue_dma source(%dma_start3A_158 : memref<112xi32, #tpu.memory_space<hbm>>) target(%dma_start3A_157 : memref<112xi32, #tpu.memory_space<vmem>>) target_semaphore(%run_scoped3A_150 : memref<!tpu.dma_semaphore, #tpu.memory_space<semaphore_mem>>)
        %dma_wait3A_159 = arith.constant 0 : i32
        %dma_wait3A_160 = tpu.memref_slice %arg7[%run_scoped3A_28, %dma_wait3A_159] : memref<3x112xi32, #tpu.memory_space<vmem>> -> memref<1x112xi32, #tpu.memory_space<vmem>>
        %dma_wait3A_161 = tpu.memref_squeeze %dma_wait3A_160 : memref<1x112xi32, #tpu.memory_space<vmem>> -> memref<112xi32, #tpu.memory_space<vmem>>
        %dma_wait3A_162 = tpu.memref_slice %arg2[%add3A_27] : memref<161280xi32, #tpu.memory_space<hbm>> -> memref<112xi32, #tpu.memory_space<hbm>>
        %dma_wait3A_163 = arith.constant 0 : i32
        %dma_wait3A_164 = tpu.memref_slice %arg7[%run_scoped3A_28, %dma_wait3A_163] : memref<3x112xi32, #tpu.memory_space<vmem>> -> memref<1x112xi32, #tpu.memory_space<vmem>>
        %dma_wait3A_165 = tpu.memref_squeeze %dma_wait3A_164 : memref<1x112xi32, #tpu.memory_space<vmem>> -> memref<112xi32, #tpu.memory_space<vmem>>
        %dma_wait3A_166 = tpu.memref_slice %arg2[%add3A_27] : memref<161280xi32, #tpu.memory_space<hbm>> -> memref<112xi32, #tpu.memory_space<hbm>>
        tpu.wait_dma2 semaphore(%run_scoped3A_150 : memref<!tpu.dma_semaphore, #tpu.memory_space<semaphore_mem>>) src(%dma_wait3A_166 : memref<112xi32, #tpu.memory_space<hbm>>) dst(%dma_wait3A_165 : memref<112xi32, #tpu.memory_space<vmem>>)
        tpu.yield
      }) : () -> ()
      %add3A_29 = arith.constant 224 : i32
      %add3A_30 = arith.addi %add3A_14, %add3A_29 : i32
      %run_scoped3A_31 = arith.constant 2 : i32
      "tpu.region"() ({
        %run_scoped3A_150 = tpu.sem_alloc : memref<!tpu.dma_semaphore, #tpu.memory_space<semaphore_mem>>
        %dma_start3A_151 = arith.constant 0 : i32
        %dma_start3A_152 = tpu.memref_slice %arg8[%run_scoped3A_31, %dma_start3A_151] : memref<3x112xi32, #tpu.memory_space<vmem>> -> memref<1x112xi32, #tpu.memory_space<vmem>>
        %dma_start3A_153 = tpu.memref_squeeze %dma_start3A_152 : memref<1x112xi32, #tpu.memory_space<vmem>> -> memref<112xi32, #tpu.memory_space<vmem>>
        %dma_start3A_154 = tpu.memref_slice %arg3[%add3A_30] : memref<161280xi32, #tpu.memory_space<hbm>> -> memref<112xi32, #tpu.memory_space<hbm>>
        %dma_start3A_155 = arith.constant 0 : i32
        %dma_start3A_156 = tpu.memref_slice %arg8[%run_scoped3A_31, %dma_start3A_155] : memref<3x112xi32, #tpu.memory_space<vmem>> -> memref<1x112xi32, #tpu.memory_space<vmem>>
        %dma_start3A_157 = tpu.memref_squeeze %dma_start3A_156 : memref<1x112xi32, #tpu.memory_space<vmem>> -> memref<112xi32, #tpu.memory_space<vmem>>
        %dma_start3A_158 = tpu.memref_slice %arg3[%add3A_30] : memref<161280xi32, #tpu.memory_space<hbm>> -> memref<112xi32, #tpu.memory_space<hbm>>
        tpu.enqueue_dma source(%dma_start3A_158 : memref<112xi32, #tpu.memory_space<hbm>>) target(%dma_start3A_157 : memref<112xi32, #tpu.memory_space<vmem>>) target_semaphore(%run_scoped3A_150 : memref<!tpu.dma_semaphore, #tpu.memory_space<semaphore_mem>>)
        %dma_wait3A_159 = arith.constant 0 : i32
        %dma_wait3A_160 = tpu.memref_slice %arg8[%run_scoped3A_31, %dma_wait3A_159] : memref<3x112xi32, #tpu.memory_space<vmem>> -> memref<1x112xi32, #tpu.memory_space<vmem>>
        %dma_wait3A_161 = tpu.memref_squeeze %dma_wait3A_160 : memref<1x112xi32, #tpu.memory_space<vmem>> -> memref<112xi32, #tpu.memory_space<vmem>>
        %dma_wait3A_162 = tpu.memref_slice %arg3[%add3A_30] : memref<161280xi32, #tpu.memory_space<hbm>> -> memref<112xi32, #tpu.memory_space<hbm>>
        %dma_wait3A_163 = arith.constant 0 : i32
        %dma_wait3A_164 = tpu.memref_slice %arg8[%run_scoped3A_31, %dma_wait3A_163] : memref<3x112xi32, #tpu.memory_space<vmem>> -> memref<1x112xi32, #tpu.memory_space<vmem>>
        %dma_wait3A_165 = tpu.memref_squeeze %dma_wait3A_164 : memref<1x112xi32, #tpu.memory_space<vmem>> -> memref<112xi32, #tpu.memory_space<vmem>>
        %dma_wait3A_166 = tpu.memref_slice %arg3[%add3A_30] : memref<161280xi32, #tpu.memory_space<hbm>> -> memref<112xi32, #tpu.memory_space<hbm>>
        tpu.wait_dma2 semaphore(%run_scoped3A_150 : memref<!tpu.dma_semaphore, #tpu.memory_space<semaphore_mem>>) src(%dma_wait3A_166 : memref<112xi32, #tpu.memory_space<hbm>>) dst(%dma_wait3A_165 : memref<112xi32, #tpu.memory_space<vmem>>)
        tpu.yield
      }) : () -> ()
      %dma_start3A = arith.constant 0 : i32
      %dma_start3A_32 = arith.constant 0 : i32
      %dma_start3A_33 = arith.constant 0 : i32
      %dma_start3A_34 = tpu.memref_slice %arg9[%dma_start3A_32, %dma_start3A_33] : memref<336x128xf32, #tpu.memory_space<vmem>> -> memref<112x128xf32, #tpu.memory_space<vmem>>
      %dma_start3A_35 = arith.constant 0 : i32
      %dma_start3A_36 = tpu.memref_slice %arg7[%dma_start3A, %dma_start3A_35] : memref<3x112xi32, #tpu.memory_space<vmem>> -> memref<1x112xi32, #tpu.memory_space<vmem>>
      %dma_start3A_37 = tpu.memref_squeeze %dma_start3A_36 : memref<1x112xi32, #tpu.memory_space<vmem>> -> memref<112xi32, #tpu.memory_space<vmem>>
      %dma_start3A_38 = arith.constant 0 : i32
      %dma_start3A_39 = arith.constant 0 : i32
      %dma_start3A_40 = tpu.memref_slice %arg4[%dma_start3A_38, %dma_start3A_39] : memref<10000x128xf32, #tpu.memory_space<hbm>> -> memref<10000x128xf32, #tpu.memory_space<hbm>>
      tpu.enqueue_indirect_dma source(%dma_start3A_40 : memref<10000x128xf32, #tpu.memory_space<hbm>>) target(%dma_start3A_34 : memref<112x128xf32, #tpu.memory_space<vmem>>) offsets(%dma_start3A_37 : memref<112xi32, #tpu.memory_space<vmem>>) semaphore(%arg11 : memref<!tpu.dma_semaphore, #tpu.memory_space<semaphore_mem>>)
      %dma_start3A_41 = arith.constant 0 : i32
      %dma_start3A_42 = arith.constant 0 : i32
      %dma_start3A_43 = arith.constant 0 : i32
      %dma_start3A_44 = tpu.memref_slice %arg10[%dma_start3A_42, %dma_start3A_43] : memref<336x128xf32, #tpu.memory_space<vmem>> -> memref<112x128xf32, #tpu.memory_space<vmem>>
      %dma_start3A_45 = arith.constant 0 : i32
      %dma_start3A_46 = tpu.memref_slice %arg8[%dma_start3A_41, %dma_start3A_45] : memref<3x112xi32, #tpu.memory_space<vmem>> -> memref<1x112xi32, #tpu.memory_space<vmem>>
      %dma_start3A_47 = tpu.memref_squeeze %dma_start3A_46 : memref<1x112xi32, #tpu.memory_space<vmem>> -> memref<112xi32, #tpu.memory_space<vmem>>
      %dma_start3A_48 = arith.constant 0 : i32
      %dma_start3A_49 = arith.constant 0 : i32
      %dma_start3A_50 = tpu.memref_slice %arg4[%dma_start3A_48, %dma_start3A_49] : memref<10000x128xf32, #tpu.memory_space<hbm>> -> memref<10000x128xf32, #tpu.memory_space<hbm>>
      tpu.enqueue_indirect_dma source(%dma_start3A_50 : memref<10000x128xf32, #tpu.memory_space<hbm>>) target(%dma_start3A_44 : memref<112x128xf32, #tpu.memory_space<vmem>>) offsets(%dma_start3A_47 : memref<112xi32, #tpu.memory_space<vmem>>) semaphore(%arg12 : memref<!tpu.dma_semaphore, #tpu.memory_space<semaphore_mem>>)
      %dma_start3A_51 = arith.constant 1 : i32
      %dma_start3A_52 = arith.constant 112 : i32
      %dma_start3A_53 = arith.constant 0 : i32
      %dma_start3A_54 = tpu.memref_slice %arg9[%dma_start3A_52, %dma_start3A_53] : memref<336x128xf32, #tpu.memory_space<vmem>> -> memref<112x128xf32, #tpu.memory_space<vmem>>
      %dma_start3A_55 = arith.constant 0 : i32
      %dma_start3A_56 = tpu.memref_slice %arg7[%dma_start3A_51, %dma_start3A_55] : memref<3x112xi32, #tpu.memory_space<vmem>> -> memref<1x112xi32, #tpu.memory_space<vmem>>
      %dma_start3A_57 = tpu.memref_squeeze %dma_start3A_56 : memref<1x112xi32, #tpu.memory_space<vmem>> -> memref<112xi32, #tpu.memory_space<vmem>>
      %dma_start3A_58 = arith.constant 0 : i32
      %dma_start3A_59 = arith.constant 0 : i32
      %dma_start3A_60 = tpu.memref_slice %arg4[%dma_start3A_58, %dma_start3A_59] : memref<10000x128xf32, #tpu.memory_space<hbm>> -> memref<10000x128xf32, #tpu.memory_space<hbm>>
      tpu.enqueue_indirect_dma source(%dma_start3A_60 : memref<10000x128xf32, #tpu.memory_space<hbm>>) target(%dma_start3A_54 : memref<112x128xf32, #tpu.memory_space<vmem>>) offsets(%dma_start3A_57 : memref<112xi32, #tpu.memory_space<vmem>>) semaphore(%arg11 : memref<!tpu.dma_semaphore, #tpu.memory_space<semaphore_mem>>)
      %dma_start3A_61 = arith.constant 1 : i32
      %dma_start3A_62 = arith.constant 112 : i32
      %dma_start3A_63 = arith.constant 0 : i32
      %dma_start3A_64 = tpu.memref_slice %arg10[%dma_start3A_62, %dma_start3A_63] : memref<336x128xf32, #tpu.memory_space<vmem>> -> memref<112x128xf32, #tpu.memory_space<vmem>>
      %dma_start3A_65 = arith.constant 0 : i32
      %dma_start3A_66 = tpu.memref_slice %arg8[%dma_start3A_61, %dma_start3A_65] : memref<3x112xi32, #tpu.memory_space<vmem>> -> memref<1x112xi32, #tpu.memory_space<vmem>>
      %dma_start3A_67 = tpu.memref_squeeze %dma_start3A_66 : memref<1x112xi32, #tpu.memory_space<vmem>> -> memref<112xi32, #tpu.memory_space<vmem>>
      %dma_start3A_68 = arith.constant 0 : i32
      %dma_start3A_69 = arith.constant 0 : i32
      %dma_start3A_70 = tpu.memref_slice %arg4[%dma_start3A_68, %dma_start3A_69] : memref<10000x128xf32, #tpu.memory_space<hbm>> -> memref<10000x128xf32, #tpu.memory_space<hbm>>
      tpu.enqueue_indirect_dma source(%dma_start3A_70 : memref<10000x128xf32, #tpu.memory_space<hbm>>) target(%dma_start3A_64 : memref<112x128xf32, #tpu.memory_space<vmem>>) offsets(%dma_start3A_67 : memref<112xi32, #tpu.memory_space<vmem>>) semaphore(%arg12 : memref<!tpu.dma_semaphore, #tpu.memory_space<semaphore_mem>>)
      %dma_start3A_71 = arith.constant 2 : i32
      %dma_start3A_72 = arith.constant 224 : i32
      %dma_start3A_73 = arith.constant 0 : i32
      %dma_start3A_74 = tpu.memref_slice %arg9[%dma_start3A_72, %dma_start3A_73] : memref<336x128xf32, #tpu.memory_space<vmem>> -> memref<112x128xf32, #tpu.memory_space<vmem>>
      %dma_start3A_75 = arith.constant 0 : i32
      %dma_start3A_76 = tpu.memref_slice %arg7[%dma_start3A_71, %dma_start3A_75] : memref<3x112xi32, #tpu.memory_space<vmem>> -> memref<1x112xi32, #tpu.memory_space<vmem>>
      %dma_start3A_77 = tpu.memref_squeeze %dma_start3A_76 : memref<1x112xi32, #tpu.memory_space<vmem>> -> memref<112xi32, #tpu.memory_space<vmem>>
      %dma_start3A_78 = arith.constant 0 : i32
      %dma_start3A_79 = arith.constant 0 : i32
      %dma_start3A_80 = tpu.memref_slice %arg4[%dma_start3A_78, %dma_start3A_79] : memref<10000x128xf32, #tpu.memory_space<hbm>> -> memref<10000x128xf32, #tpu.memory_space<hbm>>
      tpu.enqueue_indirect_dma source(%dma_start3A_80 : memref<10000x128xf32, #tpu.memory_space<hbm>>) target(%dma_start3A_74 : memref<112x128xf32, #tpu.memory_space<vmem>>) offsets(%dma_start3A_77 : memref<112xi32, #tpu.memory_space<vmem>>) semaphore(%arg11 : memref<!tpu.dma_semaphore, #tpu.memory_space<semaphore_mem>>)
      %dma_start3A_81 = arith.constant 2 : i32
      %dma_start3A_82 = arith.constant 224 : i32
      %dma_start3A_83 = arith.constant 0 : i32
      %dma_start3A_84 = tpu.memref_slice %arg10[%dma_start3A_82, %dma_start3A_83] : memref<336x128xf32, #tpu.memory_space<vmem>> -> memref<112x128xf32, #tpu.memory_space<vmem>>
      %dma_start3A_85 = arith.constant 0 : i32
      %dma_start3A_86 = tpu.memref_slice %arg8[%dma_start3A_81, %dma_start3A_85] : memref<3x112xi32, #tpu.memory_space<vmem>> -> memref<1x112xi32, #tpu.memory_space<vmem>>
      %dma_start3A_87 = tpu.memref_squeeze %dma_start3A_86 : memref<1x112xi32, #tpu.memory_space<vmem>> -> memref<112xi32, #tpu.memory_space<vmem>>
      %dma_start3A_88 = arith.constant 0 : i32
      %dma_start3A_89 = arith.constant 0 : i32
      %dma_start3A_90 = tpu.memref_slice %arg4[%dma_start3A_88, %dma_start3A_89] : memref<10000x128xf32, #tpu.memory_space<hbm>> -> memref<10000x128xf32, #tpu.memory_space<hbm>>
      tpu.enqueue_indirect_dma source(%dma_start3A_90 : memref<10000x128xf32, #tpu.memory_space<hbm>>) target(%dma_start3A_84 : memref<112x128xf32, #tpu.memory_space<vmem>>) offsets(%dma_start3A_87 : memref<112xi32, #tpu.memory_space<vmem>>) semaphore(%arg12 : memref<!tpu.dma_semaphore, #tpu.memory_space<semaphore_mem>>)
      %dma_wait3A = arith.constant 0 : i32
      %dma_wait3A_91 = arith.constant 0 : i32
      %dma_wait3A_92 = arith.constant 0 : i32
      %dma_wait3A_93 = tpu.memref_slice %arg9[%dma_wait3A_91, %dma_wait3A_92] : memref<336x128xf32, #tpu.memory_space<vmem>> -> memref<112x128xf32, #tpu.memory_space<vmem>>
      %dma_wait3A_94 = arith.constant 0 : i32
      %dma_wait3A_95 = tpu.memref_slice %arg7[%dma_wait3A, %dma_wait3A_94] : memref<3x112xi32, #tpu.memory_space<vmem>> -> memref<1x112xi32, #tpu.memory_space<vmem>>
      %dma_wait3A_96 = tpu.memref_squeeze %dma_wait3A_95 : memref<1x112xi32, #tpu.memory_space<vmem>> -> memref<112xi32, #tpu.memory_space<vmem>>
      %dma_wait3A_97 = arith.constant 0 : i32
      %dma_wait3A_98 = arith.constant 0 : i32
      %dma_wait3A_99 = tpu.memref_slice %arg4[%dma_wait3A_97, %dma_wait3A_98] : memref<10000x128xf32, #tpu.memory_space<hbm>> -> memref<10000x128xf32, #tpu.memory_space<hbm>>
      tpu.wait_indirect_dma semaphore(%arg11 : memref<!tpu.dma_semaphore, #tpu.memory_space<semaphore_mem>>) src(%dma_wait3A_99 : memref<10000x128xf32, #tpu.memory_space<hbm>>) dst(%dma_wait3A_93 : memref<112x128xf32, #tpu.memory_space<vmem>>)
      %dma_wait3A_100 = arith.constant 0 : i32
      %dma_wait3A_101 = arith.constant 0 : i32
      %dma_wait3A_102 = arith.constant 0 : i32
      %dma_wait3A_103 = tpu.memref_slice %arg10[%dma_wait3A_101, %dma_wait3A_102] : memref<336x128xf32, #tpu.memory_space<vmem>> -> memref<112x128xf32, #tpu.memory_space<vmem>>
      %dma_wait3A_104 = arith.constant 0 : i32
      %dma_wait3A_105 = tpu.memref_slice %arg8[%dma_wait3A_100, %dma_wait3A_104] : memref<3x112xi32, #tpu.memory_space<vmem>> -> memref<1x112xi32, #tpu.memory_space<vmem>>
      %dma_wait3A_106 = tpu.memref_squeeze %dma_wait3A_105 : memref<1x112xi32, #tpu.memory_space<vmem>> -> memref<112xi32, #tpu.memory_space<vmem>>
      %dma_wait3A_107 = arith.constant 0 : i32
      %dma_wait3A_108 = arith.constant 0 : i32
      %dma_wait3A_109 = tpu.memref_slice %arg4[%dma_wait3A_107, %dma_wait3A_108] : memref<10000x128xf32, #tpu.memory_space<hbm>> -> memref<10000x128xf32, #tpu.memory_space<hbm>>
      tpu.wait_indirect_dma semaphore(%arg12 : memref<!tpu.dma_semaphore, #tpu.memory_space<semaphore_mem>>) src(%dma_wait3A_109 : memref<10000x128xf32, #tpu.memory_space<hbm>>) dst(%dma_wait3A_103 : memref<112x128xf32, #tpu.memory_space<vmem>>)
      %dma_wait3A_110 = arith.constant 1 : i32
      %dma_wait3A_111 = arith.constant 112 : i32
      %dma_wait3A_112 = arith.constant 0 : i32
      %dma_wait3A_113 = tpu.memref_slice %arg9[%dma_wait3A_111, %dma_wait3A_112] : memref<336x128xf32, #tpu.memory_space<vmem>> -> memref<112x128xf32, #tpu.memory_space<vmem>>
      %dma_wait3A_114 = arith.constant 0 : i32
      %dma_wait3A_115 = tpu.memref_slice %arg7[%dma_wait3A_110, %dma_wait3A_114] : memref<3x112xi32, #tpu.memory_space<vmem>> -> memref<1x112xi32, #tpu.memory_space<vmem>>
      %dma_wait3A_116 = tpu.memref_squeeze %dma_wait3A_115 : memref<1x112xi32, #tpu.memory_space<vmem>> -> memref<112xi32, #tpu.memory_space<vmem>>
      %dma_wait3A_117 = arith.constant 0 : i32
      %dma_wait3A_118 = arith.constant 0 : i32
      %dma_wait3A_119 = tpu.memref_slice %arg4[%dma_wait3A_117, %dma_wait3A_118] : memref<10000x128xf32, #tpu.memory_space<hbm>> -> memref<10000x128xf32, #tpu.memory_space<hbm>>
      tpu.wait_indirect_dma semaphore(%arg11 : memref<!tpu.dma_semaphore, #tpu.memory_space<semaphore_mem>>) src(%dma_wait3A_119 : memref<10000x128xf32, #tpu.memory_space<hbm>>) dst(%dma_wait3A_113 : memref<112x128xf32, #tpu.memory_space<vmem>>)
      %dma_wait3A_120 = arith.constant 1 : i32
      %dma_wait3A_121 = arith.constant 112 : i32
      %dma_wait3A_122 = arith.constant 0 : i32
      %dma_wait3A_123 = tpu.memref_slice %arg10[%dma_wait3A_121, %dma_wait3A_122] : memref<336x128xf32, #tpu.memory_space<vmem>> -> memref<112x128xf32, #tpu.memory_space<vmem>>
      %dma_wait3A_124 = arith.constant 0 : i32
      %dma_wait3A_125 = tpu.memref_slice %arg8[%dma_wait3A_120, %dma_wait3A_124] : memref<3x112xi32, #tpu.memory_space<vmem>> -> memref<1x112xi32, #tpu.memory_space<vmem>>
      %dma_wait3A_126 = tpu.memref_squeeze %dma_wait3A_125 : memref<1x112xi32, #tpu.memory_space<vmem>> -> memref<112xi32, #tpu.memory_space<vmem>>
      %dma_wait3A_127 = arith.constant 0 : i32
      %dma_wait3A_128 = arith.constant 0 : i32
      %dma_wait3A_129 = tpu.memref_slice %arg4[%dma_wait3A_127, %dma_wait3A_128] : memref<10000x128xf32, #tpu.memory_space<hbm>> -> memref<10000x128xf32, #tpu.memory_space<hbm>>
      tpu.wait_indirect_dma semaphore(%arg12 : memref<!tpu.dma_semaphore, #tpu.memory_space<semaphore_mem>>) src(%dma_wait3A_129 : memref<10000x128xf32, #tpu.memory_space<hbm>>) dst(%dma_wait3A_123 : memref<112x128xf32, #tpu.memory_space<vmem>>)
      %dma_wait3A_130 = arith.constant 2 : i32
      %dma_wait3A_131 = arith.constant 224 : i32
      %dma_wait3A_132 = arith.constant 0 : i32
      %dma_wait3A_133 = tpu.memref_slice %arg9[%dma_wait3A_131, %dma_wait3A_132] : memref<336x128xf32, #tpu.memory_space<vmem>> -> memref<112x128xf32, #tpu.memory_space<vmem>>
      %dma_wait3A_134 = arith.constant 0 : i32
      %dma_wait3A_135 = tpu.memref_slice %arg7[%dma_wait3A_130, %dma_wait3A_134] : memref<3x112xi32, #tpu.memory_space<vmem>> -> memref<1x112xi32, #tpu.memory_space<vmem>>
      %dma_wait3A_136 = tpu.memref_squeeze %dma_wait3A_135 : memref<1x112xi32, #tpu.memory_space<vmem>> -> memref<112xi32, #tpu.memory_space<vmem>>
      %dma_wait3A_137 = arith.constant 0 : i32
      %dma_wait3A_138 = arith.constant 0 : i32
      %dma_wait3A_139 = tpu.memref_slice %arg4[%dma_wait3A_137, %dma_wait3A_138] : memref<10000x128xf32, #tpu.memory_space<hbm>> -> memref<10000x128xf32, #tpu.memory_space<hbm>>
      tpu.wait_indirect_dma semaphore(%arg11 : memref<!tpu.dma_semaphore, #tpu.memory_space<semaphore_mem>>) src(%dma_wait3A_139 : memref<10000x128xf32, #tpu.memory_space<hbm>>) dst(%dma_wait3A_133 : memref<112x128xf32, #tpu.memory_space<vmem>>)
      %dma_wait3A_140 = arith.constant 2 : i32
      %dma_wait3A_141 = arith.constant 224 : i32
      %dma_wait3A_142 = arith.constant 0 : i32
      %dma_wait3A_143 = tpu.memref_slice %arg10[%dma_wait3A_141, %dma_wait3A_142] : memref<336x128xf32, #tpu.memory_space<vmem>> -> memref<112x128xf32, #tpu.memory_space<vmem>>
      %dma_wait3A_144 = arith.constant 0 : i32
      %dma_wait3A_145 = tpu.memref_slice %arg8[%dma_wait3A_140, %dma_wait3A_144] : memref<3x112xi32, #tpu.memory_space<vmem>> -> memref<1x112xi32, #tpu.memory_space<vmem>>
      %dma_wait3A_146 = tpu.memref_squeeze %dma_wait3A_145 : memref<1x112xi32, #tpu.memory_space<vmem>> -> memref<112xi32, #tpu.memory_space<vmem>>
      %dma_wait3A_147 = arith.constant 0 : i32
      %dma_wait3A_148 = arith.constant 0 : i32
      %dma_wait3A_149 = tpu.memref_slice %arg4[%dma_wait3A_147, %dma_wait3A_148] : memref<10000x128xf32, #tpu.memory_space<hbm>> -> memref<10000x128xf32, #tpu.memory_space<hbm>>
      tpu.wait_indirect_dma semaphore(%arg12 : memref<!tpu.dma_semaphore, #tpu.memory_space<semaphore_mem>>) src(%dma_wait3A_149 : memref<10000x128xf32, #tpu.memory_space<hbm>>) dst(%dma_wait3A_143 : memref<112x128xf32, #tpu.memory_space<vmem>>)
      "tpu.region"() ({
        %run_scoped3A_150 = tpu.sem_alloc : memref<!tpu.dma_semaphore, #tpu.memory_space<semaphore_mem>>
        %dma_start3A_151 = arith.constant 0 : i32
        %dma_start3A_152 = arith.constant 0 : i32
        %dma_start3A_153 = tpu.memref_slice %arg9[%dma_start3A_151, %dma_start3A_152] : memref<336x128xf32, #tpu.memory_space<vmem>> -> memref<336x128xf32, #tpu.memory_space<vmem>>
        %dma_start3A_154 = arith.constant 0 : i32
        %dma_start3A_155 = tpu.memref_slice %arg5[%add3A_14, %dma_start3A_154] : memref<161280x128xf32, #tpu.memory_space<hbm>> -> memref<336x128xf32, #tpu.memory_space<hbm>>
        %dma_start3A_156 = arith.constant 0 : i32
        %dma_start3A_157 = tpu.memref_slice %arg5[%add3A_14, %dma_start3A_156] : memref<161280x128xf32, #tpu.memory_space<hbm>> -> memref<336x128xf32, #tpu.memory_space<hbm>>
        %dma_start3A_158 = arith.constant 0 : i32
        %dma_start3A_159 = arith.constant 0 : i32
        %dma_start3A_160 = tpu.memref_slice %arg9[%dma_start3A_158, %dma_start3A_159] : memref<336x128xf32, #tpu.memory_space<vmem>> -> memref<336x128xf32, #tpu.memory_space<vmem>>
        tpu.enqueue_dma source(%dma_start3A_160 : memref<336x128xf32, #tpu.memory_space<vmem>>) target(%dma_start3A_157 : memref<336x128xf32, #tpu.memory_space<hbm>>) target_semaphore(%run_scoped3A_150 : memref<!tpu.dma_semaphore, #tpu.memory_space<semaphore_mem>>)
        %dma_wait3A_161 = arith.constant 0 : i32
        %dma_wait3A_162 = arith.constant 0 : i32
        %dma_wait3A_163 = tpu.memref_slice %arg9[%dma_wait3A_161, %dma_wait3A_162] : memref<336x128xf32, #tpu.memory_space<vmem>> -> memref<336x128xf32, #tpu.memory_space<vmem>>
        %dma_wait3A_164 = arith.constant 0 : i32
        %dma_wait3A_165 = tpu.memref_slice %arg5[%add3A_14, %dma_wait3A_164] : memref<161280x128xf32, #tpu.memory_space<hbm>> -> memref<336x128xf32, #tpu.memory_space<hbm>>
        %dma_wait3A_166 = arith.constant 0 : i32
        %dma_wait3A_167 = tpu.memref_slice %arg5[%add3A_14, %dma_wait3A_166] : memref<161280x128xf32, #tpu.memory_space<hbm>> -> memref<336x128xf32, #tpu.memory_space<hbm>>
        %dma_wait3A_168 = arith.constant 0 : i32
        %dma_wait3A_169 = arith.constant 0 : i32
        %dma_wait3A_170 = tpu.memref_slice %arg9[%dma_wait3A_168, %dma_wait3A_169] : memref<336x128xf32, #tpu.memory_space<vmem>> -> memref<336x128xf32, #tpu.memory_space<vmem>>
        tpu.wait_dma2 semaphore(%run_scoped3A_150 : memref<!tpu.dma_semaphore, #tpu.memory_space<semaphore_mem>>) src(%dma_wait3A_170 : memref<336x128xf32, #tpu.memory_space<vmem>>) dst(%dma_wait3A_167 : memref<336x128xf32, #tpu.memory_space<hbm>>)
        tpu.yield
      }) : () -> ()
      "tpu.region"() ({
        %run_scoped3A_150 = tpu.sem_alloc : memref<!tpu.dma_semaphore, #tpu.memory_space<semaphore_mem>>
        %dma_start3A_151 = arith.constant 0 : i32
        %dma_start3A_152 = arith.constant 0 : i32
        %dma_start3A_153 = tpu.memref_slice %arg10[%dma_start3A_151, %dma_start3A_152] : memref<336x128xf32, #tpu.memory_space<vmem>> -> memref<336x128xf32, #tpu.memory_space<vmem>>
        %dma_start3A_154 = arith.constant 0 : i32
        %dma_start3A_155 = tpu.memref_slice %arg6[%add3A_14, %dma_start3A_154] : memref<161280x128xf32, #tpu.memory_space<hbm>> -> memref<336x128xf32, #tpu.memory_space<hbm>>
        %dma_start3A_156 = arith.constant 0 : i32
        %dma_start3A_157 = tpu.memref_slice %arg6[%add3A_14, %dma_start3A_156] : memref<161280x128xf32, #tpu.memory_space<hbm>> -> memref<336x128xf32, #tpu.memory_space<hbm>>
        %dma_start3A_158 = arith.constant 0 : i32
        %dma_start3A_159 = arith.constant 0 : i32
        %dma_start3A_160 = tpu.memref_slice %arg10[%dma_start3A_158, %dma_start3A_159] : memref<336x128xf32, #tpu.memory_space<vmem>> -> memref<336x128xf32, #tpu.memory_space<vmem>>
        tpu.enqueue_dma source(%dma_start3A_160 : memref<336x128xf32, #tpu.memory_space<vmem>>) target(%dma_start3A_157 : memref<336x128xf32, #tpu.memory_space<hbm>>) target_semaphore(%run_scoped3A_150 : memref<!tpu.dma_semaphore, #tpu.memory_space<semaphore_mem>>)
        %dma_wait3A_161 = arith.constant 0 : i32
        %dma_wait3A_162 = arith.constant 0 : i32
        %dma_wait3A_163 = tpu.memref_slice %arg10[%dma_wait3A_161, %dma_wait3A_162] : memref<336x128xf32, #tpu.memory_space<vmem>> -> memref<336x128xf32, #tpu.memory_space<vmem>>
        %dma_wait3A_164 = arith.constant 0 : i32
        %dma_wait3A_165 = tpu.memref_slice %arg6[%add3A_14, %dma_wait3A_164] : memref<161280x128xf32, #tpu.memory_space<hbm>> -> memref<336x128xf32, #tpu.memory_space<hbm>>
        %dma_wait3A_166 = arith.constant 0 : i32
        %dma_wait3A_167 = tpu.memref_slice %arg6[%add3A_14, %dma_wait3A_166] : memref<161280x128xf32, #tpu.memory_space<hbm>> -> memref<336x128xf32, #tpu.memory_space<hbm>>
        %dma_wait3A_168 = arith.constant 0 : i32
        %dma_wait3A_169 = arith.constant 0 : i32
        %dma_wait3A_170 = tpu.memref_slice %arg10[%dma_wait3A_168, %dma_wait3A_169] : memref<336x128xf32, #tpu.memory_space<vmem>> -> memref<336x128xf32, #tpu.memory_space<vmem>>
        tpu.wait_dma2 semaphore(%run_scoped3A_150 : memref<!tpu.dma_semaphore, #tpu.memory_space<semaphore_mem>>) src(%dma_wait3A_170 : memref<336x128xf32, #tpu.memory_space<vmem>>) dst(%dma_wait3A_167 : memref<336x128xf32, #tpu.memory_space<hbm>>)
        tpu.yield
      }) : () -> ()
    }
    %scan3A_6 = arith.constant 15 : i32
    return
  }
}

#map = affine_map<(d0, d1) -> (0)>
#map1 = affine_map<(d0, d1) -> (0, 0)>
module attributes {stable_mosaic.version = 14 : i64} {
  func.func @gather_k(%arg0: i32, %arg1: i32, %arg2: memref<158720xi32, #tpu.memory_space<hbm>>, %arg3: memref<158720xi32, #tpu.memory_space<hbm>>, %arg4: memref<10000x128xf32, #tpu.memory_space<hbm>>, %arg5: memref<158720x128xf32, #tpu.memory_space<hbm>>, %arg6: memref<158720x128xf32, #tpu.memory_space<hbm>>, %arg7: memref<5x80xi32, #tpu.memory_space<vmem>>, %arg8: memref<5x80xi32, #tpu.memory_space<vmem>>, %arg9: memref<400x128xf32, #tpu.memory_space<vmem>>, %arg10: memref<400x128xf32, #tpu.memory_space<vmem>>, %arg11: memref<!tpu.dma_semaphore, #tpu.memory_space<semaphore_mem>>, %arg12: memref<!tpu.dma_semaphore, #tpu.memory_space<semaphore_mem>>) attributes {dimension_semantics = [#tpu.dimension_semantics<core_parallel>, #tpu.dimension_semantics<subcore_parallel>], iteration_bounds = array<i64: 2, 16>, scalar_prefetch = 0 : i64, scratch_operands = 6 : i64, tpu.core_type = #tpu.core_type<sc_vector_subcore>, window_params = [{transform_indices = #map}, {transform_indices = #map}, {transform_indices = #map1}, {transform_indices = #map1}, {transform_indices = #map1}]} {
    %mul3A = arith.constant 2 : i32
    %mul3A_0 = arith.muli %arg1, %mul3A : i32
    %add3A = arith.addi %mul3A_0, %arg0 : i32
    %mul3A_1 = arith.constant 4960 : i32
    %mul3A_2 = arith.muli %add3A, %mul3A_1 : i32
    %scan3A = arith.constant 0 : i32
    %scan3A_3 = arith.constant 12 : i32
    %scan3A_4 = arith.addi %scan3A, %scan3A_3 : i32
    %scan3A_5 = arith.constant 1 : i32
    scf.for %scan3A_98 = %scan3A to %scan3A_4 step %scan3A_5  : i32 {
      %mul3A_99 = arith.constant 1 : i32
      %mul3A_100 = arith.muli %scan3A_98, %mul3A_99 : i32
      %add3A_101 = arith.constant 0 : i32
      %add3A_102 = arith.addi %add3A_101, %mul3A_100 : i32
      %mul3A_103 = arith.constant 400 : i32
      %mul3A_104 = arith.muli %add3A_102, %mul3A_103 : i32
      %add3A_105 = arith.addi %mul3A_2, %mul3A_104 : i32
      %add3A_106 = arith.constant 0 : i32
      %add3A_107 = arith.addi %add3A_105, %add3A_106 : i32
      %run_scoped3A_108 = arith.constant 0 : i32
      "tpu.region"() ({
        %run_scoped3A_336 = tpu.sem_alloc : memref<!tpu.dma_semaphore, #tpu.memory_space<semaphore_mem>>
        %dma_start3A_337 = arith.constant 0 : i32
        %dma_start3A_338 = tpu.memref_slice %arg7[%run_scoped3A_108, %dma_start3A_337] : memref<5x80xi32, #tpu.memory_space<vmem>> -> memref<1x80xi32, #tpu.memory_space<vmem>>
        %dma_start3A_339 = tpu.memref_squeeze %dma_start3A_338 : memref<1x80xi32, #tpu.memory_space<vmem>> -> memref<80xi32, #tpu.memory_space<vmem>>
        %dma_start3A_340 = tpu.memref_slice %arg2[%add3A_107] : memref<158720xi32, #tpu.memory_space<hbm>> -> memref<80xi32, #tpu.memory_space<hbm>>
        %dma_start3A_341 = arith.constant 0 : i32
        %dma_start3A_342 = tpu.memref_slice %arg7[%run_scoped3A_108, %dma_start3A_341] : memref<5x80xi32, #tpu.memory_space<vmem>> -> memref<1x80xi32, #tpu.memory_space<vmem>>
        %dma_start3A_343 = tpu.memref_squeeze %dma_start3A_342 : memref<1x80xi32, #tpu.memory_space<vmem>> -> memref<80xi32, #tpu.memory_space<vmem>>
        %dma_start3A_344 = tpu.memref_slice %arg2[%add3A_107] : memref<158720xi32, #tpu.memory_space<hbm>> -> memref<80xi32, #tpu.memory_space<hbm>>
        tpu.enqueue_dma source(%dma_start3A_344 : memref<80xi32, #tpu.memory_space<hbm>>) target(%dma_start3A_343 : memref<80xi32, #tpu.memory_space<vmem>>) target_semaphore(%run_scoped3A_336 : memref<!tpu.dma_semaphore, #tpu.memory_space<semaphore_mem>>)
        %dma_wait3A_345 = arith.constant 0 : i32
        %dma_wait3A_346 = tpu.memref_slice %arg7[%run_scoped3A_108, %dma_wait3A_345] : memref<5x80xi32, #tpu.memory_space<vmem>> -> memref<1x80xi32, #tpu.memory_space<vmem>>
        %dma_wait3A_347 = tpu.memref_squeeze %dma_wait3A_346 : memref<1x80xi32, #tpu.memory_space<vmem>> -> memref<80xi32, #tpu.memory_space<vmem>>
        %dma_wait3A_348 = tpu.memref_slice %arg2[%add3A_107] : memref<158720xi32, #tpu.memory_space<hbm>> -> memref<80xi32, #tpu.memory_space<hbm>>
        %dma_wait3A_349 = arith.constant 0 : i32
        %dma_wait3A_350 = tpu.memref_slice %arg7[%run_scoped3A_108, %dma_wait3A_349] : memref<5x80xi32, #tpu.memory_space<vmem>> -> memref<1x80xi32, #tpu.memory_space<vmem>>
        %dma_wait3A_351 = tpu.memref_squeeze %dma_wait3A_350 : memref<1x80xi32, #tpu.memory_space<vmem>> -> memref<80xi32, #tpu.memory_space<vmem>>
        %dma_wait3A_352 = tpu.memref_slice %arg2[%add3A_107] : memref<158720xi32, #tpu.memory_space<hbm>> -> memref<80xi32, #tpu.memory_space<hbm>>
        tpu.wait_dma2 semaphore(%run_scoped3A_336 : memref<!tpu.dma_semaphore, #tpu.memory_space<semaphore_mem>>) src(%dma_wait3A_352 : memref<80xi32, #tpu.memory_space<hbm>>) dst(%dma_wait3A_351 : memref<80xi32, #tpu.memory_space<vmem>>)
        tpu.yield
      }) : () -> ()
      %add3A_109 = arith.constant 0 : i32
      %add3A_110 = arith.addi %add3A_105, %add3A_109 : i32
      %run_scoped3A_111 = arith.constant 0 : i32
      "tpu.region"() ({
        %run_scoped3A_336 = tpu.sem_alloc : memref<!tpu.dma_semaphore, #tpu.memory_space<semaphore_mem>>
        %dma_start3A_337 = arith.constant 0 : i32
        %dma_start3A_338 = tpu.memref_slice %arg8[%run_scoped3A_111, %dma_start3A_337] : memref<5x80xi32, #tpu.memory_space<vmem>> -> memref<1x80xi32, #tpu.memory_space<vmem>>
        %dma_start3A_339 = tpu.memref_squeeze %dma_start3A_338 : memref<1x80xi32, #tpu.memory_space<vmem>> -> memref<80xi32, #tpu.memory_space<vmem>>
        %dma_start3A_340 = tpu.memref_slice %arg3[%add3A_110] : memref<158720xi32, #tpu.memory_space<hbm>> -> memref<80xi32, #tpu.memory_space<hbm>>
        %dma_start3A_341 = arith.constant 0 : i32
        %dma_start3A_342 = tpu.memref_slice %arg8[%run_scoped3A_111, %dma_start3A_341] : memref<5x80xi32, #tpu.memory_space<vmem>> -> memref<1x80xi32, #tpu.memory_space<vmem>>
        %dma_start3A_343 = tpu.memref_squeeze %dma_start3A_342 : memref<1x80xi32, #tpu.memory_space<vmem>> -> memref<80xi32, #tpu.memory_space<vmem>>
        %dma_start3A_344 = tpu.memref_slice %arg3[%add3A_110] : memref<158720xi32, #tpu.memory_space<hbm>> -> memref<80xi32, #tpu.memory_space<hbm>>
        tpu.enqueue_dma source(%dma_start3A_344 : memref<80xi32, #tpu.memory_space<hbm>>) target(%dma_start3A_343 : memref<80xi32, #tpu.memory_space<vmem>>) target_semaphore(%run_scoped3A_336 : memref<!tpu.dma_semaphore, #tpu.memory_space<semaphore_mem>>)
        %dma_wait3A_345 = arith.constant 0 : i32
        %dma_wait3A_346 = tpu.memref_slice %arg8[%run_scoped3A_111, %dma_wait3A_345] : memref<5x80xi32, #tpu.memory_space<vmem>> -> memref<1x80xi32, #tpu.memory_space<vmem>>
        %dma_wait3A_347 = tpu.memref_squeeze %dma_wait3A_346 : memref<1x80xi32, #tpu.memory_space<vmem>> -> memref<80xi32, #tpu.memory_space<vmem>>
        %dma_wait3A_348 = tpu.memref_slice %arg3[%add3A_110] : memref<158720xi32, #tpu.memory_space<hbm>> -> memref<80xi32, #tpu.memory_space<hbm>>
        %dma_wait3A_349 = arith.constant 0 : i32
        %dma_wait3A_350 = tpu.memref_slice %arg8[%run_scoped3A_111, %dma_wait3A_349] : memref<5x80xi32, #tpu.memory_space<vmem>> -> memref<1x80xi32, #tpu.memory_space<vmem>>
        %dma_wait3A_351 = tpu.memref_squeeze %dma_wait3A_350 : memref<1x80xi32, #tpu.memory_space<vmem>> -> memref<80xi32, #tpu.memory_space<vmem>>
        %dma_wait3A_352 = tpu.memref_slice %arg3[%add3A_110] : memref<158720xi32, #tpu.memory_space<hbm>> -> memref<80xi32, #tpu.memory_space<hbm>>
        tpu.wait_dma2 semaphore(%run_scoped3A_336 : memref<!tpu.dma_semaphore, #tpu.memory_space<semaphore_mem>>) src(%dma_wait3A_352 : memref<80xi32, #tpu.memory_space<hbm>>) dst(%dma_wait3A_351 : memref<80xi32, #tpu.memory_space<vmem>>)
        tpu.yield
      }) : () -> ()
      %add3A_112 = arith.constant 80 : i32
      %add3A_113 = arith.addi %add3A_105, %add3A_112 : i32
      %run_scoped3A_114 = arith.constant 1 : i32
      "tpu.region"() ({
        %run_scoped3A_336 = tpu.sem_alloc : memref<!tpu.dma_semaphore, #tpu.memory_space<semaphore_mem>>
        %dma_start3A_337 = arith.constant 0 : i32
        %dma_start3A_338 = tpu.memref_slice %arg7[%run_scoped3A_114, %dma_start3A_337] : memref<5x80xi32, #tpu.memory_space<vmem>> -> memref<1x80xi32, #tpu.memory_space<vmem>>
        %dma_start3A_339 = tpu.memref_squeeze %dma_start3A_338 : memref<1x80xi32, #tpu.memory_space<vmem>> -> memref<80xi32, #tpu.memory_space<vmem>>
        %dma_start3A_340 = tpu.memref_slice %arg2[%add3A_113] : memref<158720xi32, #tpu.memory_space<hbm>> -> memref<80xi32, #tpu.memory_space<hbm>>
        %dma_start3A_341 = arith.constant 0 : i32
        %dma_start3A_342 = tpu.memref_slice %arg7[%run_scoped3A_114, %dma_start3A_341] : memref<5x80xi32, #tpu.memory_space<vmem>> -> memref<1x80xi32, #tpu.memory_space<vmem>>
        %dma_start3A_343 = tpu.memref_squeeze %dma_start3A_342 : memref<1x80xi32, #tpu.memory_space<vmem>> -> memref<80xi32, #tpu.memory_space<vmem>>
        %dma_start3A_344 = tpu.memref_slice %arg2[%add3A_113] : memref<158720xi32, #tpu.memory_space<hbm>> -> memref<80xi32, #tpu.memory_space<hbm>>
        tpu.enqueue_dma source(%dma_start3A_344 : memref<80xi32, #tpu.memory_space<hbm>>) target(%dma_start3A_343 : memref<80xi32, #tpu.memory_space<vmem>>) target_semaphore(%run_scoped3A_336 : memref<!tpu.dma_semaphore, #tpu.memory_space<semaphore_mem>>)
        %dma_wait3A_345 = arith.constant 0 : i32
        %dma_wait3A_346 = tpu.memref_slice %arg7[%run_scoped3A_114, %dma_wait3A_345] : memref<5x80xi32, #tpu.memory_space<vmem>> -> memref<1x80xi32, #tpu.memory_space<vmem>>
        %dma_wait3A_347 = tpu.memref_squeeze %dma_wait3A_346 : memref<1x80xi32, #tpu.memory_space<vmem>> -> memref<80xi32, #tpu.memory_space<vmem>>
        %dma_wait3A_348 = tpu.memref_slice %arg2[%add3A_113] : memref<158720xi32, #tpu.memory_space<hbm>> -> memref<80xi32, #tpu.memory_space<hbm>>
        %dma_wait3A_349 = arith.constant 0 : i32
        %dma_wait3A_350 = tpu.memref_slice %arg7[%run_scoped3A_114, %dma_wait3A_349] : memref<5x80xi32, #tpu.memory_space<vmem>> -> memref<1x80xi32, #tpu.memory_space<vmem>>
        %dma_wait3A_351 = tpu.memref_squeeze %dma_wait3A_350 : memref<1x80xi32, #tpu.memory_space<vmem>> -> memref<80xi32, #tpu.memory_space<vmem>>
        %dma_wait3A_352 = tpu.memref_slice %arg2[%add3A_113] : memref<158720xi32, #tpu.memory_space<hbm>> -> memref<80xi32, #tpu.memory_space<hbm>>
        tpu.wait_dma2 semaphore(%run_scoped3A_336 : memref<!tpu.dma_semaphore, #tpu.memory_space<semaphore_mem>>) src(%dma_wait3A_352 : memref<80xi32, #tpu.memory_space<hbm>>) dst(%dma_wait3A_351 : memref<80xi32, #tpu.memory_space<vmem>>)
        tpu.yield
      }) : () -> ()
      %add3A_115 = arith.constant 80 : i32
      %add3A_116 = arith.addi %add3A_105, %add3A_115 : i32
      %run_scoped3A_117 = arith.constant 1 : i32
      "tpu.region"() ({
        %run_scoped3A_336 = tpu.sem_alloc : memref<!tpu.dma_semaphore, #tpu.memory_space<semaphore_mem>>
        %dma_start3A_337 = arith.constant 0 : i32
        %dma_start3A_338 = tpu.memref_slice %arg8[%run_scoped3A_117, %dma_start3A_337] : memref<5x80xi32, #tpu.memory_space<vmem>> -> memref<1x80xi32, #tpu.memory_space<vmem>>
        %dma_start3A_339 = tpu.memref_squeeze %dma_start3A_338 : memref<1x80xi32, #tpu.memory_space<vmem>> -> memref<80xi32, #tpu.memory_space<vmem>>
        %dma_start3A_340 = tpu.memref_slice %arg3[%add3A_116] : memref<158720xi32, #tpu.memory_space<hbm>> -> memref<80xi32, #tpu.memory_space<hbm>>
        %dma_start3A_341 = arith.constant 0 : i32
        %dma_start3A_342 = tpu.memref_slice %arg8[%run_scoped3A_117, %dma_start3A_341] : memref<5x80xi32, #tpu.memory_space<vmem>> -> memref<1x80xi32, #tpu.memory_space<vmem>>
        %dma_start3A_343 = tpu.memref_squeeze %dma_start3A_342 : memref<1x80xi32, #tpu.memory_space<vmem>> -> memref<80xi32, #tpu.memory_space<vmem>>
        %dma_start3A_344 = tpu.memref_slice %arg3[%add3A_116] : memref<158720xi32, #tpu.memory_space<hbm>> -> memref<80xi32, #tpu.memory_space<hbm>>
        tpu.enqueue_dma source(%dma_start3A_344 : memref<80xi32, #tpu.memory_space<hbm>>) target(%dma_start3A_343 : memref<80xi32, #tpu.memory_space<vmem>>) target_semaphore(%run_scoped3A_336 : memref<!tpu.dma_semaphore, #tpu.memory_space<semaphore_mem>>)
        %dma_wait3A_345 = arith.constant 0 : i32
        %dma_wait3A_346 = tpu.memref_slice %arg8[%run_scoped3A_117, %dma_wait3A_345] : memref<5x80xi32, #tpu.memory_space<vmem>> -> memref<1x80xi32, #tpu.memory_space<vmem>>
        %dma_wait3A_347 = tpu.memref_squeeze %dma_wait3A_346 : memref<1x80xi32, #tpu.memory_space<vmem>> -> memref<80xi32, #tpu.memory_space<vmem>>
        %dma_wait3A_348 = tpu.memref_slice %arg3[%add3A_116] : memref<158720xi32, #tpu.memory_space<hbm>> -> memref<80xi32, #tpu.memory_space<hbm>>
        %dma_wait3A_349 = arith.constant 0 : i32
        %dma_wait3A_350 = tpu.memref_slice %arg8[%run_scoped3A_117, %dma_wait3A_349] : memref<5x80xi32, #tpu.memory_space<vmem>> -> memref<1x80xi32, #tpu.memory_space<vmem>>
        %dma_wait3A_351 = tpu.memref_squeeze %dma_wait3A_350 : memref<1x80xi32, #tpu.memory_space<vmem>> -> memref<80xi32, #tpu.memory_space<vmem>>
        %dma_wait3A_352 = tpu.memref_slice %arg3[%add3A_116] : memref<158720xi32, #tpu.memory_space<hbm>> -> memref<80xi32, #tpu.memory_space<hbm>>
        tpu.wait_dma2 semaphore(%run_scoped3A_336 : memref<!tpu.dma_semaphore, #tpu.memory_space<semaphore_mem>>) src(%dma_wait3A_352 : memref<80xi32, #tpu.memory_space<hbm>>) dst(%dma_wait3A_351 : memref<80xi32, #tpu.memory_space<vmem>>)
        tpu.yield
      }) : () -> ()
      %add3A_118 = arith.constant 160 : i32
      %add3A_119 = arith.addi %add3A_105, %add3A_118 : i32
      %run_scoped3A_120 = arith.constant 2 : i32
      "tpu.region"() ({
        %run_scoped3A_336 = tpu.sem_alloc : memref<!tpu.dma_semaphore, #tpu.memory_space<semaphore_mem>>
        %dma_start3A_337 = arith.constant 0 : i32
        %dma_start3A_338 = tpu.memref_slice %arg7[%run_scoped3A_120, %dma_start3A_337] : memref<5x80xi32, #tpu.memory_space<vmem>> -> memref<1x80xi32, #tpu.memory_space<vmem>>
        %dma_start3A_339 = tpu.memref_squeeze %dma_start3A_338 : memref<1x80xi32, #tpu.memory_space<vmem>> -> memref<80xi32, #tpu.memory_space<vmem>>
        %dma_start3A_340 = tpu.memref_slice %arg2[%add3A_119] : memref<158720xi32, #tpu.memory_space<hbm>> -> memref<80xi32, #tpu.memory_space<hbm>>
        %dma_start3A_341 = arith.constant 0 : i32
        %dma_start3A_342 = tpu.memref_slice %arg7[%run_scoped3A_120, %dma_start3A_341] : memref<5x80xi32, #tpu.memory_space<vmem>> -> memref<1x80xi32, #tpu.memory_space<vmem>>
        %dma_start3A_343 = tpu.memref_squeeze %dma_start3A_342 : memref<1x80xi32, #tpu.memory_space<vmem>> -> memref<80xi32, #tpu.memory_space<vmem>>
        %dma_start3A_344 = tpu.memref_slice %arg2[%add3A_119] : memref<158720xi32, #tpu.memory_space<hbm>> -> memref<80xi32, #tpu.memory_space<hbm>>
        tpu.enqueue_dma source(%dma_start3A_344 : memref<80xi32, #tpu.memory_space<hbm>>) target(%dma_start3A_343 : memref<80xi32, #tpu.memory_space<vmem>>) target_semaphore(%run_scoped3A_336 : memref<!tpu.dma_semaphore, #tpu.memory_space<semaphore_mem>>)
        %dma_wait3A_345 = arith.constant 0 : i32
        %dma_wait3A_346 = tpu.memref_slice %arg7[%run_scoped3A_120, %dma_wait3A_345] : memref<5x80xi32, #tpu.memory_space<vmem>> -> memref<1x80xi32, #tpu.memory_space<vmem>>
        %dma_wait3A_347 = tpu.memref_squeeze %dma_wait3A_346 : memref<1x80xi32, #tpu.memory_space<vmem>> -> memref<80xi32, #tpu.memory_space<vmem>>
        %dma_wait3A_348 = tpu.memref_slice %arg2[%add3A_119] : memref<158720xi32, #tpu.memory_space<hbm>> -> memref<80xi32, #tpu.memory_space<hbm>>
        %dma_wait3A_349 = arith.constant 0 : i32
        %dma_wait3A_350 = tpu.memref_slice %arg7[%run_scoped3A_120, %dma_wait3A_349] : memref<5x80xi32, #tpu.memory_space<vmem>> -> memref<1x80xi32, #tpu.memory_space<vmem>>
        %dma_wait3A_351 = tpu.memref_squeeze %dma_wait3A_350 : memref<1x80xi32, #tpu.memory_space<vmem>> -> memref<80xi32, #tpu.memory_space<vmem>>
        %dma_wait3A_352 = tpu.memref_slice %arg2[%add3A_119] : memref<158720xi32, #tpu.memory_space<hbm>> -> memref<80xi32, #tpu.memory_space<hbm>>
        tpu.wait_dma2 semaphore(%run_scoped3A_336 : memref<!tpu.dma_semaphore, #tpu.memory_space<semaphore_mem>>) src(%dma_wait3A_352 : memref<80xi32, #tpu.memory_space<hbm>>) dst(%dma_wait3A_351 : memref<80xi32, #tpu.memory_space<vmem>>)
        tpu.yield
      }) : () -> ()
      %add3A_121 = arith.constant 160 : i32
      %add3A_122 = arith.addi %add3A_105, %add3A_121 : i32
      %run_scoped3A_123 = arith.constant 2 : i32
      "tpu.region"() ({
        %run_scoped3A_336 = tpu.sem_alloc : memref<!tpu.dma_semaphore, #tpu.memory_space<semaphore_mem>>
        %dma_start3A_337 = arith.constant 0 : i32
        %dma_start3A_338 = tpu.memref_slice %arg8[%run_scoped3A_123, %dma_start3A_337] : memref<5x80xi32, #tpu.memory_space<vmem>> -> memref<1x80xi32, #tpu.memory_space<vmem>>
        %dma_start3A_339 = tpu.memref_squeeze %dma_start3A_338 : memref<1x80xi32, #tpu.memory_space<vmem>> -> memref<80xi32, #tpu.memory_space<vmem>>
        %dma_start3A_340 = tpu.memref_slice %arg3[%add3A_122] : memref<158720xi32, #tpu.memory_space<hbm>> -> memref<80xi32, #tpu.memory_space<hbm>>
        %dma_start3A_341 = arith.constant 0 : i32
        %dma_start3A_342 = tpu.memref_slice %arg8[%run_scoped3A_123, %dma_start3A_341] : memref<5x80xi32, #tpu.memory_space<vmem>> -> memref<1x80xi32, #tpu.memory_space<vmem>>
        %dma_start3A_343 = tpu.memref_squeeze %dma_start3A_342 : memref<1x80xi32, #tpu.memory_space<vmem>> -> memref<80xi32, #tpu.memory_space<vmem>>
        %dma_start3A_344 = tpu.memref_slice %arg3[%add3A_122] : memref<158720xi32, #tpu.memory_space<hbm>> -> memref<80xi32, #tpu.memory_space<hbm>>
        tpu.enqueue_dma source(%dma_start3A_344 : memref<80xi32, #tpu.memory_space<hbm>>) target(%dma_start3A_343 : memref<80xi32, #tpu.memory_space<vmem>>) target_semaphore(%run_scoped3A_336 : memref<!tpu.dma_semaphore, #tpu.memory_space<semaphore_mem>>)
        %dma_wait3A_345 = arith.constant 0 : i32
        %dma_wait3A_346 = tpu.memref_slice %arg8[%run_scoped3A_123, %dma_wait3A_345] : memref<5x80xi32, #tpu.memory_space<vmem>> -> memref<1x80xi32, #tpu.memory_space<vmem>>
        %dma_wait3A_347 = tpu.memref_squeeze %dma_wait3A_346 : memref<1x80xi32, #tpu.memory_space<vmem>> -> memref<80xi32, #tpu.memory_space<vmem>>
        %dma_wait3A_348 = tpu.memref_slice %arg3[%add3A_122] : memref<158720xi32, #tpu.memory_space<hbm>> -> memref<80xi32, #tpu.memory_space<hbm>>
        %dma_wait3A_349 = arith.constant 0 : i32
        %dma_wait3A_350 = tpu.memref_slice %arg8[%run_scoped3A_123, %dma_wait3A_349] : memref<5x80xi32, #tpu.memory_space<vmem>> -> memref<1x80xi32, #tpu.memory_space<vmem>>
        %dma_wait3A_351 = tpu.memref_squeeze %dma_wait3A_350 : memref<1x80xi32, #tpu.memory_space<vmem>> -> memref<80xi32, #tpu.memory_space<vmem>>
        %dma_wait3A_352 = tpu.memref_slice %arg3[%add3A_122] : memref<158720xi32, #tpu.memory_space<hbm>> -> memref<80xi32, #tpu.memory_space<hbm>>
        tpu.wait_dma2 semaphore(%run_scoped3A_336 : memref<!tpu.dma_semaphore, #tpu.memory_space<semaphore_mem>>) src(%dma_wait3A_352 : memref<80xi32, #tpu.memory_space<hbm>>) dst(%dma_wait3A_351 : memref<80xi32, #tpu.memory_space<vmem>>)
        tpu.yield
      }) : () -> ()
      %add3A_124 = arith.constant 240 : i32
      %add3A_125 = arith.addi %add3A_105, %add3A_124 : i32
      %run_scoped3A_126 = arith.constant 3 : i32
      "tpu.region"() ({
        %run_scoped3A_336 = tpu.sem_alloc : memref<!tpu.dma_semaphore, #tpu.memory_space<semaphore_mem>>
        %dma_start3A_337 = arith.constant 0 : i32
        %dma_start3A_338 = tpu.memref_slice %arg7[%run_scoped3A_126, %dma_start3A_337] : memref<5x80xi32, #tpu.memory_space<vmem>> -> memref<1x80xi32, #tpu.memory_space<vmem>>
        %dma_start3A_339 = tpu.memref_squeeze %dma_start3A_338 : memref<1x80xi32, #tpu.memory_space<vmem>> -> memref<80xi32, #tpu.memory_space<vmem>>
        %dma_start3A_340 = tpu.memref_slice %arg2[%add3A_125] : memref<158720xi32, #tpu.memory_space<hbm>> -> memref<80xi32, #tpu.memory_space<hbm>>
        %dma_start3A_341 = arith.constant 0 : i32
        %dma_start3A_342 = tpu.memref_slice %arg7[%run_scoped3A_126, %dma_start3A_341] : memref<5x80xi32, #tpu.memory_space<vmem>> -> memref<1x80xi32, #tpu.memory_space<vmem>>
        %dma_start3A_343 = tpu.memref_squeeze %dma_start3A_342 : memref<1x80xi32, #tpu.memory_space<vmem>> -> memref<80xi32, #tpu.memory_space<vmem>>
        %dma_start3A_344 = tpu.memref_slice %arg2[%add3A_125] : memref<158720xi32, #tpu.memory_space<hbm>> -> memref<80xi32, #tpu.memory_space<hbm>>
        tpu.enqueue_dma source(%dma_start3A_344 : memref<80xi32, #tpu.memory_space<hbm>>) target(%dma_start3A_343 : memref<80xi32, #tpu.memory_space<vmem>>) target_semaphore(%run_scoped3A_336 : memref<!tpu.dma_semaphore, #tpu.memory_space<semaphore_mem>>)
        %dma_wait3A_345 = arith.constant 0 : i32
        %dma_wait3A_346 = tpu.memref_slice %arg7[%run_scoped3A_126, %dma_wait3A_345] : memref<5x80xi32, #tpu.memory_space<vmem>> -> memref<1x80xi32, #tpu.memory_space<vmem>>
        %dma_wait3A_347 = tpu.memref_squeeze %dma_wait3A_346 : memref<1x80xi32, #tpu.memory_space<vmem>> -> memref<80xi32, #tpu.memory_space<vmem>>
        %dma_wait3A_348 = tpu.memref_slice %arg2[%add3A_125] : memref<158720xi32, #tpu.memory_space<hbm>> -> memref<80xi32, #tpu.memory_space<hbm>>
        %dma_wait3A_349 = arith.constant 0 : i32
        %dma_wait3A_350 = tpu.memref_slice %arg7[%run_scoped3A_126, %dma_wait3A_349] : memref<5x80xi32, #tpu.memory_space<vmem>> -> memref<1x80xi32, #tpu.memory_space<vmem>>
        %dma_wait3A_351 = tpu.memref_squeeze %dma_wait3A_350 : memref<1x80xi32, #tpu.memory_space<vmem>> -> memref<80xi32, #tpu.memory_space<vmem>>
        %dma_wait3A_352 = tpu.memref_slice %arg2[%add3A_125] : memref<158720xi32, #tpu.memory_space<hbm>> -> memref<80xi32, #tpu.memory_space<hbm>>
        tpu.wait_dma2 semaphore(%run_scoped3A_336 : memref<!tpu.dma_semaphore, #tpu.memory_space<semaphore_mem>>) src(%dma_wait3A_352 : memref<80xi32, #tpu.memory_space<hbm>>) dst(%dma_wait3A_351 : memref<80xi32, #tpu.memory_space<vmem>>)
        tpu.yield
      }) : () -> ()
      %add3A_127 = arith.constant 240 : i32
      %add3A_128 = arith.addi %add3A_105, %add3A_127 : i32
      %run_scoped3A_129 = arith.constant 3 : i32
      "tpu.region"() ({
        %run_scoped3A_336 = tpu.sem_alloc : memref<!tpu.dma_semaphore, #tpu.memory_space<semaphore_mem>>
        %dma_start3A_337 = arith.constant 0 : i32
        %dma_start3A_338 = tpu.memref_slice %arg8[%run_scoped3A_129, %dma_start3A_337] : memref<5x80xi32, #tpu.memory_space<vmem>> -> memref<1x80xi32, #tpu.memory_space<vmem>>
        %dma_start3A_339 = tpu.memref_squeeze %dma_start3A_338 : memref<1x80xi32, #tpu.memory_space<vmem>> -> memref<80xi32, #tpu.memory_space<vmem>>
        %dma_start3A_340 = tpu.memref_slice %arg3[%add3A_128] : memref<158720xi32, #tpu.memory_space<hbm>> -> memref<80xi32, #tpu.memory_space<hbm>>
        %dma_start3A_341 = arith.constant 0 : i32
        %dma_start3A_342 = tpu.memref_slice %arg8[%run_scoped3A_129, %dma_start3A_341] : memref<5x80xi32, #tpu.memory_space<vmem>> -> memref<1x80xi32, #tpu.memory_space<vmem>>
        %dma_start3A_343 = tpu.memref_squeeze %dma_start3A_342 : memref<1x80xi32, #tpu.memory_space<vmem>> -> memref<80xi32, #tpu.memory_space<vmem>>
        %dma_start3A_344 = tpu.memref_slice %arg3[%add3A_128] : memref<158720xi32, #tpu.memory_space<hbm>> -> memref<80xi32, #tpu.memory_space<hbm>>
        tpu.enqueue_dma source(%dma_start3A_344 : memref<80xi32, #tpu.memory_space<hbm>>) target(%dma_start3A_343 : memref<80xi32, #tpu.memory_space<vmem>>) target_semaphore(%run_scoped3A_336 : memref<!tpu.dma_semaphore, #tpu.memory_space<semaphore_mem>>)
        %dma_wait3A_345 = arith.constant 0 : i32
        %dma_wait3A_346 = tpu.memref_slice %arg8[%run_scoped3A_129, %dma_wait3A_345] : memref<5x80xi32, #tpu.memory_space<vmem>> -> memref<1x80xi32, #tpu.memory_space<vmem>>
        %dma_wait3A_347 = tpu.memref_squeeze %dma_wait3A_346 : memref<1x80xi32, #tpu.memory_space<vmem>> -> memref<80xi32, #tpu.memory_space<vmem>>
        %dma_wait3A_348 = tpu.memref_slice %arg3[%add3A_128] : memref<158720xi32, #tpu.memory_space<hbm>> -> memref<80xi32, #tpu.memory_space<hbm>>
        %dma_wait3A_349 = arith.constant 0 : i32
        %dma_wait3A_350 = tpu.memref_slice %arg8[%run_scoped3A_129, %dma_wait3A_349] : memref<5x80xi32, #tpu.memory_space<vmem>> -> memref<1x80xi32, #tpu.memory_space<vmem>>
        %dma_wait3A_351 = tpu.memref_squeeze %dma_wait3A_350 : memref<1x80xi32, #tpu.memory_space<vmem>> -> memref<80xi32, #tpu.memory_space<vmem>>
        %dma_wait3A_352 = tpu.memref_slice %arg3[%add3A_128] : memref<158720xi32, #tpu.memory_space<hbm>> -> memref<80xi32, #tpu.memory_space<hbm>>
        tpu.wait_dma2 semaphore(%run_scoped3A_336 : memref<!tpu.dma_semaphore, #tpu.memory_space<semaphore_mem>>) src(%dma_wait3A_352 : memref<80xi32, #tpu.memory_space<hbm>>) dst(%dma_wait3A_351 : memref<80xi32, #tpu.memory_space<vmem>>)
        tpu.yield
      }) : () -> ()
      %add3A_130 = arith.constant 320 : i32
      %add3A_131 = arith.addi %add3A_105, %add3A_130 : i32
      %run_scoped3A_132 = arith.constant 4 : i32
      "tpu.region"() ({
        %run_scoped3A_336 = tpu.sem_alloc : memref<!tpu.dma_semaphore, #tpu.memory_space<semaphore_mem>>
        %dma_start3A_337 = arith.constant 0 : i32
        %dma_start3A_338 = tpu.memref_slice %arg7[%run_scoped3A_132, %dma_start3A_337] : memref<5x80xi32, #tpu.memory_space<vmem>> -> memref<1x80xi32, #tpu.memory_space<vmem>>
        %dma_start3A_339 = tpu.memref_squeeze %dma_start3A_338 : memref<1x80xi32, #tpu.memory_space<vmem>> -> memref<80xi32, #tpu.memory_space<vmem>>
        %dma_start3A_340 = tpu.memref_slice %arg2[%add3A_131] : memref<158720xi32, #tpu.memory_space<hbm>> -> memref<80xi32, #tpu.memory_space<hbm>>
        %dma_start3A_341 = arith.constant 0 : i32
        %dma_start3A_342 = tpu.memref_slice %arg7[%run_scoped3A_132, %dma_start3A_341] : memref<5x80xi32, #tpu.memory_space<vmem>> -> memref<1x80xi32, #tpu.memory_space<vmem>>
        %dma_start3A_343 = tpu.memref_squeeze %dma_start3A_342 : memref<1x80xi32, #tpu.memory_space<vmem>> -> memref<80xi32, #tpu.memory_space<vmem>>
        %dma_start3A_344 = tpu.memref_slice %arg2[%add3A_131] : memref<158720xi32, #tpu.memory_space<hbm>> -> memref<80xi32, #tpu.memory_space<hbm>>
        tpu.enqueue_dma source(%dma_start3A_344 : memref<80xi32, #tpu.memory_space<hbm>>) target(%dma_start3A_343 : memref<80xi32, #tpu.memory_space<vmem>>) target_semaphore(%run_scoped3A_336 : memref<!tpu.dma_semaphore, #tpu.memory_space<semaphore_mem>>)
        %dma_wait3A_345 = arith.constant 0 : i32
        %dma_wait3A_346 = tpu.memref_slice %arg7[%run_scoped3A_132, %dma_wait3A_345] : memref<5x80xi32, #tpu.memory_space<vmem>> -> memref<1x80xi32, #tpu.memory_space<vmem>>
        %dma_wait3A_347 = tpu.memref_squeeze %dma_wait3A_346 : memref<1x80xi32, #tpu.memory_space<vmem>> -> memref<80xi32, #tpu.memory_space<vmem>>
        %dma_wait3A_348 = tpu.memref_slice %arg2[%add3A_131] : memref<158720xi32, #tpu.memory_space<hbm>> -> memref<80xi32, #tpu.memory_space<hbm>>
        %dma_wait3A_349 = arith.constant 0 : i32
        %dma_wait3A_350 = tpu.memref_slice %arg7[%run_scoped3A_132, %dma_wait3A_349] : memref<5x80xi32, #tpu.memory_space<vmem>> -> memref<1x80xi32, #tpu.memory_space<vmem>>
        %dma_wait3A_351 = tpu.memref_squeeze %dma_wait3A_350 : memref<1x80xi32, #tpu.memory_space<vmem>> -> memref<80xi32, #tpu.memory_space<vmem>>
        %dma_wait3A_352 = tpu.memref_slice %arg2[%add3A_131] : memref<158720xi32, #tpu.memory_space<hbm>> -> memref<80xi32, #tpu.memory_space<hbm>>
        tpu.wait_dma2 semaphore(%run_scoped3A_336 : memref<!tpu.dma_semaphore, #tpu.memory_space<semaphore_mem>>) src(%dma_wait3A_352 : memref<80xi32, #tpu.memory_space<hbm>>) dst(%dma_wait3A_351 : memref<80xi32, #tpu.memory_space<vmem>>)
        tpu.yield
      }) : () -> ()
      %add3A_133 = arith.constant 320 : i32
      %add3A_134 = arith.addi %add3A_105, %add3A_133 : i32
      %run_scoped3A_135 = arith.constant 4 : i32
      "tpu.region"() ({
        %run_scoped3A_336 = tpu.sem_alloc : memref<!tpu.dma_semaphore, #tpu.memory_space<semaphore_mem>>
        %dma_start3A_337 = arith.constant 0 : i32
        %dma_start3A_338 = tpu.memref_slice %arg8[%run_scoped3A_135, %dma_start3A_337] : memref<5x80xi32, #tpu.memory_space<vmem>> -> memref<1x80xi32, #tpu.memory_space<vmem>>
        %dma_start3A_339 = tpu.memref_squeeze %dma_start3A_338 : memref<1x80xi32, #tpu.memory_space<vmem>> -> memref<80xi32, #tpu.memory_space<vmem>>
        %dma_start3A_340 = tpu.memref_slice %arg3[%add3A_134] : memref<158720xi32, #tpu.memory_space<hbm>> -> memref<80xi32, #tpu.memory_space<hbm>>
        %dma_start3A_341 = arith.constant 0 : i32
        %dma_start3A_342 = tpu.memref_slice %arg8[%run_scoped3A_135, %dma_start3A_341] : memref<5x80xi32, #tpu.memory_space<vmem>> -> memref<1x80xi32, #tpu.memory_space<vmem>>
        %dma_start3A_343 = tpu.memref_squeeze %dma_start3A_342 : memref<1x80xi32, #tpu.memory_space<vmem>> -> memref<80xi32, #tpu.memory_space<vmem>>
        %dma_start3A_344 = tpu.memref_slice %arg3[%add3A_134] : memref<158720xi32, #tpu.memory_space<hbm>> -> memref<80xi32, #tpu.memory_space<hbm>>
        tpu.enqueue_dma source(%dma_start3A_344 : memref<80xi32, #tpu.memory_space<hbm>>) target(%dma_start3A_343 : memref<80xi32, #tpu.memory_space<vmem>>) target_semaphore(%run_scoped3A_336 : memref<!tpu.dma_semaphore, #tpu.memory_space<semaphore_mem>>)
        %dma_wait3A_345 = arith.constant 0 : i32
        %dma_wait3A_346 = tpu.memref_slice %arg8[%run_scoped3A_135, %dma_wait3A_345] : memref<5x80xi32, #tpu.memory_space<vmem>> -> memref<1x80xi32, #tpu.memory_space<vmem>>
        %dma_wait3A_347 = tpu.memref_squeeze %dma_wait3A_346 : memref<1x80xi32, #tpu.memory_space<vmem>> -> memref<80xi32, #tpu.memory_space<vmem>>
        %dma_wait3A_348 = tpu.memref_slice %arg3[%add3A_134] : memref<158720xi32, #tpu.memory_space<hbm>> -> memref<80xi32, #tpu.memory_space<hbm>>
        %dma_wait3A_349 = arith.constant 0 : i32
        %dma_wait3A_350 = tpu.memref_slice %arg8[%run_scoped3A_135, %dma_wait3A_349] : memref<5x80xi32, #tpu.memory_space<vmem>> -> memref<1x80xi32, #tpu.memory_space<vmem>>
        %dma_wait3A_351 = tpu.memref_squeeze %dma_wait3A_350 : memref<1x80xi32, #tpu.memory_space<vmem>> -> memref<80xi32, #tpu.memory_space<vmem>>
        %dma_wait3A_352 = tpu.memref_slice %arg3[%add3A_134] : memref<158720xi32, #tpu.memory_space<hbm>> -> memref<80xi32, #tpu.memory_space<hbm>>
        tpu.wait_dma2 semaphore(%run_scoped3A_336 : memref<!tpu.dma_semaphore, #tpu.memory_space<semaphore_mem>>) src(%dma_wait3A_352 : memref<80xi32, #tpu.memory_space<hbm>>) dst(%dma_wait3A_351 : memref<80xi32, #tpu.memory_space<vmem>>)
        tpu.yield
      }) : () -> ()
      %dma_start3A_136 = arith.constant 0 : i32
      %dma_start3A_137 = arith.constant 0 : i32
      %dma_start3A_138 = arith.constant 0 : i32
      %dma_start3A_139 = tpu.memref_slice %arg9[%dma_start3A_137, %dma_start3A_138] : memref<400x128xf32, #tpu.memory_space<vmem>> -> memref<80x128xf32, #tpu.memory_space<vmem>>
      %dma_start3A_140 = arith.constant 0 : i32
      %dma_start3A_141 = tpu.memref_slice %arg7[%dma_start3A_136, %dma_start3A_140] : memref<5x80xi32, #tpu.memory_space<vmem>> -> memref<1x80xi32, #tpu.memory_space<vmem>>
      %dma_start3A_142 = tpu.memref_squeeze %dma_start3A_141 : memref<1x80xi32, #tpu.memory_space<vmem>> -> memref<80xi32, #tpu.memory_space<vmem>>
      %dma_start3A_143 = arith.constant 0 : i32
      %dma_start3A_144 = arith.constant 0 : i32
      %dma_start3A_145 = tpu.memref_slice %arg4[%dma_start3A_143, %dma_start3A_144] : memref<10000x128xf32, #tpu.memory_space<hbm>> -> memref<10000x128xf32, #tpu.memory_space<hbm>>
      tpu.enqueue_indirect_dma source(%dma_start3A_145 : memref<10000x128xf32, #tpu.memory_space<hbm>>) target(%dma_start3A_139 : memref<80x128xf32, #tpu.memory_space<vmem>>) offsets(%dma_start3A_142 : memref<80xi32, #tpu.memory_space<vmem>>) semaphore(%arg11 : memref<!tpu.dma_semaphore, #tpu.memory_space<semaphore_mem>>)
      %dma_start3A_146 = arith.constant 0 : i32
      %dma_start3A_147 = arith.constant 0 : i32
      %dma_start3A_148 = arith.constant 0 : i32
      %dma_start3A_149 = tpu.memref_slice %arg10[%dma_start3A_147, %dma_start3A_148] : memref<400x128xf32, #tpu.memory_space<vmem>> -> memref<80x128xf32, #tpu.memory_space<vmem>>
      %dma_start3A_150 = arith.constant 0 : i32
      %dma_start3A_151 = tpu.memref_slice %arg8[%dma_start3A_146, %dma_start3A_150] : memref<5x80xi32, #tpu.memory_space<vmem>> -> memref<1x80xi32, #tpu.memory_space<vmem>>
      %dma_start3A_152 = tpu.memref_squeeze %dma_start3A_151 : memref<1x80xi32, #tpu.memory_space<vmem>> -> memref<80xi32, #tpu.memory_space<vmem>>
      %dma_start3A_153 = arith.constant 0 : i32
      %dma_start3A_154 = arith.constant 0 : i32
      %dma_start3A_155 = tpu.memref_slice %arg4[%dma_start3A_153, %dma_start3A_154] : memref<10000x128xf32, #tpu.memory_space<hbm>> -> memref<10000x128xf32, #tpu.memory_space<hbm>>
      tpu.enqueue_indirect_dma source(%dma_start3A_155 : memref<10000x128xf32, #tpu.memory_space<hbm>>) target(%dma_start3A_149 : memref<80x128xf32, #tpu.memory_space<vmem>>) offsets(%dma_start3A_152 : memref<80xi32, #tpu.memory_space<vmem>>) semaphore(%arg12 : memref<!tpu.dma_semaphore, #tpu.memory_space<semaphore_mem>>)
      %dma_start3A_156 = arith.constant 1 : i32
      %dma_start3A_157 = arith.constant 80 : i32
      %dma_start3A_158 = arith.constant 0 : i32
      %dma_start3A_159 = tpu.memref_slice %arg9[%dma_start3A_157, %dma_start3A_158] : memref<400x128xf32, #tpu.memory_space<vmem>> -> memref<80x128xf32, #tpu.memory_space<vmem>>
      %dma_start3A_160 = arith.constant 0 : i32
      %dma_start3A_161 = tpu.memref_slice %arg7[%dma_start3A_156, %dma_start3A_160] : memref<5x80xi32, #tpu.memory_space<vmem>> -> memref<1x80xi32, #tpu.memory_space<vmem>>
      %dma_start3A_162 = tpu.memref_squeeze %dma_start3A_161 : memref<1x80xi32, #tpu.memory_space<vmem>> -> memref<80xi32, #tpu.memory_space<vmem>>
      %dma_start3A_163 = arith.constant 0 : i32
      %dma_start3A_164 = arith.constant 0 : i32
      %dma_start3A_165 = tpu.memref_slice %arg4[%dma_start3A_163, %dma_start3A_164] : memref<10000x128xf32, #tpu.memory_space<hbm>> -> memref<10000x128xf32, #tpu.memory_space<hbm>>
      tpu.enqueue_indirect_dma source(%dma_start3A_165 : memref<10000x128xf32, #tpu.memory_space<hbm>>) target(%dma_start3A_159 : memref<80x128xf32, #tpu.memory_space<vmem>>) offsets(%dma_start3A_162 : memref<80xi32, #tpu.memory_space<vmem>>) semaphore(%arg11 : memref<!tpu.dma_semaphore, #tpu.memory_space<semaphore_mem>>)
      %dma_start3A_166 = arith.constant 1 : i32
      %dma_start3A_167 = arith.constant 80 : i32
      %dma_start3A_168 = arith.constant 0 : i32
      %dma_start3A_169 = tpu.memref_slice %arg10[%dma_start3A_167, %dma_start3A_168] : memref<400x128xf32, #tpu.memory_space<vmem>> -> memref<80x128xf32, #tpu.memory_space<vmem>>
      %dma_start3A_170 = arith.constant 0 : i32
      %dma_start3A_171 = tpu.memref_slice %arg8[%dma_start3A_166, %dma_start3A_170] : memref<5x80xi32, #tpu.memory_space<vmem>> -> memref<1x80xi32, #tpu.memory_space<vmem>>
      %dma_start3A_172 = tpu.memref_squeeze %dma_start3A_171 : memref<1x80xi32, #tpu.memory_space<vmem>> -> memref<80xi32, #tpu.memory_space<vmem>>
      %dma_start3A_173 = arith.constant 0 : i32
      %dma_start3A_174 = arith.constant 0 : i32
      %dma_start3A_175 = tpu.memref_slice %arg4[%dma_start3A_173, %dma_start3A_174] : memref<10000x128xf32, #tpu.memory_space<hbm>> -> memref<10000x128xf32, #tpu.memory_space<hbm>>
      tpu.enqueue_indirect_dma source(%dma_start3A_175 : memref<10000x128xf32, #tpu.memory_space<hbm>>) target(%dma_start3A_169 : memref<80x128xf32, #tpu.memory_space<vmem>>) offsets(%dma_start3A_172 : memref<80xi32, #tpu.memory_space<vmem>>) semaphore(%arg12 : memref<!tpu.dma_semaphore, #tpu.memory_space<semaphore_mem>>)
      %dma_start3A_176 = arith.constant 2 : i32
      %dma_start3A_177 = arith.constant 160 : i32
      %dma_start3A_178 = arith.constant 0 : i32
      %dma_start3A_179 = tpu.memref_slice %arg9[%dma_start3A_177, %dma_start3A_178] : memref<400x128xf32, #tpu.memory_space<vmem>> -> memref<80x128xf32, #tpu.memory_space<vmem>>
      %dma_start3A_180 = arith.constant 0 : i32
      %dma_start3A_181 = tpu.memref_slice %arg7[%dma_start3A_176, %dma_start3A_180] : memref<5x80xi32, #tpu.memory_space<vmem>> -> memref<1x80xi32, #tpu.memory_space<vmem>>
      %dma_start3A_182 = tpu.memref_squeeze %dma_start3A_181 : memref<1x80xi32, #tpu.memory_space<vmem>> -> memref<80xi32, #tpu.memory_space<vmem>>
      %dma_start3A_183 = arith.constant 0 : i32
      %dma_start3A_184 = arith.constant 0 : i32
      %dma_start3A_185 = tpu.memref_slice %arg4[%dma_start3A_183, %dma_start3A_184] : memref<10000x128xf32, #tpu.memory_space<hbm>> -> memref<10000x128xf32, #tpu.memory_space<hbm>>
      tpu.enqueue_indirect_dma source(%dma_start3A_185 : memref<10000x128xf32, #tpu.memory_space<hbm>>) target(%dma_start3A_179 : memref<80x128xf32, #tpu.memory_space<vmem>>) offsets(%dma_start3A_182 : memref<80xi32, #tpu.memory_space<vmem>>) semaphore(%arg11 : memref<!tpu.dma_semaphore, #tpu.memory_space<semaphore_mem>>)
      %dma_start3A_186 = arith.constant 2 : i32
      %dma_start3A_187 = arith.constant 160 : i32
      %dma_start3A_188 = arith.constant 0 : i32
      %dma_start3A_189 = tpu.memref_slice %arg10[%dma_start3A_187, %dma_start3A_188] : memref<400x128xf32, #tpu.memory_space<vmem>> -> memref<80x128xf32, #tpu.memory_space<vmem>>
      %dma_start3A_190 = arith.constant 0 : i32
      %dma_start3A_191 = tpu.memref_slice %arg8[%dma_start3A_186, %dma_start3A_190] : memref<5x80xi32, #tpu.memory_space<vmem>> -> memref<1x80xi32, #tpu.memory_space<vmem>>
      %dma_start3A_192 = tpu.memref_squeeze %dma_start3A_191 : memref<1x80xi32, #tpu.memory_space<vmem>> -> memref<80xi32, #tpu.memory_space<vmem>>
      %dma_start3A_193 = arith.constant 0 : i32
      %dma_start3A_194 = arith.constant 0 : i32
      %dma_start3A_195 = tpu.memref_slice %arg4[%dma_start3A_193, %dma_start3A_194] : memref<10000x128xf32, #tpu.memory_space<hbm>> -> memref<10000x128xf32, #tpu.memory_space<hbm>>
      tpu.enqueue_indirect_dma source(%dma_start3A_195 : memref<10000x128xf32, #tpu.memory_space<hbm>>) target(%dma_start3A_189 : memref<80x128xf32, #tpu.memory_space<vmem>>) offsets(%dma_start3A_192 : memref<80xi32, #tpu.memory_space<vmem>>) semaphore(%arg12 : memref<!tpu.dma_semaphore, #tpu.memory_space<semaphore_mem>>)
      %dma_start3A_196 = arith.constant 3 : i32
      %dma_start3A_197 = arith.constant 240 : i32
      %dma_start3A_198 = arith.constant 0 : i32
      %dma_start3A_199 = tpu.memref_slice %arg9[%dma_start3A_197, %dma_start3A_198] : memref<400x128xf32, #tpu.memory_space<vmem>> -> memref<80x128xf32, #tpu.memory_space<vmem>>
      %dma_start3A_200 = arith.constant 0 : i32
      %dma_start3A_201 = tpu.memref_slice %arg7[%dma_start3A_196, %dma_start3A_200] : memref<5x80xi32, #tpu.memory_space<vmem>> -> memref<1x80xi32, #tpu.memory_space<vmem>>
      %dma_start3A_202 = tpu.memref_squeeze %dma_start3A_201 : memref<1x80xi32, #tpu.memory_space<vmem>> -> memref<80xi32, #tpu.memory_space<vmem>>
      %dma_start3A_203 = arith.constant 0 : i32
      %dma_start3A_204 = arith.constant 0 : i32
      %dma_start3A_205 = tpu.memref_slice %arg4[%dma_start3A_203, %dma_start3A_204] : memref<10000x128xf32, #tpu.memory_space<hbm>> -> memref<10000x128xf32, #tpu.memory_space<hbm>>
      tpu.enqueue_indirect_dma source(%dma_start3A_205 : memref<10000x128xf32, #tpu.memory_space<hbm>>) target(%dma_start3A_199 : memref<80x128xf32, #tpu.memory_space<vmem>>) offsets(%dma_start3A_202 : memref<80xi32, #tpu.memory_space<vmem>>) semaphore(%arg11 : memref<!tpu.dma_semaphore, #tpu.memory_space<semaphore_mem>>)
      %dma_start3A_206 = arith.constant 3 : i32
      %dma_start3A_207 = arith.constant 240 : i32
      %dma_start3A_208 = arith.constant 0 : i32
      %dma_start3A_209 = tpu.memref_slice %arg10[%dma_start3A_207, %dma_start3A_208] : memref<400x128xf32, #tpu.memory_space<vmem>> -> memref<80x128xf32, #tpu.memory_space<vmem>>
      %dma_start3A_210 = arith.constant 0 : i32
      %dma_start3A_211 = tpu.memref_slice %arg8[%dma_start3A_206, %dma_start3A_210] : memref<5x80xi32, #tpu.memory_space<vmem>> -> memref<1x80xi32, #tpu.memory_space<vmem>>
      %dma_start3A_212 = tpu.memref_squeeze %dma_start3A_211 : memref<1x80xi32, #tpu.memory_space<vmem>> -> memref<80xi32, #tpu.memory_space<vmem>>
      %dma_start3A_213 = arith.constant 0 : i32
      %dma_start3A_214 = arith.constant 0 : i32
      %dma_start3A_215 = tpu.memref_slice %arg4[%dma_start3A_213, %dma_start3A_214] : memref<10000x128xf32, #tpu.memory_space<hbm>> -> memref<10000x128xf32, #tpu.memory_space<hbm>>
      tpu.enqueue_indirect_dma source(%dma_start3A_215 : memref<10000x128xf32, #tpu.memory_space<hbm>>) target(%dma_start3A_209 : memref<80x128xf32, #tpu.memory_space<vmem>>) offsets(%dma_start3A_212 : memref<80xi32, #tpu.memory_space<vmem>>) semaphore(%arg12 : memref<!tpu.dma_semaphore, #tpu.memory_space<semaphore_mem>>)
      %dma_start3A_216 = arith.constant 4 : i32
      %dma_start3A_217 = arith.constant 320 : i32
      %dma_start3A_218 = arith.constant 0 : i32
      %dma_start3A_219 = tpu.memref_slice %arg9[%dma_start3A_217, %dma_start3A_218] : memref<400x128xf32, #tpu.memory_space<vmem>> -> memref<80x128xf32, #tpu.memory_space<vmem>>
      %dma_start3A_220 = arith.constant 0 : i32
      %dma_start3A_221 = tpu.memref_slice %arg7[%dma_start3A_216, %dma_start3A_220] : memref<5x80xi32, #tpu.memory_space<vmem>> -> memref<1x80xi32, #tpu.memory_space<vmem>>
      %dma_start3A_222 = tpu.memref_squeeze %dma_start3A_221 : memref<1x80xi32, #tpu.memory_space<vmem>> -> memref<80xi32, #tpu.memory_space<vmem>>
      %dma_start3A_223 = arith.constant 0 : i32
      %dma_start3A_224 = arith.constant 0 : i32
      %dma_start3A_225 = tpu.memref_slice %arg4[%dma_start3A_223, %dma_start3A_224] : memref<10000x128xf32, #tpu.memory_space<hbm>> -> memref<10000x128xf32, #tpu.memory_space<hbm>>
      tpu.enqueue_indirect_dma source(%dma_start3A_225 : memref<10000x128xf32, #tpu.memory_space<hbm>>) target(%dma_start3A_219 : memref<80x128xf32, #tpu.memory_space<vmem>>) offsets(%dma_start3A_222 : memref<80xi32, #tpu.memory_space<vmem>>) semaphore(%arg11 : memref<!tpu.dma_semaphore, #tpu.memory_space<semaphore_mem>>)
      %dma_start3A_226 = arith.constant 4 : i32
      %dma_start3A_227 = arith.constant 320 : i32
      %dma_start3A_228 = arith.constant 0 : i32
      %dma_start3A_229 = tpu.memref_slice %arg10[%dma_start3A_227, %dma_start3A_228] : memref<400x128xf32, #tpu.memory_space<vmem>> -> memref<80x128xf32, #tpu.memory_space<vmem>>
      %dma_start3A_230 = arith.constant 0 : i32
      %dma_start3A_231 = tpu.memref_slice %arg8[%dma_start3A_226, %dma_start3A_230] : memref<5x80xi32, #tpu.memory_space<vmem>> -> memref<1x80xi32, #tpu.memory_space<vmem>>
      %dma_start3A_232 = tpu.memref_squeeze %dma_start3A_231 : memref<1x80xi32, #tpu.memory_space<vmem>> -> memref<80xi32, #tpu.memory_space<vmem>>
      %dma_start3A_233 = arith.constant 0 : i32
      %dma_start3A_234 = arith.constant 0 : i32
      %dma_start3A_235 = tpu.memref_slice %arg4[%dma_start3A_233, %dma_start3A_234] : memref<10000x128xf32, #tpu.memory_space<hbm>> -> memref<10000x128xf32, #tpu.memory_space<hbm>>
      tpu.enqueue_indirect_dma source(%dma_start3A_235 : memref<10000x128xf32, #tpu.memory_space<hbm>>) target(%dma_start3A_229 : memref<80x128xf32, #tpu.memory_space<vmem>>) offsets(%dma_start3A_232 : memref<80xi32, #tpu.memory_space<vmem>>) semaphore(%arg12 : memref<!tpu.dma_semaphore, #tpu.memory_space<semaphore_mem>>)
      %dma_wait3A_236 = arith.constant 0 : i32
      %dma_wait3A_237 = arith.constant 0 : i32
      %dma_wait3A_238 = arith.constant 0 : i32
      %dma_wait3A_239 = tpu.memref_slice %arg9[%dma_wait3A_237, %dma_wait3A_238] : memref<400x128xf32, #tpu.memory_space<vmem>> -> memref<80x128xf32, #tpu.memory_space<vmem>>
      %dma_wait3A_240 = arith.constant 0 : i32
      %dma_wait3A_241 = tpu.memref_slice %arg7[%dma_wait3A_236, %dma_wait3A_240] : memref<5x80xi32, #tpu.memory_space<vmem>> -> memref<1x80xi32, #tpu.memory_space<vmem>>
      %dma_wait3A_242 = tpu.memref_squeeze %dma_wait3A_241 : memref<1x80xi32, #tpu.memory_space<vmem>> -> memref<80xi32, #tpu.memory_space<vmem>>
      %dma_wait3A_243 = arith.constant 0 : i32
      %dma_wait3A_244 = arith.constant 0 : i32
      %dma_wait3A_245 = tpu.memref_slice %arg4[%dma_wait3A_243, %dma_wait3A_244] : memref<10000x128xf32, #tpu.memory_space<hbm>> -> memref<10000x128xf32, #tpu.memory_space<hbm>>
      tpu.wait_indirect_dma semaphore(%arg11 : memref<!tpu.dma_semaphore, #tpu.memory_space<semaphore_mem>>) src(%dma_wait3A_245 : memref<10000x128xf32, #tpu.memory_space<hbm>>) dst(%dma_wait3A_239 : memref<80x128xf32, #tpu.memory_space<vmem>>)
      %dma_wait3A_246 = arith.constant 0 : i32
      %dma_wait3A_247 = arith.constant 0 : i32
      %dma_wait3A_248 = arith.constant 0 : i32
      %dma_wait3A_249 = tpu.memref_slice %arg10[%dma_wait3A_247, %dma_wait3A_248] : memref<400x128xf32, #tpu.memory_space<vmem>> -> memref<80x128xf32, #tpu.memory_space<vmem>>
      %dma_wait3A_250 = arith.constant 0 : i32
      %dma_wait3A_251 = tpu.memref_slice %arg8[%dma_wait3A_246, %dma_wait3A_250] : memref<5x80xi32, #tpu.memory_space<vmem>> -> memref<1x80xi32, #tpu.memory_space<vmem>>
      %dma_wait3A_252 = tpu.memref_squeeze %dma_wait3A_251 : memref<1x80xi32, #tpu.memory_space<vmem>> -> memref<80xi32, #tpu.memory_space<vmem>>
      %dma_wait3A_253 = arith.constant 0 : i32
      %dma_wait3A_254 = arith.constant 0 : i32
      %dma_wait3A_255 = tpu.memref_slice %arg4[%dma_wait3A_253, %dma_wait3A_254] : memref<10000x128xf32, #tpu.memory_space<hbm>> -> memref<10000x128xf32, #tpu.memory_space<hbm>>
      tpu.wait_indirect_dma semaphore(%arg12 : memref<!tpu.dma_semaphore, #tpu.memory_space<semaphore_mem>>) src(%dma_wait3A_255 : memref<10000x128xf32, #tpu.memory_space<hbm>>) dst(%dma_wait3A_249 : memref<80x128xf32, #tpu.memory_space<vmem>>)
      %dma_wait3A_256 = arith.constant 1 : i32
      %dma_wait3A_257 = arith.constant 80 : i32
      %dma_wait3A_258 = arith.constant 0 : i32
      %dma_wait3A_259 = tpu.memref_slice %arg9[%dma_wait3A_257, %dma_wait3A_258] : memref<400x128xf32, #tpu.memory_space<vmem>> -> memref<80x128xf32, #tpu.memory_space<vmem>>
      %dma_wait3A_260 = arith.constant 0 : i32
      %dma_wait3A_261 = tpu.memref_slice %arg7[%dma_wait3A_256, %dma_wait3A_260] : memref<5x80xi32, #tpu.memory_space<vmem>> -> memref<1x80xi32, #tpu.memory_space<vmem>>
      %dma_wait3A_262 = tpu.memref_squeeze %dma_wait3A_261 : memref<1x80xi32, #tpu.memory_space<vmem>> -> memref<80xi32, #tpu.memory_space<vmem>>
      %dma_wait3A_263 = arith.constant 0 : i32
      %dma_wait3A_264 = arith.constant 0 : i32
      %dma_wait3A_265 = tpu.memref_slice %arg4[%dma_wait3A_263, %dma_wait3A_264] : memref<10000x128xf32, #tpu.memory_space<hbm>> -> memref<10000x128xf32, #tpu.memory_space<hbm>>
      tpu.wait_indirect_dma semaphore(%arg11 : memref<!tpu.dma_semaphore, #tpu.memory_space<semaphore_mem>>) src(%dma_wait3A_265 : memref<10000x128xf32, #tpu.memory_space<hbm>>) dst(%dma_wait3A_259 : memref<80x128xf32, #tpu.memory_space<vmem>>)
      %dma_wait3A_266 = arith.constant 1 : i32
      %dma_wait3A_267 = arith.constant 80 : i32
      %dma_wait3A_268 = arith.constant 0 : i32
      %dma_wait3A_269 = tpu.memref_slice %arg10[%dma_wait3A_267, %dma_wait3A_268] : memref<400x128xf32, #tpu.memory_space<vmem>> -> memref<80x128xf32, #tpu.memory_space<vmem>>
      %dma_wait3A_270 = arith.constant 0 : i32
      %dma_wait3A_271 = tpu.memref_slice %arg8[%dma_wait3A_266, %dma_wait3A_270] : memref<5x80xi32, #tpu.memory_space<vmem>> -> memref<1x80xi32, #tpu.memory_space<vmem>>
      %dma_wait3A_272 = tpu.memref_squeeze %dma_wait3A_271 : memref<1x80xi32, #tpu.memory_space<vmem>> -> memref<80xi32, #tpu.memory_space<vmem>>
      %dma_wait3A_273 = arith.constant 0 : i32
      %dma_wait3A_274 = arith.constant 0 : i32
      %dma_wait3A_275 = tpu.memref_slice %arg4[%dma_wait3A_273, %dma_wait3A_274] : memref<10000x128xf32, #tpu.memory_space<hbm>> -> memref<10000x128xf32, #tpu.memory_space<hbm>>
      tpu.wait_indirect_dma semaphore(%arg12 : memref<!tpu.dma_semaphore, #tpu.memory_space<semaphore_mem>>) src(%dma_wait3A_275 : memref<10000x128xf32, #tpu.memory_space<hbm>>) dst(%dma_wait3A_269 : memref<80x128xf32, #tpu.memory_space<vmem>>)
      %dma_wait3A_276 = arith.constant 2 : i32
      %dma_wait3A_277 = arith.constant 160 : i32
      %dma_wait3A_278 = arith.constant 0 : i32
      %dma_wait3A_279 = tpu.memref_slice %arg9[%dma_wait3A_277, %dma_wait3A_278] : memref<400x128xf32, #tpu.memory_space<vmem>> -> memref<80x128xf32, #tpu.memory_space<vmem>>
      %dma_wait3A_280 = arith.constant 0 : i32
      %dma_wait3A_281 = tpu.memref_slice %arg7[%dma_wait3A_276, %dma_wait3A_280] : memref<5x80xi32, #tpu.memory_space<vmem>> -> memref<1x80xi32, #tpu.memory_space<vmem>>
      %dma_wait3A_282 = tpu.memref_squeeze %dma_wait3A_281 : memref<1x80xi32, #tpu.memory_space<vmem>> -> memref<80xi32, #tpu.memory_space<vmem>>
      %dma_wait3A_283 = arith.constant 0 : i32
      %dma_wait3A_284 = arith.constant 0 : i32
      %dma_wait3A_285 = tpu.memref_slice %arg4[%dma_wait3A_283, %dma_wait3A_284] : memref<10000x128xf32, #tpu.memory_space<hbm>> -> memref<10000x128xf32, #tpu.memory_space<hbm>>
      tpu.wait_indirect_dma semaphore(%arg11 : memref<!tpu.dma_semaphore, #tpu.memory_space<semaphore_mem>>) src(%dma_wait3A_285 : memref<10000x128xf32, #tpu.memory_space<hbm>>) dst(%dma_wait3A_279 : memref<80x128xf32, #tpu.memory_space<vmem>>)
      %dma_wait3A_286 = arith.constant 2 : i32
      %dma_wait3A_287 = arith.constant 160 : i32
      %dma_wait3A_288 = arith.constant 0 : i32
      %dma_wait3A_289 = tpu.memref_slice %arg10[%dma_wait3A_287, %dma_wait3A_288] : memref<400x128xf32, #tpu.memory_space<vmem>> -> memref<80x128xf32, #tpu.memory_space<vmem>>
      %dma_wait3A_290 = arith.constant 0 : i32
      %dma_wait3A_291 = tpu.memref_slice %arg8[%dma_wait3A_286, %dma_wait3A_290] : memref<5x80xi32, #tpu.memory_space<vmem>> -> memref<1x80xi32, #tpu.memory_space<vmem>>
      %dma_wait3A_292 = tpu.memref_squeeze %dma_wait3A_291 : memref<1x80xi32, #tpu.memory_space<vmem>> -> memref<80xi32, #tpu.memory_space<vmem>>
      %dma_wait3A_293 = arith.constant 0 : i32
      %dma_wait3A_294 = arith.constant 0 : i32
      %dma_wait3A_295 = tpu.memref_slice %arg4[%dma_wait3A_293, %dma_wait3A_294] : memref<10000x128xf32, #tpu.memory_space<hbm>> -> memref<10000x128xf32, #tpu.memory_space<hbm>>
      tpu.wait_indirect_dma semaphore(%arg12 : memref<!tpu.dma_semaphore, #tpu.memory_space<semaphore_mem>>) src(%dma_wait3A_295 : memref<10000x128xf32, #tpu.memory_space<hbm>>) dst(%dma_wait3A_289 : memref<80x128xf32, #tpu.memory_space<vmem>>)
      %dma_wait3A_296 = arith.constant 3 : i32
      %dma_wait3A_297 = arith.constant 240 : i32
      %dma_wait3A_298 = arith.constant 0 : i32
      %dma_wait3A_299 = tpu.memref_slice %arg9[%dma_wait3A_297, %dma_wait3A_298] : memref<400x128xf32, #tpu.memory_space<vmem>> -> memref<80x128xf32, #tpu.memory_space<vmem>>
      %dma_wait3A_300 = arith.constant 0 : i32
      %dma_wait3A_301 = tpu.memref_slice %arg7[%dma_wait3A_296, %dma_wait3A_300] : memref<5x80xi32, #tpu.memory_space<vmem>> -> memref<1x80xi32, #tpu.memory_space<vmem>>
      %dma_wait3A_302 = tpu.memref_squeeze %dma_wait3A_301 : memref<1x80xi32, #tpu.memory_space<vmem>> -> memref<80xi32, #tpu.memory_space<vmem>>
      %dma_wait3A_303 = arith.constant 0 : i32
      %dma_wait3A_304 = arith.constant 0 : i32
      %dma_wait3A_305 = tpu.memref_slice %arg4[%dma_wait3A_303, %dma_wait3A_304] : memref<10000x128xf32, #tpu.memory_space<hbm>> -> memref<10000x128xf32, #tpu.memory_space<hbm>>
      tpu.wait_indirect_dma semaphore(%arg11 : memref<!tpu.dma_semaphore, #tpu.memory_space<semaphore_mem>>) src(%dma_wait3A_305 : memref<10000x128xf32, #tpu.memory_space<hbm>>) dst(%dma_wait3A_299 : memref<80x128xf32, #tpu.memory_space<vmem>>)
      %dma_wait3A_306 = arith.constant 3 : i32
      %dma_wait3A_307 = arith.constant 240 : i32
      %dma_wait3A_308 = arith.constant 0 : i32
      %dma_wait3A_309 = tpu.memref_slice %arg10[%dma_wait3A_307, %dma_wait3A_308] : memref<400x128xf32, #tpu.memory_space<vmem>> -> memref<80x128xf32, #tpu.memory_space<vmem>>
      %dma_wait3A_310 = arith.constant 0 : i32
      %dma_wait3A_311 = tpu.memref_slice %arg8[%dma_wait3A_306, %dma_wait3A_310] : memref<5x80xi32, #tpu.memory_space<vmem>> -> memref<1x80xi32, #tpu.memory_space<vmem>>
      %dma_wait3A_312 = tpu.memref_squeeze %dma_wait3A_311 : memref<1x80xi32, #tpu.memory_space<vmem>> -> memref<80xi32, #tpu.memory_space<vmem>>
      %dma_wait3A_313 = arith.constant 0 : i32
      %dma_wait3A_314 = arith.constant 0 : i32
      %dma_wait3A_315 = tpu.memref_slice %arg4[%dma_wait3A_313, %dma_wait3A_314] : memref<10000x128xf32, #tpu.memory_space<hbm>> -> memref<10000x128xf32, #tpu.memory_space<hbm>>
      tpu.wait_indirect_dma semaphore(%arg12 : memref<!tpu.dma_semaphore, #tpu.memory_space<semaphore_mem>>) src(%dma_wait3A_315 : memref<10000x128xf32, #tpu.memory_space<hbm>>) dst(%dma_wait3A_309 : memref<80x128xf32, #tpu.memory_space<vmem>>)
      %dma_wait3A_316 = arith.constant 4 : i32
      %dma_wait3A_317 = arith.constant 320 : i32
      %dma_wait3A_318 = arith.constant 0 : i32
      %dma_wait3A_319 = tpu.memref_slice %arg9[%dma_wait3A_317, %dma_wait3A_318] : memref<400x128xf32, #tpu.memory_space<vmem>> -> memref<80x128xf32, #tpu.memory_space<vmem>>
      %dma_wait3A_320 = arith.constant 0 : i32
      %dma_wait3A_321 = tpu.memref_slice %arg7[%dma_wait3A_316, %dma_wait3A_320] : memref<5x80xi32, #tpu.memory_space<vmem>> -> memref<1x80xi32, #tpu.memory_space<vmem>>
      %dma_wait3A_322 = tpu.memref_squeeze %dma_wait3A_321 : memref<1x80xi32, #tpu.memory_space<vmem>> -> memref<80xi32, #tpu.memory_space<vmem>>
      %dma_wait3A_323 = arith.constant 0 : i32
      %dma_wait3A_324 = arith.constant 0 : i32
      %dma_wait3A_325 = tpu.memref_slice %arg4[%dma_wait3A_323, %dma_wait3A_324] : memref<10000x128xf32, #tpu.memory_space<hbm>> -> memref<10000x128xf32, #tpu.memory_space<hbm>>
      tpu.wait_indirect_dma semaphore(%arg11 : memref<!tpu.dma_semaphore, #tpu.memory_space<semaphore_mem>>) src(%dma_wait3A_325 : memref<10000x128xf32, #tpu.memory_space<hbm>>) dst(%dma_wait3A_319 : memref<80x128xf32, #tpu.memory_space<vmem>>)
      %dma_wait3A_326 = arith.constant 4 : i32
      %dma_wait3A_327 = arith.constant 320 : i32
      %dma_wait3A_328 = arith.constant 0 : i32
      %dma_wait3A_329 = tpu.memref_slice %arg10[%dma_wait3A_327, %dma_wait3A_328] : memref<400x128xf32, #tpu.memory_space<vmem>> -> memref<80x128xf32, #tpu.memory_space<vmem>>
      %dma_wait3A_330 = arith.constant 0 : i32
      %dma_wait3A_331 = tpu.memref_slice %arg8[%dma_wait3A_326, %dma_wait3A_330] : memref<5x80xi32, #tpu.memory_space<vmem>> -> memref<1x80xi32, #tpu.memory_space<vmem>>
      %dma_wait3A_332 = tpu.memref_squeeze %dma_wait3A_331 : memref<1x80xi32, #tpu.memory_space<vmem>> -> memref<80xi32, #tpu.memory_space<vmem>>
      %dma_wait3A_333 = arith.constant 0 : i32
      %dma_wait3A_334 = arith.constant 0 : i32
      %dma_wait3A_335 = tpu.memref_slice %arg4[%dma_wait3A_333, %dma_wait3A_334] : memref<10000x128xf32, #tpu.memory_space<hbm>> -> memref<10000x128xf32, #tpu.memory_space<hbm>>
      tpu.wait_indirect_dma semaphore(%arg12 : memref<!tpu.dma_semaphore, #tpu.memory_space<semaphore_mem>>) src(%dma_wait3A_335 : memref<10000x128xf32, #tpu.memory_space<hbm>>) dst(%dma_wait3A_329 : memref<80x128xf32, #tpu.memory_space<vmem>>)
      "tpu.region"() ({
        %run_scoped3A_336 = tpu.sem_alloc : memref<!tpu.dma_semaphore, #tpu.memory_space<semaphore_mem>>
        %dma_start3A_337 = arith.constant 0 : i32
        %dma_start3A_338 = arith.constant 0 : i32
        %dma_start3A_339 = tpu.memref_slice %arg9[%dma_start3A_337, %dma_start3A_338] : memref<400x128xf32, #tpu.memory_space<vmem>> -> memref<400x128xf32, #tpu.memory_space<vmem>>
        %dma_start3A_340 = arith.constant 0 : i32
        %dma_start3A_341 = tpu.memref_slice %arg5[%add3A_105, %dma_start3A_340] : memref<158720x128xf32, #tpu.memory_space<hbm>> -> memref<400x128xf32, #tpu.memory_space<hbm>>
        %dma_start3A_342 = arith.constant 0 : i32
        %dma_start3A_343 = tpu.memref_slice %arg5[%add3A_105, %dma_start3A_342] : memref<158720x128xf32, #tpu.memory_space<hbm>> -> memref<400x128xf32, #tpu.memory_space<hbm>>
        %dma_start3A_344 = arith.constant 0 : i32
        %dma_start3A_345 = arith.constant 0 : i32
        %dma_start3A_346 = tpu.memref_slice %arg9[%dma_start3A_344, %dma_start3A_345] : memref<400x128xf32, #tpu.memory_space<vmem>> -> memref<400x128xf32, #tpu.memory_space<vmem>>
        tpu.enqueue_dma source(%dma_start3A_346 : memref<400x128xf32, #tpu.memory_space<vmem>>) target(%dma_start3A_343 : memref<400x128xf32, #tpu.memory_space<hbm>>) target_semaphore(%run_scoped3A_336 : memref<!tpu.dma_semaphore, #tpu.memory_space<semaphore_mem>>)
        %dma_wait3A_347 = arith.constant 0 : i32
        %dma_wait3A_348 = arith.constant 0 : i32
        %dma_wait3A_349 = tpu.memref_slice %arg9[%dma_wait3A_347, %dma_wait3A_348] : memref<400x128xf32, #tpu.memory_space<vmem>> -> memref<400x128xf32, #tpu.memory_space<vmem>>
        %dma_wait3A_350 = arith.constant 0 : i32
        %dma_wait3A_351 = tpu.memref_slice %arg5[%add3A_105, %dma_wait3A_350] : memref<158720x128xf32, #tpu.memory_space<hbm>> -> memref<400x128xf32, #tpu.memory_space<hbm>>
        %dma_wait3A_352 = arith.constant 0 : i32
        %dma_wait3A_353 = tpu.memref_slice %arg5[%add3A_105, %dma_wait3A_352] : memref<158720x128xf32, #tpu.memory_space<hbm>> -> memref<400x128xf32, #tpu.memory_space<hbm>>
        %dma_wait3A_354 = arith.constant 0 : i32
        %dma_wait3A_355 = arith.constant 0 : i32
        %dma_wait3A_356 = tpu.memref_slice %arg9[%dma_wait3A_354, %dma_wait3A_355] : memref<400x128xf32, #tpu.memory_space<vmem>> -> memref<400x128xf32, #tpu.memory_space<vmem>>
        tpu.wait_dma2 semaphore(%run_scoped3A_336 : memref<!tpu.dma_semaphore, #tpu.memory_space<semaphore_mem>>) src(%dma_wait3A_356 : memref<400x128xf32, #tpu.memory_space<vmem>>) dst(%dma_wait3A_353 : memref<400x128xf32, #tpu.memory_space<hbm>>)
        tpu.yield
      }) : () -> ()
      "tpu.region"() ({
        %run_scoped3A_336 = tpu.sem_alloc : memref<!tpu.dma_semaphore, #tpu.memory_space<semaphore_mem>>
        %dma_start3A_337 = arith.constant 0 : i32
        %dma_start3A_338 = arith.constant 0 : i32
        %dma_start3A_339 = tpu.memref_slice %arg10[%dma_start3A_337, %dma_start3A_338] : memref<400x128xf32, #tpu.memory_space<vmem>> -> memref<400x128xf32, #tpu.memory_space<vmem>>
        %dma_start3A_340 = arith.constant 0 : i32
        %dma_start3A_341 = tpu.memref_slice %arg6[%add3A_105, %dma_start3A_340] : memref<158720x128xf32, #tpu.memory_space<hbm>> -> memref<400x128xf32, #tpu.memory_space<hbm>>
        %dma_start3A_342 = arith.constant 0 : i32
        %dma_start3A_343 = tpu.memref_slice %arg6[%add3A_105, %dma_start3A_342] : memref<158720x128xf32, #tpu.memory_space<hbm>> -> memref<400x128xf32, #tpu.memory_space<hbm>>
        %dma_start3A_344 = arith.constant 0 : i32
        %dma_start3A_345 = arith.constant 0 : i32
        %dma_start3A_346 = tpu.memref_slice %arg10[%dma_start3A_344, %dma_start3A_345] : memref<400x128xf32, #tpu.memory_space<vmem>> -> memref<400x128xf32, #tpu.memory_space<vmem>>
        tpu.enqueue_dma source(%dma_start3A_346 : memref<400x128xf32, #tpu.memory_space<vmem>>) target(%dma_start3A_343 : memref<400x128xf32, #tpu.memory_space<hbm>>) target_semaphore(%run_scoped3A_336 : memref<!tpu.dma_semaphore, #tpu.memory_space<semaphore_mem>>)
        %dma_wait3A_347 = arith.constant 0 : i32
        %dma_wait3A_348 = arith.constant 0 : i32
        %dma_wait3A_349 = tpu.memref_slice %arg10[%dma_wait3A_347, %dma_wait3A_348] : memref<400x128xf32, #tpu.memory_space<vmem>> -> memref<400x128xf32, #tpu.memory_space<vmem>>
        %dma_wait3A_350 = arith.constant 0 : i32
        %dma_wait3A_351 = tpu.memref_slice %arg6[%add3A_105, %dma_wait3A_350] : memref<158720x128xf32, #tpu.memory_space<hbm>> -> memref<400x128xf32, #tpu.memory_space<hbm>>
        %dma_wait3A_352 = arith.constant 0 : i32
        %dma_wait3A_353 = tpu.memref_slice %arg6[%add3A_105, %dma_wait3A_352] : memref<158720x128xf32, #tpu.memory_space<hbm>> -> memref<400x128xf32, #tpu.memory_space<hbm>>
        %dma_wait3A_354 = arith.constant 0 : i32
        %dma_wait3A_355 = arith.constant 0 : i32
        %dma_wait3A_356 = tpu.memref_slice %arg10[%dma_wait3A_354, %dma_wait3A_355] : memref<400x128xf32, #tpu.memory_space<vmem>> -> memref<400x128xf32, #tpu.memory_space<vmem>>
        tpu.wait_dma2 semaphore(%run_scoped3A_336 : memref<!tpu.dma_semaphore, #tpu.memory_space<semaphore_mem>>) src(%dma_wait3A_356 : memref<400x128xf32, #tpu.memory_space<vmem>>) dst(%dma_wait3A_353 : memref<400x128xf32, #tpu.memory_space<hbm>>)
        tpu.yield
      }) : () -> ()
    }
    %scan3A_6 = arith.constant 12 : i32
    %add3A_7 = arith.constant 4800 : i32
    %add3A_8 = arith.addi %mul3A_2, %add3A_7 : i32
    %add3A_9 = arith.constant 0 : i32
    %add3A_10 = arith.addi %add3A_8, %add3A_9 : i32
    %run_scoped3A = arith.constant 0 : i32
    "tpu.region"() ({
      %run_scoped3A_98 = tpu.sem_alloc : memref<!tpu.dma_semaphore, #tpu.memory_space<semaphore_mem>>
      %dma_start3A_99 = arith.constant 0 : i32
      %dma_start3A_100 = tpu.memref_slice %arg7[%run_scoped3A, %dma_start3A_99] : memref<5x80xi32, #tpu.memory_space<vmem>> -> memref<1x80xi32, #tpu.memory_space<vmem>>
      %dma_start3A_101 = tpu.memref_squeeze %dma_start3A_100 : memref<1x80xi32, #tpu.memory_space<vmem>> -> memref<80xi32, #tpu.memory_space<vmem>>
      %dma_start3A_102 = tpu.memref_slice %arg2[%add3A_10] : memref<158720xi32, #tpu.memory_space<hbm>> -> memref<80xi32, #tpu.memory_space<hbm>>
      %dma_start3A_103 = arith.constant 0 : i32
      %dma_start3A_104 = tpu.memref_slice %arg7[%run_scoped3A, %dma_start3A_103] : memref<5x80xi32, #tpu.memory_space<vmem>> -> memref<1x80xi32, #tpu.memory_space<vmem>>
      %dma_start3A_105 = tpu.memref_squeeze %dma_start3A_104 : memref<1x80xi32, #tpu.memory_space<vmem>> -> memref<80xi32, #tpu.memory_space<vmem>>
      %dma_start3A_106 = tpu.memref_slice %arg2[%add3A_10] : memref<158720xi32, #tpu.memory_space<hbm>> -> memref<80xi32, #tpu.memory_space<hbm>>
      tpu.enqueue_dma source(%dma_start3A_106 : memref<80xi32, #tpu.memory_space<hbm>>) target(%dma_start3A_105 : memref<80xi32, #tpu.memory_space<vmem>>) target_semaphore(%run_scoped3A_98 : memref<!tpu.dma_semaphore, #tpu.memory_space<semaphore_mem>>)
      %dma_wait3A_107 = arith.constant 0 : i32
      %dma_wait3A_108 = tpu.memref_slice %arg7[%run_scoped3A, %dma_wait3A_107] : memref<5x80xi32, #tpu.memory_space<vmem>> -> memref<1x80xi32, #tpu.memory_space<vmem>>
      %dma_wait3A_109 = tpu.memref_squeeze %dma_wait3A_108 : memref<1x80xi32, #tpu.memory_space<vmem>> -> memref<80xi32, #tpu.memory_space<vmem>>
      %dma_wait3A_110 = tpu.memref_slice %arg2[%add3A_10] : memref<158720xi32, #tpu.memory_space<hbm>> -> memref<80xi32, #tpu.memory_space<hbm>>
      %dma_wait3A_111 = arith.constant 0 : i32
      %dma_wait3A_112 = tpu.memref_slice %arg7[%run_scoped3A, %dma_wait3A_111] : memref<5x80xi32, #tpu.memory_space<vmem>> -> memref<1x80xi32, #tpu.memory_space<vmem>>
      %dma_wait3A_113 = tpu.memref_squeeze %dma_wait3A_112 : memref<1x80xi32, #tpu.memory_space<vmem>> -> memref<80xi32, #tpu.memory_space<vmem>>
      %dma_wait3A_114 = tpu.memref_slice %arg2[%add3A_10] : memref<158720xi32, #tpu.memory_space<hbm>> -> memref<80xi32, #tpu.memory_space<hbm>>
      tpu.wait_dma2 semaphore(%run_scoped3A_98 : memref<!tpu.dma_semaphore, #tpu.memory_space<semaphore_mem>>) src(%dma_wait3A_114 : memref<80xi32, #tpu.memory_space<hbm>>) dst(%dma_wait3A_113 : memref<80xi32, #tpu.memory_space<vmem>>)
      tpu.yield
    }) : () -> ()
    %add3A_11 = arith.constant 0 : i32
    %add3A_12 = arith.addi %add3A_8, %add3A_11 : i32
    %run_scoped3A_13 = arith.constant 0 : i32
    "tpu.region"() ({
      %run_scoped3A_98 = tpu.sem_alloc : memref<!tpu.dma_semaphore, #tpu.memory_space<semaphore_mem>>
      %dma_start3A_99 = arith.constant 0 : i32
      %dma_start3A_100 = tpu.memref_slice %arg8[%run_scoped3A_13, %dma_start3A_99] : memref<5x80xi32, #tpu.memory_space<vmem>> -> memref<1x80xi32, #tpu.memory_space<vmem>>
      %dma_start3A_101 = tpu.memref_squeeze %dma_start3A_100 : memref<1x80xi32, #tpu.memory_space<vmem>> -> memref<80xi32, #tpu.memory_space<vmem>>
      %dma_start3A_102 = tpu.memref_slice %arg3[%add3A_12] : memref<158720xi32, #tpu.memory_space<hbm>> -> memref<80xi32, #tpu.memory_space<hbm>>
      %dma_start3A_103 = arith.constant 0 : i32
      %dma_start3A_104 = tpu.memref_slice %arg8[%run_scoped3A_13, %dma_start3A_103] : memref<5x80xi32, #tpu.memory_space<vmem>> -> memref<1x80xi32, #tpu.memory_space<vmem>>
      %dma_start3A_105 = tpu.memref_squeeze %dma_start3A_104 : memref<1x80xi32, #tpu.memory_space<vmem>> -> memref<80xi32, #tpu.memory_space<vmem>>
      %dma_start3A_106 = tpu.memref_slice %arg3[%add3A_12] : memref<158720xi32, #tpu.memory_space<hbm>> -> memref<80xi32, #tpu.memory_space<hbm>>
      tpu.enqueue_dma source(%dma_start3A_106 : memref<80xi32, #tpu.memory_space<hbm>>) target(%dma_start3A_105 : memref<80xi32, #tpu.memory_space<vmem>>) target_semaphore(%run_scoped3A_98 : memref<!tpu.dma_semaphore, #tpu.memory_space<semaphore_mem>>)
      %dma_wait3A_107 = arith.constant 0 : i32
      %dma_wait3A_108 = tpu.memref_slice %arg8[%run_scoped3A_13, %dma_wait3A_107] : memref<5x80xi32, #tpu.memory_space<vmem>> -> memref<1x80xi32, #tpu.memory_space<vmem>>
      %dma_wait3A_109 = tpu.memref_squeeze %dma_wait3A_108 : memref<1x80xi32, #tpu.memory_space<vmem>> -> memref<80xi32, #tpu.memory_space<vmem>>
      %dma_wait3A_110 = tpu.memref_slice %arg3[%add3A_12] : memref<158720xi32, #tpu.memory_space<hbm>> -> memref<80xi32, #tpu.memory_space<hbm>>
      %dma_wait3A_111 = arith.constant 0 : i32
      %dma_wait3A_112 = tpu.memref_slice %arg8[%run_scoped3A_13, %dma_wait3A_111] : memref<5x80xi32, #tpu.memory_space<vmem>> -> memref<1x80xi32, #tpu.memory_space<vmem>>
      %dma_wait3A_113 = tpu.memref_squeeze %dma_wait3A_112 : memref<1x80xi32, #tpu.memory_space<vmem>> -> memref<80xi32, #tpu.memory_space<vmem>>
      %dma_wait3A_114 = tpu.memref_slice %arg3[%add3A_12] : memref<158720xi32, #tpu.memory_space<hbm>> -> memref<80xi32, #tpu.memory_space<hbm>>
      tpu.wait_dma2 semaphore(%run_scoped3A_98 : memref<!tpu.dma_semaphore, #tpu.memory_space<semaphore_mem>>) src(%dma_wait3A_114 : memref<80xi32, #tpu.memory_space<hbm>>) dst(%dma_wait3A_113 : memref<80xi32, #tpu.memory_space<vmem>>)
      tpu.yield
    }) : () -> ()
    %add3A_14 = arith.constant 80 : i32
    %add3A_15 = arith.addi %add3A_8, %add3A_14 : i32
    %run_scoped3A_16 = arith.constant 1 : i32
    "tpu.region"() ({
      %run_scoped3A_98 = tpu.sem_alloc : memref<!tpu.dma_semaphore, #tpu.memory_space<semaphore_mem>>
      %dma_start3A_99 = arith.constant 0 : i32
      %dma_start3A_100 = tpu.memref_slice %arg7[%run_scoped3A_16, %dma_start3A_99] : memref<5x80xi32, #tpu.memory_space<vmem>> -> memref<1x80xi32, #tpu.memory_space<vmem>>
      %dma_start3A_101 = tpu.memref_squeeze %dma_start3A_100 : memref<1x80xi32, #tpu.memory_space<vmem>> -> memref<80xi32, #tpu.memory_space<vmem>>
      %dma_start3A_102 = tpu.memref_slice %arg2[%add3A_15] : memref<158720xi32, #tpu.memory_space<hbm>> -> memref<80xi32, #tpu.memory_space<hbm>>
      %dma_start3A_103 = arith.constant 0 : i32
      %dma_start3A_104 = tpu.memref_slice %arg7[%run_scoped3A_16, %dma_start3A_103] : memref<5x80xi32, #tpu.memory_space<vmem>> -> memref<1x80xi32, #tpu.memory_space<vmem>>
      %dma_start3A_105 = tpu.memref_squeeze %dma_start3A_104 : memref<1x80xi32, #tpu.memory_space<vmem>> -> memref<80xi32, #tpu.memory_space<vmem>>
      %dma_start3A_106 = tpu.memref_slice %arg2[%add3A_15] : memref<158720xi32, #tpu.memory_space<hbm>> -> memref<80xi32, #tpu.memory_space<hbm>>
      tpu.enqueue_dma source(%dma_start3A_106 : memref<80xi32, #tpu.memory_space<hbm>>) target(%dma_start3A_105 : memref<80xi32, #tpu.memory_space<vmem>>) target_semaphore(%run_scoped3A_98 : memref<!tpu.dma_semaphore, #tpu.memory_space<semaphore_mem>>)
      %dma_wait3A_107 = arith.constant 0 : i32
      %dma_wait3A_108 = tpu.memref_slice %arg7[%run_scoped3A_16, %dma_wait3A_107] : memref<5x80xi32, #tpu.memory_space<vmem>> -> memref<1x80xi32, #tpu.memory_space<vmem>>
      %dma_wait3A_109 = tpu.memref_squeeze %dma_wait3A_108 : memref<1x80xi32, #tpu.memory_space<vmem>> -> memref<80xi32, #tpu.memory_space<vmem>>
      %dma_wait3A_110 = tpu.memref_slice %arg2[%add3A_15] : memref<158720xi32, #tpu.memory_space<hbm>> -> memref<80xi32, #tpu.memory_space<hbm>>
      %dma_wait3A_111 = arith.constant 0 : i32
      %dma_wait3A_112 = tpu.memref_slice %arg7[%run_scoped3A_16, %dma_wait3A_111] : memref<5x80xi32, #tpu.memory_space<vmem>> -> memref<1x80xi32, #tpu.memory_space<vmem>>
      %dma_wait3A_113 = tpu.memref_squeeze %dma_wait3A_112 : memref<1x80xi32, #tpu.memory_space<vmem>> -> memref<80xi32, #tpu.memory_space<vmem>>
      %dma_wait3A_114 = tpu.memref_slice %arg2[%add3A_15] : memref<158720xi32, #tpu.memory_space<hbm>> -> memref<80xi32, #tpu.memory_space<hbm>>
      tpu.wait_dma2 semaphore(%run_scoped3A_98 : memref<!tpu.dma_semaphore, #tpu.memory_space<semaphore_mem>>) src(%dma_wait3A_114 : memref<80xi32, #tpu.memory_space<hbm>>) dst(%dma_wait3A_113 : memref<80xi32, #tpu.memory_space<vmem>>)
      tpu.yield
    }) : () -> ()
    %add3A_17 = arith.constant 80 : i32
    %add3A_18 = arith.addi %add3A_8, %add3A_17 : i32
    %run_scoped3A_19 = arith.constant 1 : i32
    "tpu.region"() ({
      %run_scoped3A_98 = tpu.sem_alloc : memref<!tpu.dma_semaphore, #tpu.memory_space<semaphore_mem>>
      %dma_start3A_99 = arith.constant 0 : i32
      %dma_start3A_100 = tpu.memref_slice %arg8[%run_scoped3A_19, %dma_start3A_99] : memref<5x80xi32, #tpu.memory_space<vmem>> -> memref<1x80xi32, #tpu.memory_space<vmem>>
      %dma_start3A_101 = tpu.memref_squeeze %dma_start3A_100 : memref<1x80xi32, #tpu.memory_space<vmem>> -> memref<80xi32, #tpu.memory_space<vmem>>
      %dma_start3A_102 = tpu.memref_slice %arg3[%add3A_18] : memref<158720xi32, #tpu.memory_space<hbm>> -> memref<80xi32, #tpu.memory_space<hbm>>
      %dma_start3A_103 = arith.constant 0 : i32
      %dma_start3A_104 = tpu.memref_slice %arg8[%run_scoped3A_19, %dma_start3A_103] : memref<5x80xi32, #tpu.memory_space<vmem>> -> memref<1x80xi32, #tpu.memory_space<vmem>>
      %dma_start3A_105 = tpu.memref_squeeze %dma_start3A_104 : memref<1x80xi32, #tpu.memory_space<vmem>> -> memref<80xi32, #tpu.memory_space<vmem>>
      %dma_start3A_106 = tpu.memref_slice %arg3[%add3A_18] : memref<158720xi32, #tpu.memory_space<hbm>> -> memref<80xi32, #tpu.memory_space<hbm>>
      tpu.enqueue_dma source(%dma_start3A_106 : memref<80xi32, #tpu.memory_space<hbm>>) target(%dma_start3A_105 : memref<80xi32, #tpu.memory_space<vmem>>) target_semaphore(%run_scoped3A_98 : memref<!tpu.dma_semaphore, #tpu.memory_space<semaphore_mem>>)
      %dma_wait3A_107 = arith.constant 0 : i32
      %dma_wait3A_108 = tpu.memref_slice %arg8[%run_scoped3A_19, %dma_wait3A_107] : memref<5x80xi32, #tpu.memory_space<vmem>> -> memref<1x80xi32, #tpu.memory_space<vmem>>
      %dma_wait3A_109 = tpu.memref_squeeze %dma_wait3A_108 : memref<1x80xi32, #tpu.memory_space<vmem>> -> memref<80xi32, #tpu.memory_space<vmem>>
      %dma_wait3A_110 = tpu.memref_slice %arg3[%add3A_18] : memref<158720xi32, #tpu.memory_space<hbm>> -> memref<80xi32, #tpu.memory_space<hbm>>
      %dma_wait3A_111 = arith.constant 0 : i32
      %dma_wait3A_112 = tpu.memref_slice %arg8[%run_scoped3A_19, %dma_wait3A_111] : memref<5x80xi32, #tpu.memory_space<vmem>> -> memref<1x80xi32, #tpu.memory_space<vmem>>
      %dma_wait3A_113 = tpu.memref_squeeze %dma_wait3A_112 : memref<1x80xi32, #tpu.memory_space<vmem>> -> memref<80xi32, #tpu.memory_space<vmem>>
      %dma_wait3A_114 = tpu.memref_slice %arg3[%add3A_18] : memref<158720xi32, #tpu.memory_space<hbm>> -> memref<80xi32, #tpu.memory_space<hbm>>
      tpu.wait_dma2 semaphore(%run_scoped3A_98 : memref<!tpu.dma_semaphore, #tpu.memory_space<semaphore_mem>>) src(%dma_wait3A_114 : memref<80xi32, #tpu.memory_space<hbm>>) dst(%dma_wait3A_113 : memref<80xi32, #tpu.memory_space<vmem>>)
      tpu.yield
    }) : () -> ()
    %dma_start3A = arith.constant 0 : i32
    %dma_start3A_20 = arith.constant 0 : i32
    %dma_start3A_21 = arith.constant 0 : i32
    %dma_start3A_22 = tpu.memref_slice %arg9[%dma_start3A_20, %dma_start3A_21] : memref<400x128xf32, #tpu.memory_space<vmem>> -> memref<80x128xf32, #tpu.memory_space<vmem>>
    %dma_start3A_23 = arith.constant 0 : i32
    %dma_start3A_24 = tpu.memref_slice %arg7[%dma_start3A, %dma_start3A_23] : memref<5x80xi32, #tpu.memory_space<vmem>> -> memref<1x80xi32, #tpu.memory_space<vmem>>
    %dma_start3A_25 = tpu.memref_squeeze %dma_start3A_24 : memref<1x80xi32, #tpu.memory_space<vmem>> -> memref<80xi32, #tpu.memory_space<vmem>>
    %dma_start3A_26 = arith.constant 0 : i32
    %dma_start3A_27 = arith.constant 0 : i32
    %dma_start3A_28 = tpu.memref_slice %arg4[%dma_start3A_26, %dma_start3A_27] : memref<10000x128xf32, #tpu.memory_space<hbm>> -> memref<10000x128xf32, #tpu.memory_space<hbm>>
    tpu.enqueue_indirect_dma source(%dma_start3A_28 : memref<10000x128xf32, #tpu.memory_space<hbm>>) target(%dma_start3A_22 : memref<80x128xf32, #tpu.memory_space<vmem>>) offsets(%dma_start3A_25 : memref<80xi32, #tpu.memory_space<vmem>>) semaphore(%arg11 : memref<!tpu.dma_semaphore, #tpu.memory_space<semaphore_mem>>)
    %dma_start3A_29 = arith.constant 0 : i32
    %dma_start3A_30 = arith.constant 0 : i32
    %dma_start3A_31 = arith.constant 0 : i32
    %dma_start3A_32 = tpu.memref_slice %arg10[%dma_start3A_30, %dma_start3A_31] : memref<400x128xf32, #tpu.memory_space<vmem>> -> memref<80x128xf32, #tpu.memory_space<vmem>>
    %dma_start3A_33 = arith.constant 0 : i32
    %dma_start3A_34 = tpu.memref_slice %arg8[%dma_start3A_29, %dma_start3A_33] : memref<5x80xi32, #tpu.memory_space<vmem>> -> memref<1x80xi32, #tpu.memory_space<vmem>>
    %dma_start3A_35 = tpu.memref_squeeze %dma_start3A_34 : memref<1x80xi32, #tpu.memory_space<vmem>> -> memref<80xi32, #tpu.memory_space<vmem>>
    %dma_start3A_36 = arith.constant 0 : i32
    %dma_start3A_37 = arith.constant 0 : i32
    %dma_start3A_38 = tpu.memref_slice %arg4[%dma_start3A_36, %dma_start3A_37] : memref<10000x128xf32, #tpu.memory_space<hbm>> -> memref<10000x128xf32, #tpu.memory_space<hbm>>
    tpu.enqueue_indirect_dma source(%dma_start3A_38 : memref<10000x128xf32, #tpu.memory_space<hbm>>) target(%dma_start3A_32 : memref<80x128xf32, #tpu.memory_space<vmem>>) offsets(%dma_start3A_35 : memref<80xi32, #tpu.memory_space<vmem>>) semaphore(%arg12 : memref<!tpu.dma_semaphore, #tpu.memory_space<semaphore_mem>>)
    %dma_start3A_39 = arith.constant 1 : i32
    %dma_start3A_40 = arith.constant 80 : i32
    %dma_start3A_41 = arith.constant 0 : i32
    %dma_start3A_42 = tpu.memref_slice %arg9[%dma_start3A_40, %dma_start3A_41] : memref<400x128xf32, #tpu.memory_space<vmem>> -> memref<80x128xf32, #tpu.memory_space<vmem>>
    %dma_start3A_43 = arith.constant 0 : i32
    %dma_start3A_44 = tpu.memref_slice %arg7[%dma_start3A_39, %dma_start3A_43] : memref<5x80xi32, #tpu.memory_space<vmem>> -> memref<1x80xi32, #tpu.memory_space<vmem>>
    %dma_start3A_45 = tpu.memref_squeeze %dma_start3A_44 : memref<1x80xi32, #tpu.memory_space<vmem>> -> memref<80xi32, #tpu.memory_space<vmem>>
    %dma_start3A_46 = arith.constant 0 : i32
    %dma_start3A_47 = arith.constant 0 : i32
    %dma_start3A_48 = tpu.memref_slice %arg4[%dma_start3A_46, %dma_start3A_47] : memref<10000x128xf32, #tpu.memory_space<hbm>> -> memref<10000x128xf32, #tpu.memory_space<hbm>>
    tpu.enqueue_indirect_dma source(%dma_start3A_48 : memref<10000x128xf32, #tpu.memory_space<hbm>>) target(%dma_start3A_42 : memref<80x128xf32, #tpu.memory_space<vmem>>) offsets(%dma_start3A_45 : memref<80xi32, #tpu.memory_space<vmem>>) semaphore(%arg11 : memref<!tpu.dma_semaphore, #tpu.memory_space<semaphore_mem>>)
    %dma_start3A_49 = arith.constant 1 : i32
    %dma_start3A_50 = arith.constant 80 : i32
    %dma_start3A_51 = arith.constant 0 : i32
    %dma_start3A_52 = tpu.memref_slice %arg10[%dma_start3A_50, %dma_start3A_51] : memref<400x128xf32, #tpu.memory_space<vmem>> -> memref<80x128xf32, #tpu.memory_space<vmem>>
    %dma_start3A_53 = arith.constant 0 : i32
    %dma_start3A_54 = tpu.memref_slice %arg8[%dma_start3A_49, %dma_start3A_53] : memref<5x80xi32, #tpu.memory_space<vmem>> -> memref<1x80xi32, #tpu.memory_space<vmem>>
    %dma_start3A_55 = tpu.memref_squeeze %dma_start3A_54 : memref<1x80xi32, #tpu.memory_space<vmem>> -> memref<80xi32, #tpu.memory_space<vmem>>
    %dma_start3A_56 = arith.constant 0 : i32
    %dma_start3A_57 = arith.constant 0 : i32
    %dma_start3A_58 = tpu.memref_slice %arg4[%dma_start3A_56, %dma_start3A_57] : memref<10000x128xf32, #tpu.memory_space<hbm>> -> memref<10000x128xf32, #tpu.memory_space<hbm>>
    tpu.enqueue_indirect_dma source(%dma_start3A_58 : memref<10000x128xf32, #tpu.memory_space<hbm>>) target(%dma_start3A_52 : memref<80x128xf32, #tpu.memory_space<vmem>>) offsets(%dma_start3A_55 : memref<80xi32, #tpu.memory_space<vmem>>) semaphore(%arg12 : memref<!tpu.dma_semaphore, #tpu.memory_space<semaphore_mem>>)
    %dma_wait3A = arith.constant 0 : i32
    %dma_wait3A_59 = arith.constant 0 : i32
    %dma_wait3A_60 = arith.constant 0 : i32
    %dma_wait3A_61 = tpu.memref_slice %arg9[%dma_wait3A_59, %dma_wait3A_60] : memref<400x128xf32, #tpu.memory_space<vmem>> -> memref<80x128xf32, #tpu.memory_space<vmem>>
    %dma_wait3A_62 = arith.constant 0 : i32
    %dma_wait3A_63 = tpu.memref_slice %arg7[%dma_wait3A, %dma_wait3A_62] : memref<5x80xi32, #tpu.memory_space<vmem>> -> memref<1x80xi32, #tpu.memory_space<vmem>>
    %dma_wait3A_64 = tpu.memref_squeeze %dma_wait3A_63 : memref<1x80xi32, #tpu.memory_space<vmem>> -> memref<80xi32, #tpu.memory_space<vmem>>
    %dma_wait3A_65 = arith.constant 0 : i32
    %dma_wait3A_66 = arith.constant 0 : i32
    %dma_wait3A_67 = tpu.memref_slice %arg4[%dma_wait3A_65, %dma_wait3A_66] : memref<10000x128xf32, #tpu.memory_space<hbm>> -> memref<10000x128xf32, #tpu.memory_space<hbm>>
    tpu.wait_indirect_dma semaphore(%arg11 : memref<!tpu.dma_semaphore, #tpu.memory_space<semaphore_mem>>) src(%dma_wait3A_67 : memref<10000x128xf32, #tpu.memory_space<hbm>>) dst(%dma_wait3A_61 : memref<80x128xf32, #tpu.memory_space<vmem>>)
    %dma_wait3A_68 = arith.constant 0 : i32
    %dma_wait3A_69 = arith.constant 0 : i32
    %dma_wait3A_70 = arith.constant 0 : i32
    %dma_wait3A_71 = tpu.memref_slice %arg10[%dma_wait3A_69, %dma_wait3A_70] : memref<400x128xf32, #tpu.memory_space<vmem>> -> memref<80x128xf32, #tpu.memory_space<vmem>>
    %dma_wait3A_72 = arith.constant 0 : i32
    %dma_wait3A_73 = tpu.memref_slice %arg8[%dma_wait3A_68, %dma_wait3A_72] : memref<5x80xi32, #tpu.memory_space<vmem>> -> memref<1x80xi32, #tpu.memory_space<vmem>>
    %dma_wait3A_74 = tpu.memref_squeeze %dma_wait3A_73 : memref<1x80xi32, #tpu.memory_space<vmem>> -> memref<80xi32, #tpu.memory_space<vmem>>
    %dma_wait3A_75 = arith.constant 0 : i32
    %dma_wait3A_76 = arith.constant 0 : i32
    %dma_wait3A_77 = tpu.memref_slice %arg4[%dma_wait3A_75, %dma_wait3A_76] : memref<10000x128xf32, #tpu.memory_space<hbm>> -> memref<10000x128xf32, #tpu.memory_space<hbm>>
    tpu.wait_indirect_dma semaphore(%arg12 : memref<!tpu.dma_semaphore, #tpu.memory_space<semaphore_mem>>) src(%dma_wait3A_77 : memref<10000x128xf32, #tpu.memory_space<hbm>>) dst(%dma_wait3A_71 : memref<80x128xf32, #tpu.memory_space<vmem>>)
    %dma_wait3A_78 = arith.constant 1 : i32
    %dma_wait3A_79 = arith.constant 80 : i32
    %dma_wait3A_80 = arith.constant 0 : i32
    %dma_wait3A_81 = tpu.memref_slice %arg9[%dma_wait3A_79, %dma_wait3A_80] : memref<400x128xf32, #tpu.memory_space<vmem>> -> memref<80x128xf32, #tpu.memory_space<vmem>>
    %dma_wait3A_82 = arith.constant 0 : i32
    %dma_wait3A_83 = tpu.memref_slice %arg7[%dma_wait3A_78, %dma_wait3A_82] : memref<5x80xi32, #tpu.memory_space<vmem>> -> memref<1x80xi32, #tpu.memory_space<vmem>>
    %dma_wait3A_84 = tpu.memref_squeeze %dma_wait3A_83 : memref<1x80xi32, #tpu.memory_space<vmem>> -> memref<80xi32, #tpu.memory_space<vmem>>
    %dma_wait3A_85 = arith.constant 0 : i32
    %dma_wait3A_86 = arith.constant 0 : i32
    %dma_wait3A_87 = tpu.memref_slice %arg4[%dma_wait3A_85, %dma_wait3A_86] : memref<10000x128xf32, #tpu.memory_space<hbm>> -> memref<10000x128xf32, #tpu.memory_space<hbm>>
    tpu.wait_indirect_dma semaphore(%arg11 : memref<!tpu.dma_semaphore, #tpu.memory_space<semaphore_mem>>) src(%dma_wait3A_87 : memref<10000x128xf32, #tpu.memory_space<hbm>>) dst(%dma_wait3A_81 : memref<80x128xf32, #tpu.memory_space<vmem>>)
    %dma_wait3A_88 = arith.constant 1 : i32
    %dma_wait3A_89 = arith.constant 80 : i32
    %dma_wait3A_90 = arith.constant 0 : i32
    %dma_wait3A_91 = tpu.memref_slice %arg10[%dma_wait3A_89, %dma_wait3A_90] : memref<400x128xf32, #tpu.memory_space<vmem>> -> memref<80x128xf32, #tpu.memory_space<vmem>>
    %dma_wait3A_92 = arith.constant 0 : i32
    %dma_wait3A_93 = tpu.memref_slice %arg8[%dma_wait3A_88, %dma_wait3A_92] : memref<5x80xi32, #tpu.memory_space<vmem>> -> memref<1x80xi32, #tpu.memory_space<vmem>>
    %dma_wait3A_94 = tpu.memref_squeeze %dma_wait3A_93 : memref<1x80xi32, #tpu.memory_space<vmem>> -> memref<80xi32, #tpu.memory_space<vmem>>
    %dma_wait3A_95 = arith.constant 0 : i32
    %dma_wait3A_96 = arith.constant 0 : i32
    %dma_wait3A_97 = tpu.memref_slice %arg4[%dma_wait3A_95, %dma_wait3A_96] : memref<10000x128xf32, #tpu.memory_space<hbm>> -> memref<10000x128xf32, #tpu.memory_space<hbm>>
    tpu.wait_indirect_dma semaphore(%arg12 : memref<!tpu.dma_semaphore, #tpu.memory_space<semaphore_mem>>) src(%dma_wait3A_97 : memref<10000x128xf32, #tpu.memory_space<hbm>>) dst(%dma_wait3A_91 : memref<80x128xf32, #tpu.memory_space<vmem>>)
    "tpu.region"() ({
      %run_scoped3A_98 = tpu.sem_alloc : memref<!tpu.dma_semaphore, #tpu.memory_space<semaphore_mem>>
      %dma_start3A_99 = arith.constant 0 : i32
      %dma_start3A_100 = arith.constant 0 : i32
      %dma_start3A_101 = tpu.memref_slice %arg9[%dma_start3A_99, %dma_start3A_100] : memref<400x128xf32, #tpu.memory_space<vmem>> -> memref<160x128xf32, #tpu.memory_space<vmem>>
      %dma_start3A_102 = arith.constant 0 : i32
      %dma_start3A_103 = tpu.memref_slice %arg5[%add3A_8, %dma_start3A_102] : memref<158720x128xf32, #tpu.memory_space<hbm>> -> memref<160x128xf32, #tpu.memory_space<hbm>>
      %dma_start3A_104 = arith.constant 0 : i32
      %dma_start3A_105 = tpu.memref_slice %arg5[%add3A_8, %dma_start3A_104] : memref<158720x128xf32, #tpu.memory_space<hbm>> -> memref<160x128xf32, #tpu.memory_space<hbm>>
      %dma_start3A_106 = arith.constant 0 : i32
      %dma_start3A_107 = arith.constant 0 : i32
      %dma_start3A_108 = tpu.memref_slice %arg9[%dma_start3A_106, %dma_start3A_107] : memref<400x128xf32, #tpu.memory_space<vmem>> -> memref<160x128xf32, #tpu.memory_space<vmem>>
      tpu.enqueue_dma source(%dma_start3A_108 : memref<160x128xf32, #tpu.memory_space<vmem>>) target(%dma_start3A_105 : memref<160x128xf32, #tpu.memory_space<hbm>>) target_semaphore(%run_scoped3A_98 : memref<!tpu.dma_semaphore, #tpu.memory_space<semaphore_mem>>)
      %dma_wait3A_109 = arith.constant 0 : i32
      %dma_wait3A_110 = arith.constant 0 : i32
      %dma_wait3A_111 = tpu.memref_slice %arg9[%dma_wait3A_109, %dma_wait3A_110] : memref<400x128xf32, #tpu.memory_space<vmem>> -> memref<160x128xf32, #tpu.memory_space<vmem>>
      %dma_wait3A_112 = arith.constant 0 : i32
      %dma_wait3A_113 = tpu.memref_slice %arg5[%add3A_8, %dma_wait3A_112] : memref<158720x128xf32, #tpu.memory_space<hbm>> -> memref<160x128xf32, #tpu.memory_space<hbm>>
      %dma_wait3A_114 = arith.constant 0 : i32
      %dma_wait3A_115 = tpu.memref_slice %arg5[%add3A_8, %dma_wait3A_114] : memref<158720x128xf32, #tpu.memory_space<hbm>> -> memref<160x128xf32, #tpu.memory_space<hbm>>
      %dma_wait3A_116 = arith.constant 0 : i32
      %dma_wait3A_117 = arith.constant 0 : i32
      %dma_wait3A_118 = tpu.memref_slice %arg9[%dma_wait3A_116, %dma_wait3A_117] : memref<400x128xf32, #tpu.memory_space<vmem>> -> memref<160x128xf32, #tpu.memory_space<vmem>>
      tpu.wait_dma2 semaphore(%run_scoped3A_98 : memref<!tpu.dma_semaphore, #tpu.memory_space<semaphore_mem>>) src(%dma_wait3A_118 : memref<160x128xf32, #tpu.memory_space<vmem>>) dst(%dma_wait3A_115 : memref<160x128xf32, #tpu.memory_space<hbm>>)
      tpu.yield
    }) : () -> ()
    "tpu.region"() ({
      %run_scoped3A_98 = tpu.sem_alloc : memref<!tpu.dma_semaphore, #tpu.memory_space<semaphore_mem>>
      %dma_start3A_99 = arith.constant 0 : i32
      %dma_start3A_100 = arith.constant 0 : i32
      %dma_start3A_101 = tpu.memref_slice %arg10[%dma_start3A_99, %dma_start3A_100] : memref<400x128xf32, #tpu.memory_space<vmem>> -> memref<160x128xf32, #tpu.memory_space<vmem>>
      %dma_start3A_102 = arith.constant 0 : i32
      %dma_start3A_103 = tpu.memref_slice %arg6[%add3A_8, %dma_start3A_102] : memref<158720x128xf32, #tpu.memory_space<hbm>> -> memref<160x128xf32, #tpu.memory_space<hbm>>
      %dma_start3A_104 = arith.constant 0 : i32
      %dma_start3A_105 = tpu.memref_slice %arg6[%add3A_8, %dma_start3A_104] : memref<158720x128xf32, #tpu.memory_space<hbm>> -> memref<160x128xf32, #tpu.memory_space<hbm>>
      %dma_start3A_106 = arith.constant 0 : i32
      %dma_start3A_107 = arith.constant 0 : i32
      %dma_start3A_108 = tpu.memref_slice %arg10[%dma_start3A_106, %dma_start3A_107] : memref<400x128xf32, #tpu.memory_space<vmem>> -> memref<160x128xf32, #tpu.memory_space<vmem>>
      tpu.enqueue_dma source(%dma_start3A_108 : memref<160x128xf32, #tpu.memory_space<vmem>>) target(%dma_start3A_105 : memref<160x128xf32, #tpu.memory_space<hbm>>) target_semaphore(%run_scoped3A_98 : memref<!tpu.dma_semaphore, #tpu.memory_space<semaphore_mem>>)
      %dma_wait3A_109 = arith.constant 0 : i32
      %dma_wait3A_110 = arith.constant 0 : i32
      %dma_wait3A_111 = tpu.memref_slice %arg10[%dma_wait3A_109, %dma_wait3A_110] : memref<400x128xf32, #tpu.memory_space<vmem>> -> memref<160x128xf32, #tpu.memory_space<vmem>>
      %dma_wait3A_112 = arith.constant 0 : i32
      %dma_wait3A_113 = tpu.memref_slice %arg6[%add3A_8, %dma_wait3A_112] : memref<158720x128xf32, #tpu.memory_space<hbm>> -> memref<160x128xf32, #tpu.memory_space<hbm>>
      %dma_wait3A_114 = arith.constant 0 : i32
      %dma_wait3A_115 = tpu.memref_slice %arg6[%add3A_8, %dma_wait3A_114] : memref<158720x128xf32, #tpu.memory_space<hbm>> -> memref<160x128xf32, #tpu.memory_space<hbm>>
      %dma_wait3A_116 = arith.constant 0 : i32
      %dma_wait3A_117 = arith.constant 0 : i32
      %dma_wait3A_118 = tpu.memref_slice %arg10[%dma_wait3A_116, %dma_wait3A_117] : memref<400x128xf32, #tpu.memory_space<vmem>> -> memref<160x128xf32, #tpu.memory_space<vmem>>
      tpu.wait_dma2 semaphore(%run_scoped3A_98 : memref<!tpu.dma_semaphore, #tpu.memory_space<semaphore_mem>>) src(%dma_wait3A_118 : memref<160x128xf32, #tpu.memory_space<vmem>>) dst(%dma_wait3A_115 : memref<160x128xf32, #tpu.memory_space<hbm>>)
      tpu.yield
    }) : () -> ()
    return
  }
}

#map = affine_map<(d0, d1) -> (0)>
#map1 = affine_map<(d0, d1) -> (0, 0)>
#map2 = affine_map<(d0, d1) -> (0, 0, 0)>
module attributes {stable_mosaic.version = 14 : i64} {
  func.func @scatter_k(%arg0: i32, %arg1: i32, %arg2: memref<161280xi32, #tpu.memory_space<hbm>>, %arg3: memref<161280x128xf32, #tpu.memory_space<hbm>>, %arg4: memref<640x128xf32, #tpu.memory_space<hbm>>, %arg5: memref<2x10240x128xf32, #tpu.memory_space<hbm>>, %arg6: memref<112xi32, #tpu.memory_space<vmem>>, %arg7: memref<112x128xf32, #tpu.memory_space<vmem>>, %arg8: memref<10240x128xf32, #tpu.memory_space<vmem_shared>>) attributes {dimension_semantics = [#tpu.dimension_semantics<core_parallel>, #tpu.dimension_semantics<subcore_parallel>], iteration_bounds = array<i64: 2, 16>, scalar_prefetch = 0 : i64, scratch_operands = 3 : i64, tpu.core_type = #tpu.core_type<sc_vector_subcore>, window_params = [{transform_indices = #map}, {transform_indices = #map1}, {transform_indices = #map1}, {transform_indices = #map2}]} {
    %mul3A = arith.constant 640 : i32
    %mul3A_0 = arith.muli %arg1, %mul3A : i32
    "tpu.region"() ({
      %run_scoped3A = tpu.sem_alloc : memref<!tpu.dma_semaphore, #tpu.memory_space<semaphore_mem>>
      %dma_start3A = arith.constant 0 : i32
      %dma_start3A_10 = tpu.memref_slice %arg8[%mul3A_0, %dma_start3A] : memref<10240x128xf32, #tpu.memory_space<vmem_shared>> -> memref<640x128xf32, #tpu.memory_space<vmem_shared>>
      tpu.enqueue_dma source(%arg4 : memref<640x128xf32, #tpu.memory_space<hbm>>) target(%dma_start3A_10 : memref<640x128xf32, #tpu.memory_space<vmem_shared>>) target_semaphore(%run_scoped3A : memref<!tpu.dma_semaphore, #tpu.memory_space<semaphore_mem>>)
      %dma_wait3A = arith.constant 0 : i32
      %dma_wait3A_11 = tpu.memref_slice %arg8[%mul3A_0, %dma_wait3A] : memref<10240x128xf32, #tpu.memory_space<vmem_shared>> -> memref<640x128xf32, #tpu.memory_space<vmem_shared>>
      tpu.wait_dma2 semaphore(%run_scoped3A : memref<!tpu.dma_semaphore, #tpu.memory_space<semaphore_mem>>) src(%arg4 : memref<640x128xf32, #tpu.memory_space<hbm>>) dst(%dma_wait3A_11 : memref<640x128xf32, #tpu.memory_space<vmem_shared>>)
      tpu.yield
    }) : () -> ()
    %barrier3A = arith.constant 0 : index
    tpu.barrier barrier_id(%barrier3A)
    %mul3A_1 = arith.constant 2 : i32
    %mul3A_2 = arith.muli %arg1, %mul3A_1 : i32
    %add3A = arith.addi %mul3A_2, %arg0 : i32
    %mul3A_3 = arith.constant 5040 : i32
    %mul3A_4 = arith.muli %add3A, %mul3A_3 : i32
    %scan3A = arith.constant 0 : i32
    %scan3A_5 = arith.constant 45 : i32
    %scan3A_6 = arith.addi %scan3A, %scan3A_5 : i32
    %scan3A_7 = arith.constant 1 : i32
    scf.for %scan3A_10 = %scan3A to %scan3A_6 step %scan3A_7  : i32 {
      %mul3A_11 = arith.constant 1 : i32
      %mul3A_12 = arith.muli %scan3A_10, %mul3A_11 : i32
      %add3A_13 = arith.constant 0 : i32
      %add3A_14 = arith.addi %add3A_13, %mul3A_12 : i32
      %mul3A_15 = arith.constant 112 : i32
      %mul3A_16 = arith.muli %add3A_14, %mul3A_15 : i32
      %add3A_17 = arith.addi %mul3A_4, %mul3A_16 : i32
      "tpu.region"() ({
        %run_scoped3A = tpu.sem_alloc : memref<!tpu.dma_semaphore, #tpu.memory_space<semaphore_mem>>
        %dma_start3A = tpu.memref_slice %arg2[%add3A_17] : memref<161280xi32, #tpu.memory_space<hbm>> -> memref<112xi32, #tpu.memory_space<hbm>>
        %dma_start3A_18 = tpu.memref_slice %arg2[%add3A_17] : memref<161280xi32, #tpu.memory_space<hbm>> -> memref<112xi32, #tpu.memory_space<hbm>>
        tpu.enqueue_dma source(%dma_start3A_18 : memref<112xi32, #tpu.memory_space<hbm>>) target(%arg6 : memref<112xi32, #tpu.memory_space<vmem>>) target_semaphore(%run_scoped3A : memref<!tpu.dma_semaphore, #tpu.memory_space<semaphore_mem>>)
        %dma_wait3A = tpu.memref_slice %arg2[%add3A_17] : memref<161280xi32, #tpu.memory_space<hbm>> -> memref<112xi32, #tpu.memory_space<hbm>>
        %dma_wait3A_19 = tpu.memref_slice %arg2[%add3A_17] : memref<161280xi32, #tpu.memory_space<hbm>> -> memref<112xi32, #tpu.memory_space<hbm>>
        tpu.wait_dma2 semaphore(%run_scoped3A : memref<!tpu.dma_semaphore, #tpu.memory_space<semaphore_mem>>) src(%dma_wait3A_19 : memref<112xi32, #tpu.memory_space<hbm>>) dst(%arg6 : memref<112xi32, #tpu.memory_space<vmem>>)
        tpu.yield
      }) : () -> ()
      "tpu.region"() ({
        %run_scoped3A = tpu.sem_alloc : memref<!tpu.dma_semaphore, #tpu.memory_space<semaphore_mem>>
        %dma_start3A = arith.constant 0 : i32
        %dma_start3A_18 = tpu.memref_slice %arg3[%add3A_17, %dma_start3A] : memref<161280x128xf32, #tpu.memory_space<hbm>> -> memref<112x128xf32, #tpu.memory_space<hbm>>
        %dma_start3A_19 = arith.constant 0 : i32
        %dma_start3A_20 = tpu.memref_slice %arg3[%add3A_17, %dma_start3A_19] : memref<161280x128xf32, #tpu.memory_space<hbm>> -> memref<112x128xf32, #tpu.memory_space<hbm>>
        tpu.enqueue_dma source(%dma_start3A_20 : memref<112x128xf32, #tpu.memory_space<hbm>>) target(%arg7 : memref<112x128xf32, #tpu.memory_space<vmem>>) target_semaphore(%run_scoped3A : memref<!tpu.dma_semaphore, #tpu.memory_space<semaphore_mem>>)
        %dma_wait3A = arith.constant 0 : i32
        %dma_wait3A_21 = tpu.memref_slice %arg3[%add3A_17, %dma_wait3A] : memref<161280x128xf32, #tpu.memory_space<hbm>> -> memref<112x128xf32, #tpu.memory_space<hbm>>
        %dma_wait3A_22 = arith.constant 0 : i32
        %dma_wait3A_23 = tpu.memref_slice %arg3[%add3A_17, %dma_wait3A_22] : memref<161280x128xf32, #tpu.memory_space<hbm>> -> memref<112x128xf32, #tpu.memory_space<hbm>>
        tpu.wait_dma2 semaphore(%run_scoped3A : memref<!tpu.dma_semaphore, #tpu.memory_space<semaphore_mem>>) src(%dma_wait3A_23 : memref<112x128xf32, #tpu.memory_space<hbm>>) dst(%arg7 : memref<112x128xf32, #tpu.memory_space<vmem>>)
        tpu.yield
      }) : () -> ()
      "tpu.region"() ({
        %run_scoped3A = tpu.sem_alloc : memref<!tpu.dma_semaphore, #tpu.memory_space<semaphore_mem>>
        %dma_start3A = arith.constant 0 : i32
        %dma_start3A_18 = arith.constant 0 : i32
        %dma_start3A_19 = tpu.memref_slice %arg8[%dma_start3A, %dma_start3A_18] : memref<10240x128xf32, #tpu.memory_space<vmem_shared>> -> memref<10240x128xf32, #tpu.memory_space<vmem_shared>>
        tpu.enqueue_indirect_dma source(%arg7 : memref<112x128xf32, #tpu.memory_space<vmem>>) target(%dma_start3A_19 : memref<10240x128xf32, #tpu.memory_space<vmem_shared>>) offsets(%arg6 : memref<112xi32, #tpu.memory_space<vmem>>) semaphore(%run_scoped3A : memref<!tpu.dma_semaphore, #tpu.memory_space<semaphore_mem>>) {add = true}
        %dma_wait3A = arith.constant 0 : i32
        %dma_wait3A_20 = arith.constant 0 : i32
        %dma_wait3A_21 = tpu.memref_slice %arg8[%dma_wait3A, %dma_wait3A_20] : memref<10240x128xf32, #tpu.memory_space<vmem_shared>> -> memref<10240x128xf32, #tpu.memory_space<vmem_shared>>
        tpu.wait_indirect_dma semaphore(%run_scoped3A : memref<!tpu.dma_semaphore, #tpu.memory_space<semaphore_mem>>) src(%arg7 : memref<112x128xf32, #tpu.memory_space<vmem>>) dst(%dma_wait3A_21 : memref<10240x128xf32, #tpu.memory_space<vmem_shared>>)
        tpu.yield
      }) : () -> ()
    }
    %scan3A_8 = arith.constant 45 : i32
    %barrier3A_9 = arith.constant 0 : index
    tpu.barrier barrier_id(%barrier3A_9)
    "tpu.region"() ({
      %run_scoped3A = tpu.sem_alloc : memref<!tpu.dma_semaphore, #tpu.memory_space<semaphore_mem>>
      %dma_start3A = arith.constant 0 : i32
      %dma_start3A_10 = tpu.memref_slice %arg5[%arg0, %mul3A_0, %dma_start3A] : memref<2x10240x128xf32, #tpu.memory_space<hbm>> -> memref<1x640x128xf32, #tpu.memory_space<hbm>>
      %dma_start3A_11 = tpu.memref_squeeze %dma_start3A_10 : memref<1x640x128xf32, #tpu.memory_space<hbm>> -> memref<640x128xf32, #tpu.memory_space<hbm>>
      %dma_start3A_12 = arith.constant 0 : i32
      %dma_start3A_13 = tpu.memref_slice %arg8[%mul3A_0, %dma_start3A_12] : memref<10240x128xf32, #tpu.memory_space<vmem_shared>> -> memref<640x128xf32, #tpu.memory_space<vmem_shared>>
      tpu.enqueue_dma source(%dma_start3A_13 : memref<640x128xf32, #tpu.memory_space<vmem_shared>>) target(%dma_start3A_11 : memref<640x128xf32, #tpu.memory_space<hbm>>) target_semaphore(%run_scoped3A : memref<!tpu.dma_semaphore, #tpu.memory_space<semaphore_mem>>)
      %dma_wait3A = arith.constant 0 : i32
      %dma_wait3A_14 = tpu.memref_slice %arg5[%arg0, %mul3A_0, %dma_wait3A] : memref<2x10240x128xf32, #tpu.memory_space<hbm>> -> memref<1x640x128xf32, #tpu.memory_space<hbm>>
      %dma_wait3A_15 = tpu.memref_squeeze %dma_wait3A_14 : memref<1x640x128xf32, #tpu.memory_space<hbm>> -> memref<640x128xf32, #tpu.memory_space<hbm>>
      %dma_wait3A_16 = arith.constant 0 : i32
      %dma_wait3A_17 = tpu.memref_slice %arg8[%mul3A_0, %dma_wait3A_16] : memref<10240x128xf32, #tpu.memory_space<vmem_shared>> -> memref<640x128xf32, #tpu.memory_space<vmem_shared>>
      tpu.wait_dma2 semaphore(%run_scoped3A : memref<!tpu.dma_semaphore, #tpu.memory_space<semaphore_mem>>) src(%dma_wait3A_17 : memref<640x128xf32, #tpu.memory_space<vmem_shared>>) dst(%dma_wait3A_15 : memref<640x128xf32, #tpu.memory_space<hbm>>)
      tpu.yield
    }) : () -> ()
    return
  }
}

#map = affine_map<(d0, d1) -> (0)>
#map1 = affine_map<(d0, d1) -> (0, 0)>
#map2 = affine_map<(d0, d1) -> (0, 0, 0)>
module attributes {stable_mosaic.version = 14 : i64} {
  func.func @scatter_k(%arg0: i32, %arg1: i32, %arg2: memref<158720xi32, #tpu.memory_space<hbm>>, %arg3: memref<158720x128xf32, #tpu.memory_space<hbm>>, %arg4: memref<640x128xf32, #tpu.memory_space<hbm>>, %arg5: memref<2x10240x128xf32, #tpu.memory_space<hbm>>, %arg6: memref<80xi32, #tpu.memory_space<vmem>>, %arg7: memref<80x128xf32, #tpu.memory_space<vmem>>, %arg8: memref<10240x128xf32, #tpu.memory_space<vmem_shared>>) attributes {dimension_semantics = [#tpu.dimension_semantics<core_parallel>, #tpu.dimension_semantics<subcore_parallel>], iteration_bounds = array<i64: 2, 16>, scalar_prefetch = 0 : i64, scratch_operands = 3 : i64, tpu.core_type = #tpu.core_type<sc_vector_subcore>, window_params = [{transform_indices = #map}, {transform_indices = #map1}, {transform_indices = #map1}, {transform_indices = #map2}]} {
    %mul3A = arith.constant 640 : i32
    %mul3A_0 = arith.muli %arg1, %mul3A : i32
    "tpu.region"() ({
      %run_scoped3A = tpu.sem_alloc : memref<!tpu.dma_semaphore, #tpu.memory_space<semaphore_mem>>
      %dma_start3A = arith.constant 0 : i32
      %dma_start3A_10 = tpu.memref_slice %arg8[%mul3A_0, %dma_start3A] : memref<10240x128xf32, #tpu.memory_space<vmem_shared>> -> memref<640x128xf32, #tpu.memory_space<vmem_shared>>
      tpu.enqueue_dma source(%arg4 : memref<640x128xf32, #tpu.memory_space<hbm>>) target(%dma_start3A_10 : memref<640x128xf32, #tpu.memory_space<vmem_shared>>) target_semaphore(%run_scoped3A : memref<!tpu.dma_semaphore, #tpu.memory_space<semaphore_mem>>)
      %dma_wait3A = arith.constant 0 : i32
      %dma_wait3A_11 = tpu.memref_slice %arg8[%mul3A_0, %dma_wait3A] : memref<10240x128xf32, #tpu.memory_space<vmem_shared>> -> memref<640x128xf32, #tpu.memory_space<vmem_shared>>
      tpu.wait_dma2 semaphore(%run_scoped3A : memref<!tpu.dma_semaphore, #tpu.memory_space<semaphore_mem>>) src(%arg4 : memref<640x128xf32, #tpu.memory_space<hbm>>) dst(%dma_wait3A_11 : memref<640x128xf32, #tpu.memory_space<vmem_shared>>)
      tpu.yield
    }) : () -> ()
    %barrier3A = arith.constant 0 : index
    tpu.barrier barrier_id(%barrier3A)
    %mul3A_1 = arith.constant 2 : i32
    %mul3A_2 = arith.muli %arg1, %mul3A_1 : i32
    %add3A = arith.addi %mul3A_2, %arg0 : i32
    %mul3A_3 = arith.constant 4960 : i32
    %mul3A_4 = arith.muli %add3A, %mul3A_3 : i32
    %scan3A = arith.constant 0 : i32
    %scan3A_5 = arith.constant 62 : i32
    %scan3A_6 = arith.addi %scan3A, %scan3A_5 : i32
    %scan3A_7 = arith.constant 1 : i32
    scf.for %scan3A_10 = %scan3A to %scan3A_6 step %scan3A_7  : i32 {
      %mul3A_11 = arith.constant 1 : i32
      %mul3A_12 = arith.muli %scan3A_10, %mul3A_11 : i32
      %add3A_13 = arith.constant 0 : i32
      %add3A_14 = arith.addi %add3A_13, %mul3A_12 : i32
      %mul3A_15 = arith.constant 80 : i32
      %mul3A_16 = arith.muli %add3A_14, %mul3A_15 : i32
      %add3A_17 = arith.addi %mul3A_4, %mul3A_16 : i32
      "tpu.region"() ({
        %run_scoped3A = tpu.sem_alloc : memref<!tpu.dma_semaphore, #tpu.memory_space<semaphore_mem>>
        %dma_start3A = tpu.memref_slice %arg2[%add3A_17] : memref<158720xi32, #tpu.memory_space<hbm>> -> memref<80xi32, #tpu.memory_space<hbm>>
        %dma_start3A_18 = tpu.memref_slice %arg2[%add3A_17] : memref<158720xi32, #tpu.memory_space<hbm>> -> memref<80xi32, #tpu.memory_space<hbm>>
        tpu.enqueue_dma source(%dma_start3A_18 : memref<80xi32, #tpu.memory_space<hbm>>) target(%arg6 : memref<80xi32, #tpu.memory_space<vmem>>) target_semaphore(%run_scoped3A : memref<!tpu.dma_semaphore, #tpu.memory_space<semaphore_mem>>)
        %dma_wait3A = tpu.memref_slice %arg2[%add3A_17] : memref<158720xi32, #tpu.memory_space<hbm>> -> memref<80xi32, #tpu.memory_space<hbm>>
        %dma_wait3A_19 = tpu.memref_slice %arg2[%add3A_17] : memref<158720xi32, #tpu.memory_space<hbm>> -> memref<80xi32, #tpu.memory_space<hbm>>
        tpu.wait_dma2 semaphore(%run_scoped3A : memref<!tpu.dma_semaphore, #tpu.memory_space<semaphore_mem>>) src(%dma_wait3A_19 : memref<80xi32, #tpu.memory_space<hbm>>) dst(%arg6 : memref<80xi32, #tpu.memory_space<vmem>>)
        tpu.yield
      }) : () -> ()
      "tpu.region"() ({
        %run_scoped3A = tpu.sem_alloc : memref<!tpu.dma_semaphore, #tpu.memory_space<semaphore_mem>>
        %dma_start3A = arith.constant 0 : i32
        %dma_start3A_18 = tpu.memref_slice %arg3[%add3A_17, %dma_start3A] : memref<158720x128xf32, #tpu.memory_space<hbm>> -> memref<80x128xf32, #tpu.memory_space<hbm>>
        %dma_start3A_19 = arith.constant 0 : i32
        %dma_start3A_20 = tpu.memref_slice %arg3[%add3A_17, %dma_start3A_19] : memref<158720x128xf32, #tpu.memory_space<hbm>> -> memref<80x128xf32, #tpu.memory_space<hbm>>
        tpu.enqueue_dma source(%dma_start3A_20 : memref<80x128xf32, #tpu.memory_space<hbm>>) target(%arg7 : memref<80x128xf32, #tpu.memory_space<vmem>>) target_semaphore(%run_scoped3A : memref<!tpu.dma_semaphore, #tpu.memory_space<semaphore_mem>>)
        %dma_wait3A = arith.constant 0 : i32
        %dma_wait3A_21 = tpu.memref_slice %arg3[%add3A_17, %dma_wait3A] : memref<158720x128xf32, #tpu.memory_space<hbm>> -> memref<80x128xf32, #tpu.memory_space<hbm>>
        %dma_wait3A_22 = arith.constant 0 : i32
        %dma_wait3A_23 = tpu.memref_slice %arg3[%add3A_17, %dma_wait3A_22] : memref<158720x128xf32, #tpu.memory_space<hbm>> -> memref<80x128xf32, #tpu.memory_space<hbm>>
        tpu.wait_dma2 semaphore(%run_scoped3A : memref<!tpu.dma_semaphore, #tpu.memory_space<semaphore_mem>>) src(%dma_wait3A_23 : memref<80x128xf32, #tpu.memory_space<hbm>>) dst(%arg7 : memref<80x128xf32, #tpu.memory_space<vmem>>)
        tpu.yield
      }) : () -> ()
      "tpu.region"() ({
        %run_scoped3A = tpu.sem_alloc : memref<!tpu.dma_semaphore, #tpu.memory_space<semaphore_mem>>
        %dma_start3A = arith.constant 0 : i32
        %dma_start3A_18 = arith.constant 0 : i32
        %dma_start3A_19 = tpu.memref_slice %arg8[%dma_start3A, %dma_start3A_18] : memref<10240x128xf32, #tpu.memory_space<vmem_shared>> -> memref<10240x128xf32, #tpu.memory_space<vmem_shared>>
        tpu.enqueue_indirect_dma source(%arg7 : memref<80x128xf32, #tpu.memory_space<vmem>>) target(%dma_start3A_19 : memref<10240x128xf32, #tpu.memory_space<vmem_shared>>) offsets(%arg6 : memref<80xi32, #tpu.memory_space<vmem>>) semaphore(%run_scoped3A : memref<!tpu.dma_semaphore, #tpu.memory_space<semaphore_mem>>) {add = true}
        %dma_wait3A = arith.constant 0 : i32
        %dma_wait3A_20 = arith.constant 0 : i32
        %dma_wait3A_21 = tpu.memref_slice %arg8[%dma_wait3A, %dma_wait3A_20] : memref<10240x128xf32, #tpu.memory_space<vmem_shared>> -> memref<10240x128xf32, #tpu.memory_space<vmem_shared>>
        tpu.wait_indirect_dma semaphore(%run_scoped3A : memref<!tpu.dma_semaphore, #tpu.memory_space<semaphore_mem>>) src(%arg7 : memref<80x128xf32, #tpu.memory_space<vmem>>) dst(%dma_wait3A_21 : memref<10240x128xf32, #tpu.memory_space<vmem_shared>>)
        tpu.yield
      }) : () -> ()
    }
    %scan3A_8 = arith.constant 62 : i32
    %barrier3A_9 = arith.constant 0 : index
    tpu.barrier barrier_id(%barrier3A_9)
    "tpu.region"() ({
      %run_scoped3A = tpu.sem_alloc : memref<!tpu.dma_semaphore, #tpu.memory_space<semaphore_mem>>
      %dma_start3A = arith.constant 0 : i32
      %dma_start3A_10 = tpu.memref_slice %arg5[%arg0, %mul3A_0, %dma_start3A] : memref<2x10240x128xf32, #tpu.memory_space<hbm>> -> memref<1x640x128xf32, #tpu.memory_space<hbm>>
      %dma_start3A_11 = tpu.memref_squeeze %dma_start3A_10 : memref<1x640x128xf32, #tpu.memory_space<hbm>> -> memref<640x128xf32, #tpu.memory_space<hbm>>
      %dma_start3A_12 = arith.constant 0 : i32
      %dma_start3A_13 = tpu.memref_slice %arg8[%mul3A_0, %dma_start3A_12] : memref<10240x128xf32, #tpu.memory_space<vmem_shared>> -> memref<640x128xf32, #tpu.memory_space<vmem_shared>>
      tpu.enqueue_dma source(%dma_start3A_13 : memref<640x128xf32, #tpu.memory_space<vmem_shared>>) target(%dma_start3A_11 : memref<640x128xf32, #tpu.memory_space<hbm>>) target_semaphore(%run_scoped3A : memref<!tpu.dma_semaphore, #tpu.memory_space<semaphore_mem>>)
      %dma_wait3A = arith.constant 0 : i32
      %dma_wait3A_14 = tpu.memref_slice %arg5[%arg0, %mul3A_0, %dma_wait3A] : memref<2x10240x128xf32, #tpu.memory_space<hbm>> -> memref<1x640x128xf32, #tpu.memory_space<hbm>>
      %dma_wait3A_15 = tpu.memref_squeeze %dma_wait3A_14 : memref<1x640x128xf32, #tpu.memory_space<hbm>> -> memref<640x128xf32, #tpu.memory_space<hbm>>
      %dma_wait3A_16 = arith.constant 0 : i32
      %dma_wait3A_17 = tpu.memref_slice %arg8[%mul3A_0, %dma_wait3A_16] : memref<10240x128xf32, #tpu.memory_space<vmem_shared>> -> memref<640x128xf32, #tpu.memory_space<vmem_shared>>
      tpu.wait_dma2 semaphore(%run_scoped3A : memref<!tpu.dma_semaphore, #tpu.memory_space<semaphore_mem>>) src(%dma_wait3A_17 : memref<640x128xf32, #tpu.memory_space<vmem_shared>>) dst(%dma_wait3A_15 : memref<640x128xf32, #tpu.memory_space<hbm>>)
      tpu.yield
    }) : () -> ()
    return
  }
}

module attributes {stable_mosaic.version = 14 : i64} {
  func.func @_pre_body(%arg0: i32, %arg1: memref<2000x128xf32, #tpu.memory_space<vmem>>, %arg2: memref<2000x1xi32, #tpu.memory_space<vmem>>, %arg3: memref<16x32xf32, #tpu.memory_space<vmem>>, %arg4: memref<128x32xf32, #tpu.memory_space<vmem>>, %arg5: memref<128x32xf32, #tpu.memory_space<vmem>>, %arg6: memref<32x32xf32, #tpu.memory_space<vmem>>, %arg7: memref<128x32xf32, #tpu.memory_space<vmem>>, %arg8: memref<128x32xf32, #tpu.memory_space<vmem>>, %arg9: memref<32x32xf32, #tpu.memory_space<vmem>>, %arg10: memref<1x32xf32, #tpu.memory_space<vmem>>, %arg11: memref<1x32xf32, #tpu.memory_space<vmem>>, %arg12: memref<1x32xf32, #tpu.memory_space<vmem>>, %arg13: memref<2000x128xf32, #tpu.memory_space<vmem>>, %arg14: memref<2000x32xf32, #tpu.memory_space<vmem>>) attributes {dimension_semantics = [#tpu.dimension_semantics<arbitrary>], iteration_bounds = array<i64: 5>, scalar_prefetch = 0 : i64, scratch_operands = 0 : i64, tpu.core_type = #tpu.core_type<tc>, window_params = [{transform_indices = @transform_0, window_bounds = array<i64: 2000, 128>}, {transform_indices = @transform_1, window_bounds = array<i64: 2000, 1>}, {pipeline_mode = #tpu.pipeline_mode<synchronous>, transform_indices = @transform_2, window_bounds = array<i64: 16, 32>}, {pipeline_mode = #tpu.pipeline_mode<synchronous>, transform_indices = @transform_3, window_bounds = array<i64: 128, 32>}, {pipeline_mode = #tpu.pipeline_mode<synchronous>, transform_indices = @transform_4, window_bounds = array<i64: 128, 32>}, {pipeline_mode = #tpu.pipeline_mode<synchronous>, transform_indices = @transform_5, window_bounds = array<i64: 32, 32>}, {pipeline_mode = #tpu.pipeline_mode<synchronous>, transform_indices = @transform_6, window_bounds = array<i64: 128, 32>}, {pipeline_mode = #tpu.pipeline_mode<synchronous>, transform_indices = @transform_7, window_bounds = array<i64: 128, 32>}, {pipeline_mode = #tpu.pipeline_mode<synchronous>, transform_indices = @transform_8, window_bounds = array<i64: 32, 32>}, {pipeline_mode = #tpu.pipeline_mode<synchronous>, transform_indices = @transform_9, window_bounds = array<i64: 1, 32>}, {pipeline_mode = #tpu.pipeline_mode<synchronous>, transform_indices = @transform_10, window_bounds = array<i64: 1, 32>}, {pipeline_mode = #tpu.pipeline_mode<synchronous>, transform_indices = @transform_11, window_bounds = array<i64: 1, 32>}, {transform_indices = @transform_12, window_bounds = array<i64: 2000, 128>}, {transform_indices = @transform_13, window_bounds = array<i64: 2000, 32>}]} {
    %get3A = arith.constant 0 : index
    %get3A_0 = arith.constant 0 : index
    %get3A_1 = vector.load %arg1[%get3A, %get3A_0] : memref<2000x128xf32, #tpu.memory_space<vmem>>, vector<2000x128xf32>
    %get3A_2 = arith.constant 0 : index
    %get3A_3 = arith.constant 0 : index
    %get3A_4 = vector.load %arg2[%get3A_2, %get3A_3] : memref<2000x1xi32, #tpu.memory_space<vmem>>, vector<2000x1xi32>
    %iota3A = tpu.iota {dimensions = array<i32: 1>} : vector<2000x16xi32>
    %eq3A = vector.broadcast %get3A_4 : vector<2000x1xi32> to vector<2000x16xi32>
    %eq3A_5 = arith.cmpi eq, %eq3A, %iota3A : vector<2000x16xi32>
    %convert_element_type3A = arith.extui %eq3A_5 : vector<2000x16xi1> to vector<2000x16xi32>
    %convert_element_type3A_6 = arith.sitofp %convert_element_type3A : vector<2000x16xi32> to vector<2000x16xf32>
    %get3A_7 = arith.constant 0 : index
    %get3A_8 = arith.constant 0 : index
    %get3A_9 = vector.load %arg3[%get3A_7, %get3A_8] : memref<16x32xf32, #tpu.memory_space<vmem>>, vector<16x32xf32>
    %get3A_10 = arith.constant 0 : index
    %get3A_11 = arith.constant 0 : index
    %get3A_12 = vector.load %arg6[%get3A_10, %get3A_11] : memref<32x32xf32, #tpu.memory_space<vmem>>, vector<32x32xf32>
    %dot_general3A = arith.constant dense<0.000000e+00> : vector<16x32xf32>
    %dot_general3A_13 = tpu.matmul %get3A_9, %get3A_12, %dot_general3A {dimension_numbers = #tpu.dot_dimension_numbers<[1], [0], [0], [1], [0, 0, 1, 1], [], []>, precision = #tpu.contract_precision<fp32>, transpose_lhs_hint = false} : vector<16x32xf32>, vector<32x32xf32>, vector<16x32xf32> -> vector<16x32xf32>
    %get3A_14 = arith.constant 0 : index
    %get3A_15 = arith.constant 0 : index
    %get3A_16 = vector.load %arg3[%get3A_14, %get3A_15] : memref<16x32xf32, #tpu.memory_space<vmem>>, vector<16x32xf32>
    %get3A_17 = arith.constant 0 : index
    %get3A_18 = arith.constant 0 : index
    %get3A_19 = vector.load %arg9[%get3A_17, %get3A_18] : memref<32x32xf32, #tpu.memory_space<vmem>>, vector<32x32xf32>
    %dot_general3A_20 = arith.constant dense<0.000000e+00> : vector<16x32xf32>
    %dot_general3A_21 = tpu.matmul %get3A_16, %get3A_19, %dot_general3A_20 {dimension_numbers = #tpu.dot_dimension_numbers<[1], [0], [0], [1], [0, 0, 1, 1], [], []>, precision = #tpu.contract_precision<fp32>, transpose_lhs_hint = false} : vector<16x32xf32>, vector<32x32xf32>, vector<16x32xf32> -> vector<16x32xf32>
    %get3A_22 = arith.constant 0 : index
    %get3A_23 = arith.constant 0 : index
    %get3A_24 = vector.load %arg4[%get3A_22, %get3A_23] : memref<128x32xf32, #tpu.memory_space<vmem>>, vector<128x32xf32>
    %dot_general3A_25 = arith.constant dense<0.000000e+00> : vector<2000x32xf32>
    %dot_general3A_26 = tpu.matmul %get3A_1, %get3A_24, %dot_general3A_25 {dimension_numbers = #tpu.dot_dimension_numbers<[1], [0], [0], [1], [0, 0, 1, 1], [], []>, precision = #tpu.contract_precision<fp32>, transpose_lhs_hint = false} : vector<2000x128xf32>, vector<128x32xf32>, vector<2000x32xf32> -> vector<2000x32xf32>
    %dot_general3A_27 = arith.constant dense<0.000000e+00> : vector<2000x32xf32>
    %dot_general3A_28 = tpu.matmul %convert_element_type3A_6, %dot_general3A_13, %dot_general3A_27 {dimension_numbers = #tpu.dot_dimension_numbers<[1], [0], [0], [1], [0, 0, 1, 1], [], []>, precision = #tpu.contract_precision<fp32>, transpose_lhs_hint = false} : vector<2000x16xf32>, vector<16x32xf32>, vector<2000x32xf32> -> vector<2000x32xf32>
    %add3A = arith.addf %dot_general3A_26, %dot_general3A_28 : vector<2000x32xf32>
    %get3A_29 = arith.constant 0 : index
    %get3A_30 = arith.constant 0 : index
    %get3A_31 = vector.load %arg10[%get3A_29, %get3A_30] : memref<1x32xf32, #tpu.memory_space<vmem>>, vector<1x32xf32>
    %add3A_32 = vector.broadcast %get3A_31 : vector<1x32xf32> to vector<2000x32xf32>
    %add3A_33 = arith.addf %add3A, %add3A_32 : vector<2000x32xf32>
    %get3A_34 = arith.constant 0 : index
    %get3A_35 = arith.constant 0 : index
    %get3A_36 = vector.load %arg5[%get3A_34, %get3A_35] : memref<128x32xf32, #tpu.memory_space<vmem>>, vector<128x32xf32>
    %dot_general3A_37 = arith.constant dense<0.000000e+00> : vector<2000x32xf32>
    %dot_general3A_38 = tpu.matmul %get3A_1, %get3A_36, %dot_general3A_37 {dimension_numbers = #tpu.dot_dimension_numbers<[1], [0], [0], [1], [0, 0, 1, 1], [], []>, precision = #tpu.contract_precision<fp32>, transpose_lhs_hint = false} : vector<2000x128xf32>, vector<128x32xf32>, vector<2000x32xf32> -> vector<2000x32xf32>
    %get3A_39 = arith.constant 0 : index
    %get3A_40 = arith.constant 0 : index
    %get3A_41 = vector.load %arg7[%get3A_39, %get3A_40] : memref<128x32xf32, #tpu.memory_space<vmem>>, vector<128x32xf32>
    %dot_general3A_42 = arith.constant dense<0.000000e+00> : vector<2000x32xf32>
    %dot_general3A_43 = tpu.matmul %get3A_1, %get3A_41, %dot_general3A_42 {dimension_numbers = #tpu.dot_dimension_numbers<[1], [0], [0], [1], [0, 0, 1, 1], [], []>, precision = #tpu.contract_precision<fp32>, transpose_lhs_hint = false} : vector<2000x128xf32>, vector<128x32xf32>, vector<2000x32xf32> -> vector<2000x32xf32>
    %get3A_44 = arith.constant 0 : index
    %get3A_45 = arith.constant 0 : index
    %get3A_46 = vector.load %arg11[%get3A_44, %get3A_45] : memref<1x32xf32, #tpu.memory_space<vmem>>, vector<1x32xf32>
    %add3A_47 = vector.broadcast %get3A_46 : vector<1x32xf32> to vector<2000x32xf32>
    %add3A_48 = arith.addf %dot_general3A_43, %add3A_47 : vector<2000x32xf32>
    %broadcast_in_dim3A = arith.constant 0.000000e+00 : f32
    %broadcast_in_dim3A_49 = vector.broadcast %broadcast_in_dim3A : f32 to vector<2000x32xf32>
    %concatenate3A = tpu.concatenate %add3A_33, %dot_general3A_38, %add3A_48, %broadcast_in_dim3A_49 in 1 : vector<2000x32xf32>, vector<2000x32xf32>, vector<2000x32xf32>, vector<2000x32xf32> -> vector<2000x128xf32>
    %swap3A = arith.constant 0 : index
    %swap3A_50 = arith.constant 0 : index
    %swap3A_51 = vector.load %arg13[%swap3A, %swap3A_50] : memref<2000x128xf32, #tpu.memory_space<vmem>>, vector<2000x128xf32>
    tpu.vector_store %arg13[%swap3A, %swap3A_50], %concatenate3A {strides = array<i32>} : memref<2000x128xf32, #tpu.memory_space<vmem>>, vector<2000x128xf32>,
    %get3A_52 = arith.constant 0 : index
    %get3A_53 = arith.constant 0 : index
    %get3A_54 = vector.load %arg8[%get3A_52, %get3A_53] : memref<128x32xf32, #tpu.memory_space<vmem>>, vector<128x32xf32>
    %dot_general3A_55 = arith.constant dense<0.000000e+00> : vector<2000x32xf32>
    %dot_general3A_56 = tpu.matmul %get3A_1, %get3A_54, %dot_general3A_55 {dimension_numbers = #tpu.dot_dimension_numbers<[1], [0], [0], [1], [0, 0, 1, 1], [], []>, precision = #tpu.contract_precision<fp32>, transpose_lhs_hint = false} : vector<2000x128xf32>, vector<128x32xf32>, vector<2000x32xf32> -> vector<2000x32xf32>
    %dot_general3A_57 = arith.constant dense<0.000000e+00> : vector<2000x32xf32>
    %dot_general3A_58 = tpu.matmul %convert_element_type3A_6, %dot_general3A_21, %dot_general3A_57 {dimension_numbers = #tpu.dot_dimension_numbers<[1], [0], [0], [1], [0, 0, 1, 1], [], []>, precision = #tpu.contract_precision<fp32>, transpose_lhs_hint = false} : vector<2000x16xf32>, vector<16x32xf32>, vector<2000x32xf32> -> vector<2000x32xf32>
    %add3A_59 = arith.addf %dot_general3A_56, %dot_general3A_58 : vector<2000x32xf32>
    %get3A_60 = arith.constant 0 : index
    %get3A_61 = arith.constant 0 : index
    %get3A_62 = vector.load %arg12[%get3A_60, %get3A_61] : memref<1x32xf32, #tpu.memory_space<vmem>>, vector<1x32xf32>
    %add3A_63 = vector.broadcast %get3A_62 : vector<1x32xf32> to vector<2000x32xf32>
    %add3A_64 = arith.addf %add3A_59, %add3A_63 : vector<2000x32xf32>
    %swap3A_65 = arith.constant 0 : index
    %swap3A_66 = arith.constant 0 : index
    %swap3A_67 = vector.load %arg14[%swap3A_65, %swap3A_66] : memref<2000x32xf32, #tpu.memory_space<vmem>>, vector<2000x32xf32>
    tpu.vector_store %arg14[%swap3A_65, %swap3A_66], %add3A_64 {strides = array<i32>} : memref<2000x32xf32, #tpu.memory_space<vmem>>, vector<2000x32xf32>,
    return
  }
  func.func @transform_0(%arg0: i32) -> (i32, i32) {
    %c0_i32 = arith.constant 0 : i32
    %c0_i32_0 = arith.constant 0 : i32
    return %arg0, %c0_i32 : i32, i32
  }
  func.func @transform_1(%arg0: i32) -> (i32, i32) {
    %c0_i32 = arith.constant 0 : i32
    %c0_i32_0 = arith.constant 0 : i32
    return %arg0, %c0_i32 : i32, i32
  }
  func.func @transform_2(%arg0: i32) -> (i32, i32) {
    %c0_i32 = arith.constant 0 : i32
    %c0_i32_0 = arith.constant 0 : i32
    %c0_i32_1 = arith.constant 0 : i32
    return %c0_i32, %c0_i32_0 : i32, i32
  }
  func.func @transform_3(%arg0: i32) -> (i32, i32) {
    %c0_i32 = arith.constant 0 : i32
    %c0_i32_0 = arith.constant 0 : i32
    %c0_i32_1 = arith.constant 0 : i32
    return %c0_i32, %c0_i32_0 : i32, i32
  }
  func.func @transform_4(%arg0: i32) -> (i32, i32) {
    %c0_i32 = arith.constant 0 : i32
    %c0_i32_0 = arith.constant 0 : i32
    %c0_i32_1 = arith.constant 0 : i32
    return %c0_i32, %c0_i32_0 : i32, i32
  }
  func.func @transform_5(%arg0: i32) -> (i32, i32) {
    %c0_i32 = arith.constant 0 : i32
    %c0_i32_0 = arith.constant 0 : i32
    %c0_i32_1 = arith.constant 0 : i32
    return %c0_i32, %c0_i32_0 : i32, i32
  }
  func.func @transform_6(%arg0: i32) -> (i32, i32) {
    %c0_i32 = arith.constant 0 : i32
    %c0_i32_0 = arith.constant 0 : i32
    %c0_i32_1 = arith.constant 0 : i32
    return %c0_i32, %c0_i32_0 : i32, i32
  }
  func.func @transform_7(%arg0: i32) -> (i32, i32) {
    %c0_i32 = arith.constant 0 : i32
    %c0_i32_0 = arith.constant 0 : i32
    %c0_i32_1 = arith.constant 0 : i32
    return %c0_i32, %c0_i32_0 : i32, i32
  }
  func.func @transform_8(%arg0: i32) -> (i32, i32) {
    %c0_i32 = arith.constant 0 : i32
    %c0_i32_0 = arith.constant 0 : i32
    %c0_i32_1 = arith.constant 0 : i32
    return %c0_i32, %c0_i32_0 : i32, i32
  }
  func.func @transform_9(%arg0: i32) -> (i32, i32) {
    %c0_i32 = arith.constant 0 : i32
    %c0_i32_0 = arith.constant 0 : i32
    %c0_i32_1 = arith.constant 0 : i32
    return %c0_i32, %c0_i32_0 : i32, i32
  }
  func.func @transform_10(%arg0: i32) -> (i32, i32) {
    %c0_i32 = arith.constant 0 : i32
    %c0_i32_0 = arith.constant 0 : i32
    %c0_i32_1 = arith.constant 0 : i32
    return %c0_i32, %c0_i32_0 : i32, i32
  }
  func.func @transform_11(%arg0: i32) -> (i32, i32) {
    %c0_i32 = arith.constant 0 : i32
    %c0_i32_0 = arith.constant 0 : i32
    %c0_i32_1 = arith.constant 0 : i32
    return %c0_i32, %c0_i32_0 : i32, i32
  }
  func.func @transform_12(%arg0: i32) -> (i32, i32) {
    %c0_i32 = arith.constant 0 : i32
    %c0_i32_0 = arith.constant 0 : i32
    return %arg0, %c0_i32 : i32, i32
  }
  func.func @transform_13(%arg0: i32) -> (i32, i32) {
    %c0_i32 = arith.constant 0 : i32
    %c0_i32_0 = arith.constant 0 : i32
    return %arg0, %c0_i32 : i32, i32
  }
}

module attributes {stable_mosaic.version = 14 : i64} {
  func.func @_edge_body(%arg0: i32, %arg1: memref<2560x128xf32, #tpu.memory_space<vmem>>, %arg2: memref<2560x128xf32, #tpu.memory_space<vmem>>, %arg3: memref<2560x16xf32, #tpu.memory_space<vmem>>, %arg4: memref<16x32xf32, #tpu.memory_space<vmem>>, %arg5: memref<32x16xf32, #tpu.memory_space<vmem>>, %arg6: memref<1x16xf32, #tpu.memory_space<vmem>>, %arg7: memref<16x32xf32, #tpu.memory_space<vmem>>, %arg8: memref<32x32xf32, #tpu.memory_space<vmem>>, %arg9: memref<1x32xf32, #tpu.memory_space<vmem>>, %arg10: memref<2560x16xf32, #tpu.memory_space<vmem>>, %arg11: memref<2560x128xf32, #tpu.memory_space<vmem>>) attributes {dimension_semantics = [#tpu.dimension_semantics<arbitrary>], iteration_bounds = array<i64: 62>, scalar_prefetch = 0 : i64, scratch_operands = 0 : i64, tpu.core_type = #tpu.core_type<tc>, window_params = [{transform_indices = @transform_0, window_bounds = array<i64: 2560, 128>}, {transform_indices = @transform_1, window_bounds = array<i64: 2560, 128>}, {transform_indices = @transform_2, window_bounds = array<i64: 2560, 16>}, {pipeline_mode = #tpu.pipeline_mode<synchronous>, transform_indices = @transform_3, window_bounds = array<i64: 16, 32>}, {pipeline_mode = #tpu.pipeline_mode<synchronous>, transform_indices = @transform_4, window_bounds = array<i64: 32, 16>}, {pipeline_mode = #tpu.pipeline_mode<synchronous>, transform_indices = @transform_5, window_bounds = array<i64: 1, 16>}, {pipeline_mode = #tpu.pipeline_mode<synchronous>, transform_indices = @transform_6, window_bounds = array<i64: 16, 32>}, {pipeline_mode = #tpu.pipeline_mode<synchronous>, transform_indices = @transform_7, window_bounds = array<i64: 32, 32>}, {pipeline_mode = #tpu.pipeline_mode<synchronous>, transform_indices = @transform_8, window_bounds = array<i64: 1, 32>}, {transform_indices = @transform_9, window_bounds = array<i64: 2560, 16>}, {transform_indices = @transform_10, window_bounds = array<i64: 2560, 128>}]} {
    %get3A = arith.constant 0 : index
    %get3A_0 = arith.constant 0 : index
    %get3A_1 = vector.load %arg1[%get3A, %get3A_0] : memref<2560x128xf32, #tpu.memory_space<vmem>>, vector<2560x128xf32>
    %get3A_2 = arith.constant 0 : index
    %get3A_3 = arith.constant 0 : index
    %get3A_4 = vector.load %arg2[%get3A_2, %get3A_3] : memref<2560x128xf32, #tpu.memory_space<vmem>>, vector<2560x128xf32>
    %slice3A = vector.extract_strided_slice %get3A_1 {offsets = [0, 0], sizes = [2560, 32], strides = [1, 1]} : vector<2560x128xf32> to vector<2560x32xf32>
    %slice3A_5 = vector.extract_strided_slice %get3A_4 {offsets = [0, 32], sizes = [2560, 32], strides = [1, 1]} : vector<2560x128xf32> to vector<2560x32xf32>
    %add3A = arith.addf %slice3A, %slice3A_5 : vector<2560x32xf32>
    %get3A_6 = arith.constant 0 : index
    %get3A_7 = arith.constant 0 : index
    %get3A_8 = vector.load %arg3[%get3A_6, %get3A_7] : memref<2560x16xf32, #tpu.memory_space<vmem>>, vector<2560x16xf32>
    %get3A_9 = arith.constant 0 : index
    %get3A_10 = arith.constant 0 : index
    %get3A_11 = vector.load %arg4[%get3A_9, %get3A_10] : memref<16x32xf32, #tpu.memory_space<vmem>>, vector<16x32xf32>
    %dot_general3A = arith.constant dense<0.000000e+00> : vector<2560x32xf32>
    %dot_general3A_12 = tpu.matmul %get3A_8, %get3A_11, %dot_general3A {dimension_numbers = #tpu.dot_dimension_numbers<[1], [0], [0], [1], [0, 0, 1, 1], [], []>, transpose_lhs_hint = false} : vector<2560x16xf32>, vector<16x32xf32>, vector<2560x32xf32> -> vector<2560x32xf32>
    %add3A_13 = arith.addf %add3A, %dot_general3A_12 : vector<2560x32xf32>
    %max3A = arith.constant 0.000000e+00 : f32
    %max3A_14 = vector.broadcast %max3A : f32 to vector<2560x32xf32>
    %max3A_15 = arith.maximumf %add3A_13, %max3A_14 : vector<2560x32xf32>
    %get3A_16 = arith.constant 0 : index
    %get3A_17 = arith.constant 0 : index
    %get3A_18 = vector.load %arg5[%get3A_16, %get3A_17] : memref<32x16xf32, #tpu.memory_space<vmem>>, vector<32x16xf32>
    %dot_general3A_19 = arith.constant dense<0.000000e+00> : vector<2560x16xf32>
    %dot_general3A_20 = tpu.matmul %max3A_15, %get3A_18, %dot_general3A_19 {dimension_numbers = #tpu.dot_dimension_numbers<[1], [0], [0], [1], [0, 0, 1, 1], [], []>, transpose_lhs_hint = false} : vector<2560x32xf32>, vector<32x16xf32>, vector<2560x16xf32> -> vector<2560x16xf32>
    %get3A_21 = arith.constant 0 : index
    %get3A_22 = arith.constant 0 : index
    %get3A_23 = vector.load %arg6[%get3A_21, %get3A_22] : memref<1x16xf32, #tpu.memory_space<vmem>>, vector<1x16xf32>
    %add3A_24 = vector.broadcast %get3A_23 : vector<1x16xf32> to vector<2560x16xf32>
    %add3A_25 = arith.addf %dot_general3A_20, %add3A_24 : vector<2560x16xf32>
    %slice3A_26 = vector.extract_strided_slice %get3A_4 {offsets = [0, 64], sizes = [2560, 32], strides = [1, 1]} : vector<2560x128xf32> to vector<2560x32xf32>
    %get3A_27 = arith.constant 0 : index
    %get3A_28 = arith.constant 0 : index
    %get3A_29 = vector.load %arg7[%get3A_27, %get3A_28] : memref<16x32xf32, #tpu.memory_space<vmem>>, vector<16x32xf32>
    %dot_general3A_30 = arith.constant dense<0.000000e+00> : vector<2560x32xf32>
    %dot_general3A_31 = tpu.matmul %add3A_25, %get3A_29, %dot_general3A_30 {dimension_numbers = #tpu.dot_dimension_numbers<[1], [0], [0], [1], [0, 0, 1, 1], [], []>, transpose_lhs_hint = false} : vector<2560x16xf32>, vector<16x32xf32>, vector<2560x32xf32> -> vector<2560x32xf32>
    %add3A_32 = arith.addf %slice3A_26, %dot_general3A_31 : vector<2560x32xf32>
    %max3A_33 = arith.constant 0.000000e+00 : f32
    %max3A_34 = vector.broadcast %max3A_33 : f32 to vector<2560x32xf32>
    %max3A_35 = arith.maximumf %add3A_32, %max3A_34 : vector<2560x32xf32>
    %get3A_36 = arith.constant 0 : index
    %get3A_37 = arith.constant 0 : index
    %get3A_38 = vector.load %arg8[%get3A_36, %get3A_37] : memref<32x32xf32, #tpu.memory_space<vmem>>, vector<32x32xf32>
    %dot_general3A_39 = arith.constant dense<0.000000e+00> : vector<2560x32xf32>
    %dot_general3A_40 = tpu.matmul %max3A_35, %get3A_38, %dot_general3A_39 {dimension_numbers = #tpu.dot_dimension_numbers<[1], [0], [0], [1], [0, 0, 1, 1], [], []>, transpose_lhs_hint = false} : vector<2560x32xf32>, vector<32x32xf32>, vector<2560x32xf32> -> vector<2560x32xf32>
    %get3A_41 = arith.constant 0 : index
    %get3A_42 = arith.constant 0 : index
    %get3A_43 = vector.load %arg9[%get3A_41, %get3A_42] : memref<1x32xf32, #tpu.memory_space<vmem>>, vector<1x32xf32>
    %add3A_44 = vector.broadcast %get3A_43 : vector<1x32xf32> to vector<2560x32xf32>
    %add3A_45 = arith.addf %dot_general3A_40, %add3A_44 : vector<2560x32xf32>
    %swap3A = arith.constant 0 : index
    %swap3A_46 = arith.constant 0 : index
    %swap3A_47 = vector.load %arg10[%swap3A, %swap3A_46] : memref<2560x16xf32, #tpu.memory_space<vmem>>, vector<2560x16xf32>
    tpu.vector_store %arg10[%swap3A, %swap3A_46], %add3A_25 {strides = array<i32>} : memref<2560x16xf32, #tpu.memory_space<vmem>>, vector<2560x16xf32>,
    %broadcast_in_dim3A = arith.constant 1.000000e+00 : f32
    %broadcast_in_dim3A_48 = vector.broadcast %broadcast_in_dim3A : f32 to vector<2560x1xf32>
    %broadcast_in_dim3A_49 = arith.constant 0.000000e+00 : f32
    %broadcast_in_dim3A_50 = vector.broadcast %broadcast_in_dim3A_49 : f32 to vector<2560x95xf32>
    %concatenate3A = tpu.concatenate %add3A_45, %broadcast_in_dim3A_48, %broadcast_in_dim3A_50 in 1 : vector<2560x32xf32>, vector<2560x1xf32>, vector<2560x95xf32> -> vector<2560x128xf32>
    %swap3A_51 = arith.constant 0 : index
    %swap3A_52 = arith.constant 0 : index
    %swap3A_53 = vector.load %arg11[%swap3A_51, %swap3A_52] : memref<2560x128xf32, #tpu.memory_space<vmem>>, vector<2560x128xf32>
    tpu.vector_store %arg11[%swap3A_51, %swap3A_52], %concatenate3A {strides = array<i32>} : memref<2560x128xf32, #tpu.memory_space<vmem>>, vector<2560x128xf32>,
    return
  }
  func.func @transform_0(%arg0: i32) -> (i32, i32) {
    %c0_i32 = arith.constant 0 : i32
    %c0_i32_0 = arith.constant 0 : i32
    return %arg0, %c0_i32 : i32, i32
  }
  func.func @transform_1(%arg0: i32) -> (i32, i32) {
    %c0_i32 = arith.constant 0 : i32
    %c0_i32_0 = arith.constant 0 : i32
    return %arg0, %c0_i32 : i32, i32
  }
  func.func @transform_2(%arg0: i32) -> (i32, i32) {
    %c0_i32 = arith.constant 0 : i32
    %c0_i32_0 = arith.constant 0 : i32
    return %arg0, %c0_i32 : i32, i32
  }
  func.func @transform_3(%arg0: i32) -> (i32, i32) {
    %c0_i32 = arith.constant 0 : i32
    %c0_i32_0 = arith.constant 0 : i32
    %c0_i32_1 = arith.constant 0 : i32
    return %c0_i32, %c0_i32_0 : i32, i32
  }
  func.func @transform_4(%arg0: i32) -> (i32, i32) {
    %c0_i32 = arith.constant 0 : i32
    %c0_i32_0 = arith.constant 0 : i32
    %c0_i32_1 = arith.constant 0 : i32
    return %c0_i32, %c0_i32_0 : i32, i32
  }
  func.func @transform_5(%arg0: i32) -> (i32, i32) {
    %c0_i32 = arith.constant 0 : i32
    %c0_i32_0 = arith.constant 0 : i32
    %c0_i32_1 = arith.constant 0 : i32
    return %c0_i32, %c0_i32_0 : i32, i32
  }
  func.func @transform_6(%arg0: i32) -> (i32, i32) {
    %c0_i32 = arith.constant 0 : i32
    %c0_i32_0 = arith.constant 0 : i32
    %c0_i32_1 = arith.constant 0 : i32
    return %c0_i32, %c0_i32_0 : i32, i32
  }
  func.func @transform_7(%arg0: i32) -> (i32, i32) {
    %c0_i32 = arith.constant 0 : i32
    %c0_i32_0 = arith.constant 0 : i32
    %c0_i32_1 = arith.constant 0 : i32
    return %c0_i32, %c0_i32_0 : i32, i32
  }
  func.func @transform_8(%arg0: i32) -> (i32, i32) {
    %c0_i32 = arith.constant 0 : i32
    %c0_i32_0 = arith.constant 0 : i32
    %c0_i32_1 = arith.constant 0 : i32
    return %c0_i32, %c0_i32_0 : i32, i32
  }
  func.func @transform_9(%arg0: i32) -> (i32, i32) {
    %c0_i32 = arith.constant 0 : i32
    %c0_i32_0 = arith.constant 0 : i32
    return %arg0, %c0_i32 : i32, i32
  }
  func.func @transform_10(%arg0: i32) -> (i32, i32) {
    %c0_i32 = arith.constant 0 : i32
    %c0_i32_0 = arith.constant 0 : i32
    return %arg0, %c0_i32 : i32, i32
  }
}

module attributes {stable_mosaic.version = 14 : i64} {
  func.func @_edge_body(%arg0: i32, %arg1: memref<2560x128xf32, #tpu.memory_space<vmem>>, %arg2: memref<2560x128xf32, #tpu.memory_space<vmem>>, %arg3: memref<2560x16xf32, #tpu.memory_space<vmem>>, %arg4: memref<16x32xf32, #tpu.memory_space<vmem>>, %arg5: memref<32x16xf32, #tpu.memory_space<vmem>>, %arg6: memref<1x16xf32, #tpu.memory_space<vmem>>, %arg7: memref<16x32xf32, #tpu.memory_space<vmem>>, %arg8: memref<32x32xf32, #tpu.memory_space<vmem>>, %arg9: memref<1x32xf32, #tpu.memory_space<vmem>>, %arg10: memref<2560x16xf32, #tpu.memory_space<vmem>>, %arg11: memref<2560x128xf32, #tpu.memory_space<vmem>>) attributes {dimension_semantics = [#tpu.dimension_semantics<arbitrary>], iteration_bounds = array<i64: 63>, scalar_prefetch = 0 : i64, scratch_operands = 0 : i64, tpu.core_type = #tpu.core_type<tc>, window_params = [{transform_indices = @transform_0, window_bounds = array<i64: 2560, 128>}, {transform_indices = @transform_1, window_bounds = array<i64: 2560, 128>}, {transform_indices = @transform_2, window_bounds = array<i64: 2560, 16>}, {pipeline_mode = #tpu.pipeline_mode<synchronous>, transform_indices = @transform_3, window_bounds = array<i64: 16, 32>}, {pipeline_mode = #tpu.pipeline_mode<synchronous>, transform_indices = @transform_4, window_bounds = array<i64: 32, 16>}, {pipeline_mode = #tpu.pipeline_mode<synchronous>, transform_indices = @transform_5, window_bounds = array<i64: 1, 16>}, {pipeline_mode = #tpu.pipeline_mode<synchronous>, transform_indices = @transform_6, window_bounds = array<i64: 16, 32>}, {pipeline_mode = #tpu.pipeline_mode<synchronous>, transform_indices = @transform_7, window_bounds = array<i64: 32, 32>}, {pipeline_mode = #tpu.pipeline_mode<synchronous>, transform_indices = @transform_8, window_bounds = array<i64: 1, 32>}, {transform_indices = @transform_9, window_bounds = array<i64: 2560, 16>}, {transform_indices = @transform_10, window_bounds = array<i64: 2560, 128>}]} {
    %get3A = arith.constant 0 : index
    %get3A_0 = arith.constant 0 : index
    %get3A_1 = vector.load %arg1[%get3A, %get3A_0] : memref<2560x128xf32, #tpu.memory_space<vmem>>, vector<2560x128xf32>
    %get3A_2 = arith.constant 0 : index
    %get3A_3 = arith.constant 0 : index
    %get3A_4 = vector.load %arg2[%get3A_2, %get3A_3] : memref<2560x128xf32, #tpu.memory_space<vmem>>, vector<2560x128xf32>
    %slice3A = vector.extract_strided_slice %get3A_1 {offsets = [0, 0], sizes = [2560, 32], strides = [1, 1]} : vector<2560x128xf32> to vector<2560x32xf32>
    %slice3A_5 = vector.extract_strided_slice %get3A_4 {offsets = [0, 32], sizes = [2560, 32], strides = [1, 1]} : vector<2560x128xf32> to vector<2560x32xf32>
    %add3A = arith.addf %slice3A, %slice3A_5 : vector<2560x32xf32>
    %get3A_6 = arith.constant 0 : index
    %get3A_7 = arith.constant 0 : index
    %get3A_8 = vector.load %arg3[%get3A_6, %get3A_7] : memref<2560x16xf32, #tpu.memory_space<vmem>>, vector<2560x16xf32>
    %get3A_9 = arith.constant 0 : index
    %get3A_10 = arith.constant 0 : index
    %get3A_11 = vector.load %arg4[%get3A_9, %get3A_10] : memref<16x32xf32, #tpu.memory_space<vmem>>, vector<16x32xf32>
    %dot_general3A = arith.constant dense<0.000000e+00> : vector<2560x32xf32>
    %dot_general3A_12 = tpu.matmul %get3A_8, %get3A_11, %dot_general3A {dimension_numbers = #tpu.dot_dimension_numbers<[1], [0], [0], [1], [0, 0, 1, 1], [], []>, transpose_lhs_hint = false} : vector<2560x16xf32>, vector<16x32xf32>, vector<2560x32xf32> -> vector<2560x32xf32>
    %add3A_13 = arith.addf %add3A, %dot_general3A_12 : vector<2560x32xf32>
    %max3A = arith.constant 0.000000e+00 : f32
    %max3A_14 = vector.broadcast %max3A : f32 to vector<2560x32xf32>
    %max3A_15 = arith.maximumf %add3A_13, %max3A_14 : vector<2560x32xf32>
    %get3A_16 = arith.constant 0 : index
    %get3A_17 = arith.constant 0 : index
    %get3A_18 = vector.load %arg5[%get3A_16, %get3A_17] : memref<32x16xf32, #tpu.memory_space<vmem>>, vector<32x16xf32>
    %dot_general3A_19 = arith.constant dense<0.000000e+00> : vector<2560x16xf32>
    %dot_general3A_20 = tpu.matmul %max3A_15, %get3A_18, %dot_general3A_19 {dimension_numbers = #tpu.dot_dimension_numbers<[1], [0], [0], [1], [0, 0, 1, 1], [], []>, transpose_lhs_hint = false} : vector<2560x32xf32>, vector<32x16xf32>, vector<2560x16xf32> -> vector<2560x16xf32>
    %get3A_21 = arith.constant 0 : index
    %get3A_22 = arith.constant 0 : index
    %get3A_23 = vector.load %arg6[%get3A_21, %get3A_22] : memref<1x16xf32, #tpu.memory_space<vmem>>, vector<1x16xf32>
    %add3A_24 = vector.broadcast %get3A_23 : vector<1x16xf32> to vector<2560x16xf32>
    %add3A_25 = arith.addf %dot_general3A_20, %add3A_24 : vector<2560x16xf32>
    %slice3A_26 = vector.extract_strided_slice %get3A_4 {offsets = [0, 64], sizes = [2560, 32], strides = [1, 1]} : vector<2560x128xf32> to vector<2560x32xf32>
    %get3A_27 = arith.constant 0 : index
    %get3A_28 = arith.constant 0 : index
    %get3A_29 = vector.load %arg7[%get3A_27, %get3A_28] : memref<16x32xf32, #tpu.memory_space<vmem>>, vector<16x32xf32>
    %dot_general3A_30 = arith.constant dense<0.000000e+00> : vector<2560x32xf32>
    %dot_general3A_31 = tpu.matmul %add3A_25, %get3A_29, %dot_general3A_30 {dimension_numbers = #tpu.dot_dimension_numbers<[1], [0], [0], [1], [0, 0, 1, 1], [], []>, transpose_lhs_hint = false} : vector<2560x16xf32>, vector<16x32xf32>, vector<2560x32xf32> -> vector<2560x32xf32>
    %add3A_32 = arith.addf %slice3A_26, %dot_general3A_31 : vector<2560x32xf32>
    %max3A_33 = arith.constant 0.000000e+00 : f32
    %max3A_34 = vector.broadcast %max3A_33 : f32 to vector<2560x32xf32>
    %max3A_35 = arith.maximumf %add3A_32, %max3A_34 : vector<2560x32xf32>
    %get3A_36 = arith.constant 0 : index
    %get3A_37 = arith.constant 0 : index
    %get3A_38 = vector.load %arg8[%get3A_36, %get3A_37] : memref<32x32xf32, #tpu.memory_space<vmem>>, vector<32x32xf32>
    %dot_general3A_39 = arith.constant dense<0.000000e+00> : vector<2560x32xf32>
    %dot_general3A_40 = tpu.matmul %max3A_35, %get3A_38, %dot_general3A_39 {dimension_numbers = #tpu.dot_dimension_numbers<[1], [0], [0], [1], [0, 0, 1, 1], [], []>, transpose_lhs_hint = false} : vector<2560x32xf32>, vector<32x32xf32>, vector<2560x32xf32> -> vector<2560x32xf32>
    %get3A_41 = arith.constant 0 : index
    %get3A_42 = arith.constant 0 : index
    %get3A_43 = vector.load %arg9[%get3A_41, %get3A_42] : memref<1x32xf32, #tpu.memory_space<vmem>>, vector<1x32xf32>
    %add3A_44 = vector.broadcast %get3A_43 : vector<1x32xf32> to vector<2560x32xf32>
    %add3A_45 = arith.addf %dot_general3A_40, %add3A_44 : vector<2560x32xf32>
    %swap3A = arith.constant 0 : index
    %swap3A_46 = arith.constant 0 : index
    %swap3A_47 = vector.load %arg10[%swap3A, %swap3A_46] : memref<2560x16xf32, #tpu.memory_space<vmem>>, vector<2560x16xf32>
    tpu.vector_store %arg10[%swap3A, %swap3A_46], %add3A_25 {strides = array<i32>} : memref<2560x16xf32, #tpu.memory_space<vmem>>, vector<2560x16xf32>,
    %broadcast_in_dim3A = arith.constant 1.000000e+00 : f32
    %broadcast_in_dim3A_48 = vector.broadcast %broadcast_in_dim3A : f32 to vector<2560x1xf32>
    %broadcast_in_dim3A_49 = arith.constant 0.000000e+00 : f32
    %broadcast_in_dim3A_50 = vector.broadcast %broadcast_in_dim3A_49 : f32 to vector<2560x95xf32>
    %concatenate3A = tpu.concatenate %add3A_45, %broadcast_in_dim3A_48, %broadcast_in_dim3A_50 in 1 : vector<2560x32xf32>, vector<2560x1xf32>, vector<2560x95xf32> -> vector<2560x128xf32>
    %swap3A_51 = arith.constant 0 : index
    %swap3A_52 = arith.constant 0 : index
    %swap3A_53 = vector.load %arg11[%swap3A_51, %swap3A_52] : memref<2560x128xf32, #tpu.memory_space<vmem>>, vector<2560x128xf32>
    tpu.vector_store %arg11[%swap3A_51, %swap3A_52], %concatenate3A {strides = array<i32>} : memref<2560x128xf32, #tpu.memory_space<vmem>>, vector<2560x128xf32>,
    return
  }
  func.func @transform_0(%arg0: i32) -> (i32, i32) {
    %c0_i32 = arith.constant 0 : i32
    %c0_i32_0 = arith.constant 0 : i32
    return %arg0, %c0_i32 : i32, i32
  }
  func.func @transform_1(%arg0: i32) -> (i32, i32) {
    %c0_i32 = arith.constant 0 : i32
    %c0_i32_0 = arith.constant 0 : i32
    return %arg0, %c0_i32 : i32, i32
  }
  func.func @transform_2(%arg0: i32) -> (i32, i32) {
    %c0_i32 = arith.constant 0 : i32
    %c0_i32_0 = arith.constant 0 : i32
    return %arg0, %c0_i32 : i32, i32
  }
  func.func @transform_3(%arg0: i32) -> (i32, i32) {
    %c0_i32 = arith.constant 0 : i32
    %c0_i32_0 = arith.constant 0 : i32
    %c0_i32_1 = arith.constant 0 : i32
    return %c0_i32, %c0_i32_0 : i32, i32
  }
  func.func @transform_4(%arg0: i32) -> (i32, i32) {
    %c0_i32 = arith.constant 0 : i32
    %c0_i32_0 = arith.constant 0 : i32
    %c0_i32_1 = arith.constant 0 : i32
    return %c0_i32, %c0_i32_0 : i32, i32
  }
  func.func @transform_5(%arg0: i32) -> (i32, i32) {
    %c0_i32 = arith.constant 0 : i32
    %c0_i32_0 = arith.constant 0 : i32
    %c0_i32_1 = arith.constant 0 : i32
    return %c0_i32, %c0_i32_0 : i32, i32
  }
  func.func @transform_6(%arg0: i32) -> (i32, i32) {
    %c0_i32 = arith.constant 0 : i32
    %c0_i32_0 = arith.constant 0 : i32
    %c0_i32_1 = arith.constant 0 : i32
    return %c0_i32, %c0_i32_0 : i32, i32
  }
  func.func @transform_7(%arg0: i32) -> (i32, i32) {
    %c0_i32 = arith.constant 0 : i32
    %c0_i32_0 = arith.constant 0 : i32
    %c0_i32_1 = arith.constant 0 : i32
    return %c0_i32, %c0_i32_0 : i32, i32
  }
  func.func @transform_8(%arg0: i32) -> (i32, i32) {
    %c0_i32 = arith.constant 0 : i32
    %c0_i32_0 = arith.constant 0 : i32
    %c0_i32_1 = arith.constant 0 : i32
    return %c0_i32, %c0_i32_0 : i32, i32
  }
  func.func @transform_9(%arg0: i32) -> (i32, i32) {
    %c0_i32 = arith.constant 0 : i32
    %c0_i32_0 = arith.constant 0 : i32
    return %arg0, %c0_i32 : i32, i32
  }
  func.func @transform_10(%arg0: i32) -> (i32, i32) {
    %c0_i32 = arith.constant 0 : i32
    %c0_i32_0 = arith.constant 0 : i32
    return %arg0, %c0_i32 : i32, i32
  }
}

module attributes {stable_mosaic.version = 14 : i64} {
  func.func @_node_body(%arg0: i32, %arg1: memref<2x2000x128xf32, #tpu.memory_space<vmem>>, %arg2: memref<2x2000x128xf32, #tpu.memory_space<vmem>>, %arg3: memref<2000x32xf32, #tpu.memory_space<vmem>>, %arg4: memref<2000x1xi32, #tpu.memory_space<vmem>>, %arg5: memref<32x32xf32, #tpu.memory_space<vmem>>, %arg6: memref<32x128xf32, #tpu.memory_space<vmem>>, %arg7: memref<1x128xf32, #tpu.memory_space<vmem>>, %arg8: memref<2000x128xf32, #tpu.memory_space<vmem>>, %arg9: memref<16x128xf32, #tpu.memory_space<vmem>>, %arg10: memref<16x128xf32, #tpu.memory_space<vmem>>) attributes {dimension_semantics = [#tpu.dimension_semantics<arbitrary>], iteration_bounds = array<i64: 5>, scalar_prefetch = 0 : i64, scratch_operands = 0 : i64, tpu.core_type = #tpu.core_type<tc>, window_params = [{transform_indices = @transform_0, window_bounds = array<i64: 2, 2000, 128>}, {transform_indices = @transform_1, window_bounds = array<i64: 2, 2000, 128>}, {transform_indices = @transform_2, window_bounds = array<i64: 2000, 32>}, {transform_indices = @transform_3, window_bounds = array<i64: 2000, 1>}, {pipeline_mode = #tpu.pipeline_mode<synchronous>, transform_indices = @transform_4, window_bounds = array<i64: 32, 32>}, {pipeline_mode = #tpu.pipeline_mode<synchronous>, transform_indices = @transform_5, window_bounds = array<i64: 32, 128>}, {pipeline_mode = #tpu.pipeline_mode<synchronous>, transform_indices = @transform_6, window_bounds = array<i64: 1, 128>}, {transform_indices = @transform_7, window_bounds = array<i64: 2000, 128>}, {pipeline_mode = #tpu.pipeline_mode<synchronous>, transform_indices = @transform_8, window_bounds = array<i64: 16, 128>}, {pipeline_mode = #tpu.pipeline_mode<synchronous>, transform_indices = @transform_9, window_bounds = array<i64: 16, 128>}]} {
    %get3A = arith.constant 0 : index
    %get3A_0 = arith.constant 0 : index
    %get3A_1 = arith.constant 0 : index
    %get3A_2 = vector.load %arg1[%get3A, %get3A_0, %get3A_1] : memref<2x2000x128xf32, #tpu.memory_space<vmem>>, vector<2x2000x128xf32>
    %get3A_3 = arith.constant 0 : index
    %get3A_4 = arith.constant 0 : index
    %get3A_5 = arith.constant 0 : index
    %get3A_6 = vector.load %arg2[%get3A_3, %get3A_4, %get3A_5] : memref<2x2000x128xf32, #tpu.memory_space<vmem>>, vector<2x2000x128xf32>
    %add3A = arith.addf %get3A_2, %get3A_6 : vector<2x2000x128xf32>
    %slice3A = vector.extract_strided_slice %add3A {offsets = [0, 0, 0], sizes = [1, 2000, 32], strides = [1, 1, 1]} : vector<2x2000x128xf32> to vector<1x2000x32xf32>
    %squeeze3A = vector.shape_cast %slice3A : vector<1x2000x32xf32> to vector<2000x32xf32>
    %slice3A_7 = vector.extract_strided_slice %add3A {offsets = [1, 0, 0], sizes = [1, 2000, 32], strides = [1, 1, 1]} : vector<2x2000x128xf32> to vector<1x2000x32xf32>
    %squeeze3A_8 = vector.shape_cast %slice3A_7 : vector<1x2000x32xf32> to vector<2000x32xf32>
    %add3A_9 = arith.addf %squeeze3A, %squeeze3A_8 : vector<2000x32xf32>
    %slice3A_10 = vector.extract_strided_slice %add3A {offsets = [0, 0, 32], sizes = [1, 2000, 1], strides = [1, 1, 1]} : vector<2x2000x128xf32> to vector<1x2000x1xf32>
    %squeeze3A_11 = vector.shape_cast %slice3A_10 : vector<1x2000x1xf32> to vector<2000x1xf32>
    %slice3A_12 = vector.extract_strided_slice %add3A {offsets = [1, 0, 32], sizes = [1, 2000, 1], strides = [1, 1, 1]} : vector<2x2000x128xf32> to vector<1x2000x1xf32>
    %squeeze3A_13 = vector.shape_cast %slice3A_12 : vector<1x2000x1xf32> to vector<2000x1xf32>
    %add3A_14 = arith.addf %squeeze3A_11, %squeeze3A_13 : vector<2000x1xf32>
    %max3A = arith.constant 1.000000e+00 : f32
    %max3A_15 = vector.broadcast %max3A : f32 to vector<2000x1xf32>
    %max3A_16 = arith.maximumf %add3A_14, %max3A_15 : vector<2000x1xf32>
    %div3A = vector.broadcast %max3A_16 : vector<2000x1xf32> to vector<2000x32xf32>
    %div3A_17 = arith.divf %add3A_9, %div3A : vector<2000x32xf32>
    %get3A_18 = arith.constant 0 : index
    %get3A_19 = arith.constant 0 : index
    %get3A_20 = vector.load %arg3[%get3A_18, %get3A_19] : memref<2000x32xf32, #tpu.memory_space<vmem>>, vector<2000x32xf32>
    %get3A_21 = arith.constant 0 : index
    %get3A_22 = arith.constant 0 : index
    %get3A_23 = vector.load %arg5[%get3A_21, %get3A_22] : memref<32x32xf32, #tpu.memory_space<vmem>>, vector<32x32xf32>
    %dot_general3A = arith.constant dense<0.000000e+00> : vector<2000x32xf32>
    %dot_general3A_24 = tpu.matmul %div3A_17, %get3A_23, %dot_general3A {dimension_numbers = #tpu.dot_dimension_numbers<[1], [0], [0], [1], [0, 0, 1, 1], [], []>, precision = #tpu.contract_precision<fp32>, transpose_lhs_hint = false} : vector<2000x32xf32>, vector<32x32xf32>, vector<2000x32xf32> -> vector<2000x32xf32>
    %add3A_25 = arith.addf %get3A_20, %dot_general3A_24 : vector<2000x32xf32>
    %max3A_26 = arith.constant 0.000000e+00 : f32
    %max3A_27 = vector.broadcast %max3A_26 : f32 to vector<2000x32xf32>
    %max3A_28 = arith.maximumf %add3A_25, %max3A_27 : vector<2000x32xf32>
    %get3A_29 = arith.constant 0 : index
    %get3A_30 = arith.constant 0 : index
    %get3A_31 = vector.load %arg6[%get3A_29, %get3A_30] : memref<32x128xf32, #tpu.memory_space<vmem>>, vector<32x128xf32>
    %dot_general3A_32 = arith.constant dense<0.000000e+00> : vector<2000x128xf32>
    %dot_general3A_33 = tpu.matmul %max3A_28, %get3A_31, %dot_general3A_32 {dimension_numbers = #tpu.dot_dimension_numbers<[1], [0], [0], [1], [0, 0, 1, 1], [], []>, precision = #tpu.contract_precision<fp32>, transpose_lhs_hint = false} : vector<2000x32xf32>, vector<32x128xf32>, vector<2000x128xf32> -> vector<2000x128xf32>
    %get3A_34 = arith.constant 0 : index
    %get3A_35 = arith.constant 0 : index
    %get3A_36 = vector.load %arg7[%get3A_34, %get3A_35] : memref<1x128xf32, #tpu.memory_space<vmem>>, vector<1x128xf32>
    %add3A_37 = vector.broadcast %get3A_36 : vector<1x128xf32> to vector<2000x128xf32>
    %add3A_38 = arith.addf %dot_general3A_33, %add3A_37 : vector<2000x128xf32>
    %swap3A = arith.constant 0 : index
    %swap3A_39 = arith.constant 0 : index
    %swap3A_40 = vector.load %arg8[%swap3A, %swap3A_39] : memref<2000x128xf32, #tpu.memory_space<vmem>>, vector<2000x128xf32>
    tpu.vector_store %arg8[%swap3A, %swap3A_39], %add3A_38 {strides = array<i32>} : memref<2000x128xf32, #tpu.memory_space<vmem>>, vector<2000x128xf32>,
    %iota3A = tpu.iota {dimensions = array<i32: 1>} : vector<2000x16xi32>
    %get3A_41 = arith.constant 0 : index
    %get3A_42 = arith.constant 0 : index
    %get3A_43 = vector.load %arg4[%get3A_41, %get3A_42] : memref<2000x1xi32, #tpu.memory_space<vmem>>, vector<2000x1xi32>
    %eq3A = vector.broadcast %get3A_43 : vector<2000x1xi32> to vector<2000x16xi32>
    %eq3A_44 = arith.cmpi eq, %eq3A, %iota3A : vector<2000x16xi32>
    %convert_element_type3A = arith.extui %eq3A_44 : vector<2000x16xi1> to vector<2000x16xi32>
    %convert_element_type3A_45 = arith.sitofp %convert_element_type3A : vector<2000x16xi32> to vector<2000x16xf32>
    %dot_general3A_46 = arith.constant dense<0.000000e+00> : vector<16x128xf32>
    %dot_general3A_47 = tpu.matmul %convert_element_type3A_45, %add3A_38, %dot_general3A_46 {dimension_numbers = #tpu.dot_dimension_numbers<[0], [0], [1], [1], [0, 1, 1, 1], [], []>, precision = #tpu.contract_precision<fp32>, transpose_lhs_hint = false} : vector<2000x16xf32>, vector<2000x128xf32>, vector<16x128xf32> -> vector<16x128xf32>
    %broadcast_in_dim3A = arith.constant 1.000000e+00 : f32
    %broadcast_in_dim3A_48 = vector.broadcast %broadcast_in_dim3A : f32 to vector<2000x128xf32>
    %dot_general3A_49 = arith.constant dense<0.000000e+00> : vector<16x128xf32>
    %dot_general3A_50 = tpu.matmul %convert_element_type3A_45, %broadcast_in_dim3A_48, %dot_general3A_49 {dimension_numbers = #tpu.dot_dimension_numbers<[0], [0], [1], [1], [0, 1, 1, 1], [], []>, precision = #tpu.contract_precision<fp32>, transpose_lhs_hint = false} : vector<2000x16xf32>, vector<2000x128xf32>, vector<16x128xf32> -> vector<16x128xf32>
    %eq3A_51 = arith.constant 0 : i32
    %eq3A_52 = arith.cmpi eq, %arg0, %eq3A_51 : i32
    %convert_element_type3A_53 = arith.extui %eq3A_52 : i1 to i32
    %cond3A = arith.constant 0 : i32
    %cond3A_54 = arith.cmpi ne, %convert_element_type3A_53, %cond3A : i32
    scf.if %cond3A_54 {
      %swap3A_59 = arith.constant 0 : index
      %swap3A_60 = arith.constant 0 : index
      %swap3A_61 = vector.load %arg9[%swap3A_59, %swap3A_60] : memref<16x128xf32, #tpu.memory_space<vmem>>, vector<16x128xf32>
      tpu.vector_store %arg9[%swap3A_59, %swap3A_60], %dot_general3A_47 {strides = array<i32>} : memref<16x128xf32, #tpu.memory_space<vmem>>, vector<16x128xf32>,
      %swap3A_62 = arith.constant 0 : index
      %swap3A_63 = arith.constant 0 : index
      %swap3A_64 = vector.load %arg10[%swap3A_62, %swap3A_63] : memref<16x128xf32, #tpu.memory_space<vmem>>, vector<16x128xf32>
      tpu.vector_store %arg10[%swap3A_62, %swap3A_63], %dot_general3A_50 {strides = array<i32>} : memref<16x128xf32, #tpu.memory_space<vmem>>, vector<16x128xf32>,
    } else {
    }
    %ne3A = arith.constant 0 : i32
    %ne3A_55 = arith.cmpi ne, %arg0, %ne3A : i32
    %convert_element_type3A_56 = arith.extui %ne3A_55 : i1 to i32
    %cond3A_57 = arith.constant 0 : i32
    %cond3A_58 = arith.cmpi ne, %convert_element_type3A_56, %cond3A_57 : i32
    scf.if %cond3A_58 {
      %get3A_59 = arith.constant 0 : index
      %get3A_60 = arith.constant 0 : index
      %get3A_61 = vector.load %arg9[%get3A_59, %get3A_60] : memref<16x128xf32, #tpu.memory_space<vmem>>, vector<16x128xf32>
      %add3A_62 = arith.addf %get3A_61, %dot_general3A_47 : vector<16x128xf32>
      %swap3A_63 = arith.constant 0 : index
      %swap3A_64 = arith.constant 0 : index
      %swap3A_65 = vector.load %arg9[%swap3A_63, %swap3A_64] : memref<16x128xf32, #tpu.memory_space<vmem>>, vector<16x128xf32>
      tpu.vector_store %arg9[%swap3A_63, %swap3A_64], %add3A_62 {strides = array<i32>} : memref<16x128xf32, #tpu.memory_space<vmem>>, vector<16x128xf32>,
      %get3A_66 = arith.constant 0 : index
      %get3A_67 = arith.constant 0 : index
      %get3A_68 = vector.load %arg10[%get3A_66, %get3A_67] : memref<16x128xf32, #tpu.memory_space<vmem>>, vector<16x128xf32>
      %add3A_69 = arith.addf %get3A_68, %dot_general3A_50 : vector<16x128xf32>
      %swap3A_70 = arith.constant 0 : index
      %swap3A_71 = arith.constant 0 : index
      %swap3A_72 = vector.load %arg10[%swap3A_70, %swap3A_71] : memref<16x128xf32, #tpu.memory_space<vmem>>, vector<16x128xf32>
      tpu.vector_store %arg10[%swap3A_70, %swap3A_71], %add3A_69 {strides = array<i32>} : memref<16x128xf32, #tpu.memory_space<vmem>>, vector<16x128xf32>,
    } else {
    }
    return
  }
  func.func @transform_0(%arg0: i32) -> (i32, i32, i32) {
    %c0_i32 = arith.constant 0 : i32
    %c0_i32_0 = arith.constant 0 : i32
    %c0_i32_1 = arith.constant 0 : i32
    return %c0_i32, %arg0, %c0_i32_0 : i32, i32, i32
  }
  func.func @transform_1(%arg0: i32) -> (i32, i32, i32) {
    %c0_i32 = arith.constant 0 : i32
    %c0_i32_0 = arith.constant 0 : i32
    %c0_i32_1 = arith.constant 0 : i32
    return %c0_i32, %arg0, %c0_i32_0 : i32, i32, i32
  }
  func.func @transform_2(%arg0: i32) -> (i32, i32) {
    %c0_i32 = arith.constant 0 : i32
    %c0_i32_0 = arith.constant 0 : i32
    return %arg0, %c0_i32 : i32, i32
  }
  func.func @transform_3(%arg0: i32) -> (i32, i32) {
    %c0_i32 = arith.constant 0 : i32
    %c0_i32_0 = arith.constant 0 : i32
    return %arg0, %c0_i32 : i32, i32
  }
  func.func @transform_4(%arg0: i32) -> (i32, i32) {
    %c0_i32 = arith.constant 0 : i32
    %c0_i32_0 = arith.constant 0 : i32
    %c0_i32_1 = arith.constant 0 : i32
    return %c0_i32, %c0_i32_0 : i32, i32
  }
  func.func @transform_5(%arg0: i32) -> (i32, i32) {
    %c0_i32 = arith.constant 0 : i32
    %c0_i32_0 = arith.constant 0 : i32
    %c0_i32_1 = arith.constant 0 : i32
    return %c0_i32, %c0_i32_0 : i32, i32
  }
  func.func @transform_6(%arg0: i32) -> (i32, i32) {
    %c0_i32 = arith.constant 0 : i32
    %c0_i32_0 = arith.constant 0 : i32
    %c0_i32_1 = arith.constant 0 : i32
    return %c0_i32, %c0_i32_0 : i32, i32
  }
  func.func @transform_7(%arg0: i32) -> (i32, i32) {
    %c0_i32 = arith.constant 0 : i32
    %c0_i32_0 = arith.constant 0 : i32
    return %arg0, %c0_i32 : i32, i32
  }
  func.func @transform_8(%arg0: i32) -> (i32, i32) {
    %c0_i32 = arith.constant 0 : i32
    %c0_i32_0 = arith.constant 0 : i32
    %c0_i32_1 = arith.constant 0 : i32
    return %c0_i32, %c0_i32_0 : i32, i32
  }
  func.func @transform_9(%arg0: i32) -> (i32, i32) {
    %c0_i32 = arith.constant 0 : i32
    %c0_i32_0 = arith.constant 0 : i32
    %c0_i32_1 = arith.constant 0 : i32
    return %c0_i32, %c0_i32_0 : i32, i32
  }
}

module attributes {stable_mosaic.version = 14 : i64} {
  func.func @_glob_body(%arg0: memref<16x32xf32, #tpu.memory_space<vmem>>, %arg1: memref<16x128xf32, #tpu.memory_space<vmem>>, %arg2: memref<16x128xf32, #tpu.memory_space<vmem>>, %arg3: memref<32x32xf32, #tpu.memory_space<vmem>>, %arg4: memref<128x32xf32, #tpu.memory_space<vmem>>, %arg5: memref<1x32xf32, #tpu.memory_space<vmem>>, %arg6: memref<32x32xf32, #tpu.memory_space<vmem>>, %arg7: memref<1x32xf32, #tpu.memory_space<vmem>>, %arg8: memref<16x32xf32, #tpu.memory_space<vmem>>) attributes {dimension_semantics = [], scalar_prefetch = 0 : i64, scratch_operands = 0 : i64, tpu.core_type = #tpu.core_type<tc>} {
    %get3A = arith.constant 0 : index
    %get3A_0 = arith.constant 0 : index
    %get3A_1 = vector.load %arg1[%get3A, %get3A_0] : memref<16x128xf32, #tpu.memory_space<vmem>>, vector<16x128xf32>
    %get3A_2 = arith.constant 0 : index
    %get3A_3 = arith.constant 0 : index
    %get3A_4 = vector.load %arg2[%get3A_2, %get3A_3] : memref<16x128xf32, #tpu.memory_space<vmem>>, vector<16x128xf32>
    %max3A = arith.constant 1.000000e+00 : f32
    %max3A_5 = vector.broadcast %max3A : f32 to vector<16x128xf32>
    %max3A_6 = arith.maximumf %get3A_4, %max3A_5 : vector<16x128xf32>
    %div3A = arith.divf %get3A_1, %max3A_6 : vector<16x128xf32>
    %get3A_7 = arith.constant 0 : index
    %get3A_8 = arith.constant 0 : index
    %get3A_9 = vector.load %arg0[%get3A_7, %get3A_8] : memref<16x32xf32, #tpu.memory_space<vmem>>, vector<16x32xf32>
    %get3A_10 = arith.constant 0 : index
    %get3A_11 = arith.constant 0 : index
    %get3A_12 = vector.load %arg3[%get3A_10, %get3A_11] : memref<32x32xf32, #tpu.memory_space<vmem>>, vector<32x32xf32>
    %dot_general3A = arith.constant dense<0.000000e+00> : vector<16x32xf32>
    %dot_general3A_13 = tpu.matmul %get3A_9, %get3A_12, %dot_general3A {dimension_numbers = #tpu.dot_dimension_numbers<[1], [0], [0], [1], [0, 0, 1, 1], [], []>, precision = #tpu.contract_precision<fp32>, transpose_lhs_hint = false} : vector<16x32xf32>, vector<32x32xf32>, vector<16x32xf32> -> vector<16x32xf32>
    %get3A_14 = arith.constant 0 : index
    %get3A_15 = arith.constant 0 : index
    %get3A_16 = vector.load %arg4[%get3A_14, %get3A_15] : memref<128x32xf32, #tpu.memory_space<vmem>>, vector<128x32xf32>
    %dot_general3A_17 = arith.constant dense<0.000000e+00> : vector<16x32xf32>
    %dot_general3A_18 = tpu.matmul %div3A, %get3A_16, %dot_general3A_17 {dimension_numbers = #tpu.dot_dimension_numbers<[1], [0], [0], [1], [0, 0, 1, 1], [], []>, precision = #tpu.contract_precision<fp32>, transpose_lhs_hint = false} : vector<16x128xf32>, vector<128x32xf32>, vector<16x32xf32> -> vector<16x32xf32>
    %add3A = arith.addf %dot_general3A_13, %dot_general3A_18 : vector<16x32xf32>
    %get3A_19 = arith.constant 0 : index
    %get3A_20 = arith.constant 0 : index
    %get3A_21 = vector.load %arg5[%get3A_19, %get3A_20] : memref<1x32xf32, #tpu.memory_space<vmem>>, vector<1x32xf32>
    %add3A_22 = vector.broadcast %get3A_21 : vector<1x32xf32> to vector<16x32xf32>
    %add3A_23 = arith.addf %add3A, %add3A_22 : vector<16x32xf32>
    %max3A_24 = arith.constant 0.000000e+00 : f32
    %max3A_25 = vector.broadcast %max3A_24 : f32 to vector<16x32xf32>
    %max3A_26 = arith.maximumf %add3A_23, %max3A_25 : vector<16x32xf32>
    %get3A_27 = arith.constant 0 : index
    %get3A_28 = arith.constant 0 : index
    %get3A_29 = vector.load %arg6[%get3A_27, %get3A_28] : memref<32x32xf32, #tpu.memory_space<vmem>>, vector<32x32xf32>
    %dot_general3A_30 = arith.constant dense<0.000000e+00> : vector<16x32xf32>
    %dot_general3A_31 = tpu.matmul %max3A_26, %get3A_29, %dot_general3A_30 {dimension_numbers = #tpu.dot_dimension_numbers<[1], [0], [0], [1], [0, 0, 1, 1], [], []>, precision = #tpu.contract_precision<fp32>, transpose_lhs_hint = false} : vector<16x32xf32>, vector<32x32xf32>, vector<16x32xf32> -> vector<16x32xf32>
    %get3A_32 = arith.constant 0 : index
    %get3A_33 = arith.constant 0 : index
    %get3A_34 = vector.load %arg7[%get3A_32, %get3A_33] : memref<1x32xf32, #tpu.memory_space<vmem>>, vector<1x32xf32>
    %add3A_35 = vector.broadcast %get3A_34 : vector<1x32xf32> to vector<16x32xf32>
    %add3A_36 = arith.addf %dot_general3A_31, %add3A_35 : vector<16x32xf32>
    %swap3A = arith.constant 0 : index
    %swap3A_37 = arith.constant 0 : index
    %swap3A_38 = vector.load %arg8[%swap3A, %swap3A_37] : memref<16x32xf32, #tpu.memory_space<vmem>>, vector<16x32xf32>
    tpu.vector_store %arg8[%swap3A, %swap3A_37], %add3A_36 {strides = array<i32>} : memref<16x32xf32, #tpu.memory_space<vmem>>, vector<16x32xf32>,
    return
  }
}

</mosaic_0001>

<sc_bundles>
// kernel: kernel.11.cloned.1.call-start
scs
__scs_entry_jumppad:
0x0: {  	(pc) =	sbr.rel $0x88, $3  }
0x1: {  	(tag) =	ssettag $0x0;
	lr =	simm.s32 $0x1  }
0x2: {  	[smem:$0x3F8C] =	sst lr;
	_ =	strace $0xD0000000  }
0x3: {  	_ = 	snop  }
0x4: {  	_ = 	snop  }
0x5: {  	_ = 	snop  }
0x6: {  	_ = 	snop  }
0x7: {  	_ = 	snop  }
__scs_overlays_trampoline_lowered:
0x8: {  	[smem:$0x3F9B] =	sst s0  }
0x9: {  	[smem:$0x3F9C] =	sst s1  }
0xa: {  	[smem:$0x3F9D] =	sst s2  }
0xb: {  	[smem:$0x3F9E] =	sst s3  }
0xc: {  	[smem:$0x3F9F] =	sst s4  }
0xd: {  	[smem:$0x3FA0] =	sst s5  }
0xe: {  	[smem:$0x3FA1] =	sst s6  }
0xf: {  	[smem:$0x3FA2] =	sst s7  }
0x10: {  	[smem:$0x3FA3] =	sst s8  }
0x11: {  	[smem:$0x3FA4] =	sst s9;
	s0 =	simm.s32 @!p0 $0x0  }
0x12: {  	s1 =	sld [smem:$0x3F8A];
	s0 =	simm.s32 @p0 $0x1  }
0x13: {  	[smem:$0x3FA5] =	sst s0;
	s0 =	simm.s32 @!p1 $0x0  }
0x14: {  	s2 =	sld [smem:$0x3F89];
	s0 =	simm.s32 @p1 $0x1  }
0x15: {  	[smem:$0x3FA6] =	sst s0;
	s0 =	simm.s32 @!p2 $0x0  }
0x16: {  	s3 =	sld [smem:$0x3FDB];
	s0 =	simm.s32 @p2 $0x1  }
0x17: {  	s4 =	simm.s32 $0x1BF5;
	[smem:$0x3FA8] =	sst s0  }
0x18: {  	s0 =	sld [smem:$0x3F8B];
	_ =	swait.ge [sflag:s4], $0x0  }
0x19: {  	s7 =	sld [smem:$0x3F8C]  }
0x1a: {  	s8 =	sadd.s32 $0xFFFFE003, lr  }
0x1b: {  	s9 =	sadd.s32 $0xFFFFFEF7, lr;
	s5 =	simm.s32 $0xFFFFFFFF;
	p2 =	slt.u32 s8, $0xFFFFF086  }
0x1c: {  	p1 =	slt.u32 s9, $0xF7A;
	s5 =	simm.s32 @!p2 $0x0  }
0x1d: {  	s5 =	simm.s32 @p1 $0x1;
	p0 =	seq.s32 s7, s2  }
0x1e: {  	s7 =	smul.u32 @!p0 $0xF7A, s2;
	p2 =	seq.s32 @!p0 s5, $0x0  }
0x1f: {  	s9 =	smul.u32 $0xF7A, s1;
	s8 =	simm.s32 @!p0 $0x1BF5;
	p2 =	por !p2, p0  }
0x20: {  	[sflag:s8] =	ssyncset.s32 @!p0 $0xFFFFF086;
	s6 =	sadd.s32 @!p0 s3, s7;
	s7 =	simm.s32 @!p0 $0x108  }
0x21: {  	s3 =	sadd.s32 s3, s9;
	s6 =	sadd.s32 @!p0 $0x88, s6;
	s7 =	simm.s32 @p2 $0x1082  }
0x22: {  	[simem:s7], [sflag:s8] =	dma.local @!p0 [hbm:s6], $0xF7A  }
0x23: {  	s9 =	sor.u32 $0xD0000000, s2;
	s6 =	simm.s32 $0x108;
	_ =	swait.ge @!p0 [sflag:s8], $0x0  }
0x24: {  	s3 =	sadd.s32 $0x88, s3;
	s6 =	simm.s32 @!p1 $0x1082;
	[sflag:s4] =	ssyncset.s32 $0xFFFFF086  }
0x25: {  	[simem:s6], [sflag:s4] =	dma.local [hbm:s3], $0xF7A  }
0x26: {  	[smem:$0x3F8C] =	sst s1;
	(tag) =	ssettag s2;
	_ =	strace s9  }
0x27: {  	s1 =	sld [smem:$0x3F9C]  }
0x28: {  	s2 =	sld [smem:$0x3F9D]  }
0x29: {  	s4 =	sld [smem:$0x3F9F]  }
0x2a: {  	p0 =	seq.s32 s5, $0x0;
	s5 =	sld [smem:$0x3FA0]  }
0x2b: {  	s6 =	sld [smem:$0x3FA1]  }
0x2c: {  	s7 =	sld [smem:$0x3FA2]  }
0x2d: {  	s3 =	simm.s32 $0x108;
	s8 =	sld [smem:$0x3FA3]  }
0x2e: {  	s3 =	simm.s32 @!p0 $0x1082;
	s9 =	sld [smem:$0x3FA4]  }
0x2f: {  	lr =	sadd.s32 s0, s3;
	s0 =	sld [smem:$0x3F9B]  }
0x30: {  	s3 =	sld [smem:$0x3F9E]  }
0x31: {  	[smem:$0x3FA7] =	sst s10  }
0x32: {  	s10 =	sld [smem:$0x3FA5];
	_ =	sdelay $0x3  }
0x33: {  	p0 =	seq.s32 s10, $0x1;
	s10 =	sld [smem:$0x3FA7];
	_ =	sdelay $0x3  }
0x34: {  	[smem:$0x3FA7] =	sst s10  }
0x35: {  	s10 =	sld [smem:$0x3FA6];
	_ =	sdelay $0x3  }
0x36: {  	p1 =	seq.s32 s10, $0x1;
	s10 =	sld [smem:$0x3FA7];
	_ =	sdelay $0x3  }
0x37: {  	[smem:$0x3FA7] =	sst s10  }
0x38: {  	s10 =	sld [smem:$0x3FA8]  }
0x39: {  	_ = 	snop;
	(pc) =	sbr.ind lr, $3  }
0x3a: {  	_ = 	snop  }
0x3b: {  	_ = 	snop  }
0x3c: {  	p2 =	seq.s32 s10, $0x1;
	s10 =	sld [smem:$0x3FA7]  }
0x3d: {  	_ =	shalt  }
0x3e: {  	_ =	shalt  }
0x3f: {  	_ =	shalt  }
0x40: {  	_ =	shalt  }
0x41: {  	_ =	shalt  }
0x42: {  	_ =	shalt  }
0x43: {  	_ =	shalt  }
0x44: {  	_ =	shalt  }
0x45: {  	_ =	shalt  }
0x46: {  	_ =	shalt  }
0x47: {  	_ =	shalt  }
0x48: {  	_ =	shalt  }
0x49: {  	_ =	shalt  }
0x4a: {  	_ =	shalt  }
0x4b: {  	_ =	shalt  }
0x4c: {  	_ =	shalt  }
0x4d: {  	_ =	shalt  }
0x4e: {  	_ =	shalt  }
0x4f: {  	_ =	shalt  }
0x50: {  	_ =	shalt  }
0x51: {  	_ =	shalt  }
0x52: {  	_ =	shalt  }
0x53: {  	_ =	shalt  }
0x54: {  	_ =	shalt  }
0x55: {  	_ =	shalt  }
0x56: {  	_ =	shalt  }
0x57: {  	_ =	shalt  }
0x58: {  	_ =	shalt  }
0x59: {  	_ =	shalt  }
0x5a: {  	_ =	shalt  }
0x5b: {  	_ =	shalt  }
0x5c: {  	_ =	shalt  }
0x5d: {  	_ =	shalt  }
0x5e: {  	_ =	shalt  }
0x5f: {  	_ =	shalt  }
0x60: {  	_ =	shalt  }
0x61: {  	_ =	shalt  }
0x62: {  	_ =	shalt  }
0x63: {  	_ =	shalt  }
0x64: {  	_ =	shalt  }
0x65: {  	_ =	shalt  }
0x66: {  	_ =	shalt  }
0x67: {  	_ =	shalt  }
0x68: {  	_ =	shalt  }
0x69: {  	_ =	shalt  }
0x6a: {  	_ =	shalt  }
0x6b: {  	_ =	shalt  }
0x6c: {  	_ =	shalt  }
0x6d: {  	_ =	shalt  }
0x6e: {  	_ =	shalt  }
0x6f: {  	_ =	shalt  }
0x70: {  	_ =	shalt  }
0x71: {  	_ =	shalt  }
0x72: {  	_ =	shalt  }
0x73: {  	_ =	shalt  }
0x74: {  	_ =	shalt  }
0x75: {  	_ =	shalt  }
0x76: {  	_ =	shalt  }
0x77: {  	_ =	shalt  }
0x78: {  	_ =	shalt  }
0x79: {  	_ =	shalt  }
0x7a: {  	_ =	shalt  }
0x7b: {  	_ =	shalt  }
0x7c: {  	_ =	shalt  }
0x7d: {  	_ =	shalt  }
0x7e: {  	_ =	shalt  }
0x7f: {  	_ =	shalt  }
0x80: {  	_ =	shalt  }
0x81: {  	_ =	shalt  }
0x82: {  	_ =	shalt  }
0x83: {  	_ =	shalt  }
0x84: {  	_ =	shalt  }
0x85: {  	_ =	shalt  }
0x86: {  	_ =	shalt  }
0x87: {  	_ =	shalt  }
.Lfunc_end0:
.L_simem_size_0:
called_computation_lowered:
.L_overlay_start_0:
0x88: {  	s2 =	sld [smem:$0x3FD9]  }
0x89: {  	s3 =	sld [smem:$0x3FFE];
	_ =	sdelay $0x1  }
0x8a: {  	s1 =	srdreg.scid  }
0x8b: {  	s0 =	sand.u32 $0x1, s1  }
0x8c: {  	s15 =	sshll.u32 s0, $0xA;
	s2 =	sadd.s32 s3, s2  }
0x8d: {  	s2 =	sadd.s32 s2, s15  }
0x8e: {  	[smem:$0x3FB3] =	sst s2  }
0x8f: {  	_ = 	snop  }
0x90: {  	s2 =	sld [smem:$0x3FD0];
	_ =	sdelay $0x2  }
0x91: {  	s4 =	simm.s32 $0xB;
	s16 =	simm.s32 $0x10  }
0x92: {  	[smem:s16], [sflag:s4] =	dma.local [hbm:s2], $0x1  }
0x93: {  	_ =	swait.eq [sflag:s4], $0x1  }
0x94: {  	[sflag:s4] =	ssyncset.done $0x0  }
0x95: {  	s17 =	sld [smem:$0x10];
	[sflag:s4] =	ssyncadd.s32 $0xFFFFFFFF  }
0x96: {  	s18 =	sld [smem:$0x11];
	(tm) =	ssettm $0x1  }
0x97: {  	s19 =	sld [smem:$0x3FFB];
	_ =	sdelay $0x3  }
0x98: {  	_ =	strace s19  }
0x99: {  	s2 =	sld [smem:$0x3FFC];
	_ =	sdelay $0x3  }
0x9a: {  	_ =	strace s2  }
0x9b: {  	s2 =	sld [smem:$0x3FFD];
	_ =	sdelay $0x3  }
0x9c: {  	_ =	strace s2  }
0x9d: {  	_ =	strace $0x8FFFFFFF  }
0x9e: {  	s20 =	sld [smem:$0x3FDB];
	_ =	sdelay $0x1  }
0x9f: {  	s5 =	simm.s32 $_scs_section_size  }
0xa0: {  	s6 =	simm.s32 $_size__tile_overlayer_lowered;
	s7 =	simm.s32 $_tile_overlayer_lowered  }
0xa1: {  	s8 =	simm.s32 $0x1BFF;
	s21 =	sshll.u32 s7, $0x1;
	s5 =	sadd.s32 s5, s20  }
0xa2: {  	s22 =	simm.s32 $0x0;
	s6 =	sshll.u32 s6, $0x1;
	s7 =	sadd.s32 s21, s5  }
0xa3: {  	[timem:s22], [sflag:s8] =	dma.local [hbm:s7], s6  }
0xa4: {  	_ =	swait.ge [sflag:s8], s6  }
0xa5: {  	s6 =	ssub.s32 $0x0, s6;
	[sflag:s8] =	ssyncset.done $0x0  }
0xa6: {  	[sflag:s8] =	ssyncadd.s32 s6;
	_ =	sdelay $0x1  }
0xa7: {  	s23 =	simm.s32 $0x1B8B  }
0xa8: {  	_ =	swait.ge [sflag:s23], $0x1  }
0xa9: {  	[sflag:s23] =	ssyncset.done $0x0  }
0xaa: {  	[sflag:s23] =	ssyncadd.s32 $0xFFFFFFFF  }
0xab: {  	s6 =	sld [smem:$0x0]  }
0xac: {  	s7 =	sand.u32 $0xFFFFFFFE, s1  }
0xad: {  	p0 =	sne.s32 s1, s7  }
0xae: {  	s7 =	sshll.u32 @p0 s7, $0xE  }
0xaf: {  	s7 =	sadd.s32 @p0 $0x11B8D, s7;
	s8 =	sshll.u32 @p0 s6, $0x11  }
0xb0: {  	s7 =	sor.u32 @p0 s8, s7  }
0xb1: {  	[sflag:s7] =	ssyncadd.remote.s32 @p0 $0x1;
	_ =	sdelay $0x1  }
0xb2: {  	s7 =	simm.s32 @p0 $0x1B8D  }
0xb3: {  	_ =	swait.eq @p0 [sflag:s7], $0x1  }
0xb4: {  	[sflag:s7] =	ssyncadd.s32 @p0 $0xFFFFFFFF  }
0xb5: {  	s8 =	sshll.u32 @!p0 s1, $0xE  }
0xb6: {  	s8 =	sor.u32 @!p0 $0x4000, s8;
	s7 =	simm.s32 @!p0 $0x1B8D  }
0xb7: {  	s6 =	sshll.u32 @!p0 s6, $0x11;
	s8 =	sadd.s32 @!p0 $0x11B8D, s8;
	_ =	swait.eq @!p0 [sflag:s7], $0x1  }
0xb8: {  	s6 =	sor.u32 @!p0 s6, s8;
	[sflag:s7] =	ssyncadd.s32 @!p0 $0xFFFFFFFF  }
0xb9: {  	s25 =	simm.s32 $0x1B8E;
	s24 =	sld [smem:$0x3FFE];
	[sflag:s6] =	ssyncadd.remote.s32 @!p0 $0x1  }
0xba: {  	s26 =	simm.s32 $execute0_lowered;
	[smem:$0x3FD2] =	sst s25  }
0xbb: {  	s7 =	sshll.u32 s26, $0x1;
	_ =	strace $0x80000049;
	[dreg:$0x1] =	wrdreg $0xFFFFFFFF  }
0xbc: {  	s28 =	simm.s32 $_size_execute0_lowered;
	s5 =	sadd.s32 s5, s7;
	[dreg:$0x0] =	wrdreg $0x0  }
0xbd: {  	s7 =	sshll.u32 s28, $0x1;
	[dreg:$0x2] =	wrdreg s5  }
0xbe: {  	[dreg:$0x3] =	wrdreg s7  }
0xbf: {  	[dreg:$0x4] =	wrdreg $0xC0  }
0xc0: {  	_ =	task [dreg:s22], $0x5FFFF  }
0xc1: {  	[dreg:$0x1] =	wrdreg $0xFFFFFFFF  }
0xc2: {  	[dreg:$0x0] =	wrdreg $0x60  }
0xc3: {  	[dreg:$0x2] =	wrdreg s24  }
0xc4: {  	[dreg:$0x3] =	wrdreg s18  }
0xc5: {  	[dreg:$0x4] =	wrdreg s17  }
0xc6: {  	[dreg:$0x5] =	wrdreg $0x9  }
0xc7: {  	_ =	task.clear_ibuf [dreg:s22], $0x6FFFF;
	_ =	strace $0x90000049  }
0xc8: {  	s29 =	simm.s32 $0x9;
	_ =	strace $0x8000004B  }
0xc9: {  	_ =	swait.ge [sflag:s29], $0x1  }
0xca: {  	[sflag:s29] =	ssyncadd.s32 $0xFFFFFFFF  }
0xcb: {  	_ =	strace $0x9000004B  }
0xcc: {  	_ =	sfence  }
0xcd: {  	s30 =	sld [smem:$0x0];
	_ =	sdelay $0x2  }
0xce: {  	s31 =	sshll.u32 s1, $0xD;
	s1 =	sshrl.u32 s1, $0x2  }
0xcf: {  	s4 =	sand.u32 $0x4000, s31;
	s1 =	sadd.s32 s1, s30  }
0xd0: {  	s0 =	sor.u32 s4, s0;
	s1 =	sshll.u32 s1, $0x11  }
0xd1: {  	s0 =	sor.u32 s1, s0  }
0xd2: {  	s0 =	sadd.s32 $0x8F2B, s0  }
0xd3: {  	[sflag:s0] =	ssyncadd.remote.s32 $0x1  }
0xd4: {  	_ =	sfence.sel $0xFFFF  }
0xd5: {  	[dreg:$0x0] =	wrdreg $0xFFFFFFFF;
	(pc) =	sbr.abs _section_cstart, $3  }
0xd6: {  	[dreg:$0x1] =	wrdreg $0xFFFFFFFF  }
0xd7: {  	_ =	task.clear_ibuf [dreg:s22], $0x2FFFF;
	_ =	strace $0x9FFFFFFF  }
0xd8: {  	(tm) =	ssettm $0x7FFFFFFF  }
0xd9: {  	_ =	shalt  }
tec
execute0_lowered:
.L_overlay_start_1:
0x0: {  	(tag) =	ssettag $0x1  }
0x1: {  	s4 =	rddreg [dreg:$0x0]  }
0x2: {  	s8 =	rddreg [dreg:$0x1];
	s0 =	stileid.u32  }
0x3: {  	s1 =	srdreg.scid;
	s2 =	rddreg [dreg:$0x2]  }
0x4: {  	s3 =	simm.s32 $0x0;
	s13 =	simm.s32 $0x280;
	s14 =	simm.s32 $0x100  }
0x5: {  	s15 =	simm.s32 $0x300;
	s16 =	simm.s32 $0x70;
	s17 =	simm.s32 $0x400  }
0x6: {  	s18 =	simm.s32 $0xAC00;
	s19 =	simm.s32 $0x3C00;
	s20 =	simm.s32 $0xE400  }
0x7: {  	s21 =	simm.s32 $0x7400;
	s22 =	simm.s32 $0x11C00;
	s5 =	smul.u32 $0x27600, s0  }
0x8: {  	s23 =	simm.s32 $0x1;
	s6 =	sand.u32 $0x1, s1;
	s9 =	smul.u32 $0x2760, s0  }
0x9: {  	s24 =	simm.s32 $0x2;
	[smem:$0x7FF] =	sst s3;
	s7 =	smul.u32 $0x13B00, s6  }
0xa: {  	s11 =	sadd.s32 $0x536A00, s4;
	s10 =	ssub.s32 $0x2, s6;
	s6 =	smul.u32 $0x13B0, s6  }
0xb: {  	_ =	strace $0x8000004A;
	s4 =	sadd.s32 s5, s4;
	s25 =	sshrl.u32 s10, $0x1  }
0xc: {  	s5 =	ssub.s32 s10, s25;
	s7 =	sadd.s32 s7, s4;
	s9 =	sadd.s32 s6, s9  }
0xd: {  	s10 =	simm.s32 $0x3;
	s25 =	simm.s32 $0x0;
	s4 =	smax.u32 s5, $0x1  }
0xe: {  	s5 =	sadd.s32 $0x53BA00, s7;
	s26 =	sshrl.u32 s9, $0x3;
	s6 =	sadd.s32 $0x7B1A00, s7  }
0xf: {  	s12 =	sadd.s32 $0xE0, s9;
	s9 =	sadd.s32 $0x70, s9;
	s28 =	sadd.s32 s26, s8  }
0x10: {  	s29 =	sadd.s32 s26, s11;
	s30 =	sshrl.u32 s12, $0x3;
	[dreg:$0x4] =	wrdreg s28  }
0x11: {  	s9 =	sshrl.u32 s9, $0x3;
	s12 =	simm.s32 $0x80;
	[dreg:$0x5] =	wrdreg s29  }
0x12: {  	s31 =	sadd.s32 s30, s8;
	s7 =	sadd.s32 s30, s11;
	s8 =	sadd.s32 s9, s8  }
0x13: {  	s9 =	sadd.s32 s9, s11;
	s11 =	simm.s32 $0x200;
	[dreg:$0x6] =	wrdreg s31  }
.LBB2_1:
0x14: {  	s26 =	rddreg [dreg:$0x5]  }
0x15: {  	s26 =	sadd.s32 $0x0, s26  }
0x16: {  	[tilespmem:s3], [sflag:$0x3] =	stream.linear.gather [hbm4b:s26+s3], $0x70, $0x38;
	[tilespmem:$0x15400] =	vst v63  }
0x17: {  	_ =	swait.ge [sflag:s10], $0x70  }
0x18: {  	s1 =	rddreg [dreg:$0x4];
	[sflag:s10] =	ssyncset.done $0x0  }
0x19: {  	[sflag:s10] =	ssyncadd.s32 $0xFFFFFF90;
	s26 =	sadd.s32 $0x0, s1  }
0x1a: {  	[tilespmem:s11], [sflag:$0x3] =	stream.linear.gather [hbm4b:s26+s3], $0x70, $0x38;
	[tilespmem:$0x15400] =	vst v63  }
0x1b: {  	_ =	swait.ge [sflag:s10], $0x70  }
0x1c: {  	[sflag:s10] =	ssyncset.done $0x0  }
0x1d: {  	s1 =	sadd.s32 $0x0, s9;
	[sflag:s10] =	ssyncadd.s32 $0xFFFFFF90  }
0x1e: {  	[tilespmem:s12], [sflag:$0x3] =	stream.linear.gather [hbm4b:s1+s3], $0x70, $0x38;
	[tilespmem:$0x15400] =	vst v63  }
0x1f: {  	_ =	swait.ge [sflag:s10], $0x70  }
0x20: {  	[sflag:s10] =	ssyncset.done $0x0  }
0x21: {  	s1 =	sadd.s32 $0x0, s8;
	[sflag:s10] =	ssyncadd.s32 $0xFFFFFF90  }
0x22: {  	[tilespmem:s13], [sflag:$0x3] =	stream.linear.gather [hbm4b:s1+s3], $0x70, $0x38;
	[tilespmem:$0x15400] =	vst v63  }
0x23: {  	_ =	swait.ge [sflag:s10], $0x70  }
0x24: {  	[sflag:s10] =	ssyncset.done $0x0  }
0x25: {  	s1 =	sadd.s32 $0x0, s7;
	[sflag:s10] =	ssyncadd.s32 $0xFFFFFF90  }
0x26: {  	[tilespmem:s14], [sflag:$0x3] =	stream.linear.gather [hbm4b:s1+s3], $0x70, $0x38;
	[tilespmem:$0x15400] =	vst v63  }
0x27: {  	_ =	swait.ge [sflag:s10], $0x70  }
0x28: {  	s1 =	rddreg [dreg:$0x6];
	[sflag:s10] =	ssyncset.done $0x0  }
0x29: {  	[sflag:s10] =	ssyncadd.s32 $0xFFFFFF90;
	s26 =	sadd.s32 $0x0, s1  }
0x2a: {  	[tilespmem:s15], [sflag:$0x3] =	stream.linear.gather [hbm4b:s26+s3], $0x70, $0x38;
	[tilespmem:$0x15400] =	vst v63  }
0x2b: {  	_ =	swait.ge [sflag:s10], $0x70  }
0x2c: {  	[sflag:s10] =	ssyncset.done $0x0  }
0x2d: {  	[sflag:s10] =	ssyncadd.s32 $0xFFFFFF90  }
0x2e: {  	[tilespmem:s17], [sflag:$0x1] =	stream.indirect.gather [hbm4b:s2+s16], $0x80, s3, s16, $0xb8;
	[tilespmem:$0x15400] =	vst v63  }
0x2f: {  	_ = 	snop  }
0x30: {  	[tilespmem:s18], [sflag:$0x2] =	stream.indirect.gather [hbm4b:s2+s16], $0x80, s11, s16, $0xb8;
	[tilespmem:$0x15400] =	vst v63  }
0x31: {  	_ = 	snop  }
0x32: {  	[tilespmem:s19], [sflag:$0x1] =	stream.indirect.gather [hbm4b:s2+s16], $0x80, s12, s16, $0xb8;
	[tilespmem:$0x15400] =	vst v63  }
0x33: {  	_ = 	snop  }
0x34: {  	[tilespmem:s20], [sflag:$0x2] =	stream.indirect.gather [hbm4b:s2+s16], $0x80, s13, s16, $0xb8;
	[tilespmem:$0x15400] =	vst v63  }
0x35: {  	_ = 	snop  }
0x36: {  	[tilespmem:s21], [sflag:$0x1] =	stream.indirect.gather [hbm4b:s2+s16], $0x80, s14, s16, $0xb8;
	[tilespmem:$0x15400] =	vst v63  }
0x37: {  	_ = 	snop  }
0x38: {  	[tilespmem:s22], [sflag:$0x2] =	stream.indirect.gather [hbm4b:s2+s16], $0x80, s15, s16, $0xb8;
	[tilespmem:$0x15400] =	vst v63  }
0x39: {  	_ =	swait.ge [sflag:s23], $0x3800  }
0x3a: {  	[sflag:s23] =	ssyncset.done $0x0  }
0x3b: {  	[sflag:s23] =	ssyncadd.s32 $0xFFFFC800  }
0x3c: {  	_ =	swait.ge [sflag:s24], $0x3800  }
0x3d: {  	[sflag:s24] =	ssyncset.done $0x0  }
0x3e: {  	[sflag:s24] =	ssyncadd.s32 $0xFFFFC800  }
0x3f: {  	_ =	swait.ge [sflag:s23], $0x3800  }
0x40: {  	[sflag:s23] =	ssyncset.done $0x0  }
0x41: {  	[sflag:s23] =	ssyncadd.s32 $0xFFFFC800  }
0x42: {  	_ =	swait.ge [sflag:s24], $0x3800  }
0x43: {  	[sflag:s24] =	ssyncset.done $0x0  }
0x44: {  	[sflag:s24] =	ssyncadd.s32 $0xFFFFC800  }
0x45: {  	_ =	swait.ge [sflag:s23], $0x3800  }
0x46: {  	[sflag:s23] =	ssyncset.done $0x0  }
0x47: {  	[sflag:s23] =	ssyncadd.s32 $0xFFFFC800  }
0x48: {  	_ =	swait.ge [sflag:s24], $0x3800  }
0x49: {  	[sflag:s24] =	ssyncset.done $0x0  }
0x4a: {  	[sflag:s24] =	ssyncadd.s32 $0xFFFFC800  }
0x4b: {  	[hbm4b:s5+s3] =	stream.linear.scatter [tilespmem:s17], [sflag:$0x3], $0xA800, $0x38;
	[tilespmem:$0x15400] =	vst v63  }
0x4c: {  	_ =	swait.ge [sflag:s10], $0xA800  }
0x4d: {  	[sflag:s10] =	ssyncset.done $0x0  }
0x4e: {  	s29 =	simm.s32 $0x2A;
	[sflag:s10] =	ssyncadd.s32 $0xFFFF5800  }
0x4f: {  	[hbm4b:s6+s3] =	stream.linear.scatter [tilespmem:s18], [sflag:$0x3], $0xA800, $0x38;
	[tilespmem:$0x15400] =	vst v63  }
0x50: {  	s30 =	simm.s32 $0x54;
	s28 =	smov.u32 s5;
	_ =	swait.ge [sflag:s10], $0xA800  }
0x51: {  	s26 =	smov.u32 s6;
	s31 =	rddreg [dreg:$0x5];
	[sflag:s10] =	ssyncset.done $0x0  }
.LBB2_2:
0x52: {  	[sflag:s10] =	ssyncadd.s32 $0xFFFF5800;
	s31 =	sadd.s32 s29, s31  }
0x53: {  	[tilespmem:s3], [sflag:$0x3] =	stream.linear.gather [hbm4b:s31+s3], $0x70, $0x38;
	[tilespmem:$0x15400] =	vst v63  }
0x54: {  	_ =	swait.ge [sflag:s10], $0x70  }
0x55: {  	s31 =	rddreg [dreg:$0x4];
	[sflag:s10] =	ssyncset.done $0x0  }
0x56: {  	[sflag:s10] =	ssyncadd.s32 $0xFFFFFF90;
	s31 =	sadd.s32 s29, s31  }
0x57: {  	[tilespmem:s11], [sflag:$0x3] =	stream.linear.gather [hbm4b:s31+s3], $0x70, $0x38;
	[tilespmem:$0x15400] =	vst v63  }
0x58: {  	_ =	swait.ge [sflag:s10], $0x70  }
0x59: {  	[sflag:s10] =	ssyncset.done $0x0  }
0x5a: {  	s31 =	sadd.s32 s29, s9;
	[sflag:s10] =	ssyncadd.s32 $0xFFFFFF90  }
0x5b: {  	[tilespmem:s12], [sflag:$0x3] =	stream.linear.gather [hbm4b:s31+s3], $0x70, $0x38;
	[tilespmem:$0x15400] =	vst v63  }
0x5c: {  	_ =	swait.ge [sflag:s10], $0x70  }
0x5d: {  	[sflag:s10] =	ssyncset.done $0x0  }
0x5e: {  	s31 =	sadd.s32 s29, s8;
	[sflag:s10] =	ssyncadd.s32 $0xFFFFFF90  }
0x5f: {  	[tilespmem:s13], [sflag:$0x3] =	stream.linear.gather [hbm4b:s31+s3], $0x70, $0x38;
	[tilespmem:$0x15400] =	vst v63  }
0x60: {  	_ =	swait.ge [sflag:s10], $0x70  }
0x61: {  	[sflag:s10] =	ssyncset.done $0x0  }
0x62: {  	s31 =	sadd.s32 s29, s7;
	[sflag:s10] =	ssyncadd.s32 $0xFFFFFF90  }
0x63: {  	[tilespmem:s14], [sflag:$0x3] =	stream.linear.gather [hbm4b:s31+s3], $0x70, $0x38;
	[tilespmem:$0x15400] =	vst v63  }
0x64: {  	_ =	swait.ge [sflag:s10], $0x70  }
0x65: {  	s31 =	rddreg [dreg:$0x6];
	[sflag:s10] =	ssyncset.done $0x0  }
0x66: {  	[sflag:s10] =	ssyncadd.s32 $0xFFFFFF90;
	s31 =	sadd.s32 s29, s31  }
0x67: {  	[tilespmem:s15], [sflag:$0x3] =	stream.linear.gather [hbm4b:s31+s3], $0x70, $0x38;
	[tilespmem:$0x15400] =	vst v63  }
0x68: {  	_ =	swait.ge [sflag:s10], $0x70  }
0x69: {  	[sflag:s10] =	ssyncset.done $0x0  }
0x6a: {  	[sflag:s10] =	ssyncadd.s32 $0xFFFFFF90  }
0x6b: {  	[tilespmem:s17], [sflag:$0x1] =	stream.indirect.gather [hbm4b:s2+s16], $0x80, s3, s16, $0xb8;
	[tilespmem:$0x15400] =	vst v63  }
0x6c: {  	_ = 	snop  }
0x6d: {  	[tilespmem:s18], [sflag:$0x2] =	stream.indirect.gather [hbm4b:s2+s16], $0x80, s11, s16, $0xb8;
	[tilespmem:$0x15400] =	vst v63  }
0x6e: {  	_ = 	snop  }
0x6f: {  	[tilespmem:s19], [sflag:$0x1] =	stream.indirect.gather [hbm4b:s2+s16], $0x80, s12, s16, $0xb8;
	[tilespmem:$0x15400] =	vst v63  }
0x70: {  	_ = 	snop  }
0x71: {  	[tilespmem:s20], [sflag:$0x2] =	stream.indirect.gather [hbm4b:s2+s16], $0x80, s13, s16, $0xb8;
	[tilespmem:$0x15400] =	vst v63  }
0x72: {  	_ = 	snop  }
0x73: {  	[tilespmem:s21], [sflag:$0x1] =	stream.indirect.gather [hbm4b:s2+s16], $0x80, s14, s16, $0xb8;
	[tilespmem:$0x15400] =	vst v63  }
0x74: {  	_ = 	snop  }
0x75: {  	[tilespmem:s22], [sflag:$0x2] =	stream.indirect.gather [hbm4b:s2+s16], $0x80, s15, s16, $0xb8;
	[tilespmem:$0x15400] =	vst v63  }
0x76: {  	_ =	swait.ge [sflag:s23], $0x3800  }
0x77: {  	[sflag:s23] =	ssyncset.done $0x0  }
0x78: {  	[sflag:s23] =	ssyncadd.s32 $0xFFFFC800  }
0x79: {  	_ =	swait.ge [sflag:s24], $0x3800  }
0x7a: {  	[sflag:s24] =	ssyncset.done $0x0  }
0x7b: {  	[sflag:s24] =	ssyncadd.s32 $0xFFFFC800  }
0x7c: {  	_ =	swait.ge [sflag:s23], $0x3800  }
0x7d: {  	[sflag:s23] =	ssyncset.done $0x0  }
0x7e: {  	[sflag:s23] =	ssyncadd.s32 $0xFFFFC800  }
0x7f: {  	_ =	swait.ge [sflag:s24], $0x3800  }
0x80: {  	[sflag:s24] =	ssyncset.done $0x0  }
0x81: {  	[sflag:s24] =	ssyncadd.s32 $0xFFFFC800  }
0x82: {  	_ =	swait.ge [sflag:s23], $0x3800  }
0x83: {  	[sflag:s23] =	ssyncset.done $0x0  }
0x84: {  	[sflag:s23] =	ssyncadd.s32 $0xFFFFC800  }
0x85: {  	_ =	swait.ge [sflag:s24], $0x3800  }
0x86: {  	[sflag:s24] =	ssyncset.done $0x0  }
0x87: {  	s28 =	sadd.s32 $0x1500, s28;
	[sflag:s24] =	ssyncadd.s32 $0xFFFFC800  }
0x88: {  	[hbm4b:s28+s3] =	stream.linear.scatter [tilespmem:s17], [sflag:$0x3], $0xA800, $0x38;
	[tilespmem:$0x15400] =	vst v63  }
0x89: {  	p0 =	sne.s32 s30, $0x24C;
	_ =	swait.ge [sflag:s10], $0xA800  }
.Ltmp0:
0x8a: {  	[sflag:s10] =	ssyncset.done $0x0;
	(pc) =	sbr.rel @p0 .LBB2_2-.Ltmp0, $4  }
0x8b: {  	s26 =	sadd.s32 $0x1500, s26;
	[sflag:s10] =	ssyncadd.s32 $0xFFFF5800  }
0x8c: {  	[hbm4b:s26+s3] =	stream.linear.scatter [tilespmem:s18], [sflag:$0x3], $0xA800, $0x38;
	[tilespmem:$0x15400] =	vst v63  }
0x8d: {  	s1 =	smov.u32 s30;
	s30 =	sadd.s32 $0x2A, s30;
	_ =	swait.ge [sflag:s10], $0xA800  }
0x8e: {  	s29 =	smov.u32 s1;
	s31 =	rddreg [dreg:$0x5];
	[sflag:s10] =	ssyncset.done $0x0  }
0x8f: {  	[sflag:s10] =	ssyncadd.s32 $0xFFFF5800;
	s1 =	sadd.s32 s29, s31  }
0x90: {  	[tilespmem:s3], [sflag:$0x3] =	stream.linear.gather [hbm4b:s1+s3], $0x70, $0x38;
	[tilespmem:$0x15400] =	vst v63  }
0x91: {  	_ =	swait.ge [sflag:s10], $0x70  }
0x92: {  	s31 =	rddreg [dreg:$0x4];
	[sflag:s10] =	ssyncset.done $0x0  }
0x93: {  	[sflag:s10] =	ssyncadd.s32 $0xFFFFFF90;
	s1 =	sadd.s32 s29, s31  }
0x94: {  	[tilespmem:s11], [sflag:$0x3] =	stream.linear.gather [hbm4b:s1+s3], $0x70, $0x38;
	[tilespmem:$0x15400] =	vst v63  }
0x95: {  	_ =	swait.ge [sflag:s10], $0x70  }
0x96: {  	[sflag:s10] =	ssyncset.done $0x0  }
0x97: {  	s30 =	sadd.s32 s29, s9;
	[sflag:s10] =	ssyncadd.s32 $0xFFFFFF90  }
0x98: {  	[tilespmem:s12], [sflag:$0x3] =	stream.linear.gather [hbm4b:s30+s3], $0x70, $0x38;
	[tilespmem:$0x15400] =	vst v63  }
0x99: {  	_ =	swait.ge [sflag:s10], $0x70  }
0x9a: {  	[sflag:s10] =	ssyncset.done $0x0  }
0x9b: {  	s31 =	sadd.s32 s29, s8;
	[sflag:s10] =	ssyncadd.s32 $0xFFFFFF90  }
0x9c: {  	[tilespmem:s13], [sflag:$0x3] =	stream.linear.gather [hbm4b:s31+s3], $0x70, $0x38;
	[tilespmem:$0x15400] =	vst v63  }
0x9d: {  	_ =	swait.ge [sflag:s10], $0x70  }
0x9e: {  	[sflag:s10] =	ssyncset.done $0x0  }
0x9f: {  	s30 =	sadd.s32 s29, s7;
	[sflag:s10] =	ssyncadd.s32 $0xFFFFFF90  }
0xa0: {  	[tilespmem:s14], [sflag:$0x3] =	stream.linear.gather [hbm4b:s30+s3], $0x70, $0x38;
	[tilespmem:$0x15400] =	vst v63  }
0xa1: {  	_ =	swait.ge [sflag:s10], $0x70  }
0xa2: {  	s31 =	rddreg [dreg:$0x6];
	[sflag:s10] =	ssyncset.done $0x0  }
0xa3: {  	[sflag:s10] =	ssyncadd.s32 $0xFFFFFF90;
	s1 =	sadd.s32 s29, s31  }
0xa4: {  	[tilespmem:s15], [sflag:$0x3] =	stream.linear.gather [hbm4b:s1+s3], $0x70, $0x38;
	[tilespmem:$0x15400] =	vst v63  }
0xa5: {  	_ =	swait.ge [sflag:s10], $0x70  }
0xa6: {  	[sflag:s10] =	ssyncset.done $0x0  }
0xa7: {  	[sflag:s10] =	ssyncadd.s32 $0xFFFFFF90  }
0xa8: {  	[tilespmem:s17], [sflag:$0x1] =	stream.indirect.gather [hbm4b:s2+s16], $0x80, s3, s16, $0xb8;
	[tilespmem:$0x15400] =	vst v63  }
0xa9: {  	_ = 	snop  }
0xaa: {  	[tilespmem:s18], [sflag:$0x2] =	stream.indirect.gather [hbm4b:s2+s16], $0x80, s11, s16, $0xb8;
	[tilespmem:$0x15400] =	vst v63  }
0xab: {  	_ = 	snop  }
0xac: {  	[tilespmem:s19], [sflag:$0x1] =	stream.indirect.gather [hbm4b:s2+s16], $0x80, s12, s16, $0xb8;
	[tilespmem:$0x15400] =	vst v63  }
0xad: {  	_ = 	snop  }
0xae: {  	[tilespmem:s20], [sflag:$0x2] =	stream.indirect.gather [hbm4b:s2+s16], $0x80, s13, s16, $0xb8;
	[tilespmem:$0x15400] =	vst v63  }
0xaf: {  	_ = 	snop  }
0xb0: {  	[tilespmem:s21], [sflag:$0x1] =	stream.indirect.gather [hbm4b:s2+s16], $0x80, s14, s16, $0xb8;
	[tilespmem:$0x15400] =	vst v63  }
0xb1: {  	_ = 	snop  }
0xb2: {  	[tilespmem:s22], [sflag:$0x2] =	stream.indirect.gather [hbm4b:s2+s16], $0x80, s15, s16, $0xb8;
	[tilespmem:$0x15400] =	vst v63  }
0xb3: {  	_ =	swait.ge [sflag:s23], $0x3800  }
0xb4: {  	[sflag:s23] =	ssyncset.done $0x0  }
0xb5: {  	[sflag:s23] =	ssyncadd.s32 $0xFFFFC800  }
0xb6: {  	_ =	swait.ge [sflag:s24], $0x3800  }
0xb7: {  	[sflag:s24] =	ssyncset.done $0x0  }
0xb8: {  	[sflag:s24] =	ssyncadd.s32 $0xFFFFC800  }
0xb9: {  	_ =	swait.ge [sflag:s23], $0x3800  }
0xba: {  	[sflag:s23] =	ssyncset.done $0x0  }
0xbb: {  	[sflag:s23] =	ssyncadd.s32 $0xFFFFC800  }
0xbc: {  	_ =	swait.ge [sflag:s24], $0x3800  }
0xbd: {  	[sflag:s24] =	ssyncset.done $0x0  }
0xbe: {  	[sflag:s24] =	ssyncadd.s32 $0xFFFFC800  }
0xbf: {  	_ =	swait.ge [sflag:s23], $0x3800  }
0xc0: {  	[sflag:s23] =	ssyncset.done $0x0  }
0xc1: {  	[sflag:s23] =	ssyncadd.s32 $0xFFFFC800  }
0xc2: {  	_ =	swait.ge [sflag:s24], $0x3800  }
0xc3: {  	[sflag:s24] =	ssyncset.done $0x0  }
0xc4: {  	s30 =	sadd.s32 $0x1500, s28;
	[sflag:s24] =	ssyncadd.s32 $0xFFFFC800  }
0xc5: {  	[hbm4b:s30+s3] =	stream.linear.scatter [tilespmem:s17], [sflag:$0x3], $0xA800, $0x38;
	[tilespmem:$0x15400] =	vst v63  }
0xc6: {  	s25 =	sadd.s32 $0x1, s25;
	_ =	swait.ge [sflag:s10], $0xA800  }
0xc7: {  	p0 =	sne.s32 s25, s4;
	[sflag:s10] =	ssyncset.done $0x0  }
.Ltmp1:
0xc8: {  	s31 =	sadd.s32 $0x1500, s26;
	[sflag:s10] =	ssyncadd.s32 $0xFFFF5800;
	(pc) =	sbr.rel @p0 .LBB2_1-.Ltmp1, $4  }
0xc9: {  	[hbm4b:s31+s3] =	stream.linear.scatter [tilespmem:s18], [sflag:$0x3], $0xA800, $0x38;
	[tilespmem:$0x15400] =	vst v63  }
0xca: {  	_ =	swait.ge [sflag:s10], $0xA800  }
0xcb: {  	[sflag:s10] =	ssyncset.done $0x0  }
0xcc: {  	[sflag:s10] =	ssyncadd.s32 $0xFFFF5800  }
0xcd: {  	_ =	sfence.sel $0x180000  }
0xce: {  	[bflag:$0x0] =	sbarrier.arrive $0xFFFF  }
0xcf: {  	_ =	strace $0x9000004A  }
0xd0: {  	[bflag:$0x2] =	sbarrier.arrive $0xFFFF  }
0xd1: {  	p0 =	sne.s32 s0, $0x0;
	s0 =	rddreg [dreg:$0x3]  }
0xd2: {  	s0 =	sadd.s32 @!p0 $0x100000, s0  }
0xd3: {  	[sflag:s0] =	ssyncadd.tile.s32 @!p0 $0x1;
	_ =	shalt  }
.Lfunc_end2:
_tile_overlayer_lowered:
.L_overlay_start_2:
0xd4: {  	(tag) =	ssettag $0x2  }
0xd5: {  	s0 =	rddreg [dreg:$0x0];
	s2 =	stileid.u32  }
0xd6: {  	s1 =	rddreg [dreg:$0x1];
	p0 =	sne.s32 s2, $0x0  }
0xd7: {  	s3 =	rddreg [dreg:$0x2];
	[bflag:$0x3] =	sbarrier.arrive $0xFFFF;
	s2 =	simm.s32 @!p0 $0x1C03  }
0xd8: {  	[timem:s3], [sflag:s2] =	dma.local @!p0 [hbm:s0], s1  }
0xd9: {  	s0 =	simm.s32 @!p0 $0x3  }
0xda: {  	_ =	swait.ge @!p0 [sflag:s0], s1  }
0xdb: {  	s1 =	ssub.s32 @!p0 $0x0, s1;
	[sflag:s0] =	ssyncset.done @!p0 $0x0  }
0xdc: {  	[sflag:s0] =	ssyncadd.s32 @!p0 s1  }
0xdd: {  	[bflag:$0x3] =	sbarrier.arrive $0xFFFF  }
0xde: {  	_ =	shalt  }

// kernel: kernel.14.cloned.1.call-start
scs
__scs_entry_jumppad:
0x0: {  	(pc) =	sbr.rel $0x88, $3  }
0x1: {  	(tag) =	ssettag $0x0;
	lr =	simm.s32 $0x1  }
0x2: {  	[smem:$0x3F8C] =	sst lr;
	_ =	strace $0xD0000000  }
0x3: {  	_ = 	snop  }
0x4: {  	_ = 	snop  }
0x5: {  	_ = 	snop  }
0x6: {  	_ = 	snop  }
0x7: {  	_ = 	snop  }
__scs_overlays_trampoline_lowered:
0x8: {  	[smem:$0x3F9B] =	sst s0  }
0x9: {  	[smem:$0x3F9C] =	sst s1  }
0xa: {  	[smem:$0x3F9D] =	sst s2  }
0xb: {  	[smem:$0x3F9E] =	sst s3  }
0xc: {  	[smem:$0x3F9F] =	sst s4  }
0xd: {  	[smem:$0x3FA0] =	sst s5  }
0xe: {  	[smem:$0x3FA1] =	sst s6  }
0xf: {  	[smem:$0x3FA2] =	sst s7  }
0x10: {  	[smem:$0x3FA3] =	sst s8  }
0x11: {  	[smem:$0x3FA4] =	sst s9;
	s0 =	simm.s32 @!p0 $0x0  }
0x12: {  	s1 =	sld [smem:$0x3F8A];
	s0 =	simm.s32 @p0 $0x1  }
0x13: {  	[smem:$0x3FA5] =	sst s0;
	s0 =	simm.s32 @!p1 $0x0  }
0x14: {  	s2 =	sld [smem:$0x3F89];
	s0 =	simm.s32 @p1 $0x1  }
0x15: {  	[smem:$0x3FA6] =	sst s0;
	s0 =	simm.s32 @!p2 $0x0  }
0x16: {  	s3 =	sld [smem:$0x3FDB];
	s0 =	simm.s32 @p2 $0x1  }
0x17: {  	s4 =	simm.s32 $0x1BF5;
	[smem:$0x3FA8] =	sst s0  }
0x18: {  	s0 =	sld [smem:$0x3F8B];
	_ =	swait.ge [sflag:s4], $0x0  }
0x19: {  	s7 =	sld [smem:$0x3F8C]  }
0x1a: {  	s8 =	sadd.s32 $0xFFFFE003, lr  }
0x1b: {  	s9 =	sadd.s32 $0xFFFFFEF7, lr;
	s5 =	simm.s32 $0xFFFFFFFF;
	p2 =	slt.u32 s8, $0xFFFFF086  }
0x1c: {  	p1 =	slt.u32 s9, $0xF7A;
	s5 =	simm.s32 @!p2 $0x0  }
0x1d: {  	s5 =	simm.s32 @p1 $0x1;
	p0 =	seq.s32 s7, s2  }
0x1e: {  	s7 =	smul.u32 @!p0 $0xF7A, s2;
	p2 =	seq.s32 @!p0 s5, $0x0  }
0x1f: {  	s9 =	smul.u32 $0xF7A, s1;
	s8 =	simm.s32 @!p0 $0x1BF5;
	p2 =	por !p2, p0  }
0x20: {  	[sflag:s8] =	ssyncset.s32 @!p0 $0xFFFFF086;
	s6 =	sadd.s32 @!p0 s3, s7;
	s7 =	simm.s32 @!p0 $0x108  }
0x21: {  	s3 =	sadd.s32 s3, s9;
	s6 =	sadd.s32 @!p0 $0x88, s6;
	s7 =	simm.s32 @p2 $0x1082  }
0x22: {  	[simem:s7], [sflag:s8] =	dma.local @!p0 [hbm:s6], $0xF7A  }
0x23: {  	s9 =	sor.u32 $0xD0000000, s2;
	s6 =	simm.s32 $0x108;
	_ =	swait.ge @!p0 [sflag:s8], $0x0  }
0x24: {  	s3 =	sadd.s32 $0x88, s3;
	s6 =	simm.s32 @!p1 $0x1082;
	[sflag:s4] =	ssyncset.s32 $0xFFFFF086  }
0x25: {  	[simem:s6], [sflag:s4] =	dma.local [hbm:s3], $0xF7A  }
0x26: {  	[smem:$0x3F8C] =	sst s1;
	(tag) =	ssettag s2;
	_ =	strace s9  }
0x27: {  	s1 =	sld [smem:$0x3F9C]  }
0x28: {  	s2 =	sld [smem:$0x3F9D]  }
0x29: {  	s4 =	sld [smem:$0x3F9F]  }
0x2a: {  	p0 =	seq.s32 s5, $0x0;
	s5 =	sld [smem:$0x3FA0]  }
0x2b: {  	s6 =	sld [smem:$0x3FA1]  }
0x2c: {  	s7 =	sld [smem:$0x3FA2]  }
0x2d: {  	s3 =	simm.s32 $0x108;
	s8 =	sld [smem:$0x3FA3]  }
0x2e: {  	s3 =	simm.s32 @!p0 $0x1082;
	s9 =	sld [smem:$0x3FA4]  }
0x2f: {  	lr =	sadd.s32 s0, s3;
	s0 =	sld [smem:$0x3F9B]  }
0x30: {  	s3 =	sld [smem:$0x3F9E]  }
0x31: {  	[smem:$0x3FA7] =	sst s10  }
0x32: {  	s10 =	sld [smem:$0x3FA5];
	_ =	sdelay $0x3  }
0x33: {  	p0 =	seq.s32 s10, $0x1;
	s10 =	sld [smem:$0x3FA7];
	_ =	sdelay $0x3  }
0x34: {  	[smem:$0x3FA7] =	sst s10  }
0x35: {  	s10 =	sld [smem:$0x3FA6];
	_ =	sdelay $0x3  }
0x36: {  	p1 =	seq.s32 s10, $0x1;
	s10 =	sld [smem:$0x3FA7];
	_ =	sdelay $0x3  }
0x37: {  	[smem:$0x3FA7] =	sst s10  }
0x38: {  	s10 =	sld [smem:$0x3FA8]  }
0x39: {  	_ = 	snop;
	(pc) =	sbr.ind lr, $3  }
0x3a: {  	_ = 	snop  }
0x3b: {  	_ = 	snop  }
0x3c: {  	p2 =	seq.s32 s10, $0x1;
	s10 =	sld [smem:$0x3FA7]  }
0x3d: {  	_ =	shalt  }
0x3e: {  	_ =	shalt  }
0x3f: {  	_ =	shalt  }
0x40: {  	_ =	shalt  }
0x41: {  	_ =	shalt  }
0x42: {  	_ =	shalt  }
0x43: {  	_ =	shalt  }
0x44: {  	_ =	shalt  }
0x45: {  	_ =	shalt  }
0x46: {  	_ =	shalt  }
0x47: {  	_ =	shalt  }
0x48: {  	_ =	shalt  }
0x49: {  	_ =	shalt  }
0x4a: {  	_ =	shalt  }
0x4b: {  	_ =	shalt  }
0x4c: {  	_ =	shalt  }
0x4d: {  	_ =	shalt  }
0x4e: {  	_ =	shalt  }
0x4f: {  	_ =	shalt  }
0x50: {  	_ =	shalt  }
0x51: {  	_ =	shalt  }
0x52: {  	_ =	shalt  }
0x53: {  	_ =	shalt  }
0x54: {  	_ =	shalt  }
0x55: {  	_ =	shalt  }
0x56: {  	_ =	shalt  }
0x57: {  	_ =	shalt  }
0x58: {  	_ =	shalt  }
0x59: {  	_ =	shalt  }
0x5a: {  	_ =	shalt  }
0x5b: {  	_ =	shalt  }
0x5c: {  	_ =	shalt  }
0x5d: {  	_ =	shalt  }
0x5e: {  	_ =	shalt  }
0x5f: {  	_ =	shalt  }
0x60: {  	_ =	shalt  }
0x61: {  	_ =	shalt  }
0x62: {  	_ =	shalt  }
0x63: {  	_ =	shalt  }
0x64: {  	_ =	shalt  }
0x65: {  	_ =	shalt  }
0x66: {  	_ =	shalt  }
0x67: {  	_ =	shalt  }
0x68: {  	_ =	shalt  }
0x69: {  	_ =	shalt  }
0x6a: {  	_ =	shalt  }
0x6b: {  	_ =	shalt  }
0x6c: {  	_ =	shalt  }
0x6d: {  	_ =	shalt  }
0x6e: {  	_ =	shalt  }
0x6f: {  	_ =	shalt  }
0x70: {  	_ =	shalt  }
0x71: {  	_ =	shalt  }
0x72: {  	_ =	shalt  }
0x73: {  	_ =	shalt  }
0x74: {  	_ =	shalt  }
0x75: {  	_ =	shalt  }
0x76: {  	_ =	shalt  }
0x77: {  	_ =	shalt  }
0x78: {  	_ =	shalt  }
0x79: {  	_ =	shalt  }
0x7a: {  	_ =	shalt  }
0x7b: {  	_ =	shalt  }
0x7c: {  	_ =	shalt  }
0x7d: {  	_ =	shalt  }
0x7e: {  	_ =	shalt  }
0x7f: {  	_ =	shalt  }
0x80: {  	_ =	shalt  }
0x81: {  	_ =	shalt  }
0x82: {  	_ =	shalt  }
0x83: {  	_ =	shalt  }
0x84: {  	_ =	shalt  }
0x85: {  	_ =	shalt  }
0x86: {  	_ =	shalt  }
0x87: {  	_ =	shalt  }
.Lfunc_end0:
.L_simem_size_0:
called_computation.1_lowered:
.L_overlay_start_0:
0x88: {  	s2 =	sld [smem:$0x3FD9]  }
0x89: {  	s3 =	sld [smem:$0x3FFE];
	_ =	sdelay $0x1  }
0x8a: {  	s1 =	srdreg.scid  }
0x8b: {  	s0 =	sand.u32 $0x1, s1  }
0x8c: {  	s14 =	sshll.u32 s0, $0xA;
	s2 =	sadd.s32 s3, s2  }
0x8d: {  	s2 =	sadd.s32 s2, s14  }
0x8e: {  	[smem:$0x3FB3] =	sst s2  }
0x8f: {  	_ = 	snop  }
0x90: {  	s2 =	sld [smem:$0x3FD0];
	_ =	sdelay $0x2  }
0x91: {  	s15 =	simm.s32 $0xB;
	s4 =	simm.s32 $0x10  }
0x92: {  	[smem:s4], [sflag:s15] =	dma.local [hbm:s2], $0x1  }
0x93: {  	_ =	swait.eq [sflag:s15], $0x1  }
0x94: {  	[sflag:s15] =	ssyncset.done $0x0  }
0x95: {  	[sflag:s15] =	ssyncadd.s32 $0xFFFFFFFF  }
0x96: {  	s16 =	sld [smem:$0x10];
	(tm) =	ssettm $0x1  }
0x97: {  	s17 =	sld [smem:$0x3FFB];
	_ =	sdelay $0x3  }
0x98: {  	_ =	strace s17  }
0x99: {  	s3 =	sld [smem:$0x3FFC];
	_ =	sdelay $0x3  }
0x9a: {  	_ =	strace s3  }
0x9b: {  	s3 =	sld [smem:$0x3FFD];
	_ =	sdelay $0x3  }
0x9c: {  	_ =	strace s3  }
0x9d: {  	_ =	strace $0x8FFFFFFF  }
0x9e: {  	s18 =	sld [smem:$0x3FDB];
	_ =	sdelay $0x1  }
0x9f: {  	s19 =	simm.s32 $_scs_section_size  }
0xa0: {  	s5 =	simm.s32 $_size__tile_overlayer_lowered;
	s6 =	simm.s32 $_tile_overlayer_lowered  }
0xa1: {  	s22 =	simm.s32 $0x1BFF;
	s21 =	sshll.u32 s6, $0x1;
	s3 =	sadd.s32 s19, s18  }
0xa2: {  	s7 =	simm.s32 $0x0;
	s20 =	sshll.u32 s5, $0x1;
	s5 =	sadd.s32 s21, s3  }
0xa3: {  	[timem:s7], [sflag:s22] =	dma.local [hbm:s5], s20  }
0xa4: {  	_ =	swait.ge [sflag:s22], s20  }
0xa5: {  	s4 =	ssub.s32 $0x0, s20;
	[sflag:s22] =	ssyncset.done $0x0  }
0xa6: {  	[sflag:s22] =	ssyncadd.s32 s4;
	_ =	sdelay $0x1  }
0xa7: {  	s23 =	simm.s32 $0x1B8B  }
0xa8: {  	_ =	swait.ge [sflag:s23], $0x1  }
0xa9: {  	[sflag:s23] =	ssyncset.done $0x0  }
0xaa: {  	s25 =	simm.s32 $0x1B8E;
	s24 =	sld [smem:$0x3FFE];
	[sflag:s23] =	ssyncadd.s32 $0xFFFFFFFF  }
0xab: {  	s26 =	simm.s32 $execute0_lowered;
	[smem:$0x3FD2] =	sst s25  }
0xac: {  	s5 =	sshll.u32 s26, $0x1;
	_ =	strace $0x80000046;
	[dreg:$0x1] =	wrdreg $0xFFFFFFFF  }
0xad: {  	s28 =	simm.s32 $_size_execute0_lowered;
	s3 =	sadd.s32 s3, s5;
	[dreg:$0x0] =	wrdreg $0x0  }
0xae: {  	s5 =	sshll.u32 s28, $0x1;
	[dreg:$0x2] =	wrdreg s3  }
0xaf: {  	[dreg:$0x3] =	wrdreg s5  }
0xb0: {  	[dreg:$0x4] =	wrdreg $0xC0  }
0xb1: {  	_ =	task [dreg:s7], $0x5FFFF  }
0xb2: {  	[dreg:$0x1] =	wrdreg $0xFFFFFFFF  }
0xb3: {  	[dreg:$0x0] =	wrdreg $0x60  }
0xb4: {  	[dreg:$0x2] =	wrdreg s24  }
0xb5: {  	[dreg:$0x3] =	wrdreg s16  }
0xb6: {  	[dreg:$0x4] =	wrdreg $0xA  }
0xb7: {  	_ =	task.clear_ibuf [dreg:s7], $0x5FFFF;
	_ =	strace $0x90000046  }
0xb8: {  	s29 =	simm.s32 $0xA;
	_ =	strace $0x80000048  }
0xb9: {  	_ =	swait.ge [sflag:s29], $0x1  }
0xba: {  	[sflag:s29] =	ssyncadd.s32 $0xFFFFFFFF  }
0xbb: {  	_ =	strace $0x90000048  }
0xbc: {  	_ =	sfence  }
0xbd: {  	s30 =	sld [smem:$0x0];
	_ =	sdelay $0x2  }
0xbe: {  	s31 =	sshll.u32 s1, $0xD;
	s1 =	sshrl.u32 s1, $0x2  }
0xbf: {  	s3 =	sand.u32 $0x4000, s31;
	s1 =	sadd.s32 s1, s30  }
0xc0: {  	s0 =	sor.u32 s3, s0;
	s1 =	sshll.u32 s1, $0x11  }
0xc1: {  	s0 =	sor.u32 s1, s0  }
0xc2: {  	s0 =	sadd.s32 $0x8F2B, s0  }
0xc3: {  	[sflag:s0] =	ssyncadd.remote.s32 $0x1  }
0xc4: {  	_ =	sfence.sel $0xFFFF  }
0xc5: {  	[dreg:$0x0] =	wrdreg $0xFFFFFFFF;
	(pc) =	sbr.abs _section_cstart, $3  }
0xc6: {  	[dreg:$0x1] =	wrdreg $0xFFFFFFFF  }
0xc7: {  	_ =	task.clear_ibuf [dreg:s7], $0x2FFFF;
	_ =	strace $0x9FFFFFFF  }
0xc8: {  	(tm) =	ssettm $0x7FFFFFFF  }
0xc9: {  	_ =	shalt  }
tec
execute0_lowered:
.L_overlay_start_1:
0x0: {  	(tag) =	ssettag $0x1  }
0x1: {  	s0 =	rddreg [dreg:$0x0]  }
0x2: {  	s2 =	rddreg [dreg:$0x1];
	s1 =	srdreg.scid  }
0x3: {  	s13 =	stileid.u32;
	s3 =	simm.s32 $0x0;
	s28 =	simm.s32 $0xF800  }
0x4: {  	s29 =	simm.s32 $0x1;
	s30 =	simm.s32 $0x2;
	s31 =	simm.s32 $0x0  }
0x5: {  	s1 =	sand.u32 $0x1, s1;
	s4 =	sshll.u32 s13, $0x1;
	[smem:$0x7FF] =	sst s3  }
0x6: {  	s5 =	sadd.s32 $0xB800, s0;
	s6 =	sadd.s32 $0x6A00, s0;
	s15 =	smul.u32 $0x26C0, s13  }
0x7: {  	s11 =	sadd.s32 $0x5EA00, s0;
	s4 =	sor.u32 s1, s4;
	s12 =	smul.u32 $0x1360, s1  }
0x8: {  	s0 =	sadd.s32 $0x2CAA00, s0;
	s7 =	ssub.s32 $0x2, s1;
	s4 =	smul.u32 $0x1360, s4  }
0x9: {  	s13 =	smul.u32 $0x26C00, s13;
	_ =	strace $0x80000047;
	s8 =	sshrl.u32 s7, $0x1  }
0xa: {  	s7 =	ssub.s32 s7, s8;
	s12 =	sadd.s32 s12, s15;
	s9 =	sadd.s32 $0x12C0, s4  }
0xb: {  	s4 =	sshrl.u32 s4, $0x3;
	s18 =	sshrl.u32 s12, $0x3;
	s22 =	sadd.s32 $0xF0, s12  }
0xc: {  	s26 =	sadd.s32 $0xA0, s12;
	s14 =	sshrl.u32 s9, $0x3;
	s4 =	sadd.s32 $0x262, s4  }
0xd: {  	s17 =	sshll.u32 s9, $0x4;
	s19 =	sadd.s32 s18, s6;
	s24 =	sshrl.u32 s22, $0x3  }
0xe: {  	s22 =	simm.s32 $0x12000;
	s10 =	sadd.s32 s5, s14;
	[dreg:$0x3] =	wrdreg s19  }
0xf: {  	s8 =	sadd.s32 s6, s14;
	s16 =	sadd.s32 s5, s4;
	[dreg:$0xe] =	wrdreg s22  }
0x10: {  	s4 =	sadd.s32 s6, s4;
	s9 =	sadd.s32 s0, s17;
	[dreg:$0x13] =	wrdreg s10  }
0x11: {  	s14 =	sadd.s32 $0x140, s12;
	s25 =	sadd.s32 s24, s6;
	[dreg:$0x14] =	wrdreg s8  }
0x12: {  	s12 =	sadd.s32 $0x50, s12;
	s0 =	sadd.s32 s13, s0;
	[dreg:$0x15] =	wrdreg s16  }
0x13: {  	s22 =	simm.s32 $0x600;
	[dreg:$0x16] =	wrdreg s4;
	s8 =	sadd.s32 s11, s17  }
0x14: {  	s10 =	smax.u32 s7, $0x1;
	s7 =	sadd.s32 s13, s11;
	s4 =	sadd.s32 s18, s5  }
0x15: {  	s20 =	sshrl.u32 s14, $0x3;
	[dreg:$0x7] =	wrdreg s25;
	s11 =	sadd.s32 s24, s5  }
0x16: {  	s14 =	sshrl.u32 s26, $0x3;
	s17 =	sshrl.u32 s12, $0x3;
	[dreg:$0x4] =	wrdreg s4  }
0x17: {  	s18 =	smul.u32 $0x13600, s1;
	s24 =	simm.s32 $0x14800;
	[dreg:$0x8] =	wrdreg s11  }
0x18: {  	s13 =	simm.s32 $0x3;
	s25 =	simm.s32 $0xA800;
	[dreg:$0x10] =	wrdreg s24  }
0x19: {  	s26 =	simm.s32 $0x17000;
	s21 =	sadd.s32 s20, s6;
	[dreg:$0x11] =	wrdreg s25  }
0x1a: {  	s23 =	sadd.s32 s20, s5;
	s15 =	sadd.s32 s14, s6;
	[dreg:$0x12] =	wrdreg s26  }
0x1b: {  	s16 =	sadd.s32 s14, s5;
	s19 =	sadd.s32 s17, s6;
	[dreg:$0x5] =	wrdreg s21  }
0x1c: {  	s20 =	sadd.s32 s17, s5;
	s14 =	simm.s32 $0x400;
	[dreg:$0x6] =	wrdreg s23  }
0x1d: {  	s17 =	simm.s32 $0x100;
	s24 =	simm.s32 $0x800;
	[dreg:$0x9] =	wrdreg s15  }
0x1e: {  	s25 =	simm.s32 $0xD000;
	s26 =	simm.s32 $0x3000;
	[dreg:$0xa] =	wrdreg s16  }
0x1f: {  	[dreg:$0xb] =	wrdreg s19;
	s1 =	sadd.s32 s18, s7;
	s0 =	sadd.s32 s18, s0  }
0x20: {  	[dreg:$0xc] =	wrdreg s20;
	s15 =	simm.s32 $0x80;
	s16 =	simm.s32 $0x480  }
0x21: {  	s21 =	simm.s32 $0x5800;
	s18 =	simm.s32 $0x500;
	s19 =	simm.s32 $0x180  }
0x22: {  	s23 =	simm.s32 $0x8000;
	s20 =	simm.s32 $0x580;
	[dreg:$0xd] =	wrdreg s21  }
0x23: {  	[dreg:$0xf] =	wrdreg s23;
	s21 =	simm.s32 $0x200;
	s23 =	simm.s32 $0x50  }
.LBB2_1:
0x24: {  	s4 =	rddreg [dreg:$0x4]  }
0x25: {  	s4 =	sadd.s32 $0x0, s4  }
0x26: {  	[tilespmem:s3], [sflag:$0x3] =	stream.linear.gather [hbm4b:s4+s3], $0x50, $0x38;
	[tilespmem:$0x19800] =	vst v63  }
0x27: {  	_ =	swait.ge [sflag:s13], $0x50  }
0x28: {  	s5 =	rddreg [dreg:$0x3];
	[sflag:s13] =	ssyncset.done $0x0  }
0x29: {  	[sflag:s13] =	ssyncadd.s32 $0xFFFFFFB0;
	s4 =	sadd.s32 $0x0, s5  }
0x2a: {  	[tilespmem:s14], [sflag:$0x3] =	stream.linear.gather [hbm4b:s4+s3], $0x50, $0x38;
	[tilespmem:$0x19800] =	vst v63  }
0x2b: {  	_ =	swait.ge [sflag:s13], $0x50  }
0x2c: {  	s6 =	rddreg [dreg:$0xc];
	[sflag:s13] =	ssyncset.done $0x0  }
0x2d: {  	[sflag:s13] =	ssyncadd.s32 $0xFFFFFFB0;
	s4 =	sadd.s32 $0x0, s6  }
0x2e: {  	[tilespmem:s15], [sflag:$0x3] =	stream.linear.gather [hbm4b:s4+s3], $0x50, $0x38;
	[tilespmem:$0x19800] =	vst v63  }
0x2f: {  	_ =	swait.ge [sflag:s13], $0x50  }
0x30: {  	s7 =	rddreg [dreg:$0xb];
	[sflag:s13] =	ssyncset.done $0x0  }
0x31: {  	[sflag:s13] =	ssyncadd.s32 $0xFFFFFFB0;
	s4 =	sadd.s32 $0x0, s7  }
0x32: {  	[tilespmem:s16], [sflag:$0x3] =	stream.linear.gather [hbm4b:s4+s3], $0x50, $0x38;
	[tilespmem:$0x19800] =	vst v63  }
0x33: {  	_ =	swait.ge [sflag:s13], $0x50  }
0x34: {  	s11 =	rddreg [dreg:$0xa];
	[sflag:s13] =	ssyncset.done $0x0  }
0x35: {  	[sflag:s13] =	ssyncadd.s32 $0xFFFFFFB0;
	s4 =	sadd.s32 $0x0, s11  }
0x36: {  	[tilespmem:s17], [sflag:$0x3] =	stream.linear.gather [hbm4b:s4+s3], $0x50, $0x38;
	[tilespmem:$0x19800] =	vst v63  }
0x37: {  	_ =	swait.ge [sflag:s13], $0x50  }
0x38: {  	s12 =	rddreg [dreg:$0x9];
	[sflag:s13] =	ssyncset.done $0x0  }
0x39: {  	[sflag:s13] =	ssyncadd.s32 $0xFFFFFFB0;
	s4 =	sadd.s32 $0x0, s12  }
0x3a: {  	[tilespmem:s18], [sflag:$0x3] =	stream.linear.gather [hbm4b:s4+s3], $0x50, $0x38;
	[tilespmem:$0x19800] =	vst v63  }
0x3b: {  	_ =	swait.ge [sflag:s13], $0x50  }
0x3c: {  	s5 =	rddreg [dreg:$0x8];
	[sflag:s13] =	ssyncset.done $0x0  }
0x3d: {  	[sflag:s13] =	ssyncadd.s32 $0xFFFFFFB0;
	s4 =	sadd.s32 $0x0, s5  }
0x3e: {  	[tilespmem:s19], [sflag:$0x3] =	stream.linear.gather [hbm4b:s4+s3], $0x50, $0x38;
	[tilespmem:$0x19800] =	vst v63  }
0x3f: {  	_ =	swait.ge [sflag:s13], $0x50  }
0x40: {  	s6 =	rddreg [dreg:$0x7];
	[sflag:s13] =	ssyncset.done $0x0  }
0x41: {  	[sflag:s13] =	ssyncadd.s32 $0xFFFFFFB0;
	s4 =	sadd.s32 $0x0, s6  }
0x42: {  	[tilespmem:s20], [sflag:$0x3] =	stream.linear.gather [hbm4b:s4+s3], $0x50, $0x38;
	[tilespmem:$0x19800] =	vst v63  }
0x43: {  	_ =	swait.ge [sflag:s13], $0x50  }
0x44: {  	s7 =	rddreg [dreg:$0x6];
	[sflag:s13] =	ssyncset.done $0x0  }
0x45: {  	[sflag:s13] =	ssyncadd.s32 $0xFFFFFFB0;
	s4 =	sadd.s32 $0x0, s7  }
0x46: {  	[tilespmem:s21], [sflag:$0x3] =	stream.linear.gather [hbm4b:s4+s3], $0x50, $0x38;
	[tilespmem:$0x19800] =	vst v63  }
0x47: {  	_ =	swait.ge [sflag:s13], $0x50  }
0x48: {  	s11 =	rddreg [dreg:$0x5];
	[sflag:s13] =	ssyncset.done $0x0  }
0x49: {  	[sflag:s13] =	ssyncadd.s32 $0xFFFFFFB0;
	s4 =	sadd.s32 $0x0, s11  }
0x4a: {  	[tilespmem:s22], [sflag:$0x3] =	stream.linear.gather [hbm4b:s4+s3], $0x50, $0x38;
	[tilespmem:$0x19800] =	vst v63  }
0x4b: {  	_ =	swait.ge [sflag:s13], $0x50  }
0x4c: {  	[sflag:s13] =	ssyncset.done $0x0  }
0x4d: {  	[sflag:s13] =	ssyncadd.s32 $0xFFFFFFB0  }
0x4e: {  	[tilespmem:s24], [sflag:$0x1] =	stream.indirect.gather [hbm4b:s2+s23], $0x80, s3, s23, $0xb8;
	[tilespmem:$0x19800] =	vst v63  }
0x4f: {  	_ = 	snop  }
0x50: {  	[tilespmem:s25], [sflag:$0x2] =	stream.indirect.gather [hbm4b:s2+s23], $0x80, s14, s23, $0xb8;
	[tilespmem:$0x19800] =	vst v63  }
0x51: {  	_ = 	snop  }
0x52: {  	[tilespmem:s26], [sflag:$0x1] =	stream.indirect.gather [hbm4b:s2+s23], $0x80, s15, s23, $0xb8;
	[tilespmem:$0x19800] =	vst v63  }
0x53: {  	_ = 	snop  }
0x54: {  	[tilespmem:s28], [sflag:$0x2] =	stream.indirect.gather [hbm4b:s2+s23], $0x80, s16, s23, $0xb8;
	[tilespmem:$0x19800] =	vst v63  }
0x55: {  	s12 =	rddreg [dreg:$0xd]  }
0x56: {  	[tilespmem:s12], [sflag:$0x1] =	stream.indirect.gather [hbm4b:s2+s23], $0x80, s17, s23, $0xb8;
	[tilespmem:$0x19800] =	vst v63  }
0x57: {  	s5 =	rddreg [dreg:$0xe]  }
0x58: {  	[tilespmem:s5], [sflag:$0x2] =	stream.indirect.gather [hbm4b:s2+s23], $0x80, s18, s23, $0xb8;
	[tilespmem:$0x19800] =	vst v63  }
0x59: {  	s6 =	rddreg [dreg:$0xf]  }
0x5a: {  	[tilespmem:s6], [sflag:$0x1] =	stream.indirect.gather [hbm4b:s2+s23], $0x80, s19, s23, $0xb8;
	[tilespmem:$0x19800] =	vst v63  }
0x5b: {  	s7 =	rddreg [dreg:$0x10]  }
0x5c: {  	[tilespmem:s7], [sflag:$0x2] =	stream.indirect.gather [hbm4b:s2+s23], $0x80, s20, s23, $0xb8;
	[tilespmem:$0x19800] =	vst v63  }
0x5d: {  	s11 =	rddreg [dreg:$0x11]  }
0x5e: {  	[tilespmem:s11], [sflag:$0x1] =	stream.indirect.gather [hbm4b:s2+s23], $0x80, s21, s23, $0xb8;
	[tilespmem:$0x19800] =	vst v63  }
0x5f: {  	s12 =	rddreg [dreg:$0x12]  }
0x60: {  	[tilespmem:s12], [sflag:$0x2] =	stream.indirect.gather [hbm4b:s2+s23], $0x80, s22, s23, $0xb8;
	[tilespmem:$0x19800] =	vst v63  }
0x61: {  	_ =	swait.ge [sflag:s29], $0x2800  }
0x62: {  	[sflag:s29] =	ssyncset.done $0x0  }
0x63: {  	[sflag:s29] =	ssyncadd.s32 $0xFFFFD800  }
0x64: {  	_ =	swait.ge [sflag:s30], $0x2800  }
0x65: {  	[sflag:s30] =	ssyncset.done $0x0  }
0x66: {  	[sflag:s30] =	ssyncadd.s32 $0xFFFFD800  }
0x67: {  	_ =	swait.ge [sflag:s29], $0x2800  }
0x68: {  	[sflag:s29] =	ssyncset.done $0x0  }
0x69: {  	[sflag:s29] =	ssyncadd.s32 $0xFFFFD800  }
0x6a: {  	_ =	swait.ge [sflag:s30], $0x2800  }
0x6b: {  	[sflag:s30] =	ssyncset.done $0x0  }
0x6c: {  	[sflag:s30] =	ssyncadd.s32 $0xFFFFD800  }
0x6d: {  	_ =	swait.ge [sflag:s29], $0x2800  }
0x6e: {  	[sflag:s29] =	ssyncset.done $0x0  }
0x6f: {  	[sflag:s29] =	ssyncadd.s32 $0xFFFFD800  }
0x70: {  	_ =	swait.ge [sflag:s30], $0x2800  }
0x71: {  	[sflag:s30] =	ssyncset.done $0x0  }
0x72: {  	[sflag:s30] =	ssyncadd.s32 $0xFFFFD800  }
0x73: {  	_ =	swait.ge [sflag:s29], $0x2800  }
0x74: {  	[sflag:s29] =	ssyncset.done $0x0  }
0x75: {  	[sflag:s29] =	ssyncadd.s32 $0xFFFFD800  }
0x76: {  	_ =	swait.ge [sflag:s30], $0x2800  }
0x77: {  	[sflag:s30] =	ssyncset.done $0x0  }
0x78: {  	[sflag:s30] =	ssyncadd.s32 $0xFFFFD800  }
0x79: {  	_ =	swait.ge [sflag:s29], $0x2800  }
0x7a: {  	[sflag:s29] =	ssyncset.done $0x0  }
0x7b: {  	[sflag:s29] =	ssyncadd.s32 $0xFFFFD800  }
0x7c: {  	_ =	swait.ge [sflag:s30], $0x2800  }
0x7d: {  	[sflag:s30] =	ssyncset.done $0x0  }
0x7e: {  	[sflag:s30] =	ssyncadd.s32 $0xFFFFD800  }
0x7f: {  	[hbm4b:s1+s3] =	stream.linear.scatter [tilespmem:s24], [sflag:$0x3], $0xC800, $0x38;
	[tilespmem:$0x19800] =	vst v63  }
0x80: {  	_ =	swait.ge [sflag:s13], $0xC800  }
0x81: {  	[sflag:s13] =	ssyncset.done $0x0  }
0x82: {  	s4 =	simm.s32 $0x32;
	[sflag:s13] =	ssyncadd.s32 $0xFFFF3800  }
0x83: {  	[hbm4b:s0+s3] =	stream.linear.scatter [tilespmem:s25], [sflag:$0x3], $0xC800, $0x38;
	[tilespmem:$0x19800] =	vst v63  }
0x84: {  	s5 =	simm.s32 $0x64;
	s11 =	smov.u32 s1;
	_ =	swait.ge [sflag:s13], $0xC800  }
0x85: {  	s12 =	smov.u32 s0;
	s7 =	rddreg [dreg:$0x4];
	[sflag:s13] =	ssyncset.done $0x0  }
.LBB2_2:
0x86: {  	[sflag:s13] =	ssyncadd.s32 $0xFFFF3800;
	s7 =	sadd.s32 s4, s7  }
0x87: {  	[tilespmem:s3], [sflag:$0x3] =	stream.linear.gather [hbm4b:s7+s3], $0x50, $0x38;
	[tilespmem:$0x19800] =	vst v63  }
0x88: {  	_ =	swait.ge [sflag:s13], $0x50  }
0x89: {  	s7 =	rddreg [dreg:$0x3];
	[sflag:s13] =	ssyncset.done $0x0  }
0x8a: {  	[sflag:s13] =	ssyncadd.s32 $0xFFFFFFB0;
	s7 =	sadd.s32 s4, s7  }
0x8b: {  	[tilespmem:s14], [sflag:$0x3] =	stream.linear.gather [hbm4b:s7+s3], $0x50, $0x38;
	[tilespmem:$0x19800] =	vst v63  }
0x8c: {  	_ =	swait.ge [sflag:s13], $0x50  }
0x8d: {  	s7 =	rddreg [dreg:$0xc];
	[sflag:s13] =	ssyncset.done $0x0  }
0x8e: {  	[sflag:s13] =	ssyncadd.s32 $0xFFFFFFB0;
	s7 =	sadd.s32 s4, s7  }
0x8f: {  	[tilespmem:s15], [sflag:$0x3] =	stream.linear.gather [hbm4b:s7+s3], $0x50, $0x38;
	[tilespmem:$0x19800] =	vst v63  }
0x90: {  	_ =	swait.ge [sflag:s13], $0x50  }
0x91: {  	s7 =	rddreg [dreg:$0xb];
	[sflag:s13] =	ssyncset.done $0x0  }
0x92: {  	[sflag:s13] =	ssyncadd.s32 $0xFFFFFFB0;
	s7 =	sadd.s32 s4, s7  }
0x93: {  	[tilespmem:s16], [sflag:$0x3] =	stream.linear.gather [hbm4b:s7+s3], $0x50, $0x38;
	[tilespmem:$0x19800] =	vst v63  }
0x94: {  	_ =	swait.ge [sflag:s13], $0x50  }
0x95: {  	s7 =	rddreg [dreg:$0xa];
	[sflag:s13] =	ssyncset.done $0x0  }
0x96: {  	[sflag:s13] =	ssyncadd.s32 $0xFFFFFFB0;
	s7 =	sadd.s32 s4, s7  }
0x97: {  	[tilespmem:s17], [sflag:$0x3] =	stream.linear.gather [hbm4b:s7+s3], $0x50, $0x38;
	[tilespmem:$0x19800] =	vst v63  }
0x98: {  	_ =	swait.ge [sflag:s13], $0x50  }
0x99: {  	s7 =	rddreg [dreg:$0x9];
	[sflag:s13] =	ssyncset.done $0x0  }
0x9a: {  	[sflag:s13] =	ssyncadd.s32 $0xFFFFFFB0;
	s7 =	sadd.s32 s4, s7  }
0x9b: {  	[tilespmem:s18], [sflag:$0x3] =	stream.linear.gather [hbm4b:s7+s3], $0x50, $0x38;
	[tilespmem:$0x19800] =	vst v63  }
0x9c: {  	_ =	swait.ge [sflag:s13], $0x50  }
0x9d: {  	s7 =	rddreg [dreg:$0x8];
	[sflag:s13] =	ssyncset.done $0x0  }
0x9e: {  	[sflag:s13] =	ssyncadd.s32 $0xFFFFFFB0;
	s7 =	sadd.s32 s4, s7  }
0x9f: {  	[tilespmem:s19], [sflag:$0x3] =	stream.linear.gather [hbm4b:s7+s3], $0x50, $0x38;
	[tilespmem:$0x19800] =	vst v63  }
0xa0: {  	_ =	swait.ge [sflag:s13], $0x50  }
0xa1: {  	s7 =	rddreg [dreg:$0x7];
	[sflag:s13] =	ssyncset.done $0x0  }
0xa2: {  	[sflag:s13] =	ssyncadd.s32 $0xFFFFFFB0;
	s7 =	sadd.s32 s4, s7  }
0xa3: {  	[tilespmem:s20], [sflag:$0x3] =	stream.linear.gather [hbm4b:s7+s3], $0x50, $0x38;
	[tilespmem:$0x19800] =	vst v63  }
0xa4: {  	_ =	swait.ge [sflag:s13], $0x50  }
0xa5: {  	s7 =	rddreg [dreg:$0x6];
	[sflag:s13] =	ssyncset.done $0x0  }
0xa6: {  	[sflag:s13] =	ssyncadd.s32 $0xFFFFFFB0;
	s7 =	sadd.s32 s4, s7  }
0xa7: {  	[tilespmem:s21], [sflag:$0x3] =	stream.linear.gather [hbm4b:s7+s3], $0x50, $0x38;
	[tilespmem:$0x19800] =	vst v63  }
0xa8: {  	_ =	swait.ge [sflag:s13], $0x50  }
0xa9: {  	s7 =	rddreg [dreg:$0x5];
	[sflag:s13] =	ssyncset.done $0x0  }
0xaa: {  	[sflag:s13] =	ssyncadd.s32 $0xFFFFFFB0;
	s7 =	sadd.s32 s4, s7  }
0xab: {  	[tilespmem:s22], [sflag:$0x3] =	stream.linear.gather [hbm4b:s7+s3], $0x50, $0x38;
	[tilespmem:$0x19800] =	vst v63  }
0xac: {  	_ =	swait.ge [sflag:s13], $0x50  }
0xad: {  	[sflag:s13] =	ssyncset.done $0x0  }
0xae: {  	[sflag:s13] =	ssyncadd.s32 $0xFFFFFFB0  }
0xaf: {  	[tilespmem:s24], [sflag:$0x1] =	stream.indirect.gather [hbm4b:s2+s23], $0x80, s3, s23, $0xb8;
	[tilespmem:$0x19800] =	vst v63  }
0xb0: {  	_ = 	snop  }
0xb1: {  	[tilespmem:s25], [sflag:$0x2] =	stream.indirect.gather [hbm4b:s2+s23], $0x80, s14, s23, $0xb8;
	[tilespmem:$0x19800] =	vst v63  }
0xb2: {  	_ = 	snop  }
0xb3: {  	[tilespmem:s26], [sflag:$0x1] =	stream.indirect.gather [hbm4b:s2+s23], $0x80, s15, s23, $0xb8;
	[tilespmem:$0x19800] =	vst v63  }
0xb4: {  	s6 =	smov.u32 s5  }
0xb5: {  	[tilespmem:s28], [sflag:$0x2] =	stream.indirect.gather [hbm4b:s2+s23], $0x80, s16, s23, $0xb8;
	[tilespmem:$0x19800] =	vst v63  }
0xb6: {  	s4 =	smov.u32 s6;
	s6 =	rddreg [dreg:$0xd]  }
0xb7: {  	[tilespmem:s6], [sflag:$0x1] =	stream.indirect.gather [hbm4b:s2+s23], $0x80, s17, s23, $0xb8;
	[tilespmem:$0x19800] =	vst v63  }
0xb8: {  	s7 =	rddreg [dreg:$0xe]  }
0xb9: {  	[tilespmem:s7], [sflag:$0x2] =	stream.indirect.gather [hbm4b:s2+s23], $0x80, s18, s23, $0xb8;
	[tilespmem:$0x19800] =	vst v63  }
0xba: {  	s6 =	rddreg [dreg:$0xf]  }
0xbb: {  	[tilespmem:s6], [sflag:$0x1] =	stream.indirect.gather [hbm4b:s2+s23], $0x80, s19, s23, $0xb8;
	[tilespmem:$0x19800] =	vst v63  }
0xbc: {  	s7 =	rddreg [dreg:$0x10]  }
0xbd: {  	[tilespmem:s7], [sflag:$0x2] =	stream.indirect.gather [hbm4b:s2+s23], $0x80, s20, s23, $0xb8;
	[tilespmem:$0x19800] =	vst v63  }
0xbe: {  	s6 =	rddreg [dreg:$0x11]  }
0xbf: {  	[tilespmem:s6], [sflag:$0x1] =	stream.indirect.gather [hbm4b:s2+s23], $0x80, s21, s23, $0xb8;
	[tilespmem:$0x19800] =	vst v63  }
0xc0: {  	s7 =	rddreg [dreg:$0x12]  }
0xc1: {  	[tilespmem:s7], [sflag:$0x2] =	stream.indirect.gather [hbm4b:s2+s23], $0x80, s22, s23, $0xb8;
	[tilespmem:$0x19800] =	vst v63  }
0xc2: {  	_ =	swait.ge [sflag:s29], $0x2800  }
0xc3: {  	[sflag:s29] =	ssyncset.done $0x0  }
0xc4: {  	[sflag:s29] =	ssyncadd.s32 $0xFFFFD800  }
0xc5: {  	_ =	swait.ge [sflag:s30], $0x2800  }
0xc6: {  	[sflag:s30] =	ssyncset.done $0x0  }
0xc7: {  	[sflag:s30] =	ssyncadd.s32 $0xFFFFD800  }
0xc8: {  	_ =	swait.ge [sflag:s29], $0x2800  }
0xc9: {  	[sflag:s29] =	ssyncset.done $0x0  }
0xca: {  	[sflag:s29] =	ssyncadd.s32 $0xFFFFD800  }
0xcb: {  	_ =	swait.ge [sflag:s30], $0x2800  }
0xcc: {  	[sflag:s30] =	ssyncset.done $0x0  }
0xcd: {  	[sflag:s30] =	ssyncadd.s32 $0xFFFFD800  }
0xce: {  	_ =	swait.ge [sflag:s29], $0x2800  }
0xcf: {  	[sflag:s29] =	ssyncset.done $0x0  }
0xd0: {  	[sflag:s29] =	ssyncadd.s32 $0xFFFFD800  }
0xd1: {  	_ =	swait.ge [sflag:s30], $0x2800  }
0xd2: {  	[sflag:s30] =	ssyncset.done $0x0  }
0xd3: {  	[sflag:s30] =	ssyncadd.s32 $0xFFFFD800  }
0xd4: {  	_ =	swait.ge [sflag:s29], $0x2800  }
0xd5: {  	[sflag:s29] =	ssyncset.done $0x0  }
0xd6: {  	[sflag:s29] =	ssyncadd.s32 $0xFFFFD800  }
0xd7: {  	_ =	swait.ge [sflag:s30], $0x2800  }
0xd8: {  	[sflag:s30] =	ssyncset.done $0x0  }
0xd9: {  	[sflag:s30] =	ssyncadd.s32 $0xFFFFD800  }
0xda: {  	_ =	swait.ge [sflag:s29], $0x2800  }
0xdb: {  	[sflag:s29] =	ssyncset.done $0x0  }
0xdc: {  	[sflag:s29] =	ssyncadd.s32 $0xFFFFD800  }
0xdd: {  	_ =	swait.ge [sflag:s30], $0x2800  }
0xde: {  	[sflag:s30] =	ssyncset.done $0x0  }
0xdf: {  	s11 =	sadd.s32 $0x1900, s11;
	[sflag:s30] =	ssyncadd.s32 $0xFFFFD800  }
0xe0: {  	[hbm4b:s11+s3] =	stream.linear.scatter [tilespmem:s24], [sflag:$0x3], $0xC800, $0x38;
	[tilespmem:$0x19800] =	vst v63  }
0xe1: {  	p0 =	sne.s32 s5, $0x226;
	_ =	swait.ge [sflag:s13], $0xC800  }
.Ltmp0:
0xe2: {  	[sflag:s13] =	ssyncset.done $0x0;
	(pc) =	sbr.rel @p0 .LBB2_2-.Ltmp0, $4  }
0xe3: {  	s12 =	sadd.s32 $0x1900, s12;
	[sflag:s13] =	ssyncadd.s32 $0xFFFF3800  }
0xe4: {  	[hbm4b:s12+s3] =	stream.linear.scatter [tilespmem:s25], [sflag:$0x3], $0xC800, $0x38;
	[tilespmem:$0x19800] =	vst v63  }
0xe5: {  	_ =	swait.ge [sflag:s13], $0xC800  }
0xe6: {  	s5 =	sadd.s32 $0x32, s5;
	s7 =	rddreg [dreg:$0x4];
	[sflag:s13] =	ssyncset.done $0x0  }
0xe7: {  	[sflag:s13] =	ssyncadd.s32 $0xFFFF3800;
	s5 =	sadd.s32 s4, s7  }
0xe8: {  	[tilespmem:s3], [sflag:$0x3] =	stream.linear.gather [hbm4b:s5+s3], $0x50, $0x38;
	[tilespmem:$0x19800] =	vst v63  }
0xe9: {  	_ =	swait.ge [sflag:s13], $0x50  }
0xea: {  	s7 =	rddreg [dreg:$0x3];
	[sflag:s13] =	ssyncset.done $0x0  }
0xeb: {  	[sflag:s13] =	ssyncadd.s32 $0xFFFFFFB0;
	s5 =	sadd.s32 s4, s7  }
0xec: {  	[tilespmem:s14], [sflag:$0x3] =	stream.linear.gather [hbm4b:s5+s3], $0x50, $0x38;
	[tilespmem:$0x19800] =	vst v63  }
0xed: {  	_ =	swait.ge [sflag:s13], $0x50  }
0xee: {  	s6 =	rddreg [dreg:$0xc];
	[sflag:s13] =	ssyncset.done $0x0  }
0xef: {  	[sflag:s13] =	ssyncadd.s32 $0xFFFFFFB0;
	s5 =	sadd.s32 s4, s6  }
0xf0: {  	[tilespmem:s15], [sflag:$0x3] =	stream.linear.gather [hbm4b:s5+s3], $0x50, $0x38;
	[tilespmem:$0x19800] =	vst v63  }
0xf1: {  	_ =	swait.ge [sflag:s13], $0x50  }
0xf2: {  	s7 =	rddreg [dreg:$0xb];
	[sflag:s13] =	ssyncset.done $0x0  }
0xf3: {  	[sflag:s13] =	ssyncadd.s32 $0xFFFFFFB0;
	s5 =	sadd.s32 s4, s7  }
0xf4: {  	[tilespmem:s16], [sflag:$0x3] =	stream.linear.gather [hbm4b:s5+s3], $0x50, $0x38;
	[tilespmem:$0x19800] =	vst v63  }
0xf5: {  	_ =	swait.ge [sflag:s13], $0x50  }
0xf6: {  	s6 =	rddreg [dreg:$0xa];
	[sflag:s13] =	ssyncset.done $0x0  }
0xf7: {  	[sflag:s13] =	ssyncadd.s32 $0xFFFFFFB0;
	s5 =	sadd.s32 s4, s6  }
0xf8: {  	[tilespmem:s17], [sflag:$0x3] =	stream.linear.gather [hbm4b:s5+s3], $0x50, $0x38;
	[tilespmem:$0x19800] =	vst v63  }
0xf9: {  	_ =	swait.ge [sflag:s13], $0x50  }
0xfa: {  	s7 =	rddreg [dreg:$0x9];
	[sflag:s13] =	ssyncset.done $0x0  }
0xfb: {  	[sflag:s13] =	ssyncadd.s32 $0xFFFFFFB0;
	s5 =	sadd.s32 s4, s7  }
0xfc: {  	[tilespmem:s18], [sflag:$0x3] =	stream.linear.gather [hbm4b:s5+s3], $0x50, $0x38;
	[tilespmem:$0x19800] =	vst v63  }
0xfd: {  	_ =	swait.ge [sflag:s13], $0x50  }
0xfe: {  	s6 =	rddreg [dreg:$0x8];
	[sflag:s13] =	ssyncset.done $0x0  }
0xff: {  	[sflag:s13] =	ssyncadd.s32 $0xFFFFFFB0;
	s5 =	sadd.s32 s4, s6  }
0x100: {  	[tilespmem:s19], [sflag:$0x3] =	stream.linear.gather [hbm4b:s5+s3], $0x50, $0x38;
	[tilespmem:$0x19800] =	vst v63  }
0x101: {  	_ =	swait.ge [sflag:s13], $0x50  }
0x102: {  	s7 =	rddreg [dreg:$0x7];
	[sflag:s13] =	ssyncset.done $0x0  }
0x103: {  	[sflag:s13] =	ssyncadd.s32 $0xFFFFFFB0;
	s5 =	sadd.s32 s4, s7  }
0x104: {  	[tilespmem:s20], [sflag:$0x3] =	stream.linear.gather [hbm4b:s5+s3], $0x50, $0x38;
	[tilespmem:$0x19800] =	vst v63  }
0x105: {  	_ =	swait.ge [sflag:s13], $0x50  }
0x106: {  	s6 =	rddreg [dreg:$0x6];
	[sflag:s13] =	ssyncset.done $0x0  }
0x107: {  	[sflag:s13] =	ssyncadd.s32 $0xFFFFFFB0;
	s5 =	sadd.s32 s4, s6  }
0x108: {  	[tilespmem:s21], [sflag:$0x3] =	stream.linear.gather [hbm4b:s5+s3], $0x50, $0x38;
	[tilespmem:$0x19800] =	vst v63  }
0x109: {  	_ =	swait.ge [sflag:s13], $0x50  }
0x10a: {  	s7 =	rddreg [dreg:$0x5];
	[sflag:s13] =	ssyncset.done $0x0  }
0x10b: {  	[sflag:s13] =	ssyncadd.s32 $0xFFFFFFB0;
	s5 =	sadd.s32 s4, s7  }
0x10c: {  	[tilespmem:s22], [sflag:$0x3] =	stream.linear.gather [hbm4b:s5+s3], $0x50, $0x38;
	[tilespmem:$0x19800] =	vst v63  }
0x10d: {  	_ =	swait.ge [sflag:s13], $0x50  }
0x10e: {  	[sflag:s13] =	ssyncset.done $0x0  }
0x10f: {  	[sflag:s13] =	ssyncadd.s32 $0xFFFFFFB0  }
0x110: {  	[tilespmem:s24], [sflag:$0x1] =	stream.indirect.gather [hbm4b:s2+s23], $0x80, s3, s23, $0xb8;
	[tilespmem:$0x19800] =	vst v63  }
0x111: {  	_ = 	snop  }
0x112: {  	[tilespmem:s25], [sflag:$0x2] =	stream.indirect.gather [hbm4b:s2+s23], $0x80, s14, s23, $0xb8;
	[tilespmem:$0x19800] =	vst v63  }
0x113: {  	_ = 	snop  }
0x114: {  	[tilespmem:s26], [sflag:$0x1] =	stream.indirect.gather [hbm4b:s2+s23], $0x80, s15, s23, $0xb8;
	[tilespmem:$0x19800] =	vst v63  }
0x115: {  	_ = 	snop  }
0x116: {  	[tilespmem:s28], [sflag:$0x2] =	stream.indirect.gather [hbm4b:s2+s23], $0x80, s16, s23, $0xb8;
	[tilespmem:$0x19800] =	vst v63  }
0x117: {  	s6 =	rddreg [dreg:$0xd]  }
0x118: {  	[tilespmem:s6], [sflag:$0x1] =	stream.indirect.gather [hbm4b:s2+s23], $0x80, s17, s23, $0xb8;
	[tilespmem:$0x19800] =	vst v63  }
0x119: {  	s7 =	rddreg [dreg:$0xe]  }
0x11a: {  	[tilespmem:s7], [sflag:$0x2] =	stream.indirect.gather [hbm4b:s2+s23], $0x80, s18, s23, $0xb8;
	[tilespmem:$0x19800] =	vst v63  }
0x11b: {  	s6 =	rddreg [dreg:$0xf]  }
0x11c: {  	[tilespmem:s6], [sflag:$0x1] =	stream.indirect.gather [hbm4b:s2+s23], $0x80, s19, s23, $0xb8;
	[tilespmem:$0x19800] =	vst v63  }
0x11d: {  	s7 =	rddreg [dreg:$0x10]  }
0x11e: {  	[tilespmem:s7], [sflag:$0x2] =	stream.indirect.gather [hbm4b:s2+s23], $0x80, s20, s23, $0xb8;
	[tilespmem:$0x19800] =	vst v63  }
0x11f: {  	s6 =	rddreg [dreg:$0x11]  }
0x120: {  	[tilespmem:s6], [sflag:$0x1] =	stream.indirect.gather [hbm4b:s2+s23], $0x80, s21, s23, $0xb8;
	[tilespmem:$0x19800] =	vst v63  }
0x121: {  	s7 =	rddreg [dreg:$0x12]  }
0x122: {  	[tilespmem:s7], [sflag:$0x2] =	stream.indirect.gather [hbm4b:s2+s23], $0x80, s22, s23, $0xb8;
	[tilespmem:$0x19800] =	vst v63  }
0x123: {  	_ =	swait.ge [sflag:s29], $0x2800  }
0x124: {  	[sflag:s29] =	ssyncset.done $0x0  }
0x125: {  	[sflag:s29] =	ssyncadd.s32 $0xFFFFD800  }
0x126: {  	_ =	swait.ge [sflag:s30], $0x2800  }
0x127: {  	[sflag:s30] =	ssyncset.done $0x0  }
0x128: {  	[sflag:s30] =	ssyncadd.s32 $0xFFFFD800  }
0x129: {  	_ =	swait.ge [sflag:s29], $0x2800  }
0x12a: {  	[sflag:s29] =	ssyncset.done $0x0  }
0x12b: {  	[sflag:s29] =	ssyncadd.s32 $0xFFFFD800  }
0x12c: {  	_ =	swait.ge [sflag:s30], $0x2800  }
0x12d: {  	[sflag:s30] =	ssyncset.done $0x0  }
0x12e: {  	[sflag:s30] =	ssyncadd.s32 $0xFFFFD800  }
0x12f: {  	_ =	swait.ge [sflag:s29], $0x2800  }
0x130: {  	[sflag:s29] =	ssyncset.done $0x0  }
0x131: {  	[sflag:s29] =	ssyncadd.s32 $0xFFFFD800  }
0x132: {  	_ =	swait.ge [sflag:s30], $0x2800  }
0x133: {  	[sflag:s30] =	ssyncset.done $0x0  }
0x134: {  	[sflag:s30] =	ssyncadd.s32 $0xFFFFD800  }
0x135: {  	_ =	swait.ge [sflag:s29], $0x2800  }
0x136: {  	[sflag:s29] =	ssyncset.done $0x0  }
0x137: {  	[sflag:s29] =	ssyncadd.s32 $0xFFFFD800  }
0x138: {  	_ =	swait.ge [sflag:s30], $0x2800  }
0x139: {  	[sflag:s30] =	ssyncset.done $0x0  }
0x13a: {  	[sflag:s30] =	ssyncadd.s32 $0xFFFFD800  }
0x13b: {  	_ =	swait.ge [sflag:s29], $0x2800  }
0x13c: {  	[sflag:s29] =	ssyncset.done $0x0  }
0x13d: {  	[sflag:s29] =	ssyncadd.s32 $0xFFFFD800  }
0x13e: {  	_ =	swait.ge [sflag:s30], $0x2800  }
0x13f: {  	[sflag:s30] =	ssyncset.done $0x0  }
0x140: {  	s11 =	sadd.s32 $0x1900, s11;
	[sflag:s30] =	ssyncadd.s32 $0xFFFFD800  }
0x141: {  	[hbm4b:s11+s3] =	stream.linear.scatter [tilespmem:s24], [sflag:$0x3], $0xC800, $0x38;
	[tilespmem:$0x19800] =	vst v63  }
0x142: {  	_ =	swait.ge [sflag:s13], $0xC800  }
0x143: {  	[sflag:s13] =	ssyncset.done $0x0  }
0x144: {  	s5 =	sadd.s32 $0x1900, s12;
	[sflag:s13] =	ssyncadd.s32 $0xFFFF3800  }
0x145: {  	[hbm4b:s5+s3] =	stream.linear.scatter [tilespmem:s25], [sflag:$0x3], $0xC800, $0x38;
	[tilespmem:$0x19800] =	vst v63  }
0x146: {  	_ =	swait.ge [sflag:s13], $0xC800  }
0x147: {  	[sflag:s13] =	ssyncset.done $0x0  }
0x148: {  	s6 =	rddreg [dreg:$0x13];
	[sflag:s13] =	ssyncadd.s32 $0xFFFF3800  }
0x149: {  	[tilespmem:s3], [sflag:$0x3] =	stream.linear.gather [hbm4b:s6+s3], $0x50, $0x38;
	[tilespmem:$0x19800] =	vst v63  }
0x14a: {  	_ =	swait.ge [sflag:s13], $0x50  }
0x14b: {  	[sflag:s13] =	ssyncset.done $0x0  }
0x14c: {  	s7 =	rddreg [dreg:$0x14];
	[sflag:s13] =	ssyncadd.s32 $0xFFFFFFB0  }
0x14d: {  	[tilespmem:s14], [sflag:$0x3] =	stream.linear.gather [hbm4b:s7+s3], $0x50, $0x38;
	[tilespmem:$0x19800] =	vst v63  }
0x14e: {  	_ =	swait.ge [sflag:s13], $0x50  }
0x14f: {  	[sflag:s13] =	ssyncset.done $0x0  }
0x150: {  	s11 =	rddreg [dreg:$0x15];
	[sflag:s13] =	ssyncadd.s32 $0xFFFFFFB0  }
0x151: {  	[tilespmem:s15], [sflag:$0x3] =	stream.linear.gather [hbm4b:s11+s3], $0x50, $0x38;
	[tilespmem:$0x19800] =	vst v63  }
0x152: {  	_ =	swait.ge [sflag:s13], $0x50  }
0x153: {  	[sflag:s13] =	ssyncset.done $0x0  }
0x154: {  	s12 =	rddreg [dreg:$0x16];
	[sflag:s13] =	ssyncadd.s32 $0xFFFFFFB0  }
0x155: {  	[tilespmem:s16], [sflag:$0x3] =	stream.linear.gather [hbm4b:s12+s3], $0x50, $0x38;
	[tilespmem:$0x19800] =	vst v63  }
0x156: {  	_ =	swait.ge [sflag:s13], $0x50  }
0x157: {  	[sflag:s13] =	ssyncset.done $0x0  }
0x158: {  	[sflag:s13] =	ssyncadd.s32 $0xFFFFFFB0  }
0x159: {  	[tilespmem:s24], [sflag:$0x1] =	stream.indirect.gather [hbm4b:s2+s23], $0x80, s3, s23, $0xb8;
	[tilespmem:$0x19800] =	vst v63  }
0x15a: {  	_ = 	snop  }
0x15b: {  	[tilespmem:s25], [sflag:$0x2] =	stream.indirect.gather [hbm4b:s2+s23], $0x80, s14, s23, $0xb8;
	[tilespmem:$0x19800] =	vst v63  }
0x15c: {  	_ = 	snop  }
0x15d: {  	[tilespmem:s26], [sflag:$0x1] =	stream.indirect.gather [hbm4b:s2+s23], $0x80, s15, s23, $0xb8;
	[tilespmem:$0x19800] =	vst v63  }
0x15e: {  	_ = 	snop  }
0x15f: {  	[tilespmem:s28], [sflag:$0x2] =	stream.indirect.gather [hbm4b:s2+s23], $0x80, s16, s23, $0xb8;
	[tilespmem:$0x19800] =	vst v63  }
0x160: {  	_ =	swait.ge [sflag:s29], $0x2800  }
0x161: {  	[sflag:s29] =	ssyncset.done $0x0  }
0x162: {  	[sflag:s29] =	ssyncadd.s32 $0xFFFFD800  }
0x163: {  	_ =	swait.ge [sflag:s30], $0x2800  }
0x164: {  	[sflag:s30] =	ssyncset.done $0x0  }
0x165: {  	[sflag:s30] =	ssyncadd.s32 $0xFFFFD800  }
0x166: {  	_ =	swait.ge [sflag:s29], $0x2800  }
0x167: {  	[sflag:s29] =	ssyncset.done $0x0  }
0x168: {  	[sflag:s29] =	ssyncadd.s32 $0xFFFFD800  }
0x169: {  	_ =	swait.ge [sflag:s30], $0x2800  }
0x16a: {  	[sflag:s30] =	ssyncset.done $0x0  }
0x16b: {  	[sflag:s30] =	ssyncadd.s32 $0xFFFFD800  }
0x16c: {  	[hbm4b:s8+s3] =	stream.linear.scatter [tilespmem:s24], [sflag:$0x3], $0x5000, $0x38;
	[tilespmem:$0x19800] =	vst v63  }
0x16d: {  	s31 =	sadd.s32 $0x1, s31;
	_ =	swait.ge [sflag:s13], $0x5000  }
0x16e: {  	p0 =	sne.s32 s31, s10;
	[sflag:s13] =	ssyncset.done $0x0  }
.Ltmp1:
0x16f: {  	[sflag:s13] =	ssyncadd.s32 $0xFFFFB000;
	(pc) =	sbr.rel @p0 .LBB2_1-.Ltmp1, $4  }
0x170: {  	[hbm4b:s9+s3] =	stream.linear.scatter [tilespmem:s25], [sflag:$0x3], $0x5000, $0x38;
	[tilespmem:$0x19800] =	vst v63  }
0x171: {  	_ =	swait.ge [sflag:s13], $0x5000  }
0x172: {  	[sflag:s13] =	ssyncset.done $0x0  }
0x173: {  	[sflag:s13] =	ssyncadd.s32 $0xFFFFB000  }
0x174: {  	_ =	sfence.sel $0x180000  }
0x175: {  	[bflag:$0x0] =	sbarrier.arrive $0xFFFF  }
0x176: {  	_ =	strace $0x90000047  }
0x177: {  	s0 =	stileid.u32;
	[bflag:$0x2] =	sbarrier.arrive $0xFFFF  }
0x178: {  	p0 =	sne.s32 s0, $0x0;
	s0 =	rddreg [dreg:$0x2]  }
0x179: {  	s0 =	sadd.s32 @!p0 $0x100000, s0  }
0x17a: {  	[sflag:s0] =	ssyncadd.tile.s32 @!p0 $0x1;
	_ =	shalt  }
.Lfunc_end2:
_tile_overlayer_lowered:
.L_overlay_start_2:
0x17b: {  	(tag) =	ssettag $0x2  }
0x17c: {  	s0 =	rddreg [dreg:$0x0];
	s2 =	stileid.u32  }
0x17d: {  	s1 =	rddreg [dreg:$0x1];
	p0 =	sne.s32 s2, $0x0  }
0x17e: {  	s3 =	rddreg [dreg:$0x2];
	[bflag:$0x3] =	sbarrier.arrive $0xFFFF;
	s2 =	simm.s32 @!p0 $0x1C03  }
0x17f: {  	[timem:s3], [sflag:s2] =	dma.local @!p0 [hbm:s0], s1  }
0x180: {  	s0 =	simm.s32 @!p0 $0x3  }
0x181: {  	_ =	swait.ge @!p0 [sflag:s0], s1  }
0x182: {  	s1 =	ssub.s32 @!p0 $0x0, s1;
	[sflag:s0] =	ssyncset.done @!p0 $0x0  }
0x183: {  	[sflag:s0] =	ssyncadd.s32 @!p0 s1  }
0x184: {  	[bflag:$0x3] =	sbarrier.arrive $0xFFFF  }
0x185: {  	_ =	shalt  }

// kernel: kernel.17.cloned.1.call-start
scs
__scs_entry_jumppad:
0x0: {  	(pc) =	sbr.rel $0x88, $3  }
0x1: {  	(tag) =	ssettag $0x0;
	lr =	simm.s32 $0x1  }
0x2: {  	[smem:$0x3F8C] =	sst lr;
	_ =	strace $0xD0000000  }
0x3: {  	_ = 	snop  }
0x4: {  	_ = 	snop  }
0x5: {  	_ = 	snop  }
0x6: {  	_ = 	snop  }
0x7: {  	_ = 	snop  }
__scs_overlays_trampoline_lowered:
0x8: {  	[smem:$0x3F9B] =	sst s0  }
0x9: {  	[smem:$0x3F9C] =	sst s1  }
0xa: {  	[smem:$0x3F9D] =	sst s2  }
0xb: {  	[smem:$0x3F9E] =	sst s3  }
0xc: {  	[smem:$0x3F9F] =	sst s4  }
0xd: {  	[smem:$0x3FA0] =	sst s5  }
0xe: {  	[smem:$0x3FA1] =	sst s6  }
0xf: {  	[smem:$0x3FA2] =	sst s7  }
0x10: {  	[smem:$0x3FA3] =	sst s8  }
0x11: {  	[smem:$0x3FA4] =	sst s9;
	s0 =	simm.s32 @!p0 $0x0  }
0x12: {  	s1 =	sld [smem:$0x3F8A];
	s0 =	simm.s32 @p0 $0x1  }
0x13: {  	[smem:$0x3FA5] =	sst s0;
	s0 =	simm.s32 @!p1 $0x0  }
0x14: {  	s2 =	sld [smem:$0x3F89];
	s0 =	simm.s32 @p1 $0x1  }
0x15: {  	[smem:$0x3FA6] =	sst s0;
	s0 =	simm.s32 @!p2 $0x0  }
0x16: {  	s3 =	sld [smem:$0x3FDB];
	s0 =	simm.s32 @p2 $0x1  }
0x17: {  	s4 =	simm.s32 $0x1BF5;
	[smem:$0x3FA8] =	sst s0  }
0x18: {  	s0 =	sld [smem:$0x3F8B];
	_ =	swait.ge [sflag:s4], $0x0  }
0x19: {  	s7 =	sld [smem:$0x3F8C]  }
0x1a: {  	s8 =	sadd.s32 $0xFFFFE003, lr  }
0x1b: {  	s9 =	sadd.s32 $0xFFFFFEF7, lr;
	s5 =	simm.s32 $0xFFFFFFFF;
	p2 =	slt.u32 s8, $0xFFFFF086  }
0x1c: {  	p1 =	slt.u32 s9, $0xF7A;
	s5 =	simm.s32 @!p2 $0x0  }
0x1d: {  	s5 =	simm.s32 @p1 $0x1;
	p0 =	seq.s32 s7, s2  }
0x1e: {  	s7 =	smul.u32 @!p0 $0xF7A, s2;
	p2 =	seq.s32 @!p0 s5, $0x0  }
0x1f: {  	s9 =	smul.u32 $0xF7A, s1;
	s8 =	simm.s32 @!p0 $0x1BF5;
	p2 =	por !p2, p0  }
0x20: {  	[sflag:s8] =	ssyncset.s32 @!p0 $0xFFFFF086;
	s6 =	sadd.s32 @!p0 s3, s7;
	s7 =	simm.s32 @!p0 $0x108  }
0x21: {  	s3 =	sadd.s32 s3, s9;
	s6 =	sadd.s32 @!p0 $0x88, s6;
	s7 =	simm.s32 @p2 $0x1082  }
0x22: {  	[simem:s7], [sflag:s8] =	dma.local @!p0 [hbm:s6], $0xF7A  }
0x23: {  	s9 =	sor.u32 $0xD0000000, s2;
	s6 =	simm.s32 $0x108;
	_ =	swait.ge @!p0 [sflag:s8], $0x0  }
0x24: {  	s3 =	sadd.s32 $0x88, s3;
	s6 =	simm.s32 @!p1 $0x1082;
	[sflag:s4] =	ssyncset.s32 $0xFFFFF086  }
0x25: {  	[simem:s6], [sflag:s4] =	dma.local [hbm:s3], $0xF7A  }
0x26: {  	[smem:$0x3F8C] =	sst s1;
	(tag) =	ssettag s2;
	_ =	strace s9  }
0x27: {  	s1 =	sld [smem:$0x3F9C]  }
0x28: {  	s2 =	sld [smem:$0x3F9D]  }
0x29: {  	s4 =	sld [smem:$0x3F9F]  }
0x2a: {  	p0 =	seq.s32 s5, $0x0;
	s5 =	sld [smem:$0x3FA0]  }
0x2b: {  	s6 =	sld [smem:$0x3FA1]  }
0x2c: {  	s7 =	sld [smem:$0x3FA2]  }
0x2d: {  	s3 =	simm.s32 $0x108;
	s8 =	sld [smem:$0x3FA3]  }
0x2e: {  	s3 =	simm.s32 @!p0 $0x1082;
	s9 =	sld [smem:$0x3FA4]  }
0x2f: {  	lr =	sadd.s32 s0, s3;
	s0 =	sld [smem:$0x3F9B]  }
0x30: {  	s3 =	sld [smem:$0x3F9E]  }
0x31: {  	[smem:$0x3FA7] =	sst s10  }
0x32: {  	s10 =	sld [smem:$0x3FA5];
	_ =	sdelay $0x3  }
0x33: {  	p0 =	seq.s32 s10, $0x1;
	s10 =	sld [smem:$0x3FA7];
	_ =	sdelay $0x3  }
0x34: {  	[smem:$0x3FA7] =	sst s10  }
0x35: {  	s10 =	sld [smem:$0x3FA6];
	_ =	sdelay $0x3  }
0x36: {  	p1 =	seq.s32 s10, $0x1;
	s10 =	sld [smem:$0x3FA7];
	_ =	sdelay $0x3  }
0x37: {  	[smem:$0x3FA7] =	sst s10  }
0x38: {  	s10 =	sld [smem:$0x3FA8]  }
0x39: {  	_ = 	snop;
	(pc) =	sbr.ind lr, $3  }
0x3a: {  	_ = 	snop  }
0x3b: {  	_ = 	snop  }
0x3c: {  	p2 =	seq.s32 s10, $0x1;
	s10 =	sld [smem:$0x3FA7]  }
0x3d: {  	_ =	shalt  }
0x3e: {  	_ =	shalt  }
0x3f: {  	_ =	shalt  }
0x40: {  	_ =	shalt  }
0x41: {  	_ =	shalt  }
0x42: {  	_ =	shalt  }
0x43: {  	_ =	shalt  }
0x44: {  	_ =	shalt  }
0x45: {  	_ =	shalt  }
0x46: {  	_ =	shalt  }
0x47: {  	_ =	shalt  }
0x48: {  	_ =	shalt  }
0x49: {  	_ =	shalt  }
0x4a: {  	_ =	shalt  }
0x4b: {  	_ =	shalt  }
0x4c: {  	_ =	shalt  }
0x4d: {  	_ =	shalt  }
0x4e: {  	_ =	shalt  }
0x4f: {  	_ =	shalt  }
0x50: {  	_ =	shalt  }
0x51: {  	_ =	shalt  }
0x52: {  	_ =	shalt  }
0x53: {  	_ =	shalt  }
0x54: {  	_ =	shalt  }
0x55: {  	_ =	shalt  }
0x56: {  	_ =	shalt  }
0x57: {  	_ =	shalt  }
0x58: {  	_ =	shalt  }
0x59: {  	_ =	shalt  }
0x5a: {  	_ =	shalt  }
0x5b: {  	_ =	shalt  }
0x5c: {  	_ =	shalt  }
0x5d: {  	_ =	shalt  }
0x5e: {  	_ =	shalt  }
0x5f: {  	_ =	shalt  }
0x60: {  	_ =	shalt  }
0x61: {  	_ =	shalt  }
0x62: {  	_ =	shalt  }
0x63: {  	_ =	shalt  }
0x64: {  	_ =	shalt  }
0x65: {  	_ =	shalt  }
0x66: {  	_ =	shalt  }
0x67: {  	_ =	shalt  }
0x68: {  	_ =	shalt  }
0x69: {  	_ =	shalt  }
0x6a: {  	_ =	shalt  }
0x6b: {  	_ =	shalt  }
0x6c: {  	_ =	shalt  }
0x6d: {  	_ =	shalt  }
0x6e: {  	_ =	shalt  }
0x6f: {  	_ =	shalt  }
0x70: {  	_ =	shalt  }
0x71: {  	_ =	shalt  }
0x72: {  	_ =	shalt  }
0x73: {  	_ =	shalt  }
0x74: {  	_ =	shalt  }
0x75: {  	_ =	shalt  }
0x76: {  	_ =	shalt  }
0x77: {  	_ =	shalt  }
0x78: {  	_ =	shalt  }
0x79: {  	_ =	shalt  }
0x7a: {  	_ =	shalt  }
0x7b: {  	_ =	shalt  }
0x7c: {  	_ =	shalt  }
0x7d: {  	_ =	shalt  }
0x7e: {  	_ =	shalt  }
0x7f: {  	_ =	shalt  }
0x80: {  	_ =	shalt  }
0x81: {  	_ =	shalt  }
0x82: {  	_ =	shalt  }
0x83: {  	_ =	shalt  }
0x84: {  	_ =	shalt  }
0x85: {  	_ =	shalt  }
0x86: {  	_ =	shalt  }
0x87: {  	_ =	shalt  }
.Lfunc_end0:
.L_simem_size_0:
called_computation.2_lowered:
.L_overlay_start_0:
0x88: {  	s2 =	sld [smem:$0x3FD9]  }
0x89: {  	s3 =	sld [smem:$0x3FFE];
	_ =	sdelay $0x1  }
0x8a: {  	s1 =	srdreg.scid  }
0x8b: {  	s0 =	sand.u32 $0x1, s1  }
0x8c: {  	s17 =	sshll.u32 s0, $0xA;
	s2 =	sadd.s32 s3, s2  }
0x8d: {  	s2 =	sadd.s32 s2, s17  }
0x8e: {  	[smem:$0x3FB3] =	sst s2  }
0x8f: {  	_ = 	snop  }
0x90: {  	(tm) =	ssettm $0x1  }
0x91: {  	s18 =	sld [smem:$0x3FFB];
	_ =	sdelay $0x3  }
0x92: {  	_ =	strace s18  }
0x93: {  	s2 =	sld [smem:$0x3FFC];
	_ =	sdelay $0x3  }
0x94: {  	_ =	strace s2  }
0x95: {  	s2 =	sld [smem:$0x3FFD];
	_ =	sdelay $0x3  }
0x96: {  	_ =	strace s2  }
0x97: {  	_ =	strace $0x8FFFFFFF  }
0x98: {  	s19 =	sld [smem:$0x3FDB];
	_ =	sdelay $0x1  }
0x99: {  	s20 =	simm.s32 $_scs_section_size  }
0x9a: {  	s4 =	simm.s32 $_size__tile_overlayer_lowered;
	s5 =	simm.s32 $_tile_overlayer_lowered  }
0x9b: {  	s6 =	simm.s32 $0x1BFF;
	s21 =	sshll.u32 s5, $0x1;
	s3 =	sadd.s32 s20, s19  }
0x9c: {  	s22 =	simm.s32 $0x0;
	s4 =	sshll.u32 s4, $0x1;
	s5 =	sadd.s32 s21, s3  }
0x9d: {  	[timem:s22], [sflag:s6] =	dma.local [hbm:s5], s4  }
0x9e: {  	_ =	swait.ge [sflag:s6], s4  }
0x9f: {  	s4 =	ssub.s32 $0x0, s4;
	[sflag:s6] =	ssyncset.done $0x0  }
0xa0: {  	[sflag:s6] =	ssyncadd.s32 s4;
	_ =	sdelay $0x1  }
0xa1: {  	s23 =	simm.s32 $0x1B8B  }
0xa2: {  	_ =	swait.ge [sflag:s23], $0x1  }
0xa3: {  	[sflag:s23] =	ssyncset.done $0x0  }
0xa4: {  	[sflag:s23] =	ssyncadd.s32 $0xFFFFFFFF  }
0xa5: {  	s4 =	sld [smem:$0x0]  }
0xa6: {  	s5 =	sand.u32 $0xFFFFFFFE, s1  }
0xa7: {  	p0 =	sne.s32 s1, s5  }
0xa8: {  	s5 =	sshll.u32 @p0 s5, $0xE  }
0xa9: {  	s5 =	sadd.s32 @p0 $0x11B8D, s5;
	s6 =	sshll.u32 @p0 s4, $0x11  }
0xaa: {  	s5 =	sor.u32 @p0 s6, s5  }
0xab: {  	[sflag:s5] =	ssyncadd.remote.s32 @p0 $0x1;
	_ =	sdelay $0x1  }
0xac: {  	s5 =	simm.s32 @p0 $0x1B8D  }
0xad: {  	_ =	swait.eq @p0 [sflag:s5], $0x1  }
0xae: {  	[sflag:s5] =	ssyncadd.s32 @p0 $0xFFFFFFFF  }
0xaf: {  	s6 =	sshll.u32 @!p0 s1, $0xE  }
0xb0: {  	s6 =	sor.u32 @!p0 $0x4000, s6;
	s5 =	simm.s32 @!p0 $0x1B8D  }
0xb1: {  	s4 =	sshll.u32 @!p0 s4, $0x11;
	s6 =	sadd.s32 @!p0 $0x11B8D, s6;
	_ =	swait.eq @!p0 [sflag:s5], $0x1  }
0xb2: {  	s4 =	sor.u32 @!p0 s4, s6;
	[sflag:s5] =	ssyncadd.s32 @!p0 $0xFFFFFFFF  }
0xb3: {  	s25 =	simm.s32 $0x1B8E;
	s24 =	sld [smem:$0x3FFE];
	[sflag:s4] =	ssyncadd.remote.s32 @!p0 $0x1  }
0xb4: {  	s26 =	simm.s32 $execute0_lowered;
	[smem:$0x3FD2] =	sst s25  }
0xb5: {  	s5 =	sshll.u32 s26, $0x1;
	_ =	strace $0x8000004F;
	[dreg:$0x1] =	wrdreg $0xFFFFFFFF  }
0xb6: {  	s28 =	simm.s32 $_size_execute0_lowered;
	s3 =	sadd.s32 s3, s5;
	[dreg:$0x0] =	wrdreg $0x0  }
0xb7: {  	s5 =	sshll.u32 s28, $0x1;
	[dreg:$0x2] =	wrdreg s3  }
0xb8: {  	[dreg:$0x3] =	wrdreg s5  }
0xb9: {  	[dreg:$0x4] =	wrdreg $0xC0  }
0xba: {  	_ =	task [dreg:s22], $0x5FFFF  }
0xbb: {  	[dreg:$0x1] =	wrdreg $0xFFFFFFFF  }
0xbc: {  	[dreg:$0x0] =	wrdreg $0x60  }
0xbd: {  	[dreg:$0x2] =	wrdreg s24  }
0xbe: {  	[dreg:$0x3] =	wrdreg $0x38800  }
0xbf: {  	[dreg:$0x4] =	wrdreg $0x9  }
0xc0: {  	_ =	task.clear_ibuf [dreg:s22], $0x5FFFF;
	_ =	strace $0x9000004F  }
0xc1: {  	s29 =	simm.s32 $0x9;
	_ =	strace $0x80000051  }
0xc2: {  	_ =	swait.ge [sflag:s29], $0x1  }
0xc3: {  	[sflag:s29] =	ssyncadd.s32 $0xFFFFFFFF  }
0xc4: {  	_ =	strace $0x90000051  }
0xc5: {  	_ =	sfence  }
0xc6: {  	s30 =	sld [smem:$0x0];
	_ =	sdelay $0x2  }
0xc7: {  	s31 =	sshll.u32 s1, $0xD;
	s1 =	sshrl.u32 s1, $0x2  }
0xc8: {  	s4 =	sand.u32 $0x4000, s31;
	s1 =	sadd.s32 s1, s30  }
0xc9: {  	s0 =	sor.u32 s4, s0;
	s1 =	sshll.u32 s1, $0x11  }
0xca: {  	s0 =	sor.u32 s1, s0  }
0xcb: {  	s0 =	sadd.s32 $0x8F2B, s0  }
0xcc: {  	[sflag:s0] =	ssyncadd.remote.s32 $0x1  }
0xcd: {  	_ =	sfence.sel $0xFFFF  }
0xce: {  	[dreg:$0x0] =	wrdreg $0xFFFFFFFF;
	(pc) =	sbr.abs _section_cstart, $3  }
0xcf: {  	[dreg:$0x1] =	wrdreg $0xFFFFFFFF  }
0xd0: {  	_ =	task.clear_ibuf [dreg:s22], $0x2FFFF;
	_ =	strace $0x9FFFFFFF  }
0xd1: {  	(tm) =	ssettm $0x7FFFFFFF  }
tec
execute0_lowered:
.L_overlay_start_1:
0x0: {  	(tag) =	ssettag $0x1  }
0x1: {  	s0 =	stileid.u32  }
0x2: {  	s1 =	srdreg.scid;
	s4 =	smul.u32 $0x2760, s0  }
0x3: {  	s5 =	rddreg [dreg:$0x0];
	s8 =	smul.u32 $0x27600, s0  }
0x4: {  	s2 =	rddreg [dreg:$0x1];
	s3 =	simm.s32 $0x0;
	s9 =	smul.u32 $0x14000, s0  }
0x5: {  	s13 =	simm.s32 $0x70;
	s6 =	sand.u32 $0x1, s1;
	s11 =	smul.u32 $0x50000, s0  }
0x6: {  	s14 =	simm.s32 $0x0;
	s1 =	rddreg [dreg:$0x2];
	s7 =	smul.u32 $0x13B0, s6  }
0x7: {  	[smem:$0x7FF] =	sst s3;
	s31 =	sshll.u32 s0, $0x6;
	s26 =	smul.u32 $0x140000, s6  }
0x8: {  	_ =	strace $0x80000050;
	s28 =	ssub.s32 $0x2, s6;
	s6 =	smul.u32 $0x13B00, s6  }
0x9: {  	s8 =	sadd.s32 s8, s5;
	s29 =	sshrl.u32 s28, $0x1;
	s30 =	sshrl.u32 s11, $0x2  }
0xa: {  	s11 =	simm.s32 $0x1;
	s4 =	sadd.s32 s7, s4;
	s7 =	sadd.s32 s9, s26  }
0xb: {  	s9 =	ssub.s32 s28, s29;
	s12 =	sadd.s32 s30, s2;
	s8 =	sadd.s32 s6, s8  }
0xc: {  	s4 =	sshrl.u32 s4, $0x3;
	s7 =	sshrl.u32 s7, $0x3;
	s8 =	sadd.s32 $0x13E1A00, s8  }
0xd: {  	s10 =	sadd.s32 s4, s5;
	s4 =	sadd.s32 $0x6A00, s5;
	s7 =	sadd.s32 s7, s5  }
0xe: {  	s5 =	sor.u32 $0x1C01, s31;
	s6 =	sadd.s32 $0xA77A00, s7;
	s7 =	smax.u32 s9, $0x1  }
0xf: {  	s9 =	sadd.s32 $0x536A00, s10;
	s10 =	sshrl.u32 s12, $0x3;
	s12 =	simm.s32 $0x80  }
.LBB2_1:
0x10: {  	[spmem:s10], [sflag:s5] =	dma.local [hbm:s4], $0x2800  }
0x11: {  	_ =	swait.ge [sflag:s11], $0x2800  }
0x12: {  	[sflag:s11] =	ssyncset.done $0x0  }
0x13: {  	[sflag:s11] =	ssyncadd.s32 $0xFFFFD800  }
0x14: {  	s15 =	sadd.s32 $0x0, s9;
	[bflag:$0x0] =	sbarrier.arrive $0xFFFF  }
0x15: {  	[tilespmem:s3], [sflag:$0x1] =	stream.linear.gather [hbm4b:s15+s3], $0x70, $0x38;
	[tilespmem:$0x17880] =	vst v63  }
0x16: {  	_ =	swait.ge [sflag:s11], $0x70  }
0x17: {  	[sflag:s11] =	ssyncset.done $0x0  }
0x18: {  	[sflag:s11] =	ssyncadd.s32 $0xFFFFFF90  }
0x19: {  	[tilespmem:s12], [sflag:$0x1] =	stream.linear.gather [hbm4b:s8+s3], $0x3800, $0x38;
	[tilespmem:$0x17880] =	vst v63  }
0x1a: {  	_ =	swait.ge [sflag:s11], $0x3800  }
0x1b: {  	[sflag:s11] =	ssyncset.done $0x0  }
0x1c: {  	[sflag:s11] =	ssyncadd.s32 $0xFFFFC800  }
0x1d: {  	[spmem:s2] =	stream.indirect.scatter.add.f32 [tilespmem:s12], [sflag:$0x1], $0x80, s3, s13, $0xb8;
	[tilespmem:$0x17880] =	vst v63  }
0x1e: {  	s16 =	simm.s32 $0xE;
	_ =	swait.ge [sflag:s11], $0x3800  }
0x1f: {  	s17 =	simm.s32 $0x1C;
	s15 =	sadd.s32 $0x700, s8;
	[sflag:s11] =	ssyncset.done $0x0  }
.LBB2_2:
0x20: {  	s18 =	sadd.s32 s16, s9  }
0x21: {  	[sflag:s11] =	ssyncadd.s32 $0xFFFFC800;
	s16 =	smov.u32 s17;
	s19 =	sadd.s32 $0xE, s17  }
0x22: {  	[tilespmem:s3], [sflag:$0x1] =	stream.linear.gather [hbm4b:s18+s3], $0x70, $0x38;
	[tilespmem:$0x17880] =	vst v63  }
0x23: {  	p0 =	sne.s32 s17, $0x268;
	_ =	swait.ge [sflag:s11], $0x70  }
0x24: {  	[sflag:s11] =	ssyncset.done $0x0  }
0x25: {  	[sflag:s11] =	ssyncadd.s32 $0xFFFFFF90  }
0x26: {  	[tilespmem:s12], [sflag:$0x1] =	stream.linear.gather [hbm4b:s15+s3], $0x3800, $0x38;
	[tilespmem:$0x17880] =	vst v63  }
0x27: {  	_ =	swait.ge [sflag:s11], $0x3800  }
.Ltmp0:
0x28: {  	[sflag:s11] =	ssyncset.done $0x0;
	(pc) =	sbr.rel @p0 .LBB2_2-.Ltmp0, $4  }
0x29: {  	[sflag:s11] =	ssyncadd.s32 $0xFFFFC800  }
0x2a: {  	[spmem:s2] =	stream.indirect.scatter.add.f32 [tilespmem:s12], [sflag:$0x1], $0x80, s3, s13, $0xb8;
	[tilespmem:$0x17880] =	vst v63  }
0x2b: {  	_ =	swait.ge [sflag:s11], $0x3800  }
0x2c: {  	s17 =	smov.u32 s19;
	s15 =	sadd.s32 $0x700, s15;
	[sflag:s11] =	ssyncset.done $0x0  }
0x2d: {  	s16 =	sadd.s32 s16, s9;
	[sflag:s11] =	ssyncadd.s32 $0xFFFFC800  }
0x2e: {  	[tilespmem:s3], [sflag:$0x1] =	stream.linear.gather [hbm4b:s16+s3], $0x70, $0x38;
	[tilespmem:$0x17880] =	vst v63  }
0x2f: {  	_ =	swait.ge [sflag:s11], $0x70  }
0x30: {  	[sflag:s11] =	ssyncset.done $0x0  }
0x31: {  	[sflag:s11] =	ssyncadd.s32 $0xFFFFFF90  }
0x32: {  	[tilespmem:s12], [sflag:$0x1] =	stream.linear.gather [hbm4b:s15+s3], $0x3800, $0x38;
	[tilespmem:$0x17880] =	vst v63  }
0x33: {  	_ =	swait.ge [sflag:s11], $0x3800  }
0x34: {  	[sflag:s11] =	ssyncset.done $0x0  }
0x35: {  	[sflag:s11] =	ssyncadd.s32 $0xFFFFC800  }
0x36: {  	[spmem:s2] =	stream.indirect.scatter.add.f32 [tilespmem:s12], [sflag:$0x1], $0x80, s3, s13, $0xb8;
	[tilespmem:$0x17880] =	vst v63  }
0x37: {  	_ =	swait.ge [sflag:s11], $0x3800  }
0x38: {  	s14 =	sadd.s32 $0x1, s14;
	[sflag:s11] =	ssyncset.done $0x0  }
0x39: {  	p0 =	sne.s32 s14, s7;
	[sflag:s11] =	ssyncadd.s32 $0xFFFFC800  }
.Ltmp1:
0x3a: {  	[bflag:$0x0] =	sbarrier.arrive $0xFFFF;
	(pc) =	sbr.rel @p0 .LBB2_1-.Ltmp1, $4  }
0x3b: {  	[hbm:s6], [sflag:s5] =	dma.local [spmem:s10], $0x2800  }
0x3c: {  	_ =	swait.ge [sflag:s11], $0x2800  }
0x3d: {  	[sflag:s11] =	ssyncset.done $0x0  }
0x3e: {  	[sflag:s11] =	ssyncadd.s32 $0xFFFFD800  }
0x3f: {  	_ =	sfence.sel $0x180000  }
0x40: {  	[bflag:$0x0] =	sbarrier.arrive $0xFFFF  }
0x41: {  	p0 =	sne.s32 s0, $0x0;
	_ =	strace $0x90000050  }
0x42: {  	s0 =	sadd.s32 @!p0 $0x100000, s1;
	[bflag:$0x2] =	sbarrier.arrive $0xFFFF  }
0x43: {  	[sflag:s0] =	ssyncadd.tile.s32 @!p0 $0x1;
	_ =	shalt  }
.Lfunc_end2:
_tile_overlayer_lowered:
.L_overlay_start_2:
0x44: {  	(tag) =	ssettag $0x2  }
0x45: {  	s0 =	rddreg [dreg:$0x0];
	s2 =	stileid.u32  }
0x46: {  	s1 =	rddreg [dreg:$0x1];
	p0 =	sne.s32 s2, $0x0  }
0x47: {  	s3 =	rddreg [dreg:$0x2];
	[bflag:$0x3] =	sbarrier.arrive $0xFFFF;
	s2 =	simm.s32 @!p0 $0x1C01  }
0x48: {  	[timem:s3], [sflag:s2] =	dma.local @!p0 [hbm:s0], s1  }
0x49: {  	s0 =	simm.s32 @!p0 $0x1  }
0x4a: {  	_ =	swait.ge @!p0 [sflag:s0], s1  }
0x4b: {  	s1 =	ssub.s32 @!p0 $0x0, s1;
	[sflag:s0] =	ssyncset.done @!p0 $0x0  }
0x4c: {  	[sflag:s0] =	ssyncadd.s32 @!p0 s1  }
0x4d: {  	[bflag:$0x3] =	sbarrier.arrive $0xFFFF  }
0x4e: {  	_ =	shalt  }

// kernel: kernel.20.cloned.1.call-start
scs
__scs_entry_jumppad:
0x0: {  	(pc) =	sbr.rel $0x88, $3  }
0x1: {  	(tag) =	ssettag $0x0;
	lr =	simm.s32 $0x1  }
0x2: {  	[smem:$0x3F8C] =	sst lr;
	_ =	strace $0xD0000000  }
0x3: {  	_ = 	snop  }
0x4: {  	_ = 	snop  }
0x5: {  	_ = 	snop  }
0x6: {  	_ = 	snop  }
0x7: {  	_ = 	snop  }
__scs_overlays_trampoline_lowered:
0x8: {  	[smem:$0x3F9B] =	sst s0  }
0x9: {  	[smem:$0x3F9C] =	sst s1  }
0xa: {  	[smem:$0x3F9D] =	sst s2  }
0xb: {  	[smem:$0x3F9E] =	sst s3  }
0xc: {  	[smem:$0x3F9F] =	sst s4  }
0xd: {  	[smem:$0x3FA0] =	sst s5  }
0xe: {  	[smem:$0x3FA1] =	sst s6  }
0xf: {  	[smem:$0x3FA2] =	sst s7  }
0x10: {  	[smem:$0x3FA3] =	sst s8  }
0x11: {  	[smem:$0x3FA4] =	sst s9;
	s0 =	simm.s32 @!p0 $0x0  }
0x12: {  	s1 =	sld [smem:$0x3F8A];
	s0 =	simm.s32 @p0 $0x1  }
0x13: {  	[smem:$0x3FA5] =	sst s0;
	s0 =	simm.s32 @!p1 $0x0  }
0x14: {  	s2 =	sld [smem:$0x3F89];
	s0 =	simm.s32 @p1 $0x1  }
0x15: {  	[smem:$0x3FA6] =	sst s0;
	s0 =	simm.s32 @!p2 $0x0  }
0x16: {  	s3 =	sld [smem:$0x3FDB];
	s0 =	simm.s32 @p2 $0x1  }
0x17: {  	s4 =	simm.s32 $0x1BF5;
	[smem:$0x3FA8] =	sst s0  }
0x18: {  	s0 =	sld [smem:$0x3F8B];
	_ =	swait.ge [sflag:s4], $0x0  }
0x19: {  	s7 =	sld [smem:$0x3F8C]  }
0x1a: {  	s8 =	sadd.s32 $0xFFFFE003, lr  }
0x1b: {  	s9 =	sadd.s32 $0xFFFFFEF7, lr;
	s5 =	simm.s32 $0xFFFFFFFF;
	p2 =	slt.u32 s8, $0xFFFFF086  }
0x1c: {  	p1 =	slt.u32 s9, $0xF7A;
	s5 =	simm.s32 @!p2 $0x0  }
0x1d: {  	s5 =	simm.s32 @p1 $0x1;
	p0 =	seq.s32 s7, s2  }
0x1e: {  	s7 =	smul.u32 @!p0 $0xF7A, s2;
	p2 =	seq.s32 @!p0 s5, $0x0  }
0x1f: {  	s9 =	smul.u32 $0xF7A, s1;
	s8 =	simm.s32 @!p0 $0x1BF5;
	p2 =	por !p2, p0  }
0x20: {  	[sflag:s8] =	ssyncset.s32 @!p0 $0xFFFFF086;
	s6 =	sadd.s32 @!p0 s3, s7;
	s7 =	simm.s32 @!p0 $0x108  }
0x21: {  	s3 =	sadd.s32 s3, s9;
	s6 =	sadd.s32 @!p0 $0x88, s6;
	s7 =	simm.s32 @p2 $0x1082  }
0x22: {  	[simem:s7], [sflag:s8] =	dma.local @!p0 [hbm:s6], $0xF7A  }
0x23: {  	s9 =	sor.u32 $0xD0000000, s2;
	s6 =	simm.s32 $0x108;
	_ =	swait.ge @!p0 [sflag:s8], $0x0  }
0x24: {  	s3 =	sadd.s32 $0x88, s3;
	s6 =	simm.s32 @!p1 $0x1082;
	[sflag:s4] =	ssyncset.s32 $0xFFFFF086  }
0x25: {  	[simem:s6], [sflag:s4] =	dma.local [hbm:s3], $0xF7A  }
0x26: {  	[smem:$0x3F8C] =	sst s1;
	(tag) =	ssettag s2;
	_ =	strace s9  }
0x27: {  	s1 =	sld [smem:$0x3F9C]  }
0x28: {  	s2 =	sld [smem:$0x3F9D]  }
0x29: {  	s4 =	sld [smem:$0x3F9F]  }
0x2a: {  	p0 =	seq.s32 s5, $0x0;
	s5 =	sld [smem:$0x3FA0]  }
0x2b: {  	s6 =	sld [smem:$0x3FA1]  }
0x2c: {  	s7 =	sld [smem:$0x3FA2]  }
0x2d: {  	s3 =	simm.s32 $0x108;
	s8 =	sld [smem:$0x3FA3]  }
0x2e: {  	s3 =	simm.s32 @!p0 $0x1082;
	s9 =	sld [smem:$0x3FA4]  }
0x2f: {  	lr =	sadd.s32 s0, s3;
	s0 =	sld [smem:$0x3F9B]  }
0x30: {  	s3 =	sld [smem:$0x3F9E]  }
0x31: {  	[smem:$0x3FA7] =	sst s10  }
0x32: {  	s10 =	sld [smem:$0x3FA5];
	_ =	sdelay $0x3  }
0x33: {  	p0 =	seq.s32 s10, $0x1;
	s10 =	sld [smem:$0x3FA7];
	_ =	sdelay $0x3  }
0x34: {  	[smem:$0x3FA7] =	sst s10  }
0x35: {  	s10 =	sld [smem:$0x3FA6];
	_ =	sdelay $0x3  }
0x36: {  	p1 =	seq.s32 s10, $0x1;
	s10 =	sld [smem:$0x3FA7];
	_ =	sdelay $0x3  }
0x37: {  	[smem:$0x3FA7] =	sst s10  }
0x38: {  	s10 =	sld [smem:$0x3FA8]  }
0x39: {  	_ = 	snop;
	(pc) =	sbr.ind lr, $3  }
0x3a: {  	_ = 	snop  }
0x3b: {  	_ = 	snop  }
0x3c: {  	p2 =	seq.s32 s10, $0x1;
	s10 =	sld [smem:$0x3FA7]  }
0x3d: {  	_ =	shalt  }
0x3e: {  	_ =	shalt  }
0x3f: {  	_ =	shalt  }
0x40: {  	_ =	shalt  }
0x41: {  	_ =	shalt  }
0x42: {  	_ =	shalt  }
0x43: {  	_ =	shalt  }
0x44: {  	_ =	shalt  }
0x45: {  	_ =	shalt  }
0x46: {  	_ =	shalt  }
0x47: {  	_ =	shalt  }
0x48: {  	_ =	shalt  }
0x49: {  	_ =	shalt  }
0x4a: {  	_ =	shalt  }
0x4b: {  	_ =	shalt  }
0x4c: {  	_ =	shalt  }
0x4d: {  	_ =	shalt  }
0x4e: {  	_ =	shalt  }
0x4f: {  	_ =	shalt  }
0x50: {  	_ =	shalt  }
0x51: {  	_ =	shalt  }
0x52: {  	_ =	shalt  }
0x53: {  	_ =	shalt  }
0x54: {  	_ =	shalt  }
0x55: {  	_ =	shalt  }
0x56: {  	_ =	shalt  }
0x57: {  	_ =	shalt  }
0x58: {  	_ =	shalt  }
0x59: {  	_ =	shalt  }
0x5a: {  	_ =	shalt  }
0x5b: {  	_ =	shalt  }
0x5c: {  	_ =	shalt  }
0x5d: {  	_ =	shalt  }
0x5e: {  	_ =	shalt  }
0x5f: {  	_ =	shalt  }
0x60: {  	_ =	shalt  }
0x61: {  	_ =	shalt  }
0x62: {  	_ =	shalt  }
0x63: {  	_ =	shalt  }
0x64: {  	_ =	shalt  }
0x65: {  	_ =	shalt  }
0x66: {  	_ =	shalt  }
0x67: {  	_ =	shalt  }
0x68: {  	_ =	shalt  }
0x69: {  	_ =	shalt  }
0x6a: {  	_ =	shalt  }
0x6b: {  	_ =	shalt  }
0x6c: {  	_ =	shalt  }
0x6d: {  	_ =	shalt  }
0x6e: {  	_ =	shalt  }
0x6f: {  	_ =	shalt  }
0x70: {  	_ =	shalt  }
0x71: {  	_ =	shalt  }
0x72: {  	_ =	shalt  }
0x73: {  	_ =	shalt  }
0x74: {  	_ =	shalt  }
0x75: {  	_ =	shalt  }
0x76: {  	_ =	shalt  }
0x77: {  	_ =	shalt  }
0x78: {  	_ =	shalt  }
0x79: {  	_ =	shalt  }
0x7a: {  	_ =	shalt  }
0x7b: {  	_ =	shalt  }
0x7c: {  	_ =	shalt  }
0x7d: {  	_ =	shalt  }
0x7e: {  	_ =	shalt  }
0x7f: {  	_ =	shalt  }
0x80: {  	_ =	shalt  }
0x81: {  	_ =	shalt  }
0x82: {  	_ =	shalt  }
0x83: {  	_ =	shalt  }
0x84: {  	_ =	shalt  }
0x85: {  	_ =	shalt  }
0x86: {  	_ =	shalt  }
0x87: {  	_ =	shalt  }
.Lfunc_end0:
.L_simem_size_0:
called_computation.3_lowered:
.L_overlay_start_0:
0x88: {  	s2 =	sld [smem:$0x3FD9]  }
0x89: {  	s3 =	sld [smem:$0x3FFE];
	_ =	sdelay $0x1  }
0x8a: {  	s1 =	srdreg.scid  }
0x8b: {  	s0 =	sand.u32 $0x1, s1  }
0x8c: {  	s17 =	sshll.u32 s0, $0xA;
	s2 =	sadd.s32 s3, s2  }
0x8d: {  	s2 =	sadd.s32 s2, s17  }
0x8e: {  	[smem:$0x3FB3] =	sst s2  }
0x8f: {  	_ = 	snop  }
0x90: {  	(tm) =	ssettm $0x1  }
0x91: {  	s18 =	sld [smem:$0x3FFB];
	_ =	sdelay $0x3  }
0x92: {  	_ =	strace s18  }
0x93: {  	s2 =	sld [smem:$0x3FFC];
	_ =	sdelay $0x3  }
0x94: {  	_ =	strace s2  }
0x95: {  	s2 =	sld [smem:$0x3FFD];
	_ =	sdelay $0x3  }
0x96: {  	_ =	strace s2  }
0x97: {  	_ =	strace $0x8FFFFFFF  }
0x98: {  	s19 =	sld [smem:$0x3FDB];
	_ =	sdelay $0x1  }
0x99: {  	s20 =	simm.s32 $_scs_section_size  }
0x9a: {  	s4 =	simm.s32 $_size__tile_overlayer_lowered;
	s5 =	simm.s32 $_tile_overlayer_lowered  }
0x9b: {  	s6 =	simm.s32 $0x1BFF;
	s21 =	sshll.u32 s5, $0x1;
	s3 =	sadd.s32 s20, s19  }
0x9c: {  	s22 =	simm.s32 $0x0;
	s4 =	sshll.u32 s4, $0x1;
	s5 =	sadd.s32 s21, s3  }
0x9d: {  	[timem:s22], [sflag:s6] =	dma.local [hbm:s5], s4  }
0x9e: {  	_ =	swait.ge [sflag:s6], s4  }
0x9f: {  	s4 =	ssub.s32 $0x0, s4;
	[sflag:s6] =	ssyncset.done $0x0  }
0xa0: {  	[sflag:s6] =	ssyncadd.s32 s4;
	_ =	sdelay $0x1  }
0xa1: {  	s23 =	simm.s32 $0x1B8B  }
0xa2: {  	_ =	swait.ge [sflag:s23], $0x1  }
0xa3: {  	[sflag:s23] =	ssyncset.done $0x0  }
0xa4: {  	[sflag:s23] =	ssyncadd.s32 $0xFFFFFFFF  }
0xa5: {  	s4 =	sld [smem:$0x0]  }
0xa6: {  	s5 =	sand.u32 $0xFFFFFFFE, s1  }
0xa7: {  	p0 =	sne.s32 s1, s5  }
0xa8: {  	s5 =	sshll.u32 @p0 s5, $0xE  }
0xa9: {  	s5 =	sadd.s32 @p0 $0x11B8D, s5;
	s6 =	sshll.u32 @p0 s4, $0x11  }
0xaa: {  	s5 =	sor.u32 @p0 s6, s5  }
0xab: {  	[sflag:s5] =	ssyncadd.remote.s32 @p0 $0x1;
	_ =	sdelay $0x1  }
0xac: {  	s5 =	simm.s32 @p0 $0x1B8D  }
0xad: {  	_ =	swait.eq @p0 [sflag:s5], $0x1  }
0xae: {  	[sflag:s5] =	ssyncadd.s32 @p0 $0xFFFFFFFF  }
0xaf: {  	s6 =	sshll.u32 @!p0 s1, $0xE  }
0xb0: {  	s6 =	sor.u32 @!p0 $0x4000, s6;
	s5 =	simm.s32 @!p0 $0x1B8D  }
0xb1: {  	s4 =	sshll.u32 @!p0 s4, $0x11;
	s6 =	sadd.s32 @!p0 $0x11B8D, s6;
	_ =	swait.eq @!p0 [sflag:s5], $0x1  }
0xb2: {  	s4 =	sor.u32 @!p0 s4, s6;
	[sflag:s5] =	ssyncadd.s32 @!p0 $0xFFFFFFFF  }
0xb3: {  	s25 =	simm.s32 $0x1B8E;
	s24 =	sld [smem:$0x3FFE];
	[sflag:s4] =	ssyncadd.remote.s32 @!p0 $0x1  }
0xb4: {  	s26 =	simm.s32 $execute0_lowered;
	[smem:$0x3FD2] =	sst s25  }
0xb5: {  	s5 =	sshll.u32 s26, $0x1;
	_ =	strace $0x8000004C;
	[dreg:$0x1] =	wrdreg $0xFFFFFFFF  }
0xb6: {  	s28 =	simm.s32 $_size_execute0_lowered;
	s3 =	sadd.s32 s3, s5;
	[dreg:$0x0] =	wrdreg $0x0  }
0xb7: {  	s5 =	sshll.u32 s28, $0x1;
	[dreg:$0x2] =	wrdreg s3  }
0xb8: {  	[dreg:$0x3] =	wrdreg s5  }
0xb9: {  	[dreg:$0x4] =	wrdreg $0xC0  }
0xba: {  	_ =	task [dreg:s22], $0x5FFFF  }
0xbb: {  	[dreg:$0x1] =	wrdreg $0xFFFFFFFF  }
0xbc: {  	[dreg:$0x0] =	wrdreg $0x60  }
0xbd: {  	[dreg:$0x2] =	wrdreg s24  }
0xbe: {  	[dreg:$0x3] =	wrdreg $0x28800  }
0xbf: {  	[dreg:$0x4] =	wrdreg $0xA  }
0xc0: {  	_ =	task.clear_ibuf [dreg:s22], $0x5FFFF;
	_ =	strace $0x9000004C  }
0xc1: {  	s29 =	simm.s32 $0xA;
	_ =	strace $0x8000004E  }
0xc2: {  	_ =	swait.ge [sflag:s29], $0x1  }
0xc3: {  	[sflag:s29] =	ssyncadd.s32 $0xFFFFFFFF  }
0xc4: {  	_ =	strace $0x9000004E  }
0xc5: {  	_ =	sfence  }
0xc6: {  	s30 =	sld [smem:$0x0];
	_ =	sdelay $0x2  }
0xc7: {  	s31 =	sshll.u32 s1, $0xD;
	s1 =	sshrl.u32 s1, $0x2  }
0xc8: {  	s4 =	sand.u32 $0x4000, s31;
	s1 =	sadd.s32 s1, s30  }
0xc9: {  	s0 =	sor.u32 s4, s0;
	s1 =	sshll.u32 s1, $0x11  }
0xca: {  	s0 =	sor.u32 s1, s0  }
0xcb: {  	s0 =	sadd.s32 $0x8F2B, s0  }
0xcc: {  	[sflag:s0] =	ssyncadd.remote.s32 $0x1  }
0xcd: {  	_ =	sfence.sel $0xFFFF  }
0xce: {  	[dreg:$0x0] =	wrdreg $0xFFFFFFFF;
	(pc) =	sbr.abs _section_cstart, $3  }
0xcf: {  	[dreg:$0x1] =	wrdreg $0xFFFFFFFF  }
0xd0: {  	_ =	task.clear_ibuf [dreg:s22], $0x2FFFF;
	_ =	strace $0x9FFFFFFF  }
0xd1: {  	(tm) =	ssettm $0x7FFFFFFF  }
tec
execute0_lowered:
.L_overlay_start_1:
0x0: {  	(tag) =	ssettag $0x1  }
0x1: {  	s0 =	stileid.u32  }
0x2: {  	s1 =	srdreg.scid;
	s4 =	smul.u32 $0x26C0, s0  }
0x3: {  	s5 =	rddreg [dreg:$0x0];
	s8 =	smul.u32 $0x26C00, s0  }
0x4: {  	s2 =	rddreg [dreg:$0x1];
	s3 =	simm.s32 $0x0;
	s9 =	smul.u32 $0x14000, s0  }
0x5: {  	s13 =	simm.s32 $0x50;
	s6 =	sand.u32 $0x1, s1;
	s11 =	smul.u32 $0x50000, s0  }
0x6: {  	s14 =	simm.s32 $0x0;
	s1 =	rddreg [dreg:$0x2];
	s7 =	smul.u32 $0x1360, s6  }
0x7: {  	[smem:$0x7FF] =	sst s3;
	s31 =	sshll.u32 s0, $0x6;
	s26 =	smul.u32 $0x140000, s6  }
0x8: {  	_ =	strace $0x8000004D;
	s28 =	ssub.s32 $0x2, s6;
	s6 =	smul.u32 $0x13600, s6  }
0x9: {  	s8 =	sadd.s32 s8, s5;
	s29 =	sshrl.u32 s28, $0x1;
	s30 =	sshrl.u32 s11, $0x2  }
0xa: {  	s11 =	simm.s32 $0x1;
	s4 =	sadd.s32 s7, s4;
	s7 =	sadd.s32 s9, s26  }
0xb: {  	s9 =	ssub.s32 s28, s29;
	s12 =	sadd.s32 s30, s2;
	s8 =	sadd.s32 s6, s8  }
0xc: {  	s4 =	sshrl.u32 s4, $0x3;
	s7 =	sshrl.u32 s7, $0x3;
	s8 =	sadd.s32 $0xEFFA00, s8  }
0xd: {  	s10 =	sadd.s32 s4, s5;
	s4 =	sadd.s32 $0x6A00, s5;
	s7 =	sadd.s32 s7, s5  }
0xe: {  	s5 =	sor.u32 $0x1C01, s31;
	s6 =	sadd.s32 $0xA27A00, s7;
	s7 =	smax.u32 s9, $0x1  }
0xf: {  	s9 =	sadd.s32 $0xB800, s10;
	s10 =	sshrl.u32 s12, $0x3;
	s12 =	simm.s32 $0x80  }
.LBB2_1:
0x10: {  	[spmem:s10], [sflag:s5] =	dma.local [hbm:s4], $0x2800  }
0x11: {  	_ =	swait.ge [sflag:s11], $0x2800  }
0x12: {  	[sflag:s11] =	ssyncset.done $0x0  }
0x13: {  	[sflag:s11] =	ssyncadd.s32 $0xFFFFD800  }
0x14: {  	s15 =	sadd.s32 $0x0, s9;
	[bflag:$0x0] =	sbarrier.arrive $0xFFFF  }
0x15: {  	[tilespmem:s3], [sflag:$0x1] =	stream.linear.gather [hbm4b:s15+s3], $0x50, $0x38;
	[tilespmem:$0x16880] =	vst v63  }
0x16: {  	_ =	swait.ge [sflag:s11], $0x50  }
0x17: {  	[sflag:s11] =	ssyncset.done $0x0  }
0x18: {  	[sflag:s11] =	ssyncadd.s32 $0xFFFFFFB0  }
0x19: {  	[tilespmem:s12], [sflag:$0x1] =	stream.linear.gather [hbm4b:s8+s3], $0x2800, $0x38;
	[tilespmem:$0x16880] =	vst v63  }
0x1a: {  	_ =	swait.ge [sflag:s11], $0x2800  }
0x1b: {  	[sflag:s11] =	ssyncset.done $0x0  }
0x1c: {  	[sflag:s11] =	ssyncadd.s32 $0xFFFFD800  }
0x1d: {  	[spmem:s2] =	stream.indirect.scatter.add.f32 [tilespmem:s12], [sflag:$0x1], $0x80, s3, s13, $0xb8;
	[tilespmem:$0x16880] =	vst v63  }
0x1e: {  	s16 =	simm.s32 $0xA;
	_ =	swait.ge [sflag:s11], $0x2800  }
0x1f: {  	s17 =	simm.s32 $0x14;
	s15 =	sadd.s32 $0x500, s8;
	[sflag:s11] =	ssyncset.done $0x0  }
.LBB2_2:
0x20: {  	s18 =	sadd.s32 s16, s9  }
0x21: {  	[sflag:s11] =	ssyncadd.s32 $0xFFFFD800;
	s16 =	smov.u32 s17;
	s19 =	sadd.s32 $0xA, s17  }
0x22: {  	[tilespmem:s3], [sflag:$0x1] =	stream.linear.gather [hbm4b:s18+s3], $0x50, $0x38;
	[tilespmem:$0x16880] =	vst v63  }
0x23: {  	p0 =	sne.s32 s17, $0x262;
	_ =	swait.ge [sflag:s11], $0x50  }
0x24: {  	[sflag:s11] =	ssyncset.done $0x0  }
0x25: {  	[sflag:s11] =	ssyncadd.s32 $0xFFFFFFB0  }
0x26: {  	[tilespmem:s12], [sflag:$0x1] =	stream.linear.gather [hbm4b:s15+s3], $0x2800, $0x38;
	[tilespmem:$0x16880] =	vst v63  }
0x27: {  	_ =	swait.ge [sflag:s11], $0x2800  }
.Ltmp0:
0x28: {  	[sflag:s11] =	ssyncset.done $0x0;
	(pc) =	sbr.rel @p0 .LBB2_2-.Ltmp0, $4  }
0x29: {  	[sflag:s11] =	ssyncadd.s32 $0xFFFFD800  }
0x2a: {  	[spmem:s2] =	stream.indirect.scatter.add.f32 [tilespmem:s12], [sflag:$0x1], $0x80, s3, s13, $0xb8;
	[tilespmem:$0x16880] =	vst v63  }
0x2b: {  	_ =	swait.ge [sflag:s11], $0x2800  }
0x2c: {  	s17 =	smov.u32 s19;
	s15 =	sadd.s32 $0x500, s15;
	[sflag:s11] =	ssyncset.done $0x0  }
0x2d: {  	s16 =	sadd.s32 s16, s9;
	[sflag:s11] =	ssyncadd.s32 $0xFFFFD800  }
0x2e: {  	[tilespmem:s3], [sflag:$0x1] =	stream.linear.gather [hbm4b:s16+s3], $0x50, $0x38;
	[tilespmem:$0x16880] =	vst v63  }
0x2f: {  	_ =	swait.ge [sflag:s11], $0x50  }
0x30: {  	[sflag:s11] =	ssyncset.done $0x0  }
0x31: {  	[sflag:s11] =	ssyncadd.s32 $0xFFFFFFB0  }
0x32: {  	[tilespmem:s12], [sflag:$0x1] =	stream.linear.gather [hbm4b:s15+s3], $0x2800, $0x38;
	[tilespmem:$0x16880] =	vst v63  }
0x33: {  	_ =	swait.ge [sflag:s11], $0x2800  }
0x34: {  	[sflag:s11] =	ssyncset.done $0x0  }
0x35: {  	[sflag:s11] =	ssyncadd.s32 $0xFFFFD800  }
0x36: {  	[spmem:s2] =	stream.indirect.scatter.add.f32 [tilespmem:s12], [sflag:$0x1], $0x80, s3, s13, $0xb8;
	[tilespmem:$0x16880] =	vst v63  }
0x37: {  	_ =	swait.ge [sflag:s11], $0x2800  }
0x38: {  	s14 =	sadd.s32 $0x1, s14;
	[sflag:s11] =	ssyncset.done $0x0  }
0x39: {  	p0 =	sne.s32 s14, s7;
	[sflag:s11] =	ssyncadd.s32 $0xFFFFD800  }
.Ltmp1:
0x3a: {  	[bflag:$0x0] =	sbarrier.arrive $0xFFFF;
	(pc) =	sbr.rel @p0 .LBB2_1-.Ltmp1, $4  }
0x3b: {  	[hbm:s6], [sflag:s5] =	dma.local [spmem:s10], $0x2800  }
0x3c: {  	_ =	swait.ge [sflag:s11], $0x2800  }
0x3d: {  	[sflag:s11] =	ssyncset.done $0x0  }
0x3e: {  	[sflag:s11] =	ssyncadd.s32 $0xFFFFD800  }
0x3f: {  	_ =	sfence.sel $0x180000  }
0x40: {  	[bflag:$0x0] =	sbarrier.arrive $0xFFFF  }
0x41: {  	p0 =	sne.s32 s0, $0x0;
	_ =	strace $0x9000004D  }
0x42: {  	s0 =	sadd.s32 @!p0 $0x100000, s1;
	[bflag:$0x2] =	sbarrier.arrive $0xFFFF  }
0x43: {  	[sflag:s0] =	ssyncadd.tile.s32 @!p0 $0x1;
	_ =	shalt  }
.Lfunc_end2:
_tile_overlayer_lowered:
.L_overlay_start_2:
0x44: {  	(tag) =	ssettag $0x2  }
0x45: {  	s0 =	rddreg [dreg:$0x0];
	s2 =	stileid.u32  }
0x46: {  	s1 =	rddreg [dreg:$0x1];
	p0 =	sne.s32 s2, $0x0  }
0x47: {  	s3 =	rddreg [dreg:$0x2];
	[bflag:$0x3] =	sbarrier.arrive $0xFFFF;
	s2 =	simm.s32 @!p0 $0x1C01  }
0x48: {  	[timem:s3], [sflag:s2] =	dma.local @!p0 [hbm:s0], s1  }
0x49: {  	s0 =	simm.s32 @!p0 $0x1  }
0x4a: {  	_ =	swait.ge @!p0 [sflag:s0], s1  }
0x4b: {  	s1 =	ssub.s32 @!p0 $0x0, s1;
	[sflag:s0] =	ssyncset.done @!p0 $0x0  }
0x4c: {  	[sflag:s0] =	ssyncadd.s32 @!p0 s1  }
0x4d: {  	[bflag:$0x3] =	sbarrier.arrive $0xFFFF  }
0x4e: {  	_ =	shalt  }

</sc_bundles>
